<compile_context>
chip_gen: v7x
topology: tpu7x:2x2x1
jax: 0.10.2.dev20260603
libtpu: 0.0.44.dev20260713+nightly
codegen_flags: <defaults>
</compile_context>

<pallas_src>
import functools

import jax
import jax.numpy as jnp
from jax import lax
from jax.experimental import pallas as pl
from jax.experimental.pallas import tpu as pltpu
from jax.experimental.pallas import tpu_sc as plsc

_N = 10000
_E = 320000
_G = 64
_DF = 128
_DI = 32
_OH = 224
_FB = _DI + 16
_FH = _OH // 2

_NC = 2
_NS = 16
_NW = _NC * _NS
_CH = 128
_EPW = 10112
_EPAD = _NW * _EPW
_NCH = _EPW // _CH
_NCH0 = 112
_NCH1 = 46
_NPAD = 10112
_RPW = _NPAD // _NS

_RT = 2000


def _make_seg_sum(F):
  mesh = plsc.VectorSubcoreMesh(
      core_axis_name="c", subcore_axis_name="s",
      num_cores=_NC, num_subcores=_NS)

  @functools.partial(
      pl.kernel,
      out_type=(jax.ShapeDtypeStruct((_NPAD, F), jnp.float32),
                jax.ShapeDtypeStruct((_NPAD, F), jnp.float32)),
      mesh=mesh,
      compiler_params=pltpu.CompilerParams(use_tc_tiling_on_sc=False),
      scratch_types=[
          pltpu.VMEM((_CH,), jnp.int32),
          pltpu.VMEM((_CH,), jnp.int32),
          pltpu.VMEM((_CH,), jnp.int32),
          pltpu.VMEM((_CH,), jnp.int32),
          pltpu.VMEM((_CH,), jnp.int32),
          pltpu.VMEM((_CH,), jnp.int32),
          pltpu.VMEM((_CH, F), jnp.float32),
          pltpu.VMEM((_CH, F), jnp.float32),
          pltpu.VMEM((_CH, F), jnp.float32),
          pltpu.SemaphoreType.DMA,
          pltpu.SemaphoreType.DMA,
          pltpu.SemaphoreType.DMA,
          pltpu.SemaphoreType.DMA,
          pltpu.SemaphoreType.DMA,
          pltpu.SemaphoreType.DMA,
          pltpu.SemaphoreType.DMA,
          pltpu.SemaphoreType.DMA,
          pltpu.SemaphoreType.DMA,
          pltpu.VMEM_SHARED((_NPAD, F), jnp.float32),
      ])
  def seg_sum(src_hbm, dst_hbm, table_hbm, zeros_hbm, out0, out1,
              src_0, src_1, src_2, dst_0, dst_1, dst_2,
              rows_0, rows_1, rows_2,
              gsem_0, gsem_1, gsem_2, ssem_0, ssem_1, ssem_2,
              isem_0, isem_1, isem_2, acc_sh):
    srcv = (src_0, src_1, src_2)
    dstv = (dst_0, dst_1, dst_2)
    rows = (rows_0, rows_1, rows_2)
    gsem = (gsem_0, gsem_1, gsem_2)
    ssem = (ssem_0, ssem_1, ssem_2)
    isem = (isem_0, isem_1, isem_2)
    cid = lax.axis_index("c")
    sid = lax.axis_index("s")
    nch_w = jnp.where(cid == 0, _NCH0, _NCH1)
    c_base = jnp.where(cid == 0, sid * _NCH0, _NS * _NCH0 + sid * _NCH1)
    e0 = c_base * _CH

    def fetch(c, k):
      pltpu.async_copy(src_hbm.at[pl.ds(e0 + c * _CH, _CH)], srcv[k], isem[k])
      pltpu.async_copy(dst_hbm.at[pl.ds(e0 + c * _CH, _CH)], dstv[k], isem[k])

    def fetch_wait(k):
      pltpu.make_async_copy(src_hbm.at[0:_CH], srcv[k], isem[k]).wait()
      pltpu.make_async_copy(src_hbm.at[0:_CH], dstv[k], isem[k]).wait()

    fetch(0, 0)
    r0 = sid * _RPW
    pltpu.sync_copy(zeros_hbm.at[pl.ds(r0, _RPW)], acc_sh.at[pl.ds(r0, _RPW)])
    plsc.subcore_barrier()

    def step(c, k, kp, kn, g2, g1):
      fetch_wait(k)
      pltpu.async_copy(table_hbm.at[srcv[k]], rows[k], gsem[k])

      @pl.when(g2)
      def _():
        pltpu.make_async_copy(rows[kn], acc_sh.at[dstv[kn]], ssem[kn]).wait()
      fetch(c + 1, kn)

      @pl.when(g1)
      def _():
        pltpu.make_async_copy(table_hbm.at[0:_CH], rows[kp], gsem[kp]).wait()
        pltpu.async_copy(rows[kp], acc_sh.at[dstv[kp]], ssem[kp], add=True)

    def body(j, carry):
      nf = j > 0
      step(3 * j, 0, 2, 1, nf, nf)
      step(3 * j + 1, 1, 0, 2, nf, jnp.bool_(True))
      step(3 * j + 2, 2, 1, 0, jnp.bool_(True), jnp.bool_(True))
      return carry

    lax.fori_loop(0, (nch_w - 1) // 3, body, 0)
    fetch_wait(0)
    pltpu.async_copy(table_hbm.at[srcv[0]], rows[0], gsem[0])
    pltpu.make_async_copy(rows[1], acc_sh.at[dstv[1]], ssem[1]).wait()
    pltpu.make_async_copy(table_hbm.at[0:_CH], rows[2], gsem[2]).wait()
    pltpu.async_copy(rows[2], acc_sh.at[dstv[2]], ssem[2], add=True)
    pltpu.make_async_copy(table_hbm.at[0:_CH], rows[0], gsem[0]).wait()
    pltpu.async_copy(rows[0], acc_sh.at[dstv[0]], ssem[0], add=True)
    pltpu.make_async_copy(rows[2], acc_sh.at[dstv[2]], ssem[2]).wait()
    pltpu.make_async_copy(rows[0], acc_sh.at[dstv[0]], ssem[0]).wait()
    plsc.subcore_barrier()

    @pl.when(cid == 0)
    def _():
      pltpu.sync_copy(acc_sh.at[pl.ds(r0, _RPW)], out0.at[pl.ds(r0, _RPW)])

    @pl.when(cid == 1)
    def _():
      pltpu.sync_copy(acc_sh.at[pl.ds(r0, _RPW)], out1.at[pl.ds(r0, _RPW)])

  return seg_sum


_seg_sum_x = _make_seg_sum(_DF)
_seg_sum_b = _make_seg_sum(_FB)
_seg_sum_h = _make_seg_sum(_FH)


def _prep_body(bc_ref, ev_ref, out_ref):
  onehot = (bc_ref[...]
            == lax.broadcasted_iota(jnp.int32, (1, _G), 1)).astype(jnp.float32)
  rep = jnp.dot(onehot, ev_ref[...], preferred_element_type=jnp.float32)
  onescol = (lax.broadcasted_iota(jnp.int32, (_RT, 16), 1) == 0
             ).astype(jnp.float32)
  out_ref[...] = jnp.concatenate([rep, onescol], axis=1)


def _l0_body(p0x_ref, p1x_ref, p0b_ref, p1b_ref, tb_ref, x_ref,
             wlx_ref, wlr_ref, wrx_ref, wrr_ref, b_ref,
             h0a_ref, h0b_ref, aux_ref):
  sx = p0x_ref[...] + p1x_ref[...]
  sb = p0b_ref[...] + p1b_ref[...]
  dinv = 1.0 / jnp.maximum(sb[:, _DI:_DI + 1], 1.0)
  mrep = sb[:, 0:_DI] * dinv
  h0 = (jnp.dot(sx * dinv, wlx_ref[...], preferred_element_type=jnp.float32)
        + jnp.dot(mrep, wlr_ref[...], preferred_element_type=jnp.float32)
        + jnp.dot(x_ref[...], wrx_ref[...], preferred_element_type=jnp.float32)
        + jnp.dot(tb_ref[:, 0:_DI], wrr_ref[...],
                  preferred_element_type=jnp.float32)
        + b_ref[...])
  h0a_ref[...] = h0[:, :_FH]
  h0b_ref[...] = h0[:, _FH:]
  aux_ref[...] = jnp.concatenate(
      [mrep, jnp.broadcast_to(dinv, (_RT, 32))], axis=1)


def _l1_body(q0a_ref, q1a_ref, q0b_ref, q1b_ref, aux_ref, h0a_ref, h0b_ref,
             tb_ref, wlh_ref, wlr_ref, wrh_ref, wrr_ref, b_ref, out_ref):
  dinv = aux_ref[:, 32:33]
  mrep = aux_ref[:, 0:32]
  meanh = jnp.concatenate([(q0a_ref[...] + q1a_ref[...]) * dinv,
                           (q0b_ref[...] + q1b_ref[...]) * dinv], axis=1)
  h0 = jnp.concatenate([h0a_ref[...], h0b_ref[...]], axis=1)
  rep = tb_ref[:, 0:_DI]
  out_ref[...] = (
      jnp.dot(meanh, wlh_ref[...], preferred_element_type=jnp.float32)
      + jnp.dot(mrep, wlr_ref[...], preferred_element_type=jnp.float32)
      + jnp.dot(h0, wrh_ref[...], preferred_element_type=jnp.float32)
      + jnp.dot(rep, wrr_ref[...], preferred_element_type=jnp.float32)
      + b_ref[...])


def _pool_body(bc_ref, h0a_ref, h0b_ref, h1_ref,
               fc1w_ref, fc1b_ref, fc2w_ref, fc2b_ref, out_ref, pool_ref):
  i = pl.program_id(0)

  @pl.when(i == 0)
  def _():
    pool_ref[...] = jnp.full((_G, 2 * _OH), -jnp.inf, jnp.float32)

  hcat = jnp.concatenate([h0a_ref[...], h0b_ref[...], h1_ref[...]], axis=1)
  bc = bc_ref[...]

  def gbody(g, carry):
    red = jnp.max(jnp.where(bc == g, hcat, -jnp.inf), axis=0, keepdims=True)
    pool_ref[pl.ds(g, 1), :] = jnp.maximum(pool_ref[pl.ds(g, 1), :], red)
    return carry

  lax.fori_loop(0, _G, gbody, 0)

  @pl.when(i == pl.num_programs(0) - 1)
  def _():
    z = jnp.maximum(
        jnp.dot(pool_ref[...], fc1w_ref[...],
                preferred_element_type=jnp.float32) + fc1b_ref[...], 0.0)
    out_ref[...] = (jnp.dot(z, fc2w_ref[...],
                            preferred_element_type=jnp.float32)
                    + fc2b_ref[...])


def kernel(x, edge_index, batch, eigen_values,
           W_l0, b_l0, W_r0, W_l1, b_l1, W_r1,
           fc1_w, fc1_b, fc2_w, fc2_b):
  ng = _N // _RT
  srcp = jnp.concatenate(
      [edge_index[0], jnp.zeros((_EPAD - _E,), jnp.int32)])
  dstp = jnp.concatenate(
      [edge_index[1], jnp.full((_EPAD - _E,), _N, jnp.int32)])
  bc = batch.reshape(_N, 1)
  z_x = jnp.zeros((_NPAD, _DF), jnp.float32)
  z_b = jnp.zeros((_NPAD, _FB), jnp.float32)
  z_h = jnp.zeros((_NPAD, _FH), jnp.float32)
  b_l0r = b_l0.reshape(1, _OH)
  b_l1r = b_l1.reshape(1, _OH)
  fc1_br = fc1_b.reshape(1, -1)
  fc2_br = fc2_b.reshape(1, -1)
  wl0x, wl0r = W_l0[:_DF], W_l0[_DF:]
  wr0x, wr0r = W_r0[:_DF], W_r0[_DF:]
  wl1h, wl1r = W_l1[:_OH], W_l1[_OH:]
  wr1h, wr1r = W_r1[:_OH], W_r1[_OH:]

  tb = pl.pallas_call(
      _prep_body,
      grid=(ng,),
      in_specs=[
          pl.BlockSpec((_RT, 1), lambda i: (i, 0)),
          pl.BlockSpec((_G, _DI), lambda i: (0, 0)),
      ],
      out_specs=pl.BlockSpec((_RT, _FB), lambda i: (i, 0)),
      out_shape=jax.ShapeDtypeStruct((_N, _FB), jnp.float32),
  )(bc, eigen_values)

  p0x, p1x = _seg_sum_x(srcp, dstp, x, z_x)
  p0b, p1b = _seg_sum_b(srcp, dstp, tb, z_b)

  wspec = lambda r, c: pl.BlockSpec((r, c), lambda i: (0, 0))
  rspec = lambda c: pl.BlockSpec((_RT, c), lambda i: (i, 0))
  h0a, h0b, aux = pl.pallas_call(
      _l0_body,
      grid=(ng,),
      in_specs=[
          rspec(_DF), rspec(_DF), rspec(_FB), rspec(_FB), rspec(_FB),
          rspec(_DF),
          wspec(_DF, _OH), wspec(_DI, _OH),
          wspec(_DF, _OH), wspec(_DI, _OH), wspec(1, _OH),
      ],
      out_specs=[rspec(_FH), rspec(_FH), rspec(64)],
      out_shape=[
          jax.ShapeDtypeStruct((_N, _FH), jnp.float32),
          jax.ShapeDtypeStruct((_N, _FH), jnp.float32),
          jax.ShapeDtypeStruct((_N, 64), jnp.float32),
      ],
  )(p0x, p1x, p0b, p1b, tb, x, wl0x, wl0r, wr0x, wr0r, b_l0r)

  q0a, q1a = _seg_sum_h(srcp, dstp, h0a, z_h)
  q0b, q1b = _seg_sum_h(srcp, dstp, h0b, z_h)

  h1 = pl.pallas_call(
      _l1_body,
      grid=(ng,),
      in_specs=[
          rspec(_FH), rspec(_FH), rspec(_FH), rspec(_FH),
          rspec(64), rspec(_FH), rspec(_FH), rspec(_FB),
          wspec(_OH, _OH), wspec(_DI, _OH),
          wspec(_OH, _OH), wspec(_DI, _OH), wspec(1, _OH),
      ],
      out_specs=rspec(_OH),
      out_shape=jax.ShapeDtypeStruct((_N, _OH), jnp.float32),
  )(q0a, q1a, q0b, q1b, aux, h0a, h0b, tb,
    wl1h, wl1r, wr1h, wr1r, b_l1r)

  out = pl.pallas_call(
      _pool_body,
      grid=(ng,),
      in_specs=[
          pl.BlockSpec((_RT, 1), lambda i: (i, 0)),
          rspec(_FH), rspec(_FH), rspec(_OH),
          wspec(2 * _OH, 256), wspec(1, 256),
          wspec(256, 10), wspec(1, 10),
      ],
      out_specs=pl.BlockSpec((_G, 10), lambda i: (0, 0)),
      out_shape=jax.ShapeDtypeStruct((_G, 10), jnp.float32),
      scratch_shapes=[pltpu.VMEM((_G, 2 * _OH), jnp.float32)],
  )(bc, h0a, h0b, h1, fc1_w, fc1_br, fc2_w, fc2_br)
  return out

# --- scband reference (transcript-rebuilt; emitter-appended) ---
"""Pipeline reference for scband-graph-sage-sii-16630113370113 (READ-ONLY COPY).

The authoritative reference and input builder live on the scoring server;
editing this copy changes nothing except your own understanding.
"""

import jax, jax.numpy as jnp
import numpy as np

N_NODES = 10000
N_EDGES = 320000
D_FEAT = 128
INFO_DIM = 32
DIM_EMB = 256
OUT_HID = DIM_EMB - INFO_DIM  # 224
NUM_LAYERS = 2
NUM_GRAPHS = 64
DIM_TARGET = 10


def setup_inputs(seed: int = 0) -> dict:
    key = jax.random.key(seed)
    ks = jax.random.split(key, 16)
    x = jax.random.normal(ks[0], (N_NODES, D_FEAT), dtype=jnp.float32)
    edge_index = jax.random.randint(ks[1], (2, N_EDGES), 0, N_NODES, dtype=jnp.int32)
    batch = jnp.sort(jax.random.randint(ks[2], (N_NODES,), 0, NUM_GRAPHS, dtype=jnp.int32))
    eigen_values = jax.random.normal(ks[3], (NUM_GRAPHS, INFO_DIM), dtype=jnp.float32)
    # SAGEConv params: lin_l (neighbor agg, with bias), lin_r (root, no bias)
    in0 = D_FEAT + INFO_DIM  # 160
    in1 = DIM_EMB            # 256 (prev output 224 + info_dim 32)
    W_l0 = jax.random.normal(ks[4], (in0, OUT_HID), dtype=jnp.float32) * 0.05
    b_l0 = jnp.zeros((OUT_HID,), dtype=jnp.float32)
    W_r0 = jax.random.normal(ks[5], (in0, OUT_HID), dtype=jnp.float32) * 0.05
    W_l1 = jax.random.normal(ks[6], (in1, OUT_HID), dtype=jnp.float32) * 0.05
    b_l1 = jnp.zeros((OUT_HID,), dtype=jnp.float32)
    W_r1 = jax.random.normal(ks[7], (in1, OUT_HID), dtype=jnp.float32) * 0.05
    fc1_w = jax.random.normal(ks[8], (NUM_LAYERS * OUT_HID, DIM_EMB), dtype=jnp.float32) * 0.05
    fc1_b = jnp.zeros((DIM_EMB,), dtype=jnp.float32)
    fc2_w = jax.random.normal(ks[9], (DIM_EMB, DIM_TARGET), dtype=jnp.float32) * 0.05
    fc2_b = jnp.zeros((DIM_TARGET,), dtype=jnp.float32)
    return {"x": x, "edge_index": edge_index, "batch": batch, "eigen_values": eigen_values,
            "W_l0": W_l0, "b_l0": b_l0, "W_r0": W_r0,
            "W_l1": W_l1, "b_l1": b_l1, "W_r1": W_r1,
            "fc1_w": fc1_w, "fc1_b": fc1_b, "fc2_w": fc2_w, "fc2_b": fc2_b}


def _sage_conv(h, edge_index, W_l, b_l, W_r):
    # PyG SAGEConv with mean aggregation: lin_l(mean_{j in N(i)} x_j) + lin_r(x_i)
    src = edge_index[0]
    dst = edge_index[1]
    msg = jnp.take(h, src, axis=0)
    agg = jax.ops.segment_sum(msg, dst, num_segments=N_NODES)
    deg = jax.ops.segment_sum(jnp.ones((msg.shape[0],), dtype=h.dtype), dst, num_segments=N_NODES)
    mean = agg / jnp.maximum(deg, 1.0)[:, None]
    return mean @ W_l + b_l + h @ W_r


def reference(x, edge_index, batch, eigen_values,
              W_l0, b_l0, W_r0, W_l1, b_l1, W_r1,
              fc1_w, fc1_b, fc2_w, fc2_b):
    # struc_info == 'EigenValue': values already length info_dim -> identity processing
    struc_info = eigen_values
    repeated = jnp.take(struc_info, batch, axis=0)  # torch.index_select(struc, 0, batch)
    h = x
    x_all = []
    for (W_l, b_l, W_r) in ((W_l0, b_l0, W_r0), (W_l1, b_l1, W_r1)):
        inp = jnp.concatenate([h, repeated], axis=1)
        h = _sage_conv(inp, edge_index, W_l, b_l, W_r)
        x_all.append(h)
    hcat = jnp.concatenate(x_all, axis=1)
    pooled = jax.ops.segment_max(hcat, batch, num_segments=NUM_GRAPHS)
    z = jax.nn.relu(pooled @ fc1_w + fc1_b)
    out = z @ fc2_w + fc2_b
    return out

if __name__ == "__main__":
    import jax
    _d = setup_inputs()
    print(jax.jit(kernel)(*tuple(_d.values())))

</pallas_src>

<mosaic_0001>
#map = affine_map<(d0, d1) -> (0)>
#map1 = affine_map<(d0, d1) -> (0, 0)>
module attributes {stable_mosaic.version = 14 : i64} {
  func.func @seg_sum(%arg0: i32, %arg1: i32, %arg2: memref<323584xi32, #tpu.memory_space<hbm>>, %arg3: memref<323584xi32, #tpu.memory_space<hbm>>, %arg4: memref<10000x48xf32, #tpu.memory_space<hbm>>, %arg5: memref<10112x48xf32, #tpu.memory_space<hbm>>, %arg6: memref<10112x48xf32, #tpu.memory_space<hbm>>, %arg7: memref<10112x48xf32, #tpu.memory_space<hbm>>, %arg8: memref<128xi32, #tpu.memory_space<vmem>>, %arg9: memref<128xi32, #tpu.memory_space<vmem>>, %arg10: memref<128xi32, #tpu.memory_space<vmem>>, %arg11: memref<128xi32, #tpu.memory_space<vmem>>, %arg12: memref<128xi32, #tpu.memory_space<vmem>>, %arg13: memref<128xi32, #tpu.memory_space<vmem>>, %arg14: memref<128x48xf32, #tpu.memory_space<vmem>>, %arg15: memref<128x48xf32, #tpu.memory_space<vmem>>, %arg16: memref<128x48xf32, #tpu.memory_space<vmem>>, %arg17: memref<!tpu.dma_semaphore, #tpu.memory_space<semaphore_mem>>, %arg18: memref<!tpu.dma_semaphore, #tpu.memory_space<semaphore_mem>>, %arg19: memref<!tpu.dma_semaphore, #tpu.memory_space<semaphore_mem>>, %arg20: memref<!tpu.dma_semaphore, #tpu.memory_space<semaphore_mem>>, %arg21: memref<!tpu.dma_semaphore, #tpu.memory_space<semaphore_mem>>, %arg22: memref<!tpu.dma_semaphore, #tpu.memory_space<semaphore_mem>>, %arg23: memref<!tpu.dma_semaphore, #tpu.memory_space<semaphore_mem>>, %arg24: memref<!tpu.dma_semaphore, #tpu.memory_space<semaphore_mem>>, %arg25: memref<!tpu.dma_semaphore, #tpu.memory_space<semaphore_mem>>, %arg26: memref<10112x48xf32, #tpu.memory_space<vmem_shared>>) attributes {dimension_semantics = [#tpu.dimension_semantics<core_parallel>, #tpu.dimension_semantics<subcore_parallel>], iteration_bounds = array<i64: 2, 16>, scalar_prefetch = 0 : i64, scratch_operands = 19 : i64, tpu.core_type = #tpu.core_type<sc_vector_subcore>, window_params = [{transform_indices = #map}, {transform_indices = #map}, {transform_indices = #map1}, {transform_indices = #map1}, {transform_indices = #map1}, {transform_indices = #map1}]} {
    %eq3A = arith.constant 0 : i32
    %eq3A_0 = arith.cmpi eq, %arg0, %eq3A : i32
    %jit3A = arith.constant 112 : i32
    %jit3A_1 = arith.constant 46 : i32
    %select_n3A = arith.select %eq3A_0, %jit3A, %jit3A_1 : i32
    %eq3A_2 = arith.constant 0 : i32
    %eq3A_3 = arith.cmpi eq, %arg0, %eq3A_2 : i32
    %mul3A = arith.constant 112 : i32
    %mul3A_4 = arith.muli %arg1, %mul3A : i32
    %mul3A_5 = arith.constant 46 : i32
    %mul3A_6 = arith.muli %arg1, %mul3A_5 : i32
    %add3A = arith.constant 1792 : i32
    %add3A_7 = arith.addi %add3A, %mul3A_6 : i32
    %select_n3A_8 = arith.select %eq3A_3, %mul3A_4, %add3A_7 : i32
    %mul3A_9 = arith.constant 128 : i32
    %mul3A_10 = arith.muli %select_n3A_8, %mul3A_9 : i32
    %add3A_11 = arith.constant 0 : i32
    %add3A_12 = arith.addi %mul3A_10, %add3A_11 : i32
    %dma_start3A = tpu.memref_slice %arg2[%add3A_12] : memref<323584xi32, #tpu.memory_space<hbm>> -> memref<128xi32, #tpu.memory_space<hbm>>
    %dma_start3A_13 = tpu.memref_slice %arg2[%add3A_12] : memref<323584xi32, #tpu.memory_space<hbm>> -> memref<128xi32, #tpu.memory_space<hbm>>
    tpu.enqueue_dma source(%dma_start3A_13 : memref<128xi32, #tpu.memory_space<hbm>>) target(%arg8 : memref<128xi32, #tpu.memory_space<vmem>>) target_semaphore(%arg23 : memref<!tpu.dma_semaphore, #tpu.memory_space<semaphore_mem>>)
    %add3A_14 = arith.constant 0 : i32
    %add3A_15 = arith.addi %mul3A_10, %add3A_14 : i32
    %dma_start3A_16 = tpu.memref_slice %arg3[%add3A_15] : memref<323584xi32, #tpu.memory_space<hbm>> -> memref<128xi32, #tpu.memory_space<hbm>>
    %dma_start3A_17 = tpu.memref_slice %arg3[%add3A_15] : memref<323584xi32, #tpu.memory_space<hbm>> -> memref<128xi32, #tpu.memory_space<hbm>>
    tpu.enqueue_dma source(%dma_start3A_17 : memref<128xi32, #tpu.memory_space<hbm>>) target(%arg11 : memref<128xi32, #tpu.memory_space<vmem>>) target_semaphore(%arg23 : memref<!tpu.dma_semaphore, #tpu.memory_space<semaphore_mem>>)
    %mul3A_18 = arith.constant 632 : i32
    %mul3A_19 = arith.muli %arg1, %mul3A_18 : i32
    "tpu.region"() ({
      %run_scoped3A = tpu.sem_alloc : memref<!tpu.dma_semaphore, #tpu.memory_space<semaphore_mem>>
      %dma_start3A_95 = arith.constant 0 : i32
      %dma_start3A_96 = tpu.memref_slice %arg26[%mul3A_19, %dma_start3A_95] : memref<10112x48xf32, #tpu.memory_space<vmem_shared>> -> memref<632x48xf32, #tpu.memory_space<vmem_shared>>
      %dma_start3A_97 = arith.constant 0 : i32
      %dma_start3A_98 = tpu.memref_slice %arg5[%mul3A_19, %dma_start3A_97] : memref<10112x48xf32, #tpu.memory_space<hbm>> -> memref<632x48xf32, #tpu.memory_space<hbm>>
      tpu.enqueue_dma source(%dma_start3A_98 : memref<632x48xf32, #tpu.memory_space<hbm>>) target(%dma_start3A_96 : memref<632x48xf32, #tpu.memory_space<vmem_shared>>) target_semaphore(%run_scoped3A : memref<!tpu.dma_semaphore, #tpu.memory_space<semaphore_mem>>)
      %dma_wait3A_99 = arith.constant 0 : i32
      %dma_wait3A_100 = tpu.memref_slice %arg26[%mul3A_19, %dma_wait3A_99] : memref<10112x48xf32, #tpu.memory_space<vmem_shared>> -> memref<632x48xf32, #tpu.memory_space<vmem_shared>>
      %dma_wait3A_101 = arith.constant 0 : i32
      %dma_wait3A_102 = tpu.memref_slice %arg5[%mul3A_19, %dma_wait3A_101] : memref<10112x48xf32, #tpu.memory_space<hbm>> -> memref<632x48xf32, #tpu.memory_space<hbm>>
      tpu.wait_dma2 semaphore(%run_scoped3A : memref<!tpu.dma_semaphore, #tpu.memory_space<semaphore_mem>>) src(%dma_wait3A_102 : memref<632x48xf32, #tpu.memory_space<hbm>>) dst(%dma_wait3A_100 : memref<632x48xf32, #tpu.memory_space<vmem_shared>>)
      tpu.yield
    }) : () -> ()
    %barrier3A = arith.constant 0 : index
    tpu.barrier barrier_id(%barrier3A)
    %sub3A = arith.constant 1 : i32
    %sub3A_20 = arith.subi %select_n3A, %sub3A : i32
    %jit3A_21 = arith.constant 3 : i32
    %div3A = arith.divsi %sub3A_20, %jit3A_21 : i32
    %sign3A = arith.constant 0 : i32
    %sign3A_22 = arith.cmpi sgt, %sub3A_20, %sign3A : i32
    %sign3A_23 = arith.extui %sign3A_22 : i1 to i32
    %sign3A_24 = arith.constant 0 : i32
    %sign3A_25 = arith.cmpi slt, %sub3A_20, %sign3A_24 : i32
    %sign3A_26 = arith.extui %sign3A_25 : i1 to i32
    %sign3A_27 = arith.subi %sign3A_23, %sign3A_26 : i32
    %sign3A_28 = arith.constant 0 : i32
    %sign3A_29 = arith.cmpi sgt, %jit3A_21, %sign3A_28 : i32
    %sign3A_30 = arith.extui %sign3A_29 : i1 to i32
    %sign3A_31 = arith.constant 0 : i32
    %sign3A_32 = arith.cmpi slt, %jit3A_21, %sign3A_31 : i32
    %sign3A_33 = arith.extui %sign3A_32 : i1 to i32
    %sign3A_34 = arith.subi %sign3A_30, %sign3A_33 : i32
    %ne3A = arith.cmpi ne, %sign3A_27, %sign3A_34 : i32
    %rem3A = arith.remsi %sub3A_20, %jit3A_21 : i32
    %ne3A_35 = arith.constant 0 : i32
    %ne3A_36 = arith.cmpi ne, %rem3A, %ne3A_35 : i32
    %and3A = arith.andi %ne3A, %ne3A_36 : i1
    %sub3A_37 = arith.constant 1 : i32
    %sub3A_38 = arith.subi %div3A, %sub3A_37 : i32
    %select_n3A_39 = arith.select %and3A, %sub3A_38, %div3A : i32
    %while3A = arith.constant 0 : i32
    %while3A_40 = arith.constant 0 : i32
    %while3A_41 = arith.subi %select_n3A_39, %while3A_40 : i32
    %while3A_42 = arith.addi %while3A_40, %while3A_41 : i32
    %while3A_43 = arith.constant 1 : i32
    %while3A_44 = arith.divsi %while3A_41, %while3A_43 : i32
    %while3A_45 = arith.muli %while3A_44, %while3A_43 : i32
    %while3A_46 = arith.addi %while3A_40, %while3A_45 : i32
    %while3A_47 = arith.constant 1 : i32
    scf.for %while3A_95 = %while3A_40 to %while3A_46 step %while3A_47  : i32 {
      %gt3A = arith.constant 0 : i32
      %gt3A_96 = arith.cmpi sgt, %while3A_95, %gt3A : i32
      %mul3A_97 = arith.constant 3 : i32
      %mul3A_98 = arith.muli %mul3A_97, %while3A_95 : i32
      %dma_wait3A_99 = arith.constant 0 : i32
      %dma_wait3A_100 = tpu.memref_slice %arg2[%dma_wait3A_99] : memref<323584xi32, #tpu.memory_space<hbm>> -> memref<128xi32, #tpu.memory_space<hbm>>
      %dma_wait3A_101 = arith.constant 0 : i32
      %dma_wait3A_102 = tpu.memref_slice %arg2[%dma_wait3A_101] : memref<323584xi32, #tpu.memory_space<hbm>> -> memref<128xi32, #tpu.memory_space<hbm>>
      tpu.wait_dma2 semaphore(%arg23 : memref<!tpu.dma_semaphore, #tpu.memory_space<semaphore_mem>>) src(%dma_wait3A_102 : memref<128xi32, #tpu.memory_space<hbm>>) dst(%arg8 : memref<128xi32, #tpu.memory_space<vmem>>)
      %dma_wait3A_103 = arith.constant 0 : i32
      %dma_wait3A_104 = tpu.memref_slice %arg2[%dma_wait3A_103] : memref<323584xi32, #tpu.memory_space<hbm>> -> memref<128xi32, #tpu.memory_space<hbm>>
      %dma_wait3A_105 = arith.constant 0 : i32
      %dma_wait3A_106 = tpu.memref_slice %arg2[%dma_wait3A_105] : memref<323584xi32, #tpu.memory_space<hbm>> -> memref<128xi32, #tpu.memory_space<hbm>>
      tpu.wait_dma2 semaphore(%arg23 : memref<!tpu.dma_semaphore, #tpu.memory_space<semaphore_mem>>) src(%dma_wait3A_106 : memref<128xi32, #tpu.memory_space<hbm>>) dst(%arg11 : memref<128xi32, #tpu.memory_space<vmem>>)
      %dma_start3A_107 = arith.constant 0 : i32
      %dma_start3A_108 = arith.constant 0 : i32
      %dma_start3A_109 = tpu.memref_slice %arg4[%dma_start3A_107, %dma_start3A_108] : memref<10000x48xf32, #tpu.memory_space<hbm>> -> memref<10000x48xf32, #tpu.memory_space<hbm>>
      tpu.enqueue_indirect_dma source(%dma_start3A_109 : memref<10000x48xf32, #tpu.memory_space<hbm>>) target(%arg14 : memref<128x48xf32, #tpu.memory_space<vmem>>) offsets(%arg8 : memref<128xi32, #tpu.memory_space<vmem>>) semaphore(%arg17 : memref<!tpu.dma_semaphore, #tpu.memory_space<semaphore_mem>>)
      %convert_element_type3A_110 = arith.extui %gt3A_96 : i1 to i32
      %cond3A_111 = arith.constant 0 : i32
      %cond3A_112 = arith.cmpi ne, %convert_element_type3A_110, %cond3A_111 : i32
      scf.if %cond3A_112 {
        %dma_wait3A_209 = arith.constant 0 : i32
        %dma_wait3A_210 = arith.constant 0 : i32
        %dma_wait3A_211 = tpu.memref_slice %arg26[%dma_wait3A_209, %dma_wait3A_210] : memref<10112x48xf32, #tpu.memory_space<vmem_shared>> -> memref<10112x48xf32, #tpu.memory_space<vmem_shared>>
        tpu.wait_indirect_dma semaphore(%arg21 : memref<!tpu.dma_semaphore, #tpu.memory_space<semaphore_mem>>) src(%arg15 : memref<128x48xf32, #tpu.memory_space<vmem>>) dst(%dma_wait3A_211 : memref<10112x48xf32, #tpu.memory_space<vmem_shared>>)
      } else {
      }
      %add3A_113 = arith.constant 1 : i32
      %add3A_114 = arith.addi %mul3A_98, %add3A_113 : i32
      %mul3A_115 = arith.constant 128 : i32
      %mul3A_116 = arith.muli %add3A_114, %mul3A_115 : i32
      %add3A_117 = arith.addi %mul3A_10, %mul3A_116 : i32
      %dma_start3A_118 = tpu.memref_slice %arg2[%add3A_117] : memref<323584xi32, #tpu.memory_space<hbm>> -> memref<128xi32, #tpu.memory_space<hbm>>
      %dma_start3A_119 = tpu.memref_slice %arg2[%add3A_117] : memref<323584xi32, #tpu.memory_space<hbm>> -> memref<128xi32, #tpu.memory_space<hbm>>
      tpu.enqueue_dma source(%dma_start3A_119 : memref<128xi32, #tpu.memory_space<hbm>>) target(%arg9 : memref<128xi32, #tpu.memory_space<vmem>>) target_semaphore(%arg24 : memref<!tpu.dma_semaphore, #tpu.memory_space<semaphore_mem>>)
      %mul3A_120 = arith.constant 128 : i32
      %mul3A_121 = arith.muli %add3A_114, %mul3A_120 : i32
      %add3A_122 = arith.addi %mul3A_10, %mul3A_121 : i32
      %dma_start3A_123 = tpu.memref_slice %arg3[%add3A_122] : memref<323584xi32, #tpu.memory_space<hbm>> -> memref<128xi32, #tpu.memory_space<hbm>>
      %dma_start3A_124 = tpu.memref_slice %arg3[%add3A_122] : memref<323584xi32, #tpu.memory_space<hbm>> -> memref<128xi32, #tpu.memory_space<hbm>>
      tpu.enqueue_dma source(%dma_start3A_124 : memref<128xi32, #tpu.memory_space<hbm>>) target(%arg12 : memref<128xi32, #tpu.memory_space<vmem>>) target_semaphore(%arg24 : memref<!tpu.dma_semaphore, #tpu.memory_space<semaphore_mem>>)
      %convert_element_type3A_125 = arith.extui %gt3A_96 : i1 to i32
      %cond3A_126 = arith.constant 0 : i32
      %cond3A_127 = arith.cmpi ne, %convert_element_type3A_125, %cond3A_126 : i32
      scf.if %cond3A_127 {
        %dma_wait3A_209 = arith.constant 0 : i32
        %dma_wait3A_210 = arith.constant 0 : i32
        %dma_wait3A_211 = tpu.memref_slice %arg4[%dma_wait3A_209, %dma_wait3A_210] : memref<10000x48xf32, #tpu.memory_space<hbm>> -> memref<128x48xf32, #tpu.memory_space<hbm>>
        %dma_wait3A_212 = arith.constant 0 : i32
        %dma_wait3A_213 = arith.constant 0 : i32
        %dma_wait3A_214 = tpu.memref_slice %arg4[%dma_wait3A_212, %dma_wait3A_213] : memref<10000x48xf32, #tpu.memory_space<hbm>> -> memref<128x48xf32, #tpu.memory_space<hbm>>
        tpu.wait_dma2 semaphore(%arg19 : memref<!tpu.dma_semaphore, #tpu.memory_space<semaphore_mem>>) src(%dma_wait3A_214 : memref<128x48xf32, #tpu.memory_space<hbm>>) dst(%arg16 : memref<128x48xf32, #tpu.memory_space<vmem>>)
        %dma_start3A_215 = arith.constant 0 : i32
        %dma_start3A_216 = arith.constant 0 : i32
        %dma_start3A_217 = tpu.memref_slice %arg26[%dma_start3A_215, %dma_start3A_216] : memref<10112x48xf32, #tpu.memory_space<vmem_shared>> -> memref<10112x48xf32, #tpu.memory_space<vmem_shared>>
        tpu.enqueue_indirect_dma source(%arg16 : memref<128x48xf32, #tpu.memory_space<vmem>>) target(%dma_start3A_217 : memref<10112x48xf32, #tpu.memory_space<vmem_shared>>) offsets(%arg13 : memref<128xi32, #tpu.memory_space<vmem>>) semaphore(%arg22 : memref<!tpu.dma_semaphore, #tpu.memory_space<semaphore_mem>>) {add = true}
      } else {
      }
      %mul3A_128 = arith.constant 3 : i32
      %mul3A_129 = arith.muli %mul3A_128, %while3A_95 : i32
      %add3A_130 = arith.constant 1 : i32
      %add3A_131 = arith.addi %mul3A_129, %add3A_130 : i32
      %dma_wait3A_132 = arith.constant 0 : i32
      %dma_wait3A_133 = tpu.memref_slice %arg2[%dma_wait3A_132] : memref<323584xi32, #tpu.memory_space<hbm>> -> memref<128xi32, #tpu.memory_space<hbm>>
      %dma_wait3A_134 = arith.constant 0 : i32
      %dma_wait3A_135 = tpu.memref_slice %arg2[%dma_wait3A_134] : memref<323584xi32, #tpu.memory_space<hbm>> -> memref<128xi32, #tpu.memory_space<hbm>>
      tpu.wait_dma2 semaphore(%arg24 : memref<!tpu.dma_semaphore, #tpu.memory_space<semaphore_mem>>) src(%dma_wait3A_135 : memref<128xi32, #tpu.memory_space<hbm>>) dst(%arg9 : memref<128xi32, #tpu.memory_space<vmem>>)
      %dma_wait3A_136 = arith.constant 0 : i32
      %dma_wait3A_137 = tpu.memref_slice %arg2[%dma_wait3A_136] : memref<323584xi32, #tpu.memory_space<hbm>> -> memref<128xi32, #tpu.memory_space<hbm>>
      %dma_wait3A_138 = arith.constant 0 : i32
      %dma_wait3A_139 = tpu.memref_slice %arg2[%dma_wait3A_138] : memref<323584xi32, #tpu.memory_space<hbm>> -> memref<128xi32, #tpu.memory_space<hbm>>
      tpu.wait_dma2 semaphore(%arg24 : memref<!tpu.dma_semaphore, #tpu.memory_space<semaphore_mem>>) src(%dma_wait3A_139 : memref<128xi32, #tpu.memory_space<hbm>>) dst(%arg12 : memref<128xi32, #tpu.memory_space<vmem>>)
      %dma_start3A_140 = arith.constant 0 : i32
      %dma_start3A_141 = arith.constant 0 : i32
      %dma_start3A_142 = tpu.memref_slice %arg4[%dma_start3A_140, %dma_start3A_141] : memref<10000x48xf32, #tpu.memory_space<hbm>> -> memref<10000x48xf32, #tpu.memory_space<hbm>>
      tpu.enqueue_indirect_dma source(%dma_start3A_142 : memref<10000x48xf32, #tpu.memory_space<hbm>>) target(%arg15 : memref<128x48xf32, #tpu.memory_space<vmem>>) offsets(%arg9 : memref<128xi32, #tpu.memory_space<vmem>>) semaphore(%arg18 : memref<!tpu.dma_semaphore, #tpu.memory_space<semaphore_mem>>)
      %convert_element_type3A_143 = arith.extui %gt3A_96 : i1 to i32
      %cond3A_144 = arith.constant 0 : i32
      %cond3A_145 = arith.cmpi ne, %convert_element_type3A_143, %cond3A_144 : i32
      scf.if %cond3A_145 {
        %dma_wait3A_209 = arith.constant 0 : i32
        %dma_wait3A_210 = arith.constant 0 : i32
        %dma_wait3A_211 = tpu.memref_slice %arg26[%dma_wait3A_209, %dma_wait3A_210] : memref<10112x48xf32, #tpu.memory_space<vmem_shared>> -> memref<10112x48xf32, #tpu.memory_space<vmem_shared>>
        tpu.wait_indirect_dma semaphore(%arg22 : memref<!tpu.dma_semaphore, #tpu.memory_space<semaphore_mem>>) src(%arg16 : memref<128x48xf32, #tpu.memory_space<vmem>>) dst(%dma_wait3A_211 : memref<10112x48xf32, #tpu.memory_space<vmem_shared>>)
      } else {
      }
      %add3A_146 = arith.constant 1 : i32
      %add3A_147 = arith.addi %add3A_131, %add3A_146 : i32
      %mul3A_148 = arith.constant 128 : i32
      %mul3A_149 = arith.muli %add3A_147, %mul3A_148 : i32
      %add3A_150 = arith.addi %mul3A_10, %mul3A_149 : i32
      %dma_start3A_151 = tpu.memref_slice %arg2[%add3A_150] : memref<323584xi32, #tpu.memory_space<hbm>> -> memref<128xi32, #tpu.memory_space<hbm>>
      %dma_start3A_152 = tpu.memref_slice %arg2[%add3A_150] : memref<323584xi32, #tpu.memory_space<hbm>> -> memref<128xi32, #tpu.memory_space<hbm>>
      tpu.enqueue_dma source(%dma_start3A_152 : memref<128xi32, #tpu.memory_space<hbm>>) target(%arg10 : memref<128xi32, #tpu.memory_space<vmem>>) target_semaphore(%arg25 : memref<!tpu.dma_semaphore, #tpu.memory_space<semaphore_mem>>)
      %mul3A_153 = arith.constant 128 : i32
      %mul3A_154 = arith.muli %add3A_147, %mul3A_153 : i32
      %add3A_155 = arith.addi %mul3A_10, %mul3A_154 : i32
      %dma_start3A_156 = tpu.memref_slice %arg3[%add3A_155] : memref<323584xi32, #tpu.memory_space<hbm>> -> memref<128xi32, #tpu.memory_space<hbm>>
      %dma_start3A_157 = tpu.memref_slice %arg3[%add3A_155] : memref<323584xi32, #tpu.memory_space<hbm>> -> memref<128xi32, #tpu.memory_space<hbm>>
      tpu.enqueue_dma source(%dma_start3A_157 : memref<128xi32, #tpu.memory_space<hbm>>) target(%arg13 : memref<128xi32, #tpu.memory_space<vmem>>) target_semaphore(%arg25 : memref<!tpu.dma_semaphore, #tpu.memory_space<semaphore_mem>>)
      %cond3A_158 = arith.constant 1 : i32
      %dma_wait3A_159 = arith.constant 0 : i32
      %dma_wait3A_160 = arith.constant 0 : i32
      %dma_wait3A_161 = tpu.memref_slice %arg4[%dma_wait3A_159, %dma_wait3A_160] : memref<10000x48xf32, #tpu.memory_space<hbm>> -> memref<128x48xf32, #tpu.memory_space<hbm>>
      %dma_wait3A_162 = arith.constant 0 : i32
      %dma_wait3A_163 = arith.constant 0 : i32
      %dma_wait3A_164 = tpu.memref_slice %arg4[%dma_wait3A_162, %dma_wait3A_163] : memref<10000x48xf32, #tpu.memory_space<hbm>> -> memref<128x48xf32, #tpu.memory_space<hbm>>
      tpu.wait_dma2 semaphore(%arg17 : memref<!tpu.dma_semaphore, #tpu.memory_space<semaphore_mem>>) src(%dma_wait3A_164 : memref<128x48xf32, #tpu.memory_space<hbm>>) dst(%arg14 : memref<128x48xf32, #tpu.memory_space<vmem>>)
      %dma_start3A_165 = arith.constant 0 : i32
      %dma_start3A_166 = arith.constant 0 : i32
      %dma_start3A_167 = tpu.memref_slice %arg26[%dma_start3A_165, %dma_start3A_166] : memref<10112x48xf32, #tpu.memory_space<vmem_shared>> -> memref<10112x48xf32, #tpu.memory_space<vmem_shared>>
      tpu.enqueue_indirect_dma source(%arg14 : memref<128x48xf32, #tpu.memory_space<vmem>>) target(%dma_start3A_167 : memref<10112x48xf32, #tpu.memory_space<vmem_shared>>) offsets(%arg11 : memref<128xi32, #tpu.memory_space<vmem>>) semaphore(%arg20 : memref<!tpu.dma_semaphore, #tpu.memory_space<semaphore_mem>>) {add = true}
      %mul3A_168 = arith.constant 3 : i32
      %mul3A_169 = arith.muli %mul3A_168, %while3A_95 : i32
      %add3A_170 = arith.constant 2 : i32
      %add3A_171 = arith.addi %mul3A_169, %add3A_170 : i32
      %dma_wait3A_172 = arith.constant 0 : i32
      %dma_wait3A_173 = tpu.memref_slice %arg2[%dma_wait3A_172] : memref<323584xi32, #tpu.memory_space<hbm>> -> memref<128xi32, #tpu.memory_space<hbm>>
      %dma_wait3A_174 = arith.constant 0 : i32
      %dma_wait3A_175 = tpu.memref_slice %arg2[%dma_wait3A_174] : memref<323584xi32, #tpu.memory_space<hbm>> -> memref<128xi32, #tpu.memory_space<hbm>>
      tpu.wait_dma2 semaphore(%arg25 : memref<!tpu.dma_semaphore, #tpu.memory_space<semaphore_mem>>) src(%dma_wait3A_175 : memref<128xi32, #tpu.memory_space<hbm>>) dst(%arg10 : memref<128xi32, #tpu.memory_space<vmem>>)
      %dma_wait3A_176 = arith.constant 0 : i32
      %dma_wait3A_177 = tpu.memref_slice %arg2[%dma_wait3A_176] : memref<323584xi32, #tpu.memory_space<hbm>> -> memref<128xi32, #tpu.memory_space<hbm>>
      %dma_wait3A_178 = arith.constant 0 : i32
      %dma_wait3A_179 = tpu.memref_slice %arg2[%dma_wait3A_178] : memref<323584xi32, #tpu.memory_space<hbm>> -> memref<128xi32, #tpu.memory_space<hbm>>
      tpu.wait_dma2 semaphore(%arg25 : memref<!tpu.dma_semaphore, #tpu.memory_space<semaphore_mem>>) src(%dma_wait3A_179 : memref<128xi32, #tpu.memory_space<hbm>>) dst(%arg13 : memref<128xi32, #tpu.memory_space<vmem>>)
      %dma_start3A_180 = arith.constant 0 : i32
      %dma_start3A_181 = arith.constant 0 : i32
      %dma_start3A_182 = tpu.memref_slice %arg4[%dma_start3A_180, %dma_start3A_181] : memref<10000x48xf32, #tpu.memory_space<hbm>> -> memref<10000x48xf32, #tpu.memory_space<hbm>>
      tpu.enqueue_indirect_dma source(%dma_start3A_182 : memref<10000x48xf32, #tpu.memory_space<hbm>>) target(%arg16 : memref<128x48xf32, #tpu.memory_space<vmem>>) offsets(%arg10 : memref<128xi32, #tpu.memory_space<vmem>>) semaphore(%arg19 : memref<!tpu.dma_semaphore, #tpu.memory_space<semaphore_mem>>)
      %cond3A_183 = arith.constant 1 : i32
      %dma_wait3A_184 = arith.constant 0 : i32
      %dma_wait3A_185 = arith.constant 0 : i32
      %dma_wait3A_186 = tpu.memref_slice %arg26[%dma_wait3A_184, %dma_wait3A_185] : memref<10112x48xf32, #tpu.memory_space<vmem_shared>> -> memref<10112x48xf32, #tpu.memory_space<vmem_shared>>
      tpu.wait_indirect_dma semaphore(%arg20 : memref<!tpu.dma_semaphore, #tpu.memory_space<semaphore_mem>>) src(%arg14 : memref<128x48xf32, #tpu.memory_space<vmem>>) dst(%dma_wait3A_186 : memref<10112x48xf32, #tpu.memory_space<vmem_shared>>)
      %add3A_187 = arith.constant 1 : i32
      %add3A_188 = arith.addi %add3A_171, %add3A_187 : i32
      %mul3A_189 = arith.constant 128 : i32
      %mul3A_190 = arith.muli %add3A_188, %mul3A_189 : i32
      %add3A_191 = arith.addi %mul3A_10, %mul3A_190 : i32
      %dma_start3A_192 = tpu.memref_slice %arg2[%add3A_191] : memref<323584xi32, #tpu.memory_space<hbm>> -> memref<128xi32, #tpu.memory_space<hbm>>
      %dma_start3A_193 = tpu.memref_slice %arg2[%add3A_191] : memref<323584xi32, #tpu.memory_space<hbm>> -> memref<128xi32, #tpu.memory_space<hbm>>
      tpu.enqueue_dma source(%dma_start3A_193 : memref<128xi32, #tpu.memory_space<hbm>>) target(%arg8 : memref<128xi32, #tpu.memory_space<vmem>>) target_semaphore(%arg23 : memref<!tpu.dma_semaphore, #tpu.memory_space<semaphore_mem>>)
      %mul3A_194 = arith.constant 128 : i32
      %mul3A_195 = arith.muli %add3A_188, %mul3A_194 : i32
      %add3A_196 = arith.addi %mul3A_10, %mul3A_195 : i32
      %dma_start3A_197 = tpu.memref_slice %arg3[%add3A_196] : memref<323584xi32, #tpu.memory_space<hbm>> -> memref<128xi32, #tpu.memory_space<hbm>>
      %dma_start3A_198 = tpu.memref_slice %arg3[%add3A_196] : memref<323584xi32, #tpu.memory_space<hbm>> -> memref<128xi32, #tpu.memory_space<hbm>>
      tpu.enqueue_dma source(%dma_start3A_198 : memref<128xi32, #tpu.memory_space<hbm>>) target(%arg11 : memref<128xi32, #tpu.memory_space<vmem>>) target_semaphore(%arg23 : memref<!tpu.dma_semaphore, #tpu.memory_space<semaphore_mem>>)
      %cond3A_199 = arith.constant 1 : i32
      %dma_wait3A_200 = arith.constant 0 : i32
      %dma_wait3A_201 = arith.constant 0 : i32
      %dma_wait3A_202 = tpu.memref_slice %arg4[%dma_wait3A_200, %dma_wait3A_201] : memref<10000x48xf32, #tpu.memory_space<hbm>> -> memref<128x48xf32, #tpu.memory_space<hbm>>
      %dma_wait3A_203 = arith.constant 0 : i32
      %dma_wait3A_204 = arith.constant 0 : i32
      %dma_wait3A_205 = tpu.memref_slice %arg4[%dma_wait3A_203, %dma_wait3A_204] : memref<10000x48xf32, #tpu.memory_space<hbm>> -> memref<128x48xf32, #tpu.memory_space<hbm>>
      tpu.wait_dma2 semaphore(%arg18 : memref<!tpu.dma_semaphore, #tpu.memory_space<semaphore_mem>>) src(%dma_wait3A_205 : memref<128x48xf32, #tpu.memory_space<hbm>>) dst(%arg15 : memref<128x48xf32, #tpu.memory_space<vmem>>)
      %dma_start3A_206 = arith.constant 0 : i32
      %dma_start3A_207 = arith.constant 0 : i32
      %dma_start3A_208 = tpu.memref_slice %arg26[%dma_start3A_206, %dma_start3A_207] : memref<10112x48xf32, #tpu.memory_space<vmem_shared>> -> memref<10112x48xf32, #tpu.memory_space<vmem_shared>>
      tpu.enqueue_indirect_dma source(%arg15 : memref<128x48xf32, #tpu.memory_space<vmem>>) target(%dma_start3A_208 : memref<10112x48xf32, #tpu.memory_space<vmem_shared>>) offsets(%arg12 : memref<128xi32, #tpu.memory_space<vmem>>) semaphore(%arg21 : memref<!tpu.dma_semaphore, #tpu.memory_space<semaphore_mem>>) {add = true}
    }
    %while3A_48 = arith.constant 1 : i32
    scf.for %while3A_95 = %while3A_46 to %while3A_42 step %while3A_48  : i32 {
      %gt3A = arith.constant 0 : i32
      %gt3A_96 = arith.cmpi sgt, %while3A_95, %gt3A : i32
      %mul3A_97 = arith.constant 3 : i32
      %mul3A_98 = arith.muli %mul3A_97, %while3A_95 : i32
      %dma_wait3A_99 = arith.constant 0 : i32
      %dma_wait3A_100 = tpu.memref_slice %arg2[%dma_wait3A_99] : memref<323584xi32, #tpu.memory_space<hbm>> -> memref<128xi32, #tpu.memory_space<hbm>>
      %dma_wait3A_101 = arith.constant 0 : i32
      %dma_wait3A_102 = tpu.memref_slice %arg2[%dma_wait3A_101] : memref<323584xi32, #tpu.memory_space<hbm>> -> memref<128xi32, #tpu.memory_space<hbm>>
      tpu.wait_dma2 semaphore(%arg23 : memref<!tpu.dma_semaphore, #tpu.memory_space<semaphore_mem>>) src(%dma_wait3A_102 : memref<128xi32, #tpu.memory_space<hbm>>) dst(%arg8 : memref<128xi32, #tpu.memory_space<vmem>>)
      %dma_wait3A_103 = arith.constant 0 : i32
      %dma_wait3A_104 = tpu.memref_slice %arg2[%dma_wait3A_103] : memref<323584xi32, #tpu.memory_space<hbm>> -> memref<128xi32, #tpu.memory_space<hbm>>
      %dma_wait3A_105 = arith.constant 0 : i32
      %dma_wait3A_106 = tpu.memref_slice %arg2[%dma_wait3A_105] : memref<323584xi32, #tpu.memory_space<hbm>> -> memref<128xi32, #tpu.memory_space<hbm>>
      tpu.wait_dma2 semaphore(%arg23 : memref<!tpu.dma_semaphore, #tpu.memory_space<semaphore_mem>>) src(%dma_wait3A_106 : memref<128xi32, #tpu.memory_space<hbm>>) dst(%arg11 : memref<128xi32, #tpu.memory_space<vmem>>)
      %dma_start3A_107 = arith.constant 0 : i32
      %dma_start3A_108 = arith.constant 0 : i32
      %dma_start3A_109 = tpu.memref_slice %arg4[%dma_start3A_107, %dma_start3A_108] : memref<10000x48xf32, #tpu.memory_space<hbm>> -> memref<10000x48xf32, #tpu.memory_space<hbm>>
      tpu.enqueue_indirect_dma source(%dma_start3A_109 : memref<10000x48xf32, #tpu.memory_space<hbm>>) target(%arg14 : memref<128x48xf32, #tpu.memory_space<vmem>>) offsets(%arg8 : memref<128xi32, #tpu.memory_space<vmem>>) semaphore(%arg17 : memref<!tpu.dma_semaphore, #tpu.memory_space<semaphore_mem>>)
      %convert_element_type3A_110 = arith.extui %gt3A_96 : i1 to i32
      %cond3A_111 = arith.constant 0 : i32
      %cond3A_112 = arith.cmpi ne, %convert_element_type3A_110, %cond3A_111 : i32
      scf.if %cond3A_112 {
        %dma_wait3A_209 = arith.constant 0 : i32
        %dma_wait3A_210 = arith.constant 0 : i32
        %dma_wait3A_211 = tpu.memref_slice %arg26[%dma_wait3A_209, %dma_wait3A_210] : memref<10112x48xf32, #tpu.memory_space<vmem_shared>> -> memref<10112x48xf32, #tpu.memory_space<vmem_shared>>
        tpu.wait_indirect_dma semaphore(%arg21 : memref<!tpu.dma_semaphore, #tpu.memory_space<semaphore_mem>>) src(%arg15 : memref<128x48xf32, #tpu.memory_space<vmem>>) dst(%dma_wait3A_211 : memref<10112x48xf32, #tpu.memory_space<vmem_shared>>)
      } else {
      }
      %add3A_113 = arith.constant 1 : i32
      %add3A_114 = arith.addi %mul3A_98, %add3A_113 : i32
      %mul3A_115 = arith.constant 128 : i32
      %mul3A_116 = arith.muli %add3A_114, %mul3A_115 : i32
      %add3A_117 = arith.addi %mul3A_10, %mul3A_116 : i32
      %dma_start3A_118 = tpu.memref_slice %arg2[%add3A_117] : memref<323584xi32, #tpu.memory_space<hbm>> -> memref<128xi32, #tpu.memory_space<hbm>>
      %dma_start3A_119 = tpu.memref_slice %arg2[%add3A_117] : memref<323584xi32, #tpu.memory_space<hbm>> -> memref<128xi32, #tpu.memory_space<hbm>>
      tpu.enqueue_dma source(%dma_start3A_119 : memref<128xi32, #tpu.memory_space<hbm>>) target(%arg9 : memref<128xi32, #tpu.memory_space<vmem>>) target_semaphore(%arg24 : memref<!tpu.dma_semaphore, #tpu.memory_space<semaphore_mem>>)
      %mul3A_120 = arith.constant 128 : i32
      %mul3A_121 = arith.muli %add3A_114, %mul3A_120 : i32
      %add3A_122 = arith.addi %mul3A_10, %mul3A_121 : i32
      %dma_start3A_123 = tpu.memref_slice %arg3[%add3A_122] : memref<323584xi32, #tpu.memory_space<hbm>> -> memref<128xi32, #tpu.memory_space<hbm>>
      %dma_start3A_124 = tpu.memref_slice %arg3[%add3A_122] : memref<323584xi32, #tpu.memory_space<hbm>> -> memref<128xi32, #tpu.memory_space<hbm>>
      tpu.enqueue_dma source(%dma_start3A_124 : memref<128xi32, #tpu.memory_space<hbm>>) target(%arg12 : memref<128xi32, #tpu.memory_space<vmem>>) target_semaphore(%arg24 : memref<!tpu.dma_semaphore, #tpu.memory_space<semaphore_mem>>)
      %convert_element_type3A_125 = arith.extui %gt3A_96 : i1 to i32
      %cond3A_126 = arith.constant 0 : i32
      %cond3A_127 = arith.cmpi ne, %convert_element_type3A_125, %cond3A_126 : i32
      scf.if %cond3A_127 {
        %dma_wait3A_209 = arith.constant 0 : i32
        %dma_wait3A_210 = arith.constant 0 : i32
        %dma_wait3A_211 = tpu.memref_slice %arg4[%dma_wait3A_209, %dma_wait3A_210] : memref<10000x48xf32, #tpu.memory_space<hbm>> -> memref<128x48xf32, #tpu.memory_space<hbm>>
        %dma_wait3A_212 = arith.constant 0 : i32
        %dma_wait3A_213 = arith.constant 0 : i32
        %dma_wait3A_214 = tpu.memref_slice %arg4[%dma_wait3A_212, %dma_wait3A_213] : memref<10000x48xf32, #tpu.memory_space<hbm>> -> memref<128x48xf32, #tpu.memory_space<hbm>>
        tpu.wait_dma2 semaphore(%arg19 : memref<!tpu.dma_semaphore, #tpu.memory_space<semaphore_mem>>) src(%dma_wait3A_214 : memref<128x48xf32, #tpu.memory_space<hbm>>) dst(%arg16 : memref<128x48xf32, #tpu.memory_space<vmem>>)
        %dma_start3A_215 = arith.constant 0 : i32
        %dma_start3A_216 = arith.constant 0 : i32
        %dma_start3A_217 = tpu.memref_slice %arg26[%dma_start3A_215, %dma_start3A_216] : memref<10112x48xf32, #tpu.memory_space<vmem_shared>> -> memref<10112x48xf32, #tpu.memory_space<vmem_shared>>
        tpu.enqueue_indirect_dma source(%arg16 : memref<128x48xf32, #tpu.memory_space<vmem>>) target(%dma_start3A_217 : memref<10112x48xf32, #tpu.memory_space<vmem_shared>>) offsets(%arg13 : memref<128xi32, #tpu.memory_space<vmem>>) semaphore(%arg22 : memref<!tpu.dma_semaphore, #tpu.memory_space<semaphore_mem>>) {add = true}
      } else {
      }
      %mul3A_128 = arith.constant 3 : i32
      %mul3A_129 = arith.muli %mul3A_128, %while3A_95 : i32
      %add3A_130 = arith.constant 1 : i32
      %add3A_131 = arith.addi %mul3A_129, %add3A_130 : i32
      %dma_wait3A_132 = arith.constant 0 : i32
      %dma_wait3A_133 = tpu.memref_slice %arg2[%dma_wait3A_132] : memref<323584xi32, #tpu.memory_space<hbm>> -> memref<128xi32, #tpu.memory_space<hbm>>
      %dma_wait3A_134 = arith.constant 0 : i32
      %dma_wait3A_135 = tpu.memref_slice %arg2[%dma_wait3A_134] : memref<323584xi32, #tpu.memory_space<hbm>> -> memref<128xi32, #tpu.memory_space<hbm>>
      tpu.wait_dma2 semaphore(%arg24 : memref<!tpu.dma_semaphore, #tpu.memory_space<semaphore_mem>>) src(%dma_wait3A_135 : memref<128xi32, #tpu.memory_space<hbm>>) dst(%arg9 : memref<128xi32, #tpu.memory_space<vmem>>)
      %dma_wait3A_136 = arith.constant 0 : i32
      %dma_wait3A_137 = tpu.memref_slice %arg2[%dma_wait3A_136] : memref<323584xi32, #tpu.memory_space<hbm>> -> memref<128xi32, #tpu.memory_space<hbm>>
      %dma_wait3A_138 = arith.constant 0 : i32
      %dma_wait3A_139 = tpu.memref_slice %arg2[%dma_wait3A_138] : memref<323584xi32, #tpu.memory_space<hbm>> -> memref<128xi32, #tpu.memory_space<hbm>>
      tpu.wait_dma2 semaphore(%arg24 : memref<!tpu.dma_semaphore, #tpu.memory_space<semaphore_mem>>) src(%dma_wait3A_139 : memref<128xi32, #tpu.memory_space<hbm>>) dst(%arg12 : memref<128xi32, #tpu.memory_space<vmem>>)
      %dma_start3A_140 = arith.constant 0 : i32
      %dma_start3A_141 = arith.constant 0 : i32
      %dma_start3A_142 = tpu.memref_slice %arg4[%dma_start3A_140, %dma_start3A_141] : memref<10000x48xf32, #tpu.memory_space<hbm>> -> memref<10000x48xf32, #tpu.memory_space<hbm>>
      tpu.enqueue_indirect_dma source(%dma_start3A_142 : memref<10000x48xf32, #tpu.memory_space<hbm>>) target(%arg15 : memref<128x48xf32, #tpu.memory_space<vmem>>) offsets(%arg9 : memref<128xi32, #tpu.memory_space<vmem>>) semaphore(%arg18 : memref<!tpu.dma_semaphore, #tpu.memory_space<semaphore_mem>>)
      %convert_element_type3A_143 = arith.extui %gt3A_96 : i1 to i32
      %cond3A_144 = arith.constant 0 : i32
      %cond3A_145 = arith.cmpi ne, %convert_element_type3A_143, %cond3A_144 : i32
      scf.if %cond3A_145 {
        %dma_wait3A_209 = arith.constant 0 : i32
        %dma_wait3A_210 = arith.constant 0 : i32
        %dma_wait3A_211 = tpu.memref_slice %arg26[%dma_wait3A_209, %dma_wait3A_210] : memref<10112x48xf32, #tpu.memory_space<vmem_shared>> -> memref<10112x48xf32, #tpu.memory_space<vmem_shared>>
        tpu.wait_indirect_dma semaphore(%arg22 : memref<!tpu.dma_semaphore, #tpu.memory_space<semaphore_mem>>) src(%arg16 : memref<128x48xf32, #tpu.memory_space<vmem>>) dst(%dma_wait3A_211 : memref<10112x48xf32, #tpu.memory_space<vmem_shared>>)
      } else {
      }
      %add3A_146 = arith.constant 1 : i32
      %add3A_147 = arith.addi %add3A_131, %add3A_146 : i32
      %mul3A_148 = arith.constant 128 : i32
      %mul3A_149 = arith.muli %add3A_147, %mul3A_148 : i32
      %add3A_150 = arith.addi %mul3A_10, %mul3A_149 : i32
      %dma_start3A_151 = tpu.memref_slice %arg2[%add3A_150] : memref<323584xi32, #tpu.memory_space<hbm>> -> memref<128xi32, #tpu.memory_space<hbm>>
      %dma_start3A_152 = tpu.memref_slice %arg2[%add3A_150] : memref<323584xi32, #tpu.memory_space<hbm>> -> memref<128xi32, #tpu.memory_space<hbm>>
      tpu.enqueue_dma source(%dma_start3A_152 : memref<128xi32, #tpu.memory_space<hbm>>) target(%arg10 : memref<128xi32, #tpu.memory_space<vmem>>) target_semaphore(%arg25 : memref<!tpu.dma_semaphore, #tpu.memory_space<semaphore_mem>>)
      %mul3A_153 = arith.constant 128 : i32
      %mul3A_154 = arith.muli %add3A_147, %mul3A_153 : i32
      %add3A_155 = arith.addi %mul3A_10, %mul3A_154 : i32
      %dma_start3A_156 = tpu.memref_slice %arg3[%add3A_155] : memref<323584xi32, #tpu.memory_space<hbm>> -> memref<128xi32, #tpu.memory_space<hbm>>
      %dma_start3A_157 = tpu.memref_slice %arg3[%add3A_155] : memref<323584xi32, #tpu.memory_space<hbm>> -> memref<128xi32, #tpu.memory_space<hbm>>
      tpu.enqueue_dma source(%dma_start3A_157 : memref<128xi32, #tpu.memory_space<hbm>>) target(%arg13 : memref<128xi32, #tpu.memory_space<vmem>>) target_semaphore(%arg25 : memref<!tpu.dma_semaphore, #tpu.memory_space<semaphore_mem>>)
      %cond3A_158 = arith.constant 1 : i32
      %dma_wait3A_159 = arith.constant 0 : i32
      %dma_wait3A_160 = arith.constant 0 : i32
      %dma_wait3A_161 = tpu.memref_slice %arg4[%dma_wait3A_159, %dma_wait3A_160] : memref<10000x48xf32, #tpu.memory_space<hbm>> -> memref<128x48xf32, #tpu.memory_space<hbm>>
      %dma_wait3A_162 = arith.constant 0 : i32
      %dma_wait3A_163 = arith.constant 0 : i32
      %dma_wait3A_164 = tpu.memref_slice %arg4[%dma_wait3A_162, %dma_wait3A_163] : memref<10000x48xf32, #tpu.memory_space<hbm>> -> memref<128x48xf32, #tpu.memory_space<hbm>>
      tpu.wait_dma2 semaphore(%arg17 : memref<!tpu.dma_semaphore, #tpu.memory_space<semaphore_mem>>) src(%dma_wait3A_164 : memref<128x48xf32, #tpu.memory_space<hbm>>) dst(%arg14 : memref<128x48xf32, #tpu.memory_space<vmem>>)
      %dma_start3A_165 = arith.constant 0 : i32
      %dma_start3A_166 = arith.constant 0 : i32
      %dma_start3A_167 = tpu.memref_slice %arg26[%dma_start3A_165, %dma_start3A_166] : memref<10112x48xf32, #tpu.memory_space<vmem_shared>> -> memref<10112x48xf32, #tpu.memory_space<vmem_shared>>
      tpu.enqueue_indirect_dma source(%arg14 : memref<128x48xf32, #tpu.memory_space<vmem>>) target(%dma_start3A_167 : memref<10112x48xf32, #tpu.memory_space<vmem_shared>>) offsets(%arg11 : memref<128xi32, #tpu.memory_space<vmem>>) semaphore(%arg20 : memref<!tpu.dma_semaphore, #tpu.memory_space<semaphore_mem>>) {add = true}
      %mul3A_168 = arith.constant 3 : i32
      %mul3A_169 = arith.muli %mul3A_168, %while3A_95 : i32
      %add3A_170 = arith.constant 2 : i32
      %add3A_171 = arith.addi %mul3A_169, %add3A_170 : i32
      %dma_wait3A_172 = arith.constant 0 : i32
      %dma_wait3A_173 = tpu.memref_slice %arg2[%dma_wait3A_172] : memref<323584xi32, #tpu.memory_space<hbm>> -> memref<128xi32, #tpu.memory_space<hbm>>
      %dma_wait3A_174 = arith.constant 0 : i32
      %dma_wait3A_175 = tpu.memref_slice %arg2[%dma_wait3A_174] : memref<323584xi32, #tpu.memory_space<hbm>> -> memref<128xi32, #tpu.memory_space<hbm>>
      tpu.wait_dma2 semaphore(%arg25 : memref<!tpu.dma_semaphore, #tpu.memory_space<semaphore_mem>>) src(%dma_wait3A_175 : memref<128xi32, #tpu.memory_space<hbm>>) dst(%arg10 : memref<128xi32, #tpu.memory_space<vmem>>)
      %dma_wait3A_176 = arith.constant 0 : i32
      %dma_wait3A_177 = tpu.memref_slice %arg2[%dma_wait3A_176] : memref<323584xi32, #tpu.memory_space<hbm>> -> memref<128xi32, #tpu.memory_space<hbm>>
      %dma_wait3A_178 = arith.constant 0 : i32
      %dma_wait3A_179 = tpu.memref_slice %arg2[%dma_wait3A_178] : memref<323584xi32, #tpu.memory_space<hbm>> -> memref<128xi32, #tpu.memory_space<hbm>>
      tpu.wait_dma2 semaphore(%arg25 : memref<!tpu.dma_semaphore, #tpu.memory_space<semaphore_mem>>) src(%dma_wait3A_179 : memref<128xi32, #tpu.memory_space<hbm>>) dst(%arg13 : memref<128xi32, #tpu.memory_space<vmem>>)
      %dma_start3A_180 = arith.constant 0 : i32
      %dma_start3A_181 = arith.constant 0 : i32
      %dma_start3A_182 = tpu.memref_slice %arg4[%dma_start3A_180, %dma_start3A_181] : memref<10000x48xf32, #tpu.memory_space<hbm>> -> memref<10000x48xf32, #tpu.memory_space<hbm>>
      tpu.enqueue_indirect_dma source(%dma_start3A_182 : memref<10000x48xf32, #tpu.memory_space<hbm>>) target(%arg16 : memref<128x48xf32, #tpu.memory_space<vmem>>) offsets(%arg10 : memref<128xi32, #tpu.memory_space<vmem>>) semaphore(%arg19 : memref<!tpu.dma_semaphore, #tpu.memory_space<semaphore_mem>>)
      %cond3A_183 = arith.constant 1 : i32
      %dma_wait3A_184 = arith.constant 0 : i32
      %dma_wait3A_185 = arith.constant 0 : i32
      %dma_wait3A_186 = tpu.memref_slice %arg26[%dma_wait3A_184, %dma_wait3A_185] : memref<10112x48xf32, #tpu.memory_space<vmem_shared>> -> memref<10112x48xf32, #tpu.memory_space<vmem_shared>>
      tpu.wait_indirect_dma semaphore(%arg20 : memref<!tpu.dma_semaphore, #tpu.memory_space<semaphore_mem>>) src(%arg14 : memref<128x48xf32, #tpu.memory_space<vmem>>) dst(%dma_wait3A_186 : memref<10112x48xf32, #tpu.memory_space<vmem_shared>>)
      %add3A_187 = arith.constant 1 : i32
      %add3A_188 = arith.addi %add3A_171, %add3A_187 : i32
      %mul3A_189 = arith.constant 128 : i32
      %mul3A_190 = arith.muli %add3A_188, %mul3A_189 : i32
      %add3A_191 = arith.addi %mul3A_10, %mul3A_190 : i32
      %dma_start3A_192 = tpu.memref_slice %arg2[%add3A_191] : memref<323584xi32, #tpu.memory_space<hbm>> -> memref<128xi32, #tpu.memory_space<hbm>>
      %dma_start3A_193 = tpu.memref_slice %arg2[%add3A_191] : memref<323584xi32, #tpu.memory_space<hbm>> -> memref<128xi32, #tpu.memory_space<hbm>>
      tpu.enqueue_dma source(%dma_start3A_193 : memref<128xi32, #tpu.memory_space<hbm>>) target(%arg8 : memref<128xi32, #tpu.memory_space<vmem>>) target_semaphore(%arg23 : memref<!tpu.dma_semaphore, #tpu.memory_space<semaphore_mem>>)
      %mul3A_194 = arith.constant 128 : i32
      %mul3A_195 = arith.muli %add3A_188, %mul3A_194 : i32
      %add3A_196 = arith.addi %mul3A_10, %mul3A_195 : i32
      %dma_start3A_197 = tpu.memref_slice %arg3[%add3A_196] : memref<323584xi32, #tpu.memory_space<hbm>> -> memref<128xi32, #tpu.memory_space<hbm>>
      %dma_start3A_198 = tpu.memref_slice %arg3[%add3A_196] : memref<323584xi32, #tpu.memory_space<hbm>> -> memref<128xi32, #tpu.memory_space<hbm>>
      tpu.enqueue_dma source(%dma_start3A_198 : memref<128xi32, #tpu.memory_space<hbm>>) target(%arg11 : memref<128xi32, #tpu.memory_space<vmem>>) target_semaphore(%arg23 : memref<!tpu.dma_semaphore, #tpu.memory_space<semaphore_mem>>)
      %cond3A_199 = arith.constant 1 : i32
      %dma_wait3A_200 = arith.constant 0 : i32
      %dma_wait3A_201 = arith.constant 0 : i32
      %dma_wait3A_202 = tpu.memref_slice %arg4[%dma_wait3A_200, %dma_wait3A_201] : memref<10000x48xf32, #tpu.memory_space<hbm>> -> memref<128x48xf32, #tpu.memory_space<hbm>>
      %dma_wait3A_203 = arith.constant 0 : i32
      %dma_wait3A_204 = arith.constant 0 : i32
      %dma_wait3A_205 = tpu.memref_slice %arg4[%dma_wait3A_203, %dma_wait3A_204] : memref<10000x48xf32, #tpu.memory_space<hbm>> -> memref<128x48xf32, #tpu.memory_space<hbm>>
      tpu.wait_dma2 semaphore(%arg18 : memref<!tpu.dma_semaphore, #tpu.memory_space<semaphore_mem>>) src(%dma_wait3A_205 : memref<128x48xf32, #tpu.memory_space<hbm>>) dst(%arg15 : memref<128x48xf32, #tpu.memory_space<vmem>>)
      %dma_start3A_206 = arith.constant 0 : i32
      %dma_start3A_207 = arith.constant 0 : i32
      %dma_start3A_208 = tpu.memref_slice %arg26[%dma_start3A_206, %dma_start3A_207] : memref<10112x48xf32, #tpu.memory_space<vmem_shared>> -> memref<10112x48xf32, #tpu.memory_space<vmem_shared>>
      tpu.enqueue_indirect_dma source(%arg15 : memref<128x48xf32, #tpu.memory_space<vmem>>) target(%dma_start3A_208 : memref<10112x48xf32, #tpu.memory_space<vmem_shared>>) offsets(%arg12 : memref<128xi32, #tpu.memory_space<vmem>>) semaphore(%arg21 : memref<!tpu.dma_semaphore, #tpu.memory_space<semaphore_mem>>) {add = true}
    }
    %dma_wait3A = arith.constant 0 : i32
    %dma_wait3A_49 = tpu.memref_slice %arg2[%dma_wait3A] : memref<323584xi32, #tpu.memory_space<hbm>> -> memref<128xi32, #tpu.memory_space<hbm>>
    %dma_wait3A_50 = arith.constant 0 : i32
    %dma_wait3A_51 = tpu.memref_slice %arg2[%dma_wait3A_50] : memref<323584xi32, #tpu.memory_space<hbm>> -> memref<128xi32, #tpu.memory_space<hbm>>
    tpu.wait_dma2 semaphore(%arg23 : memref<!tpu.dma_semaphore, #tpu.memory_space<semaphore_mem>>) src(%dma_wait3A_51 : memref<128xi32, #tpu.memory_space<hbm>>) dst(%arg8 : memref<128xi32, #tpu.memory_space<vmem>>)
    %dma_wait3A_52 = arith.constant 0 : i32
    %dma_wait3A_53 = tpu.memref_slice %arg2[%dma_wait3A_52] : memref<323584xi32, #tpu.memory_space<hbm>> -> memref<128xi32, #tpu.memory_space<hbm>>
    %dma_wait3A_54 = arith.constant 0 : i32
    %dma_wait3A_55 = tpu.memref_slice %arg2[%dma_wait3A_54] : memref<323584xi32, #tpu.memory_space<hbm>> -> memref<128xi32, #tpu.memory_space<hbm>>
    tpu.wait_dma2 semaphore(%arg23 : memref<!tpu.dma_semaphore, #tpu.memory_space<semaphore_mem>>) src(%dma_wait3A_55 : memref<128xi32, #tpu.memory_space<hbm>>) dst(%arg11 : memref<128xi32, #tpu.memory_space<vmem>>)
    %dma_start3A_56 = arith.constant 0 : i32
    %dma_start3A_57 = arith.constant 0 : i32
    %dma_start3A_58 = tpu.memref_slice %arg4[%dma_start3A_56, %dma_start3A_57] : memref<10000x48xf32, #tpu.memory_space<hbm>> -> memref<10000x48xf32, #tpu.memory_space<hbm>>
    tpu.enqueue_indirect_dma source(%dma_start3A_58 : memref<10000x48xf32, #tpu.memory_space<hbm>>) target(%arg14 : memref<128x48xf32, #tpu.memory_space<vmem>>) offsets(%arg8 : memref<128xi32, #tpu.memory_space<vmem>>) semaphore(%arg17 : memref<!tpu.dma_semaphore, #tpu.memory_space<semaphore_mem>>)
    %dma_wait3A_59 = arith.constant 0 : i32
    %dma_wait3A_60 = arith.constant 0 : i32
    %dma_wait3A_61 = tpu.memref_slice %arg26[%dma_wait3A_59, %dma_wait3A_60] : memref<10112x48xf32, #tpu.memory_space<vmem_shared>> -> memref<10112x48xf32, #tpu.memory_space<vmem_shared>>
    tpu.wait_indirect_dma semaphore(%arg21 : memref<!tpu.dma_semaphore, #tpu.memory_space<semaphore_mem>>) src(%arg15 : memref<128x48xf32, #tpu.memory_space<vmem>>) dst(%dma_wait3A_61 : memref<10112x48xf32, #tpu.memory_space<vmem_shared>>)
    %dma_wait3A_62 = arith.constant 0 : i32
    %dma_wait3A_63 = arith.constant 0 : i32
    %dma_wait3A_64 = tpu.memref_slice %arg4[%dma_wait3A_62, %dma_wait3A_63] : memref<10000x48xf32, #tpu.memory_space<hbm>> -> memref<128x48xf32, #tpu.memory_space<hbm>>
    %dma_wait3A_65 = arith.constant 0 : i32
    %dma_wait3A_66 = arith.constant 0 : i32
    %dma_wait3A_67 = tpu.memref_slice %arg4[%dma_wait3A_65, %dma_wait3A_66] : memref<10000x48xf32, #tpu.memory_space<hbm>> -> memref<128x48xf32, #tpu.memory_space<hbm>>
    tpu.wait_dma2 semaphore(%arg19 : memref<!tpu.dma_semaphore, #tpu.memory_space<semaphore_mem>>) src(%dma_wait3A_67 : memref<128x48xf32, #tpu.memory_space<hbm>>) dst(%arg16 : memref<128x48xf32, #tpu.memory_space<vmem>>)
    %dma_start3A_68 = arith.constant 0 : i32
    %dma_start3A_69 = arith.constant 0 : i32
    %dma_start3A_70 = tpu.memref_slice %arg26[%dma_start3A_68, %dma_start3A_69] : memref<10112x48xf32, #tpu.memory_space<vmem_shared>> -> memref<10112x48xf32, #tpu.memory_space<vmem_shared>>
    tpu.enqueue_indirect_dma source(%arg16 : memref<128x48xf32, #tpu.memory_space<vmem>>) target(%dma_start3A_70 : memref<10112x48xf32, #tpu.memory_space<vmem_shared>>) offsets(%arg13 : memref<128xi32, #tpu.memory_space<vmem>>) semaphore(%arg22 : memref<!tpu.dma_semaphore, #tpu.memory_space<semaphore_mem>>) {add = true}
    %dma_wait3A_71 = arith.constant 0 : i32
    %dma_wait3A_72 = arith.constant 0 : i32
    %dma_wait3A_73 = tpu.memref_slice %arg4[%dma_wait3A_71, %dma_wait3A_72] : memref<10000x48xf32, #tpu.memory_space<hbm>> -> memref<128x48xf32, #tpu.memory_space<hbm>>
    %dma_wait3A_74 = arith.constant 0 : i32
    %dma_wait3A_75 = arith.constant 0 : i32
    %dma_wait3A_76 = tpu.memref_slice %arg4[%dma_wait3A_74, %dma_wait3A_75] : memref<10000x48xf32, #tpu.memory_space<hbm>> -> memref<128x48xf32, #tpu.memory_space<hbm>>
    tpu.wait_dma2 semaphore(%arg17 : memref<!tpu.dma_semaphore, #tpu.memory_space<semaphore_mem>>) src(%dma_wait3A_76 : memref<128x48xf32, #tpu.memory_space<hbm>>) dst(%arg14 : memref<128x48xf32, #tpu.memory_space<vmem>>)
    %dma_start3A_77 = arith.constant 0 : i32
    %dma_start3A_78 = arith.constant 0 : i32
    %dma_start3A_79 = tpu.memref_slice %arg26[%dma_start3A_77, %dma_start3A_78] : memref<10112x48xf32, #tpu.memory_space<vmem_shared>> -> memref<10112x48xf32, #tpu.memory_space<vmem_shared>>
    tpu.enqueue_indirect_dma source(%arg14 : memref<128x48xf32, #tpu.memory_space<vmem>>) target(%dma_start3A_79 : memref<10112x48xf32, #tpu.memory_space<vmem_shared>>) offsets(%arg11 : memref<128xi32, #tpu.memory_space<vmem>>) semaphore(%arg20 : memref<!tpu.dma_semaphore, #tpu.memory_space<semaphore_mem>>) {add = true}
    %dma_wait3A_80 = arith.constant 0 : i32
    %dma_wait3A_81 = arith.constant 0 : i32
    %dma_wait3A_82 = tpu.memref_slice %arg26[%dma_wait3A_80, %dma_wait3A_81] : memref<10112x48xf32, #tpu.memory_space<vmem_shared>> -> memref<10112x48xf32, #tpu.memory_space<vmem_shared>>
    tpu.wait_indirect_dma semaphore(%arg22 : memref<!tpu.dma_semaphore, #tpu.memory_space<semaphore_mem>>) src(%arg16 : memref<128x48xf32, #tpu.memory_space<vmem>>) dst(%dma_wait3A_82 : memref<10112x48xf32, #tpu.memory_space<vmem_shared>>)
    %dma_wait3A_83 = arith.constant 0 : i32
    %dma_wait3A_84 = arith.constant 0 : i32
    %dma_wait3A_85 = tpu.memref_slice %arg26[%dma_wait3A_83, %dma_wait3A_84] : memref<10112x48xf32, #tpu.memory_space<vmem_shared>> -> memref<10112x48xf32, #tpu.memory_space<vmem_shared>>
    tpu.wait_indirect_dma semaphore(%arg20 : memref<!tpu.dma_semaphore, #tpu.memory_space<semaphore_mem>>) src(%arg14 : memref<128x48xf32, #tpu.memory_space<vmem>>) dst(%dma_wait3A_85 : memref<10112x48xf32, #tpu.memory_space<vmem_shared>>)
    %barrier3A_86 = arith.constant 0 : index
    tpu.barrier barrier_id(%barrier3A_86)
    %eq3A_87 = arith.constant 0 : i32
    %eq3A_88 = arith.cmpi eq, %arg0, %eq3A_87 : i32
    %convert_element_type3A = arith.extui %eq3A_88 : i1 to i32
    %cond3A = arith.constant 0 : i32
    %cond3A_89 = arith.cmpi ne, %convert_element_type3A, %cond3A : i32
    scf.if %cond3A_89 {
      "tpu.region"() ({
        %run_scoped3A = tpu.sem_alloc : memref<!tpu.dma_semaphore, #tpu.memory_space<semaphore_mem>>
        %dma_start3A_95 = arith.constant 0 : i32
        %dma_start3A_96 = tpu.memref_slice %arg6[%mul3A_19, %dma_start3A_95] : memref<10112x48xf32, #tpu.memory_space<hbm>> -> memref<632x48xf32, #tpu.memory_space<hbm>>
        %dma_start3A_97 = arith.constant 0 : i32
        %dma_start3A_98 = tpu.memref_slice %arg26[%mul3A_19, %dma_start3A_97] : memref<10112x48xf32, #tpu.memory_space<vmem_shared>> -> memref<632x48xf32, #tpu.memory_space<vmem_shared>>
        tpu.enqueue_dma source(%dma_start3A_98 : memref<632x48xf32, #tpu.memory_space<vmem_shared>>) target(%dma_start3A_96 : memref<632x48xf32, #tpu.memory_space<hbm>>) target_semaphore(%run_scoped3A : memref<!tpu.dma_semaphore, #tpu.memory_space<semaphore_mem>>)
        %dma_wait3A_99 = arith.constant 0 : i32
        %dma_wait3A_100 = tpu.memref_slice %arg6[%mul3A_19, %dma_wait3A_99] : memref<10112x48xf32, #tpu.memory_space<hbm>> -> memref<632x48xf32, #tpu.memory_space<hbm>>
        %dma_wait3A_101 = arith.constant 0 : i32
        %dma_wait3A_102 = tpu.memref_slice %arg26[%mul3A_19, %dma_wait3A_101] : memref<10112x48xf32, #tpu.memory_space<vmem_shared>> -> memref<632x48xf32, #tpu.memory_space<vmem_shared>>
        tpu.wait_dma2 semaphore(%run_scoped3A : memref<!tpu.dma_semaphore, #tpu.memory_space<semaphore_mem>>) src(%dma_wait3A_102 : memref<632x48xf32, #tpu.memory_space<vmem_shared>>) dst(%dma_wait3A_100 : memref<632x48xf32, #tpu.memory_space<hbm>>)
        tpu.yield
      }) : () -> ()
    } else {
    }
    %eq3A_90 = arith.constant 1 : i32
    %eq3A_91 = arith.cmpi eq, %arg0, %eq3A_90 : i32
    %convert_element_type3A_92 = arith.extui %eq3A_91 : i1 to i32
    %cond3A_93 = arith.constant 0 : i32
    %cond3A_94 = arith.cmpi ne, %convert_element_type3A_92, %cond3A_93 : i32
    scf.if %cond3A_94 {
      "tpu.region"() ({
        %run_scoped3A = tpu.sem_alloc : memref<!tpu.dma_semaphore, #tpu.memory_space<semaphore_mem>>
        %dma_start3A_95 = arith.constant 0 : i32
        %dma_start3A_96 = tpu.memref_slice %arg7[%mul3A_19, %dma_start3A_95] : memref<10112x48xf32, #tpu.memory_space<hbm>> -> memref<632x48xf32, #tpu.memory_space<hbm>>
        %dma_start3A_97 = arith.constant 0 : i32
        %dma_start3A_98 = tpu.memref_slice %arg26[%mul3A_19, %dma_start3A_97] : memref<10112x48xf32, #tpu.memory_space<vmem_shared>> -> memref<632x48xf32, #tpu.memory_space<vmem_shared>>
        tpu.enqueue_dma source(%dma_start3A_98 : memref<632x48xf32, #tpu.memory_space<vmem_shared>>) target(%dma_start3A_96 : memref<632x48xf32, #tpu.memory_space<hbm>>) target_semaphore(%run_scoped3A : memref<!tpu.dma_semaphore, #tpu.memory_space<semaphore_mem>>)
        %dma_wait3A_99 = arith.constant 0 : i32
        %dma_wait3A_100 = tpu.memref_slice %arg7[%mul3A_19, %dma_wait3A_99] : memref<10112x48xf32, #tpu.memory_space<hbm>> -> memref<632x48xf32, #tpu.memory_space<hbm>>
        %dma_wait3A_101 = arith.constant 0 : i32
        %dma_wait3A_102 = tpu.memref_slice %arg26[%mul3A_19, %dma_wait3A_101] : memref<10112x48xf32, #tpu.memory_space<vmem_shared>> -> memref<632x48xf32, #tpu.memory_space<vmem_shared>>
        tpu.wait_dma2 semaphore(%run_scoped3A : memref<!tpu.dma_semaphore, #tpu.memory_space<semaphore_mem>>) src(%dma_wait3A_102 : memref<632x48xf32, #tpu.memory_space<vmem_shared>>) dst(%dma_wait3A_100 : memref<632x48xf32, #tpu.memory_space<hbm>>)
        tpu.yield
      }) : () -> ()
    } else {
    }
    return
  }
}

#map = affine_map<(d0, d1) -> (0)>
#map1 = affine_map<(d0, d1) -> (0, 0)>
module attributes {stable_mosaic.version = 14 : i64} {
  func.func @seg_sum(%arg0: i32, %arg1: i32, %arg2: memref<323584xi32, #tpu.memory_space<hbm>>, %arg3: memref<323584xi32, #tpu.memory_space<hbm>>, %arg4: memref<10000x128xf32, #tpu.memory_space<hbm>>, %arg5: memref<10112x128xf32, #tpu.memory_space<hbm>>, %arg6: memref<10112x128xf32, #tpu.memory_space<hbm>>, %arg7: memref<10112x128xf32, #tpu.memory_space<hbm>>, %arg8: memref<128xi32, #tpu.memory_space<vmem>>, %arg9: memref<128xi32, #tpu.memory_space<vmem>>, %arg10: memref<128xi32, #tpu.memory_space<vmem>>, %arg11: memref<128xi32, #tpu.memory_space<vmem>>, %arg12: memref<128xi32, #tpu.memory_space<vmem>>, %arg13: memref<128xi32, #tpu.memory_space<vmem>>, %arg14: memref<128x128xf32, #tpu.memory_space<vmem>>, %arg15: memref<128x128xf32, #tpu.memory_space<vmem>>, %arg16: memref<128x128xf32, #tpu.memory_space<vmem>>, %arg17: memref<!tpu.dma_semaphore, #tpu.memory_space<semaphore_mem>>, %arg18: memref<!tpu.dma_semaphore, #tpu.memory_space<semaphore_mem>>, %arg19: memref<!tpu.dma_semaphore, #tpu.memory_space<semaphore_mem>>, %arg20: memref<!tpu.dma_semaphore, #tpu.memory_space<semaphore_mem>>, %arg21: memref<!tpu.dma_semaphore, #tpu.memory_space<semaphore_mem>>, %arg22: memref<!tpu.dma_semaphore, #tpu.memory_space<semaphore_mem>>, %arg23: memref<!tpu.dma_semaphore, #tpu.memory_space<semaphore_mem>>, %arg24: memref<!tpu.dma_semaphore, #tpu.memory_space<semaphore_mem>>, %arg25: memref<!tpu.dma_semaphore, #tpu.memory_space<semaphore_mem>>, %arg26: memref<10112x128xf32, #tpu.memory_space<vmem_shared>>) attributes {dimension_semantics = [#tpu.dimension_semantics<core_parallel>, #tpu.dimension_semantics<subcore_parallel>], iteration_bounds = array<i64: 2, 16>, scalar_prefetch = 0 : i64, scratch_operands = 19 : i64, tpu.core_type = #tpu.core_type<sc_vector_subcore>, window_params = [{transform_indices = #map}, {transform_indices = #map}, {transform_indices = #map1}, {transform_indices = #map1}, {transform_indices = #map1}, {transform_indices = #map1}]} {
    %eq3A = arith.constant 0 : i32
    %eq3A_0 = arith.cmpi eq, %arg0, %eq3A : i32
    %jit3A = arith.constant 112 : i32
    %jit3A_1 = arith.constant 46 : i32
    %select_n3A = arith.select %eq3A_0, %jit3A, %jit3A_1 : i32
    %eq3A_2 = arith.constant 0 : i32
    %eq3A_3 = arith.cmpi eq, %arg0, %eq3A_2 : i32
    %mul3A = arith.constant 112 : i32
    %mul3A_4 = arith.muli %arg1, %mul3A : i32
    %mul3A_5 = arith.constant 46 : i32
    %mul3A_6 = arith.muli %arg1, %mul3A_5 : i32
    %add3A = arith.constant 1792 : i32
    %add3A_7 = arith.addi %add3A, %mul3A_6 : i32
    %select_n3A_8 = arith.select %eq3A_3, %mul3A_4, %add3A_7 : i32
    %mul3A_9 = arith.constant 128 : i32
    %mul3A_10 = arith.muli %select_n3A_8, %mul3A_9 : i32
    %add3A_11 = arith.constant 0 : i32
    %add3A_12 = arith.addi %mul3A_10, %add3A_11 : i32
    %dma_start3A = tpu.memref_slice %arg2[%add3A_12] : memref<323584xi32, #tpu.memory_space<hbm>> -> memref<128xi32, #tpu.memory_space<hbm>>
    %dma_start3A_13 = tpu.memref_slice %arg2[%add3A_12] : memref<323584xi32, #tpu.memory_space<hbm>> -> memref<128xi32, #tpu.memory_space<hbm>>
    tpu.enqueue_dma source(%dma_start3A_13 : memref<128xi32, #tpu.memory_space<hbm>>) target(%arg8 : memref<128xi32, #tpu.memory_space<vmem>>) target_semaphore(%arg23 : memref<!tpu.dma_semaphore, #tpu.memory_space<semaphore_mem>>)
    %add3A_14 = arith.constant 0 : i32
    %add3A_15 = arith.addi %mul3A_10, %add3A_14 : i32
    %dma_start3A_16 = tpu.memref_slice %arg3[%add3A_15] : memref<323584xi32, #tpu.memory_space<hbm>> -> memref<128xi32, #tpu.memory_space<hbm>>
    %dma_start3A_17 = tpu.memref_slice %arg3[%add3A_15] : memref<323584xi32, #tpu.memory_space<hbm>> -> memref<128xi32, #tpu.memory_space<hbm>>
    tpu.enqueue_dma source(%dma_start3A_17 : memref<128xi32, #tpu.memory_space<hbm>>) target(%arg11 : memref<128xi32, #tpu.memory_space<vmem>>) target_semaphore(%arg23 : memref<!tpu.dma_semaphore, #tpu.memory_space<semaphore_mem>>)
    %mul3A_18 = arith.constant 632 : i32
    %mul3A_19 = arith.muli %arg1, %mul3A_18 : i32
    "tpu.region"() ({
      %run_scoped3A = tpu.sem_alloc : memref<!tpu.dma_semaphore, #tpu.memory_space<semaphore_mem>>
      %dma_start3A_95 = arith.constant 0 : i32
      %dma_start3A_96 = tpu.memref_slice %arg26[%mul3A_19, %dma_start3A_95] : memref<10112x128xf32, #tpu.memory_space<vmem_shared>> -> memref<632x128xf32, #tpu.memory_space<vmem_shared>>
      %dma_start3A_97 = arith.constant 0 : i32
      %dma_start3A_98 = tpu.memref_slice %arg5[%mul3A_19, %dma_start3A_97] : memref<10112x128xf32, #tpu.memory_space<hbm>> -> memref<632x128xf32, #tpu.memory_space<hbm>>
      tpu.enqueue_dma source(%dma_start3A_98 : memref<632x128xf32, #tpu.memory_space<hbm>>) target(%dma_start3A_96 : memref<632x128xf32, #tpu.memory_space<vmem_shared>>) target_semaphore(%run_scoped3A : memref<!tpu.dma_semaphore, #tpu.memory_space<semaphore_mem>>)
      %dma_wait3A_99 = arith.constant 0 : i32
      %dma_wait3A_100 = tpu.memref_slice %arg26[%mul3A_19, %dma_wait3A_99] : memref<10112x128xf32, #tpu.memory_space<vmem_shared>> -> memref<632x128xf32, #tpu.memory_space<vmem_shared>>
      %dma_wait3A_101 = arith.constant 0 : i32
      %dma_wait3A_102 = tpu.memref_slice %arg5[%mul3A_19, %dma_wait3A_101] : memref<10112x128xf32, #tpu.memory_space<hbm>> -> memref<632x128xf32, #tpu.memory_space<hbm>>
      tpu.wait_dma2 semaphore(%run_scoped3A : memref<!tpu.dma_semaphore, #tpu.memory_space<semaphore_mem>>) src(%dma_wait3A_102 : memref<632x128xf32, #tpu.memory_space<hbm>>) dst(%dma_wait3A_100 : memref<632x128xf32, #tpu.memory_space<vmem_shared>>)
      tpu.yield
    }) : () -> ()
    %barrier3A = arith.constant 0 : index
    tpu.barrier barrier_id(%barrier3A)
    %sub3A = arith.constant 1 : i32
    %sub3A_20 = arith.subi %select_n3A, %sub3A : i32
    %jit3A_21 = arith.constant 3 : i32
    %div3A = arith.divsi %sub3A_20, %jit3A_21 : i32
    %sign3A = arith.constant 0 : i32
    %sign3A_22 = arith.cmpi sgt, %sub3A_20, %sign3A : i32
    %sign3A_23 = arith.extui %sign3A_22 : i1 to i32
    %sign3A_24 = arith.constant 0 : i32
    %sign3A_25 = arith.cmpi slt, %sub3A_20, %sign3A_24 : i32
    %sign3A_26 = arith.extui %sign3A_25 : i1 to i32
    %sign3A_27 = arith.subi %sign3A_23, %sign3A_26 : i32
    %sign3A_28 = arith.constant 0 : i32
    %sign3A_29 = arith.cmpi sgt, %jit3A_21, %sign3A_28 : i32
    %sign3A_30 = arith.extui %sign3A_29 : i1 to i32
    %sign3A_31 = arith.constant 0 : i32
    %sign3A_32 = arith.cmpi slt, %jit3A_21, %sign3A_31 : i32
    %sign3A_33 = arith.extui %sign3A_32 : i1 to i32
    %sign3A_34 = arith.subi %sign3A_30, %sign3A_33 : i32
    %ne3A = arith.cmpi ne, %sign3A_27, %sign3A_34 : i32
    %rem3A = arith.remsi %sub3A_20, %jit3A_21 : i32
    %ne3A_35 = arith.constant 0 : i32
    %ne3A_36 = arith.cmpi ne, %rem3A, %ne3A_35 : i32
    %and3A = arith.andi %ne3A, %ne3A_36 : i1
    %sub3A_37 = arith.constant 1 : i32
    %sub3A_38 = arith.subi %div3A, %sub3A_37 : i32
    %select_n3A_39 = arith.select %and3A, %sub3A_38, %div3A : i32
    %while3A = arith.constant 0 : i32
    %while3A_40 = arith.constant 0 : i32
    %while3A_41 = arith.subi %select_n3A_39, %while3A_40 : i32
    %while3A_42 = arith.addi %while3A_40, %while3A_41 : i32
    %while3A_43 = arith.constant 1 : i32
    %while3A_44 = arith.divsi %while3A_41, %while3A_43 : i32
    %while3A_45 = arith.muli %while3A_44, %while3A_43 : i32
    %while3A_46 = arith.addi %while3A_40, %while3A_45 : i32
    %while3A_47 = arith.constant 1 : i32
    scf.for %while3A_95 = %while3A_40 to %while3A_46 step %while3A_47  : i32 {
      %gt3A = arith.constant 0 : i32
      %gt3A_96 = arith.cmpi sgt, %while3A_95, %gt3A : i32
      %mul3A_97 = arith.constant 3 : i32
      %mul3A_98 = arith.muli %mul3A_97, %while3A_95 : i32
      %dma_wait3A_99 = arith.constant 0 : i32
      %dma_wait3A_100 = tpu.memref_slice %arg2[%dma_wait3A_99] : memref<323584xi32, #tpu.memory_space<hbm>> -> memref<128xi32, #tpu.memory_space<hbm>>
      %dma_wait3A_101 = arith.constant 0 : i32
      %dma_wait3A_102 = tpu.memref_slice %arg2[%dma_wait3A_101] : memref<323584xi32, #tpu.memory_space<hbm>> -> memref<128xi32, #tpu.memory_space<hbm>>
      tpu.wait_dma2 semaphore(%arg23 : memref<!tpu.dma_semaphore, #tpu.memory_space<semaphore_mem>>) src(%dma_wait3A_102 : memref<128xi32, #tpu.memory_space<hbm>>) dst(%arg8 : memref<128xi32, #tpu.memory_space<vmem>>)
      %dma_wait3A_103 = arith.constant 0 : i32
      %dma_wait3A_104 = tpu.memref_slice %arg2[%dma_wait3A_103] : memref<323584xi32, #tpu.memory_space<hbm>> -> memref<128xi32, #tpu.memory_space<hbm>>
      %dma_wait3A_105 = arith.constant 0 : i32
      %dma_wait3A_106 = tpu.memref_slice %arg2[%dma_wait3A_105] : memref<323584xi32, #tpu.memory_space<hbm>> -> memref<128xi32, #tpu.memory_space<hbm>>
      tpu.wait_dma2 semaphore(%arg23 : memref<!tpu.dma_semaphore, #tpu.memory_space<semaphore_mem>>) src(%dma_wait3A_106 : memref<128xi32, #tpu.memory_space<hbm>>) dst(%arg11 : memref<128xi32, #tpu.memory_space<vmem>>)
      %dma_start3A_107 = arith.constant 0 : i32
      %dma_start3A_108 = arith.constant 0 : i32
      %dma_start3A_109 = tpu.memref_slice %arg4[%dma_start3A_107, %dma_start3A_108] : memref<10000x128xf32, #tpu.memory_space<hbm>> -> memref<10000x128xf32, #tpu.memory_space<hbm>>
      tpu.enqueue_indirect_dma source(%dma_start3A_109 : memref<10000x128xf32, #tpu.memory_space<hbm>>) target(%arg14 : memref<128x128xf32, #tpu.memory_space<vmem>>) offsets(%arg8 : memref<128xi32, #tpu.memory_space<vmem>>) semaphore(%arg17 : memref<!tpu.dma_semaphore, #tpu.memory_space<semaphore_mem>>)
      %convert_element_type3A_110 = arith.extui %gt3A_96 : i1 to i32
      %cond3A_111 = arith.constant 0 : i32
      %cond3A_112 = arith.cmpi ne, %convert_element_type3A_110, %cond3A_111 : i32
      scf.if %cond3A_112 {
        %dma_wait3A_209 = arith.constant 0 : i32
        %dma_wait3A_210 = arith.constant 0 : i32
        %dma_wait3A_211 = tpu.memref_slice %arg26[%dma_wait3A_209, %dma_wait3A_210] : memref<10112x128xf32, #tpu.memory_space<vmem_shared>> -> memref<10112x128xf32, #tpu.memory_space<vmem_shared>>
        tpu.wait_indirect_dma semaphore(%arg21 : memref<!tpu.dma_semaphore, #tpu.memory_space<semaphore_mem>>) src(%arg15 : memref<128x128xf32, #tpu.memory_space<vmem>>) dst(%dma_wait3A_211 : memref<10112x128xf32, #tpu.memory_space<vmem_shared>>)
      } else {
      }
      %add3A_113 = arith.constant 1 : i32
      %add3A_114 = arith.addi %mul3A_98, %add3A_113 : i32
      %mul3A_115 = arith.constant 128 : i32
      %mul3A_116 = arith.muli %add3A_114, %mul3A_115 : i32
      %add3A_117 = arith.addi %mul3A_10, %mul3A_116 : i32
      %dma_start3A_118 = tpu.memref_slice %arg2[%add3A_117] : memref<323584xi32, #tpu.memory_space<hbm>> -> memref<128xi32, #tpu.memory_space<hbm>>
      %dma_start3A_119 = tpu.memref_slice %arg2[%add3A_117] : memref<323584xi32, #tpu.memory_space<hbm>> -> memref<128xi32, #tpu.memory_space<hbm>>
      tpu.enqueue_dma source(%dma_start3A_119 : memref<128xi32, #tpu.memory_space<hbm>>) target(%arg9 : memref<128xi32, #tpu.memory_space<vmem>>) target_semaphore(%arg24 : memref<!tpu.dma_semaphore, #tpu.memory_space<semaphore_mem>>)
      %mul3A_120 = arith.constant 128 : i32
      %mul3A_121 = arith.muli %add3A_114, %mul3A_120 : i32
      %add3A_122 = arith.addi %mul3A_10, %mul3A_121 : i32
      %dma_start3A_123 = tpu.memref_slice %arg3[%add3A_122] : memref<323584xi32, #tpu.memory_space<hbm>> -> memref<128xi32, #tpu.memory_space<hbm>>
      %dma_start3A_124 = tpu.memref_slice %arg3[%add3A_122] : memref<323584xi32, #tpu.memory_space<hbm>> -> memref<128xi32, #tpu.memory_space<hbm>>
      tpu.enqueue_dma source(%dma_start3A_124 : memref<128xi32, #tpu.memory_space<hbm>>) target(%arg12 : memref<128xi32, #tpu.memory_space<vmem>>) target_semaphore(%arg24 : memref<!tpu.dma_semaphore, #tpu.memory_space<semaphore_mem>>)
      %convert_element_type3A_125 = arith.extui %gt3A_96 : i1 to i32
      %cond3A_126 = arith.constant 0 : i32
      %cond3A_127 = arith.cmpi ne, %convert_element_type3A_125, %cond3A_126 : i32
      scf.if %cond3A_127 {
        %dma_wait3A_209 = arith.constant 0 : i32
        %dma_wait3A_210 = arith.constant 0 : i32
        %dma_wait3A_211 = tpu.memref_slice %arg4[%dma_wait3A_209, %dma_wait3A_210] : memref<10000x128xf32, #tpu.memory_space<hbm>> -> memref<128x128xf32, #tpu.memory_space<hbm>>
        %dma_wait3A_212 = arith.constant 0 : i32
        %dma_wait3A_213 = arith.constant 0 : i32
        %dma_wait3A_214 = tpu.memref_slice %arg4[%dma_wait3A_212, %dma_wait3A_213] : memref<10000x128xf32, #tpu.memory_space<hbm>> -> memref<128x128xf32, #tpu.memory_space<hbm>>
        tpu.wait_dma2 semaphore(%arg19 : memref<!tpu.dma_semaphore, #tpu.memory_space<semaphore_mem>>) src(%dma_wait3A_214 : memref<128x128xf32, #tpu.memory_space<hbm>>) dst(%arg16 : memref<128x128xf32, #tpu.memory_space<vmem>>)
        %dma_start3A_215 = arith.constant 0 : i32
        %dma_start3A_216 = arith.constant 0 : i32
        %dma_start3A_217 = tpu.memref_slice %arg26[%dma_start3A_215, %dma_start3A_216] : memref<10112x128xf32, #tpu.memory_space<vmem_shared>> -> memref<10112x128xf32, #tpu.memory_space<vmem_shared>>
        tpu.enqueue_indirect_dma source(%arg16 : memref<128x128xf32, #tpu.memory_space<vmem>>) target(%dma_start3A_217 : memref<10112x128xf32, #tpu.memory_space<vmem_shared>>) offsets(%arg13 : memref<128xi32, #tpu.memory_space<vmem>>) semaphore(%arg22 : memref<!tpu.dma_semaphore, #tpu.memory_space<semaphore_mem>>) {add = true}
      } else {
      }
      %mul3A_128 = arith.constant 3 : i32
      %mul3A_129 = arith.muli %mul3A_128, %while3A_95 : i32
      %add3A_130 = arith.constant 1 : i32
      %add3A_131 = arith.addi %mul3A_129, %add3A_130 : i32
      %dma_wait3A_132 = arith.constant 0 : i32
      %dma_wait3A_133 = tpu.memref_slice %arg2[%dma_wait3A_132] : memref<323584xi32, #tpu.memory_space<hbm>> -> memref<128xi32, #tpu.memory_space<hbm>>
      %dma_wait3A_134 = arith.constant 0 : i32
      %dma_wait3A_135 = tpu.memref_slice %arg2[%dma_wait3A_134] : memref<323584xi32, #tpu.memory_space<hbm>> -> memref<128xi32, #tpu.memory_space<hbm>>
      tpu.wait_dma2 semaphore(%arg24 : memref<!tpu.dma_semaphore, #tpu.memory_space<semaphore_mem>>) src(%dma_wait3A_135 : memref<128xi32, #tpu.memory_space<hbm>>) dst(%arg9 : memref<128xi32, #tpu.memory_space<vmem>>)
      %dma_wait3A_136 = arith.constant 0 : i32
      %dma_wait3A_137 = tpu.memref_slice %arg2[%dma_wait3A_136] : memref<323584xi32, #tpu.memory_space<hbm>> -> memref<128xi32, #tpu.memory_space<hbm>>
      %dma_wait3A_138 = arith.constant 0 : i32
      %dma_wait3A_139 = tpu.memref_slice %arg2[%dma_wait3A_138] : memref<323584xi32, #tpu.memory_space<hbm>> -> memref<128xi32, #tpu.memory_space<hbm>>
      tpu.wait_dma2 semaphore(%arg24 : memref<!tpu.dma_semaphore, #tpu.memory_space<semaphore_mem>>) src(%dma_wait3A_139 : memref<128xi32, #tpu.memory_space<hbm>>) dst(%arg12 : memref<128xi32, #tpu.memory_space<vmem>>)
      %dma_start3A_140 = arith.constant 0 : i32
      %dma_start3A_141 = arith.constant 0 : i32
      %dma_start3A_142 = tpu.memref_slice %arg4[%dma_start3A_140, %dma_start3A_141] : memref<10000x128xf32, #tpu.memory_space<hbm>> -> memref<10000x128xf32, #tpu.memory_space<hbm>>
      tpu.enqueue_indirect_dma source(%dma_start3A_142 : memref<10000x128xf32, #tpu.memory_space<hbm>>) target(%arg15 : memref<128x128xf32, #tpu.memory_space<vmem>>) offsets(%arg9 : memref<128xi32, #tpu.memory_space<vmem>>) semaphore(%arg18 : memref<!tpu.dma_semaphore, #tpu.memory_space<semaphore_mem>>)
      %convert_element_type3A_143 = arith.extui %gt3A_96 : i1 to i32
      %cond3A_144 = arith.constant 0 : i32
      %cond3A_145 = arith.cmpi ne, %convert_element_type3A_143, %cond3A_144 : i32
      scf.if %cond3A_145 {
        %dma_wait3A_209 = arith.constant 0 : i32
        %dma_wait3A_210 = arith.constant 0 : i32
        %dma_wait3A_211 = tpu.memref_slice %arg26[%dma_wait3A_209, %dma_wait3A_210] : memref<10112x128xf32, #tpu.memory_space<vmem_shared>> -> memref<10112x128xf32, #tpu.memory_space<vmem_shared>>
        tpu.wait_indirect_dma semaphore(%arg22 : memref<!tpu.dma_semaphore, #tpu.memory_space<semaphore_mem>>) src(%arg16 : memref<128x128xf32, #tpu.memory_space<vmem>>) dst(%dma_wait3A_211 : memref<10112x128xf32, #tpu.memory_space<vmem_shared>>)
      } else {
      }
      %add3A_146 = arith.constant 1 : i32
      %add3A_147 = arith.addi %add3A_131, %add3A_146 : i32
      %mul3A_148 = arith.constant 128 : i32
      %mul3A_149 = arith.muli %add3A_147, %mul3A_148 : i32
      %add3A_150 = arith.addi %mul3A_10, %mul3A_149 : i32
      %dma_start3A_151 = tpu.memref_slice %arg2[%add3A_150] : memref<323584xi32, #tpu.memory_space<hbm>> -> memref<128xi32, #tpu.memory_space<hbm>>
      %dma_start3A_152 = tpu.memref_slice %arg2[%add3A_150] : memref<323584xi32, #tpu.memory_space<hbm>> -> memref<128xi32, #tpu.memory_space<hbm>>
      tpu.enqueue_dma source(%dma_start3A_152 : memref<128xi32, #tpu.memory_space<hbm>>) target(%arg10 : memref<128xi32, #tpu.memory_space<vmem>>) target_semaphore(%arg25 : memref<!tpu.dma_semaphore, #tpu.memory_space<semaphore_mem>>)
      %mul3A_153 = arith.constant 128 : i32
      %mul3A_154 = arith.muli %add3A_147, %mul3A_153 : i32
      %add3A_155 = arith.addi %mul3A_10, %mul3A_154 : i32
      %dma_start3A_156 = tpu.memref_slice %arg3[%add3A_155] : memref<323584xi32, #tpu.memory_space<hbm>> -> memref<128xi32, #tpu.memory_space<hbm>>
      %dma_start3A_157 = tpu.memref_slice %arg3[%add3A_155] : memref<323584xi32, #tpu.memory_space<hbm>> -> memref<128xi32, #tpu.memory_space<hbm>>
      tpu.enqueue_dma source(%dma_start3A_157 : memref<128xi32, #tpu.memory_space<hbm>>) target(%arg13 : memref<128xi32, #tpu.memory_space<vmem>>) target_semaphore(%arg25 : memref<!tpu.dma_semaphore, #tpu.memory_space<semaphore_mem>>)
      %cond3A_158 = arith.constant 1 : i32
      %dma_wait3A_159 = arith.constant 0 : i32
      %dma_wait3A_160 = arith.constant 0 : i32
      %dma_wait3A_161 = tpu.memref_slice %arg4[%dma_wait3A_159, %dma_wait3A_160] : memref<10000x128xf32, #tpu.memory_space<hbm>> -> memref<128x128xf32, #tpu.memory_space<hbm>>
      %dma_wait3A_162 = arith.constant 0 : i32
      %dma_wait3A_163 = arith.constant 0 : i32
      %dma_wait3A_164 = tpu.memref_slice %arg4[%dma_wait3A_162, %dma_wait3A_163] : memref<10000x128xf32, #tpu.memory_space<hbm>> -> memref<128x128xf32, #tpu.memory_space<hbm>>
      tpu.wait_dma2 semaphore(%arg17 : memref<!tpu.dma_semaphore, #tpu.memory_space<semaphore_mem>>) src(%dma_wait3A_164 : memref<128x128xf32, #tpu.memory_space<hbm>>) dst(%arg14 : memref<128x128xf32, #tpu.memory_space<vmem>>)
      %dma_start3A_165 = arith.constant 0 : i32
      %dma_start3A_166 = arith.constant 0 : i32
      %dma_start3A_167 = tpu.memref_slice %arg26[%dma_start3A_165, %dma_start3A_166] : memref<10112x128xf32, #tpu.memory_space<vmem_shared>> -> memref<10112x128xf32, #tpu.memory_space<vmem_shared>>
      tpu.enqueue_indirect_dma source(%arg14 : memref<128x128xf32, #tpu.memory_space<vmem>>) target(%dma_start3A_167 : memref<10112x128xf32, #tpu.memory_space<vmem_shared>>) offsets(%arg11 : memref<128xi32, #tpu.memory_space<vmem>>) semaphore(%arg20 : memref<!tpu.dma_semaphore, #tpu.memory_space<semaphore_mem>>) {add = true}
      %mul3A_168 = arith.constant 3 : i32
      %mul3A_169 = arith.muli %mul3A_168, %while3A_95 : i32
      %add3A_170 = arith.constant 2 : i32
      %add3A_171 = arith.addi %mul3A_169, %add3A_170 : i32
      %dma_wait3A_172 = arith.constant 0 : i32
      %dma_wait3A_173 = tpu.memref_slice %arg2[%dma_wait3A_172] : memref<323584xi32, #tpu.memory_space<hbm>> -> memref<128xi32, #tpu.memory_space<hbm>>
      %dma_wait3A_174 = arith.constant 0 : i32
      %dma_wait3A_175 = tpu.memref_slice %arg2[%dma_wait3A_174] : memref<323584xi32, #tpu.memory_space<hbm>> -> memref<128xi32, #tpu.memory_space<hbm>>
      tpu.wait_dma2 semaphore(%arg25 : memref<!tpu.dma_semaphore, #tpu.memory_space<semaphore_mem>>) src(%dma_wait3A_175 : memref<128xi32, #tpu.memory_space<hbm>>) dst(%arg10 : memref<128xi32, #tpu.memory_space<vmem>>)
      %dma_wait3A_176 = arith.constant 0 : i32
      %dma_wait3A_177 = tpu.memref_slice %arg2[%dma_wait3A_176] : memref<323584xi32, #tpu.memory_space<hbm>> -> memref<128xi32, #tpu.memory_space<hbm>>
      %dma_wait3A_178 = arith.constant 0 : i32
      %dma_wait3A_179 = tpu.memref_slice %arg2[%dma_wait3A_178] : memref<323584xi32, #tpu.memory_space<hbm>> -> memref<128xi32, #tpu.memory_space<hbm>>
      tpu.wait_dma2 semaphore(%arg25 : memref<!tpu.dma_semaphore, #tpu.memory_space<semaphore_mem>>) src(%dma_wait3A_179 : memref<128xi32, #tpu.memory_space<hbm>>) dst(%arg13 : memref<128xi32, #tpu.memory_space<vmem>>)
      %dma_start3A_180 = arith.constant 0 : i32
      %dma_start3A_181 = arith.constant 0 : i32
      %dma_start3A_182 = tpu.memref_slice %arg4[%dma_start3A_180, %dma_start3A_181] : memref<10000x128xf32, #tpu.memory_space<hbm>> -> memref<10000x128xf32, #tpu.memory_space<hbm>>
      tpu.enqueue_indirect_dma source(%dma_start3A_182 : memref<10000x128xf32, #tpu.memory_space<hbm>>) target(%arg16 : memref<128x128xf32, #tpu.memory_space<vmem>>) offsets(%arg10 : memref<128xi32, #tpu.memory_space<vmem>>) semaphore(%arg19 : memref<!tpu.dma_semaphore, #tpu.memory_space<semaphore_mem>>)
      %cond3A_183 = arith.constant 1 : i32
      %dma_wait3A_184 = arith.constant 0 : i32
      %dma_wait3A_185 = arith.constant 0 : i32
      %dma_wait3A_186 = tpu.memref_slice %arg26[%dma_wait3A_184, %dma_wait3A_185] : memref<10112x128xf32, #tpu.memory_space<vmem_shared>> -> memref<10112x128xf32, #tpu.memory_space<vmem_shared>>
      tpu.wait_indirect_dma semaphore(%arg20 : memref<!tpu.dma_semaphore, #tpu.memory_space<semaphore_mem>>) src(%arg14 : memref<128x128xf32, #tpu.memory_space<vmem>>) dst(%dma_wait3A_186 : memref<10112x128xf32, #tpu.memory_space<vmem_shared>>)
      %add3A_187 = arith.constant 1 : i32
      %add3A_188 = arith.addi %add3A_171, %add3A_187 : i32
      %mul3A_189 = arith.constant 128 : i32
      %mul3A_190 = arith.muli %add3A_188, %mul3A_189 : i32
      %add3A_191 = arith.addi %mul3A_10, %mul3A_190 : i32
      %dma_start3A_192 = tpu.memref_slice %arg2[%add3A_191] : memref<323584xi32, #tpu.memory_space<hbm>> -> memref<128xi32, #tpu.memory_space<hbm>>
      %dma_start3A_193 = tpu.memref_slice %arg2[%add3A_191] : memref<323584xi32, #tpu.memory_space<hbm>> -> memref<128xi32, #tpu.memory_space<hbm>>
      tpu.enqueue_dma source(%dma_start3A_193 : memref<128xi32, #tpu.memory_space<hbm>>) target(%arg8 : memref<128xi32, #tpu.memory_space<vmem>>) target_semaphore(%arg23 : memref<!tpu.dma_semaphore, #tpu.memory_space<semaphore_mem>>)
      %mul3A_194 = arith.constant 128 : i32
      %mul3A_195 = arith.muli %add3A_188, %mul3A_194 : i32
      %add3A_196 = arith.addi %mul3A_10, %mul3A_195 : i32
      %dma_start3A_197 = tpu.memref_slice %arg3[%add3A_196] : memref<323584xi32, #tpu.memory_space<hbm>> -> memref<128xi32, #tpu.memory_space<hbm>>
      %dma_start3A_198 = tpu.memref_slice %arg3[%add3A_196] : memref<323584xi32, #tpu.memory_space<hbm>> -> memref<128xi32, #tpu.memory_space<hbm>>
      tpu.enqueue_dma source(%dma_start3A_198 : memref<128xi32, #tpu.memory_space<hbm>>) target(%arg11 : memref<128xi32, #tpu.memory_space<vmem>>) target_semaphore(%arg23 : memref<!tpu.dma_semaphore, #tpu.memory_space<semaphore_mem>>)
      %cond3A_199 = arith.constant 1 : i32
      %dma_wait3A_200 = arith.constant 0 : i32
      %dma_wait3A_201 = arith.constant 0 : i32
      %dma_wait3A_202 = tpu.memref_slice %arg4[%dma_wait3A_200, %dma_wait3A_201] : memref<10000x128xf32, #tpu.memory_space<hbm>> -> memref<128x128xf32, #tpu.memory_space<hbm>>
      %dma_wait3A_203 = arith.constant 0 : i32
      %dma_wait3A_204 = arith.constant 0 : i32
      %dma_wait3A_205 = tpu.memref_slice %arg4[%dma_wait3A_203, %dma_wait3A_204] : memref<10000x128xf32, #tpu.memory_space<hbm>> -> memref<128x128xf32, #tpu.memory_space<hbm>>
      tpu.wait_dma2 semaphore(%arg18 : memref<!tpu.dma_semaphore, #tpu.memory_space<semaphore_mem>>) src(%dma_wait3A_205 : memref<128x128xf32, #tpu.memory_space<hbm>>) dst(%arg15 : memref<128x128xf32, #tpu.memory_space<vmem>>)
      %dma_start3A_206 = arith.constant 0 : i32
      %dma_start3A_207 = arith.constant 0 : i32
      %dma_start3A_208 = tpu.memref_slice %arg26[%dma_start3A_206, %dma_start3A_207] : memref<10112x128xf32, #tpu.memory_space<vmem_shared>> -> memref<10112x128xf32, #tpu.memory_space<vmem_shared>>
      tpu.enqueue_indirect_dma source(%arg15 : memref<128x128xf32, #tpu.memory_space<vmem>>) target(%dma_start3A_208 : memref<10112x128xf32, #tpu.memory_space<vmem_shared>>) offsets(%arg12 : memref<128xi32, #tpu.memory_space<vmem>>) semaphore(%arg21 : memref<!tpu.dma_semaphore, #tpu.memory_space<semaphore_mem>>) {add = true}
    }
    %while3A_48 = arith.constant 1 : i32
    scf.for %while3A_95 = %while3A_46 to %while3A_42 step %while3A_48  : i32 {
      %gt3A = arith.constant 0 : i32
      %gt3A_96 = arith.cmpi sgt, %while3A_95, %gt3A : i32
      %mul3A_97 = arith.constant 3 : i32
      %mul3A_98 = arith.muli %mul3A_97, %while3A_95 : i32
      %dma_wait3A_99 = arith.constant 0 : i32
      %dma_wait3A_100 = tpu.memref_slice %arg2[%dma_wait3A_99] : memref<323584xi32, #tpu.memory_space<hbm>> -> memref<128xi32, #tpu.memory_space<hbm>>
      %dma_wait3A_101 = arith.constant 0 : i32
      %dma_wait3A_102 = tpu.memref_slice %arg2[%dma_wait3A_101] : memref<323584xi32, #tpu.memory_space<hbm>> -> memref<128xi32, #tpu.memory_space<hbm>>
      tpu.wait_dma2 semaphore(%arg23 : memref<!tpu.dma_semaphore, #tpu.memory_space<semaphore_mem>>) src(%dma_wait3A_102 : memref<128xi32, #tpu.memory_space<hbm>>) dst(%arg8 : memref<128xi32, #tpu.memory_space<vmem>>)
      %dma_wait3A_103 = arith.constant 0 : i32
      %dma_wait3A_104 = tpu.memref_slice %arg2[%dma_wait3A_103] : memref<323584xi32, #tpu.memory_space<hbm>> -> memref<128xi32, #tpu.memory_space<hbm>>
      %dma_wait3A_105 = arith.constant 0 : i32
      %dma_wait3A_106 = tpu.memref_slice %arg2[%dma_wait3A_105] : memref<323584xi32, #tpu.memory_space<hbm>> -> memref<128xi32, #tpu.memory_space<hbm>>
      tpu.wait_dma2 semaphore(%arg23 : memref<!tpu.dma_semaphore, #tpu.memory_space<semaphore_mem>>) src(%dma_wait3A_106 : memref<128xi32, #tpu.memory_space<hbm>>) dst(%arg11 : memref<128xi32, #tpu.memory_space<vmem>>)
      %dma_start3A_107 = arith.constant 0 : i32
      %dma_start3A_108 = arith.constant 0 : i32
      %dma_start3A_109 = tpu.memref_slice %arg4[%dma_start3A_107, %dma_start3A_108] : memref<10000x128xf32, #tpu.memory_space<hbm>> -> memref<10000x128xf32, #tpu.memory_space<hbm>>
      tpu.enqueue_indirect_dma source(%dma_start3A_109 : memref<10000x128xf32, #tpu.memory_space<hbm>>) target(%arg14 : memref<128x128xf32, #tpu.memory_space<vmem>>) offsets(%arg8 : memref<128xi32, #tpu.memory_space<vmem>>) semaphore(%arg17 : memref<!tpu.dma_semaphore, #tpu.memory_space<semaphore_mem>>)
      %convert_element_type3A_110 = arith.extui %gt3A_96 : i1 to i32
      %cond3A_111 = arith.constant 0 : i32
      %cond3A_112 = arith.cmpi ne, %convert_element_type3A_110, %cond3A_111 : i32
      scf.if %cond3A_112 {
        %dma_wait3A_209 = arith.constant 0 : i32
        %dma_wait3A_210 = arith.constant 0 : i32
        %dma_wait3A_211 = tpu.memref_slice %arg26[%dma_wait3A_209, %dma_wait3A_210] : memref<10112x128xf32, #tpu.memory_space<vmem_shared>> -> memref<10112x128xf32, #tpu.memory_space<vmem_shared>>
        tpu.wait_indirect_dma semaphore(%arg21 : memref<!tpu.dma_semaphore, #tpu.memory_space<semaphore_mem>>) src(%arg15 : memref<128x128xf32, #tpu.memory_space<vmem>>) dst(%dma_wait3A_211 : memref<10112x128xf32, #tpu.memory_space<vmem_shared>>)
      } else {
      }
      %add3A_113 = arith.constant 1 : i32
      %add3A_114 = arith.addi %mul3A_98, %add3A_113 : i32
      %mul3A_115 = arith.constant 128 : i32
      %mul3A_116 = arith.muli %add3A_114, %mul3A_115 : i32
      %add3A_117 = arith.addi %mul3A_10, %mul3A_116 : i32
      %dma_start3A_118 = tpu.memref_slice %arg2[%add3A_117] : memref<323584xi32, #tpu.memory_space<hbm>> -> memref<128xi32, #tpu.memory_space<hbm>>
      %dma_start3A_119 = tpu.memref_slice %arg2[%add3A_117] : memref<323584xi32, #tpu.memory_space<hbm>> -> memref<128xi32, #tpu.memory_space<hbm>>
      tpu.enqueue_dma source(%dma_start3A_119 : memref<128xi32, #tpu.memory_space<hbm>>) target(%arg9 : memref<128xi32, #tpu.memory_space<vmem>>) target_semaphore(%arg24 : memref<!tpu.dma_semaphore, #tpu.memory_space<semaphore_mem>>)
      %mul3A_120 = arith.constant 128 : i32
      %mul3A_121 = arith.muli %add3A_114, %mul3A_120 : i32
      %add3A_122 = arith.addi %mul3A_10, %mul3A_121 : i32
      %dma_start3A_123 = tpu.memref_slice %arg3[%add3A_122] : memref<323584xi32, #tpu.memory_space<hbm>> -> memref<128xi32, #tpu.memory_space<hbm>>
      %dma_start3A_124 = tpu.memref_slice %arg3[%add3A_122] : memref<323584xi32, #tpu.memory_space<hbm>> -> memref<128xi32, #tpu.memory_space<hbm>>
      tpu.enqueue_dma source(%dma_start3A_124 : memref<128xi32, #tpu.memory_space<hbm>>) target(%arg12 : memref<128xi32, #tpu.memory_space<vmem>>) target_semaphore(%arg24 : memref<!tpu.dma_semaphore, #tpu.memory_space<semaphore_mem>>)
      %convert_element_type3A_125 = arith.extui %gt3A_96 : i1 to i32
      %cond3A_126 = arith.constant 0 : i32
      %cond3A_127 = arith.cmpi ne, %convert_element_type3A_125, %cond3A_126 : i32
      scf.if %cond3A_127 {
        %dma_wait3A_209 = arith.constant 0 : i32
        %dma_wait3A_210 = arith.constant 0 : i32
        %dma_wait3A_211 = tpu.memref_slice %arg4[%dma_wait3A_209, %dma_wait3A_210] : memref<10000x128xf32, #tpu.memory_space<hbm>> -> memref<128x128xf32, #tpu.memory_space<hbm>>
        %dma_wait3A_212 = arith.constant 0 : i32
        %dma_wait3A_213 = arith.constant 0 : i32
        %dma_wait3A_214 = tpu.memref_slice %arg4[%dma_wait3A_212, %dma_wait3A_213] : memref<10000x128xf32, #tpu.memory_space<hbm>> -> memref<128x128xf32, #tpu.memory_space<hbm>>
        tpu.wait_dma2 semaphore(%arg19 : memref<!tpu.dma_semaphore, #tpu.memory_space<semaphore_mem>>) src(%dma_wait3A_214 : memref<128x128xf32, #tpu.memory_space<hbm>>) dst(%arg16 : memref<128x128xf32, #tpu.memory_space<vmem>>)
        %dma_start3A_215 = arith.constant 0 : i32
        %dma_start3A_216 = arith.constant 0 : i32
        %dma_start3A_217 = tpu.memref_slice %arg26[%dma_start3A_215, %dma_start3A_216] : memref<10112x128xf32, #tpu.memory_space<vmem_shared>> -> memref<10112x128xf32, #tpu.memory_space<vmem_shared>>
        tpu.enqueue_indirect_dma source(%arg16 : memref<128x128xf32, #tpu.memory_space<vmem>>) target(%dma_start3A_217 : memref<10112x128xf32, #tpu.memory_space<vmem_shared>>) offsets(%arg13 : memref<128xi32, #tpu.memory_space<vmem>>) semaphore(%arg22 : memref<!tpu.dma_semaphore, #tpu.memory_space<semaphore_mem>>) {add = true}
      } else {
      }
      %mul3A_128 = arith.constant 3 : i32
      %mul3A_129 = arith.muli %mul3A_128, %while3A_95 : i32
      %add3A_130 = arith.constant 1 : i32
      %add3A_131 = arith.addi %mul3A_129, %add3A_130 : i32
      %dma_wait3A_132 = arith.constant 0 : i32
      %dma_wait3A_133 = tpu.memref_slice %arg2[%dma_wait3A_132] : memref<323584xi32, #tpu.memory_space<hbm>> -> memref<128xi32, #tpu.memory_space<hbm>>
      %dma_wait3A_134 = arith.constant 0 : i32
      %dma_wait3A_135 = tpu.memref_slice %arg2[%dma_wait3A_134] : memref<323584xi32, #tpu.memory_space<hbm>> -> memref<128xi32, #tpu.memory_space<hbm>>
      tpu.wait_dma2 semaphore(%arg24 : memref<!tpu.dma_semaphore, #tpu.memory_space<semaphore_mem>>) src(%dma_wait3A_135 : memref<128xi32, #tpu.memory_space<hbm>>) dst(%arg9 : memref<128xi32, #tpu.memory_space<vmem>>)
      %dma_wait3A_136 = arith.constant 0 : i32
      %dma_wait3A_137 = tpu.memref_slice %arg2[%dma_wait3A_136] : memref<323584xi32, #tpu.memory_space<hbm>> -> memref<128xi32, #tpu.memory_space<hbm>>
      %dma_wait3A_138 = arith.constant 0 : i32
      %dma_wait3A_139 = tpu.memref_slice %arg2[%dma_wait3A_138] : memref<323584xi32, #tpu.memory_space<hbm>> -> memref<128xi32, #tpu.memory_space<hbm>>
      tpu.wait_dma2 semaphore(%arg24 : memref<!tpu.dma_semaphore, #tpu.memory_space<semaphore_mem>>) src(%dma_wait3A_139 : memref<128xi32, #tpu.memory_space<hbm>>) dst(%arg12 : memref<128xi32, #tpu.memory_space<vmem>>)
      %dma_start3A_140 = arith.constant 0 : i32
      %dma_start3A_141 = arith.constant 0 : i32
      %dma_start3A_142 = tpu.memref_slice %arg4[%dma_start3A_140, %dma_start3A_141] : memref<10000x128xf32, #tpu.memory_space<hbm>> -> memref<10000x128xf32, #tpu.memory_space<hbm>>
      tpu.enqueue_indirect_dma source(%dma_start3A_142 : memref<10000x128xf32, #tpu.memory_space<hbm>>) target(%arg15 : memref<128x128xf32, #tpu.memory_space<vmem>>) offsets(%arg9 : memref<128xi32, #tpu.memory_space<vmem>>) semaphore(%arg18 : memref<!tpu.dma_semaphore, #tpu.memory_space<semaphore_mem>>)
      %convert_element_type3A_143 = arith.extui %gt3A_96 : i1 to i32
      %cond3A_144 = arith.constant 0 : i32
      %cond3A_145 = arith.cmpi ne, %convert_element_type3A_143, %cond3A_144 : i32
      scf.if %cond3A_145 {
        %dma_wait3A_209 = arith.constant 0 : i32
        %dma_wait3A_210 = arith.constant 0 : i32
        %dma_wait3A_211 = tpu.memref_slice %arg26[%dma_wait3A_209, %dma_wait3A_210] : memref<10112x128xf32, #tpu.memory_space<vmem_shared>> -> memref<10112x128xf32, #tpu.memory_space<vmem_shared>>
        tpu.wait_indirect_dma semaphore(%arg22 : memref<!tpu.dma_semaphore, #tpu.memory_space<semaphore_mem>>) src(%arg16 : memref<128x128xf32, #tpu.memory_space<vmem>>) dst(%dma_wait3A_211 : memref<10112x128xf32, #tpu.memory_space<vmem_shared>>)
      } else {
      }
      %add3A_146 = arith.constant 1 : i32
      %add3A_147 = arith.addi %add3A_131, %add3A_146 : i32
      %mul3A_148 = arith.constant 128 : i32
      %mul3A_149 = arith.muli %add3A_147, %mul3A_148 : i32
      %add3A_150 = arith.addi %mul3A_10, %mul3A_149 : i32
      %dma_start3A_151 = tpu.memref_slice %arg2[%add3A_150] : memref<323584xi32, #tpu.memory_space<hbm>> -> memref<128xi32, #tpu.memory_space<hbm>>
      %dma_start3A_152 = tpu.memref_slice %arg2[%add3A_150] : memref<323584xi32, #tpu.memory_space<hbm>> -> memref<128xi32, #tpu.memory_space<hbm>>
      tpu.enqueue_dma source(%dma_start3A_152 : memref<128xi32, #tpu.memory_space<hbm>>) target(%arg10 : memref<128xi32, #tpu.memory_space<vmem>>) target_semaphore(%arg25 : memref<!tpu.dma_semaphore, #tpu.memory_space<semaphore_mem>>)
      %mul3A_153 = arith.constant 128 : i32
      %mul3A_154 = arith.muli %add3A_147, %mul3A_153 : i32
      %add3A_155 = arith.addi %mul3A_10, %mul3A_154 : i32
      %dma_start3A_156 = tpu.memref_slice %arg3[%add3A_155] : memref<323584xi32, #tpu.memory_space<hbm>> -> memref<128xi32, #tpu.memory_space<hbm>>
      %dma_start3A_157 = tpu.memref_slice %arg3[%add3A_155] : memref<323584xi32, #tpu.memory_space<hbm>> -> memref<128xi32, #tpu.memory_space<hbm>>
      tpu.enqueue_dma source(%dma_start3A_157 : memref<128xi32, #tpu.memory_space<hbm>>) target(%arg13 : memref<128xi32, #tpu.memory_space<vmem>>) target_semaphore(%arg25 : memref<!tpu.dma_semaphore, #tpu.memory_space<semaphore_mem>>)
      %cond3A_158 = arith.constant 1 : i32
      %dma_wait3A_159 = arith.constant 0 : i32
      %dma_wait3A_160 = arith.constant 0 : i32
      %dma_wait3A_161 = tpu.memref_slice %arg4[%dma_wait3A_159, %dma_wait3A_160] : memref<10000x128xf32, #tpu.memory_space<hbm>> -> memref<128x128xf32, #tpu.memory_space<hbm>>
      %dma_wait3A_162 = arith.constant 0 : i32
      %dma_wait3A_163 = arith.constant 0 : i32
      %dma_wait3A_164 = tpu.memref_slice %arg4[%dma_wait3A_162, %dma_wait3A_163] : memref<10000x128xf32, #tpu.memory_space<hbm>> -> memref<128x128xf32, #tpu.memory_space<hbm>>
      tpu.wait_dma2 semaphore(%arg17 : memref<!tpu.dma_semaphore, #tpu.memory_space<semaphore_mem>>) src(%dma_wait3A_164 : memref<128x128xf32, #tpu.memory_space<hbm>>) dst(%arg14 : memref<128x128xf32, #tpu.memory_space<vmem>>)
      %dma_start3A_165 = arith.constant 0 : i32
      %dma_start3A_166 = arith.constant 0 : i32
      %dma_start3A_167 = tpu.memref_slice %arg26[%dma_start3A_165, %dma_start3A_166] : memref<10112x128xf32, #tpu.memory_space<vmem_shared>> -> memref<10112x128xf32, #tpu.memory_space<vmem_shared>>
      tpu.enqueue_indirect_dma source(%arg14 : memref<128x128xf32, #tpu.memory_space<vmem>>) target(%dma_start3A_167 : memref<10112x128xf32, #tpu.memory_space<vmem_shared>>) offsets(%arg11 : memref<128xi32, #tpu.memory_space<vmem>>) semaphore(%arg20 : memref<!tpu.dma_semaphore, #tpu.memory_space<semaphore_mem>>) {add = true}
      %mul3A_168 = arith.constant 3 : i32
      %mul3A_169 = arith.muli %mul3A_168, %while3A_95 : i32
      %add3A_170 = arith.constant 2 : i32
      %add3A_171 = arith.addi %mul3A_169, %add3A_170 : i32
      %dma_wait3A_172 = arith.constant 0 : i32
      %dma_wait3A_173 = tpu.memref_slice %arg2[%dma_wait3A_172] : memref<323584xi32, #tpu.memory_space<hbm>> -> memref<128xi32, #tpu.memory_space<hbm>>
      %dma_wait3A_174 = arith.constant 0 : i32
      %dma_wait3A_175 = tpu.memref_slice %arg2[%dma_wait3A_174] : memref<323584xi32, #tpu.memory_space<hbm>> -> memref<128xi32, #tpu.memory_space<hbm>>
      tpu.wait_dma2 semaphore(%arg25 : memref<!tpu.dma_semaphore, #tpu.memory_space<semaphore_mem>>) src(%dma_wait3A_175 : memref<128xi32, #tpu.memory_space<hbm>>) dst(%arg10 : memref<128xi32, #tpu.memory_space<vmem>>)
      %dma_wait3A_176 = arith.constant 0 : i32
      %dma_wait3A_177 = tpu.memref_slice %arg2[%dma_wait3A_176] : memref<323584xi32, #tpu.memory_space<hbm>> -> memref<128xi32, #tpu.memory_space<hbm>>
      %dma_wait3A_178 = arith.constant 0 : i32
      %dma_wait3A_179 = tpu.memref_slice %arg2[%dma_wait3A_178] : memref<323584xi32, #tpu.memory_space<hbm>> -> memref<128xi32, #tpu.memory_space<hbm>>
      tpu.wait_dma2 semaphore(%arg25 : memref<!tpu.dma_semaphore, #tpu.memory_space<semaphore_mem>>) src(%dma_wait3A_179 : memref<128xi32, #tpu.memory_space<hbm>>) dst(%arg13 : memref<128xi32, #tpu.memory_space<vmem>>)
      %dma_start3A_180 = arith.constant 0 : i32
      %dma_start3A_181 = arith.constant 0 : i32
      %dma_start3A_182 = tpu.memref_slice %arg4[%dma_start3A_180, %dma_start3A_181] : memref<10000x128xf32, #tpu.memory_space<hbm>> -> memref<10000x128xf32, #tpu.memory_space<hbm>>
      tpu.enqueue_indirect_dma source(%dma_start3A_182 : memref<10000x128xf32, #tpu.memory_space<hbm>>) target(%arg16 : memref<128x128xf32, #tpu.memory_space<vmem>>) offsets(%arg10 : memref<128xi32, #tpu.memory_space<vmem>>) semaphore(%arg19 : memref<!tpu.dma_semaphore, #tpu.memory_space<semaphore_mem>>)
      %cond3A_183 = arith.constant 1 : i32
      %dma_wait3A_184 = arith.constant 0 : i32
      %dma_wait3A_185 = arith.constant 0 : i32
      %dma_wait3A_186 = tpu.memref_slice %arg26[%dma_wait3A_184, %dma_wait3A_185] : memref<10112x128xf32, #tpu.memory_space<vmem_shared>> -> memref<10112x128xf32, #tpu.memory_space<vmem_shared>>
      tpu.wait_indirect_dma semaphore(%arg20 : memref<!tpu.dma_semaphore, #tpu.memory_space<semaphore_mem>>) src(%arg14 : memref<128x128xf32, #tpu.memory_space<vmem>>) dst(%dma_wait3A_186 : memref<10112x128xf32, #tpu.memory_space<vmem_shared>>)
      %add3A_187 = arith.constant 1 : i32
      %add3A_188 = arith.addi %add3A_171, %add3A_187 : i32
      %mul3A_189 = arith.constant 128 : i32
      %mul3A_190 = arith.muli %add3A_188, %mul3A_189 : i32
      %add3A_191 = arith.addi %mul3A_10, %mul3A_190 : i32
      %dma_start3A_192 = tpu.memref_slice %arg2[%add3A_191] : memref<323584xi32, #tpu.memory_space<hbm>> -> memref<128xi32, #tpu.memory_space<hbm>>
      %dma_start3A_193 = tpu.memref_slice %arg2[%add3A_191] : memref<323584xi32, #tpu.memory_space<hbm>> -> memref<128xi32, #tpu.memory_space<hbm>>
      tpu.enqueue_dma source(%dma_start3A_193 : memref<128xi32, #tpu.memory_space<hbm>>) target(%arg8 : memref<128xi32, #tpu.memory_space<vmem>>) target_semaphore(%arg23 : memref<!tpu.dma_semaphore, #tpu.memory_space<semaphore_mem>>)
      %mul3A_194 = arith.constant 128 : i32
      %mul3A_195 = arith.muli %add3A_188, %mul3A_194 : i32
      %add3A_196 = arith.addi %mul3A_10, %mul3A_195 : i32
      %dma_start3A_197 = tpu.memref_slice %arg3[%add3A_196] : memref<323584xi32, #tpu.memory_space<hbm>> -> memref<128xi32, #tpu.memory_space<hbm>>
      %dma_start3A_198 = tpu.memref_slice %arg3[%add3A_196] : memref<323584xi32, #tpu.memory_space<hbm>> -> memref<128xi32, #tpu.memory_space<hbm>>
      tpu.enqueue_dma source(%dma_start3A_198 : memref<128xi32, #tpu.memory_space<hbm>>) target(%arg11 : memref<128xi32, #tpu.memory_space<vmem>>) target_semaphore(%arg23 : memref<!tpu.dma_semaphore, #tpu.memory_space<semaphore_mem>>)
      %cond3A_199 = arith.constant 1 : i32
      %dma_wait3A_200 = arith.constant 0 : i32
      %dma_wait3A_201 = arith.constant 0 : i32
      %dma_wait3A_202 = tpu.memref_slice %arg4[%dma_wait3A_200, %dma_wait3A_201] : memref<10000x128xf32, #tpu.memory_space<hbm>> -> memref<128x128xf32, #tpu.memory_space<hbm>>
      %dma_wait3A_203 = arith.constant 0 : i32
      %dma_wait3A_204 = arith.constant 0 : i32
      %dma_wait3A_205 = tpu.memref_slice %arg4[%dma_wait3A_203, %dma_wait3A_204] : memref<10000x128xf32, #tpu.memory_space<hbm>> -> memref<128x128xf32, #tpu.memory_space<hbm>>
      tpu.wait_dma2 semaphore(%arg18 : memref<!tpu.dma_semaphore, #tpu.memory_space<semaphore_mem>>) src(%dma_wait3A_205 : memref<128x128xf32, #tpu.memory_space<hbm>>) dst(%arg15 : memref<128x128xf32, #tpu.memory_space<vmem>>)
      %dma_start3A_206 = arith.constant 0 : i32
      %dma_start3A_207 = arith.constant 0 : i32
      %dma_start3A_208 = tpu.memref_slice %arg26[%dma_start3A_206, %dma_start3A_207] : memref<10112x128xf32, #tpu.memory_space<vmem_shared>> -> memref<10112x128xf32, #tpu.memory_space<vmem_shared>>
      tpu.enqueue_indirect_dma source(%arg15 : memref<128x128xf32, #tpu.memory_space<vmem>>) target(%dma_start3A_208 : memref<10112x128xf32, #tpu.memory_space<vmem_shared>>) offsets(%arg12 : memref<128xi32, #tpu.memory_space<vmem>>) semaphore(%arg21 : memref<!tpu.dma_semaphore, #tpu.memory_space<semaphore_mem>>) {add = true}
    }
    %dma_wait3A = arith.constant 0 : i32
    %dma_wait3A_49 = tpu.memref_slice %arg2[%dma_wait3A] : memref<323584xi32, #tpu.memory_space<hbm>> -> memref<128xi32, #tpu.memory_space<hbm>>
    %dma_wait3A_50 = arith.constant 0 : i32
    %dma_wait3A_51 = tpu.memref_slice %arg2[%dma_wait3A_50] : memref<323584xi32, #tpu.memory_space<hbm>> -> memref<128xi32, #tpu.memory_space<hbm>>
    tpu.wait_dma2 semaphore(%arg23 : memref<!tpu.dma_semaphore, #tpu.memory_space<semaphore_mem>>) src(%dma_wait3A_51 : memref<128xi32, #tpu.memory_space<hbm>>) dst(%arg8 : memref<128xi32, #tpu.memory_space<vmem>>)
    %dma_wait3A_52 = arith.constant 0 : i32
    %dma_wait3A_53 = tpu.memref_slice %arg2[%dma_wait3A_52] : memref<323584xi32, #tpu.memory_space<hbm>> -> memref<128xi32, #tpu.memory_space<hbm>>
    %dma_wait3A_54 = arith.constant 0 : i32
    %dma_wait3A_55 = tpu.memref_slice %arg2[%dma_wait3A_54] : memref<323584xi32, #tpu.memory_space<hbm>> -> memref<128xi32, #tpu.memory_space<hbm>>
    tpu.wait_dma2 semaphore(%arg23 : memref<!tpu.dma_semaphore, #tpu.memory_space<semaphore_mem>>) src(%dma_wait3A_55 : memref<128xi32, #tpu.memory_space<hbm>>) dst(%arg11 : memref<128xi32, #tpu.memory_space<vmem>>)
    %dma_start3A_56 = arith.constant 0 : i32
    %dma_start3A_57 = arith.constant 0 : i32
    %dma_start3A_58 = tpu.memref_slice %arg4[%dma_start3A_56, %dma_start3A_57] : memref<10000x128xf32, #tpu.memory_space<hbm>> -> memref<10000x128xf32, #tpu.memory_space<hbm>>
    tpu.enqueue_indirect_dma source(%dma_start3A_58 : memref<10000x128xf32, #tpu.memory_space<hbm>>) target(%arg14 : memref<128x128xf32, #tpu.memory_space<vmem>>) offsets(%arg8 : memref<128xi32, #tpu.memory_space<vmem>>) semaphore(%arg17 : memref<!tpu.dma_semaphore, #tpu.memory_space<semaphore_mem>>)
    %dma_wait3A_59 = arith.constant 0 : i32
    %dma_wait3A_60 = arith.constant 0 : i32
    %dma_wait3A_61 = tpu.memref_slice %arg26[%dma_wait3A_59, %dma_wait3A_60] : memref<10112x128xf32, #tpu.memory_space<vmem_shared>> -> memref<10112x128xf32, #tpu.memory_space<vmem_shared>>
    tpu.wait_indirect_dma semaphore(%arg21 : memref<!tpu.dma_semaphore, #tpu.memory_space<semaphore_mem>>) src(%arg15 : memref<128x128xf32, #tpu.memory_space<vmem>>) dst(%dma_wait3A_61 : memref<10112x128xf32, #tpu.memory_space<vmem_shared>>)
    %dma_wait3A_62 = arith.constant 0 : i32
    %dma_wait3A_63 = arith.constant 0 : i32
    %dma_wait3A_64 = tpu.memref_slice %arg4[%dma_wait3A_62, %dma_wait3A_63] : memref<10000x128xf32, #tpu.memory_space<hbm>> -> memref<128x128xf32, #tpu.memory_space<hbm>>
    %dma_wait3A_65 = arith.constant 0 : i32
    %dma_wait3A_66 = arith.constant 0 : i32
    %dma_wait3A_67 = tpu.memref_slice %arg4[%dma_wait3A_65, %dma_wait3A_66] : memref<10000x128xf32, #tpu.memory_space<hbm>> -> memref<128x128xf32, #tpu.memory_space<hbm>>
    tpu.wait_dma2 semaphore(%arg19 : memref<!tpu.dma_semaphore, #tpu.memory_space<semaphore_mem>>) src(%dma_wait3A_67 : memref<128x128xf32, #tpu.memory_space<hbm>>) dst(%arg16 : memref<128x128xf32, #tpu.memory_space<vmem>>)
    %dma_start3A_68 = arith.constant 0 : i32
    %dma_start3A_69 = arith.constant 0 : i32
    %dma_start3A_70 = tpu.memref_slice %arg26[%dma_start3A_68, %dma_start3A_69] : memref<10112x128xf32, #tpu.memory_space<vmem_shared>> -> memref<10112x128xf32, #tpu.memory_space<vmem_shared>>
    tpu.enqueue_indirect_dma source(%arg16 : memref<128x128xf32, #tpu.memory_space<vmem>>) target(%dma_start3A_70 : memref<10112x128xf32, #tpu.memory_space<vmem_shared>>) offsets(%arg13 : memref<128xi32, #tpu.memory_space<vmem>>) semaphore(%arg22 : memref<!tpu.dma_semaphore, #tpu.memory_space<semaphore_mem>>) {add = true}
    %dma_wait3A_71 = arith.constant 0 : i32
    %dma_wait3A_72 = arith.constant 0 : i32
    %dma_wait3A_73 = tpu.memref_slice %arg4[%dma_wait3A_71, %dma_wait3A_72] : memref<10000x128xf32, #tpu.memory_space<hbm>> -> memref<128x128xf32, #tpu.memory_space<hbm>>
    %dma_wait3A_74 = arith.constant 0 : i32
    %dma_wait3A_75 = arith.constant 0 : i32
    %dma_wait3A_76 = tpu.memref_slice %arg4[%dma_wait3A_74, %dma_wait3A_75] : memref<10000x128xf32, #tpu.memory_space<hbm>> -> memref<128x128xf32, #tpu.memory_space<hbm>>
    tpu.wait_dma2 semaphore(%arg17 : memref<!tpu.dma_semaphore, #tpu.memory_space<semaphore_mem>>) src(%dma_wait3A_76 : memref<128x128xf32, #tpu.memory_space<hbm>>) dst(%arg14 : memref<128x128xf32, #tpu.memory_space<vmem>>)
    %dma_start3A_77 = arith.constant 0 : i32
    %dma_start3A_78 = arith.constant 0 : i32
    %dma_start3A_79 = tpu.memref_slice %arg26[%dma_start3A_77, %dma_start3A_78] : memref<10112x128xf32, #tpu.memory_space<vmem_shared>> -> memref<10112x128xf32, #tpu.memory_space<vmem_shared>>
    tpu.enqueue_indirect_dma source(%arg14 : memref<128x128xf32, #tpu.memory_space<vmem>>) target(%dma_start3A_79 : memref<10112x128xf32, #tpu.memory_space<vmem_shared>>) offsets(%arg11 : memref<128xi32, #tpu.memory_space<vmem>>) semaphore(%arg20 : memref<!tpu.dma_semaphore, #tpu.memory_space<semaphore_mem>>) {add = true}
    %dma_wait3A_80 = arith.constant 0 : i32
    %dma_wait3A_81 = arith.constant 0 : i32
    %dma_wait3A_82 = tpu.memref_slice %arg26[%dma_wait3A_80, %dma_wait3A_81] : memref<10112x128xf32, #tpu.memory_space<vmem_shared>> -> memref<10112x128xf32, #tpu.memory_space<vmem_shared>>
    tpu.wait_indirect_dma semaphore(%arg22 : memref<!tpu.dma_semaphore, #tpu.memory_space<semaphore_mem>>) src(%arg16 : memref<128x128xf32, #tpu.memory_space<vmem>>) dst(%dma_wait3A_82 : memref<10112x128xf32, #tpu.memory_space<vmem_shared>>)
    %dma_wait3A_83 = arith.constant 0 : i32
    %dma_wait3A_84 = arith.constant 0 : i32
    %dma_wait3A_85 = tpu.memref_slice %arg26[%dma_wait3A_83, %dma_wait3A_84] : memref<10112x128xf32, #tpu.memory_space<vmem_shared>> -> memref<10112x128xf32, #tpu.memory_space<vmem_shared>>
    tpu.wait_indirect_dma semaphore(%arg20 : memref<!tpu.dma_semaphore, #tpu.memory_space<semaphore_mem>>) src(%arg14 : memref<128x128xf32, #tpu.memory_space<vmem>>) dst(%dma_wait3A_85 : memref<10112x128xf32, #tpu.memory_space<vmem_shared>>)
    %barrier3A_86 = arith.constant 0 : index
    tpu.barrier barrier_id(%barrier3A_86)
    %eq3A_87 = arith.constant 0 : i32
    %eq3A_88 = arith.cmpi eq, %arg0, %eq3A_87 : i32
    %convert_element_type3A = arith.extui %eq3A_88 : i1 to i32
    %cond3A = arith.constant 0 : i32
    %cond3A_89 = arith.cmpi ne, %convert_element_type3A, %cond3A : i32
    scf.if %cond3A_89 {
      "tpu.region"() ({
        %run_scoped3A = tpu.sem_alloc : memref<!tpu.dma_semaphore, #tpu.memory_space<semaphore_mem>>
        %dma_start3A_95 = arith.constant 0 : i32
        %dma_start3A_96 = tpu.memref_slice %arg6[%mul3A_19, %dma_start3A_95] : memref<10112x128xf32, #tpu.memory_space<hbm>> -> memref<632x128xf32, #tpu.memory_space<hbm>>
        %dma_start3A_97 = arith.constant 0 : i32
        %dma_start3A_98 = tpu.memref_slice %arg26[%mul3A_19, %dma_start3A_97] : memref<10112x128xf32, #tpu.memory_space<vmem_shared>> -> memref<632x128xf32, #tpu.memory_space<vmem_shared>>
        tpu.enqueue_dma source(%dma_start3A_98 : memref<632x128xf32, #tpu.memory_space<vmem_shared>>) target(%dma_start3A_96 : memref<632x128xf32, #tpu.memory_space<hbm>>) target_semaphore(%run_scoped3A : memref<!tpu.dma_semaphore, #tpu.memory_space<semaphore_mem>>)
        %dma_wait3A_99 = arith.constant 0 : i32
        %dma_wait3A_100 = tpu.memref_slice %arg6[%mul3A_19, %dma_wait3A_99] : memref<10112x128xf32, #tpu.memory_space<hbm>> -> memref<632x128xf32, #tpu.memory_space<hbm>>
        %dma_wait3A_101 = arith.constant 0 : i32
        %dma_wait3A_102 = tpu.memref_slice %arg26[%mul3A_19, %dma_wait3A_101] : memref<10112x128xf32, #tpu.memory_space<vmem_shared>> -> memref<632x128xf32, #tpu.memory_space<vmem_shared>>
        tpu.wait_dma2 semaphore(%run_scoped3A : memref<!tpu.dma_semaphore, #tpu.memory_space<semaphore_mem>>) src(%dma_wait3A_102 : memref<632x128xf32, #tpu.memory_space<vmem_shared>>) dst(%dma_wait3A_100 : memref<632x128xf32, #tpu.memory_space<hbm>>)
        tpu.yield
      }) : () -> ()
    } else {
    }
    %eq3A_90 = arith.constant 1 : i32
    %eq3A_91 = arith.cmpi eq, %arg0, %eq3A_90 : i32
    %convert_element_type3A_92 = arith.extui %eq3A_91 : i1 to i32
    %cond3A_93 = arith.constant 0 : i32
    %cond3A_94 = arith.cmpi ne, %convert_element_type3A_92, %cond3A_93 : i32
    scf.if %cond3A_94 {
      "tpu.region"() ({
        %run_scoped3A = tpu.sem_alloc : memref<!tpu.dma_semaphore, #tpu.memory_space<semaphore_mem>>
        %dma_start3A_95 = arith.constant 0 : i32
        %dma_start3A_96 = tpu.memref_slice %arg7[%mul3A_19, %dma_start3A_95] : memref<10112x128xf32, #tpu.memory_space<hbm>> -> memref<632x128xf32, #tpu.memory_space<hbm>>
        %dma_start3A_97 = arith.constant 0 : i32
        %dma_start3A_98 = tpu.memref_slice %arg26[%mul3A_19, %dma_start3A_97] : memref<10112x128xf32, #tpu.memory_space<vmem_shared>> -> memref<632x128xf32, #tpu.memory_space<vmem_shared>>
        tpu.enqueue_dma source(%dma_start3A_98 : memref<632x128xf32, #tpu.memory_space<vmem_shared>>) target(%dma_start3A_96 : memref<632x128xf32, #tpu.memory_space<hbm>>) target_semaphore(%run_scoped3A : memref<!tpu.dma_semaphore, #tpu.memory_space<semaphore_mem>>)
        %dma_wait3A_99 = arith.constant 0 : i32
        %dma_wait3A_100 = tpu.memref_slice %arg7[%mul3A_19, %dma_wait3A_99] : memref<10112x128xf32, #tpu.memory_space<hbm>> -> memref<632x128xf32, #tpu.memory_space<hbm>>
        %dma_wait3A_101 = arith.constant 0 : i32
        %dma_wait3A_102 = tpu.memref_slice %arg26[%mul3A_19, %dma_wait3A_101] : memref<10112x128xf32, #tpu.memory_space<vmem_shared>> -> memref<632x128xf32, #tpu.memory_space<vmem_shared>>
        tpu.wait_dma2 semaphore(%run_scoped3A : memref<!tpu.dma_semaphore, #tpu.memory_space<semaphore_mem>>) src(%dma_wait3A_102 : memref<632x128xf32, #tpu.memory_space<vmem_shared>>) dst(%dma_wait3A_100 : memref<632x128xf32, #tpu.memory_space<hbm>>)
        tpu.yield
      }) : () -> ()
    } else {
    }
    return
  }
}

#map = affine_map<(d0, d1) -> (0)>
#map1 = affine_map<(d0, d1) -> (0, 0)>
module attributes {stable_mosaic.version = 14 : i64} {
  func.func @seg_sum(%arg0: i32, %arg1: i32, %arg2: memref<323584xi32, #tpu.memory_space<hbm>>, %arg3: memref<323584xi32, #tpu.memory_space<hbm>>, %arg4: memref<10000x112xf32, #tpu.memory_space<hbm>>, %arg5: memref<10112x112xf32, #tpu.memory_space<hbm>>, %arg6: memref<10112x112xf32, #tpu.memory_space<hbm>>, %arg7: memref<10112x112xf32, #tpu.memory_space<hbm>>, %arg8: memref<128xi32, #tpu.memory_space<vmem>>, %arg9: memref<128xi32, #tpu.memory_space<vmem>>, %arg10: memref<128xi32, #tpu.memory_space<vmem>>, %arg11: memref<128xi32, #tpu.memory_space<vmem>>, %arg12: memref<128xi32, #tpu.memory_space<vmem>>, %arg13: memref<128xi32, #tpu.memory_space<vmem>>, %arg14: memref<128x112xf32, #tpu.memory_space<vmem>>, %arg15: memref<128x112xf32, #tpu.memory_space<vmem>>, %arg16: memref<128x112xf32, #tpu.memory_space<vmem>>, %arg17: memref<!tpu.dma_semaphore, #tpu.memory_space<semaphore_mem>>, %arg18: memref<!tpu.dma_semaphore, #tpu.memory_space<semaphore_mem>>, %arg19: memref<!tpu.dma_semaphore, #tpu.memory_space<semaphore_mem>>, %arg20: memref<!tpu.dma_semaphore, #tpu.memory_space<semaphore_mem>>, %arg21: memref<!tpu.dma_semaphore, #tpu.memory_space<semaphore_mem>>, %arg22: memref<!tpu.dma_semaphore, #tpu.memory_space<semaphore_mem>>, %arg23: memref<!tpu.dma_semaphore, #tpu.memory_space<semaphore_mem>>, %arg24: memref<!tpu.dma_semaphore, #tpu.memory_space<semaphore_mem>>, %arg25: memref<!tpu.dma_semaphore, #tpu.memory_space<semaphore_mem>>, %arg26: memref<10112x112xf32, #tpu.memory_space<vmem_shared>>) attributes {dimension_semantics = [#tpu.dimension_semantics<core_parallel>, #tpu.dimension_semantics<subcore_parallel>], iteration_bounds = array<i64: 2, 16>, scalar_prefetch = 0 : i64, scratch_operands = 19 : i64, tpu.core_type = #tpu.core_type<sc_vector_subcore>, window_params = [{transform_indices = #map}, {transform_indices = #map}, {transform_indices = #map1}, {transform_indices = #map1}, {transform_indices = #map1}, {transform_indices = #map1}]} {
    %eq3A = arith.constant 0 : i32
    %eq3A_0 = arith.cmpi eq, %arg0, %eq3A : i32
    %jit3A = arith.constant 112 : i32
    %jit3A_1 = arith.constant 46 : i32
    %select_n3A = arith.select %eq3A_0, %jit3A, %jit3A_1 : i32
    %eq3A_2 = arith.constant 0 : i32
    %eq3A_3 = arith.cmpi eq, %arg0, %eq3A_2 : i32
    %mul3A = arith.constant 112 : i32
    %mul3A_4 = arith.muli %arg1, %mul3A : i32
    %mul3A_5 = arith.constant 46 : i32
    %mul3A_6 = arith.muli %arg1, %mul3A_5 : i32
    %add3A = arith.constant 1792 : i32
    %add3A_7 = arith.addi %add3A, %mul3A_6 : i32
    %select_n3A_8 = arith.select %eq3A_3, %mul3A_4, %add3A_7 : i32
    %mul3A_9 = arith.constant 128 : i32
    %mul3A_10 = arith.muli %select_n3A_8, %mul3A_9 : i32
    %add3A_11 = arith.constant 0 : i32
    %add3A_12 = arith.addi %mul3A_10, %add3A_11 : i32
    %dma_start3A = tpu.memref_slice %arg2[%add3A_12] : memref<323584xi32, #tpu.memory_space<hbm>> -> memref<128xi32, #tpu.memory_space<hbm>>
    %dma_start3A_13 = tpu.memref_slice %arg2[%add3A_12] : memref<323584xi32, #tpu.memory_space<hbm>> -> memref<128xi32, #tpu.memory_space<hbm>>
    tpu.enqueue_dma source(%dma_start3A_13 : memref<128xi32, #tpu.memory_space<hbm>>) target(%arg8 : memref<128xi32, #tpu.memory_space<vmem>>) target_semaphore(%arg23 : memref<!tpu.dma_semaphore, #tpu.memory_space<semaphore_mem>>)
    %add3A_14 = arith.constant 0 : i32
    %add3A_15 = arith.addi %mul3A_10, %add3A_14 : i32
    %dma_start3A_16 = tpu.memref_slice %arg3[%add3A_15] : memref<323584xi32, #tpu.memory_space<hbm>> -> memref<128xi32, #tpu.memory_space<hbm>>
    %dma_start3A_17 = tpu.memref_slice %arg3[%add3A_15] : memref<323584xi32, #tpu.memory_space<hbm>> -> memref<128xi32, #tpu.memory_space<hbm>>
    tpu.enqueue_dma source(%dma_start3A_17 : memref<128xi32, #tpu.memory_space<hbm>>) target(%arg11 : memref<128xi32, #tpu.memory_space<vmem>>) target_semaphore(%arg23 : memref<!tpu.dma_semaphore, #tpu.memory_space<semaphore_mem>>)
    %mul3A_18 = arith.constant 632 : i32
    %mul3A_19 = arith.muli %arg1, %mul3A_18 : i32
    "tpu.region"() ({
      %run_scoped3A = tpu.sem_alloc : memref<!tpu.dma_semaphore, #tpu.memory_space<semaphore_mem>>
      %dma_start3A_95 = arith.constant 0 : i32
      %dma_start3A_96 = tpu.memref_slice %arg26[%mul3A_19, %dma_start3A_95] : memref<10112x112xf32, #tpu.memory_space<vmem_shared>> -> memref<632x112xf32, #tpu.memory_space<vmem_shared>>
      %dma_start3A_97 = arith.constant 0 : i32
      %dma_start3A_98 = tpu.memref_slice %arg5[%mul3A_19, %dma_start3A_97] : memref<10112x112xf32, #tpu.memory_space<hbm>> -> memref<632x112xf32, #tpu.memory_space<hbm>>
      tpu.enqueue_dma source(%dma_start3A_98 : memref<632x112xf32, #tpu.memory_space<hbm>>) target(%dma_start3A_96 : memref<632x112xf32, #tpu.memory_space<vmem_shared>>) target_semaphore(%run_scoped3A : memref<!tpu.dma_semaphore, #tpu.memory_space<semaphore_mem>>)
      %dma_wait3A_99 = arith.constant 0 : i32
      %dma_wait3A_100 = tpu.memref_slice %arg26[%mul3A_19, %dma_wait3A_99] : memref<10112x112xf32, #tpu.memory_space<vmem_shared>> -> memref<632x112xf32, #tpu.memory_space<vmem_shared>>
      %dma_wait3A_101 = arith.constant 0 : i32
      %dma_wait3A_102 = tpu.memref_slice %arg5[%mul3A_19, %dma_wait3A_101] : memref<10112x112xf32, #tpu.memory_space<hbm>> -> memref<632x112xf32, #tpu.memory_space<hbm>>
      tpu.wait_dma2 semaphore(%run_scoped3A : memref<!tpu.dma_semaphore, #tpu.memory_space<semaphore_mem>>) src(%dma_wait3A_102 : memref<632x112xf32, #tpu.memory_space<hbm>>) dst(%dma_wait3A_100 : memref<632x112xf32, #tpu.memory_space<vmem_shared>>)
      tpu.yield
    }) : () -> ()
    %barrier3A = arith.constant 0 : index
    tpu.barrier barrier_id(%barrier3A)
    %sub3A = arith.constant 1 : i32
    %sub3A_20 = arith.subi %select_n3A, %sub3A : i32
    %jit3A_21 = arith.constant 3 : i32
    %div3A = arith.divsi %sub3A_20, %jit3A_21 : i32
    %sign3A = arith.constant 0 : i32
    %sign3A_22 = arith.cmpi sgt, %sub3A_20, %sign3A : i32
    %sign3A_23 = arith.extui %sign3A_22 : i1 to i32
    %sign3A_24 = arith.constant 0 : i32
    %sign3A_25 = arith.cmpi slt, %sub3A_20, %sign3A_24 : i32
    %sign3A_26 = arith.extui %sign3A_25 : i1 to i32
    %sign3A_27 = arith.subi %sign3A_23, %sign3A_26 : i32
    %sign3A_28 = arith.constant 0 : i32
    %sign3A_29 = arith.cmpi sgt, %jit3A_21, %sign3A_28 : i32
    %sign3A_30 = arith.extui %sign3A_29 : i1 to i32
    %sign3A_31 = arith.constant 0 : i32
    %sign3A_32 = arith.cmpi slt, %jit3A_21, %sign3A_31 : i32
    %sign3A_33 = arith.extui %sign3A_32 : i1 to i32
    %sign3A_34 = arith.subi %sign3A_30, %sign3A_33 : i32
    %ne3A = arith.cmpi ne, %sign3A_27, %sign3A_34 : i32
    %rem3A = arith.remsi %sub3A_20, %jit3A_21 : i32
    %ne3A_35 = arith.constant 0 : i32
    %ne3A_36 = arith.cmpi ne, %rem3A, %ne3A_35 : i32
    %and3A = arith.andi %ne3A, %ne3A_36 : i1
    %sub3A_37 = arith.constant 1 : i32
    %sub3A_38 = arith.subi %div3A, %sub3A_37 : i32
    %select_n3A_39 = arith.select %and3A, %sub3A_38, %div3A : i32
    %while3A = arith.constant 0 : i32
    %while3A_40 = arith.constant 0 : i32
    %while3A_41 = arith.subi %select_n3A_39, %while3A_40 : i32
    %while3A_42 = arith.addi %while3A_40, %while3A_41 : i32
    %while3A_43 = arith.constant 1 : i32
    %while3A_44 = arith.divsi %while3A_41, %while3A_43 : i32
    %while3A_45 = arith.muli %while3A_44, %while3A_43 : i32
    %while3A_46 = arith.addi %while3A_40, %while3A_45 : i32
    %while3A_47 = arith.constant 1 : i32
    scf.for %while3A_95 = %while3A_40 to %while3A_46 step %while3A_47  : i32 {
      %gt3A = arith.constant 0 : i32
      %gt3A_96 = arith.cmpi sgt, %while3A_95, %gt3A : i32
      %mul3A_97 = arith.constant 3 : i32
      %mul3A_98 = arith.muli %mul3A_97, %while3A_95 : i32
      %dma_wait3A_99 = arith.constant 0 : i32
      %dma_wait3A_100 = tpu.memref_slice %arg2[%dma_wait3A_99] : memref<323584xi32, #tpu.memory_space<hbm>> -> memref<128xi32, #tpu.memory_space<hbm>>
      %dma_wait3A_101 = arith.constant 0 : i32
      %dma_wait3A_102 = tpu.memref_slice %arg2[%dma_wait3A_101] : memref<323584xi32, #tpu.memory_space<hbm>> -> memref<128xi32, #tpu.memory_space<hbm>>
      tpu.wait_dma2 semaphore(%arg23 : memref<!tpu.dma_semaphore, #tpu.memory_space<semaphore_mem>>) src(%dma_wait3A_102 : memref<128xi32, #tpu.memory_space<hbm>>) dst(%arg8 : memref<128xi32, #tpu.memory_space<vmem>>)
      %dma_wait3A_103 = arith.constant 0 : i32
      %dma_wait3A_104 = tpu.memref_slice %arg2[%dma_wait3A_103] : memref<323584xi32, #tpu.memory_space<hbm>> -> memref<128xi32, #tpu.memory_space<hbm>>
      %dma_wait3A_105 = arith.constant 0 : i32
      %dma_wait3A_106 = tpu.memref_slice %arg2[%dma_wait3A_105] : memref<323584xi32, #tpu.memory_space<hbm>> -> memref<128xi32, #tpu.memory_space<hbm>>
      tpu.wait_dma2 semaphore(%arg23 : memref<!tpu.dma_semaphore, #tpu.memory_space<semaphore_mem>>) src(%dma_wait3A_106 : memref<128xi32, #tpu.memory_space<hbm>>) dst(%arg11 : memref<128xi32, #tpu.memory_space<vmem>>)
      %dma_start3A_107 = arith.constant 0 : i32
      %dma_start3A_108 = arith.constant 0 : i32
      %dma_start3A_109 = tpu.memref_slice %arg4[%dma_start3A_107, %dma_start3A_108] : memref<10000x112xf32, #tpu.memory_space<hbm>> -> memref<10000x112xf32, #tpu.memory_space<hbm>>
      tpu.enqueue_indirect_dma source(%dma_start3A_109 : memref<10000x112xf32, #tpu.memory_space<hbm>>) target(%arg14 : memref<128x112xf32, #tpu.memory_space<vmem>>) offsets(%arg8 : memref<128xi32, #tpu.memory_space<vmem>>) semaphore(%arg17 : memref<!tpu.dma_semaphore, #tpu.memory_space<semaphore_mem>>)
      %convert_element_type3A_110 = arith.extui %gt3A_96 : i1 to i32
      %cond3A_111 = arith.constant 0 : i32
      %cond3A_112 = arith.cmpi ne, %convert_element_type3A_110, %cond3A_111 : i32
      scf.if %cond3A_112 {
        %dma_wait3A_209 = arith.constant 0 : i32
        %dma_wait3A_210 = arith.constant 0 : i32
        %dma_wait3A_211 = tpu.memref_slice %arg26[%dma_wait3A_209, %dma_wait3A_210] : memref<10112x112xf32, #tpu.memory_space<vmem_shared>> -> memref<10112x112xf32, #tpu.memory_space<vmem_shared>>
        tpu.wait_indirect_dma semaphore(%arg21 : memref<!tpu.dma_semaphore, #tpu.memory_space<semaphore_mem>>) src(%arg15 : memref<128x112xf32, #tpu.memory_space<vmem>>) dst(%dma_wait3A_211 : memref<10112x112xf32, #tpu.memory_space<vmem_shared>>)
      } else {
      }
      %add3A_113 = arith.constant 1 : i32
      %add3A_114 = arith.addi %mul3A_98, %add3A_113 : i32
      %mul3A_115 = arith.constant 128 : i32
      %mul3A_116 = arith.muli %add3A_114, %mul3A_115 : i32
      %add3A_117 = arith.addi %mul3A_10, %mul3A_116 : i32
      %dma_start3A_118 = tpu.memref_slice %arg2[%add3A_117] : memref<323584xi32, #tpu.memory_space<hbm>> -> memref<128xi32, #tpu.memory_space<hbm>>
      %dma_start3A_119 = tpu.memref_slice %arg2[%add3A_117] : memref<323584xi32, #tpu.memory_space<hbm>> -> memref<128xi32, #tpu.memory_space<hbm>>
      tpu.enqueue_dma source(%dma_start3A_119 : memref<128xi32, #tpu.memory_space<hbm>>) target(%arg9 : memref<128xi32, #tpu.memory_space<vmem>>) target_semaphore(%arg24 : memref<!tpu.dma_semaphore, #tpu.memory_space<semaphore_mem>>)
      %mul3A_120 = arith.constant 128 : i32
      %mul3A_121 = arith.muli %add3A_114, %mul3A_120 : i32
      %add3A_122 = arith.addi %mul3A_10, %mul3A_121 : i32
      %dma_start3A_123 = tpu.memref_slice %arg3[%add3A_122] : memref<323584xi32, #tpu.memory_space<hbm>> -> memref<128xi32, #tpu.memory_space<hbm>>
      %dma_start3A_124 = tpu.memref_slice %arg3[%add3A_122] : memref<323584xi32, #tpu.memory_space<hbm>> -> memref<128xi32, #tpu.memory_space<hbm>>
      tpu.enqueue_dma source(%dma_start3A_124 : memref<128xi32, #tpu.memory_space<hbm>>) target(%arg12 : memref<128xi32, #tpu.memory_space<vmem>>) target_semaphore(%arg24 : memref<!tpu.dma_semaphore, #tpu.memory_space<semaphore_mem>>)
      %convert_element_type3A_125 = arith.extui %gt3A_96 : i1 to i32
      %cond3A_126 = arith.constant 0 : i32
      %cond3A_127 = arith.cmpi ne, %convert_element_type3A_125, %cond3A_126 : i32
      scf.if %cond3A_127 {
        %dma_wait3A_209 = arith.constant 0 : i32
        %dma_wait3A_210 = arith.constant 0 : i32
        %dma_wait3A_211 = tpu.memref_slice %arg4[%dma_wait3A_209, %dma_wait3A_210] : memref<10000x112xf32, #tpu.memory_space<hbm>> -> memref<128x112xf32, #tpu.memory_space<hbm>>
        %dma_wait3A_212 = arith.constant 0 : i32
        %dma_wait3A_213 = arith.constant 0 : i32
        %dma_wait3A_214 = tpu.memref_slice %arg4[%dma_wait3A_212, %dma_wait3A_213] : memref<10000x112xf32, #tpu.memory_space<hbm>> -> memref<128x112xf32, #tpu.memory_space<hbm>>
        tpu.wait_dma2 semaphore(%arg19 : memref<!tpu.dma_semaphore, #tpu.memory_space<semaphore_mem>>) src(%dma_wait3A_214 : memref<128x112xf32, #tpu.memory_space<hbm>>) dst(%arg16 : memref<128x112xf32, #tpu.memory_space<vmem>>)
        %dma_start3A_215 = arith.constant 0 : i32
        %dma_start3A_216 = arith.constant 0 : i32
        %dma_start3A_217 = tpu.memref_slice %arg26[%dma_start3A_215, %dma_start3A_216] : memref<10112x112xf32, #tpu.memory_space<vmem_shared>> -> memref<10112x112xf32, #tpu.memory_space<vmem_shared>>
        tpu.enqueue_indirect_dma source(%arg16 : memref<128x112xf32, #tpu.memory_space<vmem>>) target(%dma_start3A_217 : memref<10112x112xf32, #tpu.memory_space<vmem_shared>>) offsets(%arg13 : memref<128xi32, #tpu.memory_space<vmem>>) semaphore(%arg22 : memref<!tpu.dma_semaphore, #tpu.memory_space<semaphore_mem>>) {add = true}
      } else {
      }
      %mul3A_128 = arith.constant 3 : i32
      %mul3A_129 = arith.muli %mul3A_128, %while3A_95 : i32
      %add3A_130 = arith.constant 1 : i32
      %add3A_131 = arith.addi %mul3A_129, %add3A_130 : i32
      %dma_wait3A_132 = arith.constant 0 : i32
      %dma_wait3A_133 = tpu.memref_slice %arg2[%dma_wait3A_132] : memref<323584xi32, #tpu.memory_space<hbm>> -> memref<128xi32, #tpu.memory_space<hbm>>
      %dma_wait3A_134 = arith.constant 0 : i32
      %dma_wait3A_135 = tpu.memref_slice %arg2[%dma_wait3A_134] : memref<323584xi32, #tpu.memory_space<hbm>> -> memref<128xi32, #tpu.memory_space<hbm>>
      tpu.wait_dma2 semaphore(%arg24 : memref<!tpu.dma_semaphore, #tpu.memory_space<semaphore_mem>>) src(%dma_wait3A_135 : memref<128xi32, #tpu.memory_space<hbm>>) dst(%arg9 : memref<128xi32, #tpu.memory_space<vmem>>)
      %dma_wait3A_136 = arith.constant 0 : i32
      %dma_wait3A_137 = tpu.memref_slice %arg2[%dma_wait3A_136] : memref<323584xi32, #tpu.memory_space<hbm>> -> memref<128xi32, #tpu.memory_space<hbm>>
      %dma_wait3A_138 = arith.constant 0 : i32
      %dma_wait3A_139 = tpu.memref_slice %arg2[%dma_wait3A_138] : memref<323584xi32, #tpu.memory_space<hbm>> -> memref<128xi32, #tpu.memory_space<hbm>>
      tpu.wait_dma2 semaphore(%arg24 : memref<!tpu.dma_semaphore, #tpu.memory_space<semaphore_mem>>) src(%dma_wait3A_139 : memref<128xi32, #tpu.memory_space<hbm>>) dst(%arg12 : memref<128xi32, #tpu.memory_space<vmem>>)
      %dma_start3A_140 = arith.constant 0 : i32
      %dma_start3A_141 = arith.constant 0 : i32
      %dma_start3A_142 = tpu.memref_slice %arg4[%dma_start3A_140, %dma_start3A_141] : memref<10000x112xf32, #tpu.memory_space<hbm>> -> memref<10000x112xf32, #tpu.memory_space<hbm>>
      tpu.enqueue_indirect_dma source(%dma_start3A_142 : memref<10000x112xf32, #tpu.memory_space<hbm>>) target(%arg15 : memref<128x112xf32, #tpu.memory_space<vmem>>) offsets(%arg9 : memref<128xi32, #tpu.memory_space<vmem>>) semaphore(%arg18 : memref<!tpu.dma_semaphore, #tpu.memory_space<semaphore_mem>>)
      %convert_element_type3A_143 = arith.extui %gt3A_96 : i1 to i32
      %cond3A_144 = arith.constant 0 : i32
      %cond3A_145 = arith.cmpi ne, %convert_element_type3A_143, %cond3A_144 : i32
      scf.if %cond3A_145 {
        %dma_wait3A_209 = arith.constant 0 : i32
        %dma_wait3A_210 = arith.constant 0 : i32
        %dma_wait3A_211 = tpu.memref_slice %arg26[%dma_wait3A_209, %dma_wait3A_210] : memref<10112x112xf32, #tpu.memory_space<vmem_shared>> -> memref<10112x112xf32, #tpu.memory_space<vmem_shared>>
        tpu.wait_indirect_dma semaphore(%arg22 : memref<!tpu.dma_semaphore, #tpu.memory_space<semaphore_mem>>) src(%arg16 : memref<128x112xf32, #tpu.memory_space<vmem>>) dst(%dma_wait3A_211 : memref<10112x112xf32, #tpu.memory_space<vmem_shared>>)
      } else {
      }
      %add3A_146 = arith.constant 1 : i32
      %add3A_147 = arith.addi %add3A_131, %add3A_146 : i32
      %mul3A_148 = arith.constant 128 : i32
      %mul3A_149 = arith.muli %add3A_147, %mul3A_148 : i32
      %add3A_150 = arith.addi %mul3A_10, %mul3A_149 : i32
      %dma_start3A_151 = tpu.memref_slice %arg2[%add3A_150] : memref<323584xi32, #tpu.memory_space<hbm>> -> memref<128xi32, #tpu.memory_space<hbm>>
      %dma_start3A_152 = tpu.memref_slice %arg2[%add3A_150] : memref<323584xi32, #tpu.memory_space<hbm>> -> memref<128xi32, #tpu.memory_space<hbm>>
      tpu.enqueue_dma source(%dma_start3A_152 : memref<128xi32, #tpu.memory_space<hbm>>) target(%arg10 : memref<128xi32, #tpu.memory_space<vmem>>) target_semaphore(%arg25 : memref<!tpu.dma_semaphore, #tpu.memory_space<semaphore_mem>>)
      %mul3A_153 = arith.constant 128 : i32
      %mul3A_154 = arith.muli %add3A_147, %mul3A_153 : i32
      %add3A_155 = arith.addi %mul3A_10, %mul3A_154 : i32
      %dma_start3A_156 = tpu.memref_slice %arg3[%add3A_155] : memref<323584xi32, #tpu.memory_space<hbm>> -> memref<128xi32, #tpu.memory_space<hbm>>
      %dma_start3A_157 = tpu.memref_slice %arg3[%add3A_155] : memref<323584xi32, #tpu.memory_space<hbm>> -> memref<128xi32, #tpu.memory_space<hbm>>
      tpu.enqueue_dma source(%dma_start3A_157 : memref<128xi32, #tpu.memory_space<hbm>>) target(%arg13 : memref<128xi32, #tpu.memory_space<vmem>>) target_semaphore(%arg25 : memref<!tpu.dma_semaphore, #tpu.memory_space<semaphore_mem>>)
      %cond3A_158 = arith.constant 1 : i32
      %dma_wait3A_159 = arith.constant 0 : i32
      %dma_wait3A_160 = arith.constant 0 : i32
      %dma_wait3A_161 = tpu.memref_slice %arg4[%dma_wait3A_159, %dma_wait3A_160] : memref<10000x112xf32, #tpu.memory_space<hbm>> -> memref<128x112xf32, #tpu.memory_space<hbm>>
      %dma_wait3A_162 = arith.constant 0 : i32
      %dma_wait3A_163 = arith.constant 0 : i32
      %dma_wait3A_164 = tpu.memref_slice %arg4[%dma_wait3A_162, %dma_wait3A_163] : memref<10000x112xf32, #tpu.memory_space<hbm>> -> memref<128x112xf32, #tpu.memory_space<hbm>>
      tpu.wait_dma2 semaphore(%arg17 : memref<!tpu.dma_semaphore, #tpu.memory_space<semaphore_mem>>) src(%dma_wait3A_164 : memref<128x112xf32, #tpu.memory_space<hbm>>) dst(%arg14 : memref<128x112xf32, #tpu.memory_space<vmem>>)
      %dma_start3A_165 = arith.constant 0 : i32
      %dma_start3A_166 = arith.constant 0 : i32
      %dma_start3A_167 = tpu.memref_slice %arg26[%dma_start3A_165, %dma_start3A_166] : memref<10112x112xf32, #tpu.memory_space<vmem_shared>> -> memref<10112x112xf32, #tpu.memory_space<vmem_shared>>
      tpu.enqueue_indirect_dma source(%arg14 : memref<128x112xf32, #tpu.memory_space<vmem>>) target(%dma_start3A_167 : memref<10112x112xf32, #tpu.memory_space<vmem_shared>>) offsets(%arg11 : memref<128xi32, #tpu.memory_space<vmem>>) semaphore(%arg20 : memref<!tpu.dma_semaphore, #tpu.memory_space<semaphore_mem>>) {add = true}
      %mul3A_168 = arith.constant 3 : i32
      %mul3A_169 = arith.muli %mul3A_168, %while3A_95 : i32
      %add3A_170 = arith.constant 2 : i32
      %add3A_171 = arith.addi %mul3A_169, %add3A_170 : i32
      %dma_wait3A_172 = arith.constant 0 : i32
      %dma_wait3A_173 = tpu.memref_slice %arg2[%dma_wait3A_172] : memref<323584xi32, #tpu.memory_space<hbm>> -> memref<128xi32, #tpu.memory_space<hbm>>
      %dma_wait3A_174 = arith.constant 0 : i32
      %dma_wait3A_175 = tpu.memref_slice %arg2[%dma_wait3A_174] : memref<323584xi32, #tpu.memory_space<hbm>> -> memref<128xi32, #tpu.memory_space<hbm>>
      tpu.wait_dma2 semaphore(%arg25 : memref<!tpu.dma_semaphore, #tpu.memory_space<semaphore_mem>>) src(%dma_wait3A_175 : memref<128xi32, #tpu.memory_space<hbm>>) dst(%arg10 : memref<128xi32, #tpu.memory_space<vmem>>)
      %dma_wait3A_176 = arith.constant 0 : i32
      %dma_wait3A_177 = tpu.memref_slice %arg2[%dma_wait3A_176] : memref<323584xi32, #tpu.memory_space<hbm>> -> memref<128xi32, #tpu.memory_space<hbm>>
      %dma_wait3A_178 = arith.constant 0 : i32
      %dma_wait3A_179 = tpu.memref_slice %arg2[%dma_wait3A_178] : memref<323584xi32, #tpu.memory_space<hbm>> -> memref<128xi32, #tpu.memory_space<hbm>>
      tpu.wait_dma2 semaphore(%arg25 : memref<!tpu.dma_semaphore, #tpu.memory_space<semaphore_mem>>) src(%dma_wait3A_179 : memref<128xi32, #tpu.memory_space<hbm>>) dst(%arg13 : memref<128xi32, #tpu.memory_space<vmem>>)
      %dma_start3A_180 = arith.constant 0 : i32
      %dma_start3A_181 = arith.constant 0 : i32
      %dma_start3A_182 = tpu.memref_slice %arg4[%dma_start3A_180, %dma_start3A_181] : memref<10000x112xf32, #tpu.memory_space<hbm>> -> memref<10000x112xf32, #tpu.memory_space<hbm>>
      tpu.enqueue_indirect_dma source(%dma_start3A_182 : memref<10000x112xf32, #tpu.memory_space<hbm>>) target(%arg16 : memref<128x112xf32, #tpu.memory_space<vmem>>) offsets(%arg10 : memref<128xi32, #tpu.memory_space<vmem>>) semaphore(%arg19 : memref<!tpu.dma_semaphore, #tpu.memory_space<semaphore_mem>>)
      %cond3A_183 = arith.constant 1 : i32
      %dma_wait3A_184 = arith.constant 0 : i32
      %dma_wait3A_185 = arith.constant 0 : i32
      %dma_wait3A_186 = tpu.memref_slice %arg26[%dma_wait3A_184, %dma_wait3A_185] : memref<10112x112xf32, #tpu.memory_space<vmem_shared>> -> memref<10112x112xf32, #tpu.memory_space<vmem_shared>>
      tpu.wait_indirect_dma semaphore(%arg20 : memref<!tpu.dma_semaphore, #tpu.memory_space<semaphore_mem>>) src(%arg14 : memref<128x112xf32, #tpu.memory_space<vmem>>) dst(%dma_wait3A_186 : memref<10112x112xf32, #tpu.memory_space<vmem_shared>>)
      %add3A_187 = arith.constant 1 : i32
      %add3A_188 = arith.addi %add3A_171, %add3A_187 : i32
      %mul3A_189 = arith.constant 128 : i32
      %mul3A_190 = arith.muli %add3A_188, %mul3A_189 : i32
      %add3A_191 = arith.addi %mul3A_10, %mul3A_190 : i32
      %dma_start3A_192 = tpu.memref_slice %arg2[%add3A_191] : memref<323584xi32, #tpu.memory_space<hbm>> -> memref<128xi32, #tpu.memory_space<hbm>>
      %dma_start3A_193 = tpu.memref_slice %arg2[%add3A_191] : memref<323584xi32, #tpu.memory_space<hbm>> -> memref<128xi32, #tpu.memory_space<hbm>>
      tpu.enqueue_dma source(%dma_start3A_193 : memref<128xi32, #tpu.memory_space<hbm>>) target(%arg8 : memref<128xi32, #tpu.memory_space<vmem>>) target_semaphore(%arg23 : memref<!tpu.dma_semaphore, #tpu.memory_space<semaphore_mem>>)
      %mul3A_194 = arith.constant 128 : i32
      %mul3A_195 = arith.muli %add3A_188, %mul3A_194 : i32
      %add3A_196 = arith.addi %mul3A_10, %mul3A_195 : i32
      %dma_start3A_197 = tpu.memref_slice %arg3[%add3A_196] : memref<323584xi32, #tpu.memory_space<hbm>> -> memref<128xi32, #tpu.memory_space<hbm>>
      %dma_start3A_198 = tpu.memref_slice %arg3[%add3A_196] : memref<323584xi32, #tpu.memory_space<hbm>> -> memref<128xi32, #tpu.memory_space<hbm>>
      tpu.enqueue_dma source(%dma_start3A_198 : memref<128xi32, #tpu.memory_space<hbm>>) target(%arg11 : memref<128xi32, #tpu.memory_space<vmem>>) target_semaphore(%arg23 : memref<!tpu.dma_semaphore, #tpu.memory_space<semaphore_mem>>)
      %cond3A_199 = arith.constant 1 : i32
      %dma_wait3A_200 = arith.constant 0 : i32
      %dma_wait3A_201 = arith.constant 0 : i32
      %dma_wait3A_202 = tpu.memref_slice %arg4[%dma_wait3A_200, %dma_wait3A_201] : memref<10000x112xf32, #tpu.memory_space<hbm>> -> memref<128x112xf32, #tpu.memory_space<hbm>>
      %dma_wait3A_203 = arith.constant 0 : i32
      %dma_wait3A_204 = arith.constant 0 : i32
      %dma_wait3A_205 = tpu.memref_slice %arg4[%dma_wait3A_203, %dma_wait3A_204] : memref<10000x112xf32, #tpu.memory_space<hbm>> -> memref<128x112xf32, #tpu.memory_space<hbm>>
      tpu.wait_dma2 semaphore(%arg18 : memref<!tpu.dma_semaphore, #tpu.memory_space<semaphore_mem>>) src(%dma_wait3A_205 : memref<128x112xf32, #tpu.memory_space<hbm>>) dst(%arg15 : memref<128x112xf32, #tpu.memory_space<vmem>>)
      %dma_start3A_206 = arith.constant 0 : i32
      %dma_start3A_207 = arith.constant 0 : i32
      %dma_start3A_208 = tpu.memref_slice %arg26[%dma_start3A_206, %dma_start3A_207] : memref<10112x112xf32, #tpu.memory_space<vmem_shared>> -> memref<10112x112xf32, #tpu.memory_space<vmem_shared>>
      tpu.enqueue_indirect_dma source(%arg15 : memref<128x112xf32, #tpu.memory_space<vmem>>) target(%dma_start3A_208 : memref<10112x112xf32, #tpu.memory_space<vmem_shared>>) offsets(%arg12 : memref<128xi32, #tpu.memory_space<vmem>>) semaphore(%arg21 : memref<!tpu.dma_semaphore, #tpu.memory_space<semaphore_mem>>) {add = true}
    }
    %while3A_48 = arith.constant 1 : i32
    scf.for %while3A_95 = %while3A_46 to %while3A_42 step %while3A_48  : i32 {
      %gt3A = arith.constant 0 : i32
      %gt3A_96 = arith.cmpi sgt, %while3A_95, %gt3A : i32
      %mul3A_97 = arith.constant 3 : i32
      %mul3A_98 = arith.muli %mul3A_97, %while3A_95 : i32
      %dma_wait3A_99 = arith.constant 0 : i32
      %dma_wait3A_100 = tpu.memref_slice %arg2[%dma_wait3A_99] : memref<323584xi32, #tpu.memory_space<hbm>> -> memref<128xi32, #tpu.memory_space<hbm>>
      %dma_wait3A_101 = arith.constant 0 : i32
      %dma_wait3A_102 = tpu.memref_slice %arg2[%dma_wait3A_101] : memref<323584xi32, #tpu.memory_space<hbm>> -> memref<128xi32, #tpu.memory_space<hbm>>
      tpu.wait_dma2 semaphore(%arg23 : memref<!tpu.dma_semaphore, #tpu.memory_space<semaphore_mem>>) src(%dma_wait3A_102 : memref<128xi32, #tpu.memory_space<hbm>>) dst(%arg8 : memref<128xi32, #tpu.memory_space<vmem>>)
      %dma_wait3A_103 = arith.constant 0 : i32
      %dma_wait3A_104 = tpu.memref_slice %arg2[%dma_wait3A_103] : memref<323584xi32, #tpu.memory_space<hbm>> -> memref<128xi32, #tpu.memory_space<hbm>>
      %dma_wait3A_105 = arith.constant 0 : i32
      %dma_wait3A_106 = tpu.memref_slice %arg2[%dma_wait3A_105] : memref<323584xi32, #tpu.memory_space<hbm>> -> memref<128xi32, #tpu.memory_space<hbm>>
      tpu.wait_dma2 semaphore(%arg23 : memref<!tpu.dma_semaphore, #tpu.memory_space<semaphore_mem>>) src(%dma_wait3A_106 : memref<128xi32, #tpu.memory_space<hbm>>) dst(%arg11 : memref<128xi32, #tpu.memory_space<vmem>>)
      %dma_start3A_107 = arith.constant 0 : i32
      %dma_start3A_108 = arith.constant 0 : i32
      %dma_start3A_109 = tpu.memref_slice %arg4[%dma_start3A_107, %dma_start3A_108] : memref<10000x112xf32, #tpu.memory_space<hbm>> -> memref<10000x112xf32, #tpu.memory_space<hbm>>
      tpu.enqueue_indirect_dma source(%dma_start3A_109 : memref<10000x112xf32, #tpu.memory_space<hbm>>) target(%arg14 : memref<128x112xf32, #tpu.memory_space<vmem>>) offsets(%arg8 : memref<128xi32, #tpu.memory_space<vmem>>) semaphore(%arg17 : memref<!tpu.dma_semaphore, #tpu.memory_space<semaphore_mem>>)
      %convert_element_type3A_110 = arith.extui %gt3A_96 : i1 to i32
      %cond3A_111 = arith.constant 0 : i32
      %cond3A_112 = arith.cmpi ne, %convert_element_type3A_110, %cond3A_111 : i32
      scf.if %cond3A_112 {
        %dma_wait3A_209 = arith.constant 0 : i32
        %dma_wait3A_210 = arith.constant 0 : i32
        %dma_wait3A_211 = tpu.memref_slice %arg26[%dma_wait3A_209, %dma_wait3A_210] : memref<10112x112xf32, #tpu.memory_space<vmem_shared>> -> memref<10112x112xf32, #tpu.memory_space<vmem_shared>>
        tpu.wait_indirect_dma semaphore(%arg21 : memref<!tpu.dma_semaphore, #tpu.memory_space<semaphore_mem>>) src(%arg15 : memref<128x112xf32, #tpu.memory_space<vmem>>) dst(%dma_wait3A_211 : memref<10112x112xf32, #tpu.memory_space<vmem_shared>>)
      } else {
      }
      %add3A_113 = arith.constant 1 : i32
      %add3A_114 = arith.addi %mul3A_98, %add3A_113 : i32
      %mul3A_115 = arith.constant 128 : i32
      %mul3A_116 = arith.muli %add3A_114, %mul3A_115 : i32
      %add3A_117 = arith.addi %mul3A_10, %mul3A_116 : i32
      %dma_start3A_118 = tpu.memref_slice %arg2[%add3A_117] : memref<323584xi32, #tpu.memory_space<hbm>> -> memref<128xi32, #tpu.memory_space<hbm>>
      %dma_start3A_119 = tpu.memref_slice %arg2[%add3A_117] : memref<323584xi32, #tpu.memory_space<hbm>> -> memref<128xi32, #tpu.memory_space<hbm>>
      tpu.enqueue_dma source(%dma_start3A_119 : memref<128xi32, #tpu.memory_space<hbm>>) target(%arg9 : memref<128xi32, #tpu.memory_space<vmem>>) target_semaphore(%arg24 : memref<!tpu.dma_semaphore, #tpu.memory_space<semaphore_mem>>)
      %mul3A_120 = arith.constant 128 : i32
      %mul3A_121 = arith.muli %add3A_114, %mul3A_120 : i32
      %add3A_122 = arith.addi %mul3A_10, %mul3A_121 : i32
      %dma_start3A_123 = tpu.memref_slice %arg3[%add3A_122] : memref<323584xi32, #tpu.memory_space<hbm>> -> memref<128xi32, #tpu.memory_space<hbm>>
      %dma_start3A_124 = tpu.memref_slice %arg3[%add3A_122] : memref<323584xi32, #tpu.memory_space<hbm>> -> memref<128xi32, #tpu.memory_space<hbm>>
      tpu.enqueue_dma source(%dma_start3A_124 : memref<128xi32, #tpu.memory_space<hbm>>) target(%arg12 : memref<128xi32, #tpu.memory_space<vmem>>) target_semaphore(%arg24 : memref<!tpu.dma_semaphore, #tpu.memory_space<semaphore_mem>>)
      %convert_element_type3A_125 = arith.extui %gt3A_96 : i1 to i32
      %cond3A_126 = arith.constant 0 : i32
      %cond3A_127 = arith.cmpi ne, %convert_element_type3A_125, %cond3A_126 : i32
      scf.if %cond3A_127 {
        %dma_wait3A_209 = arith.constant 0 : i32
        %dma_wait3A_210 = arith.constant 0 : i32
        %dma_wait3A_211 = tpu.memref_slice %arg4[%dma_wait3A_209, %dma_wait3A_210] : memref<10000x112xf32, #tpu.memory_space<hbm>> -> memref<128x112xf32, #tpu.memory_space<hbm>>
        %dma_wait3A_212 = arith.constant 0 : i32
        %dma_wait3A_213 = arith.constant 0 : i32
        %dma_wait3A_214 = tpu.memref_slice %arg4[%dma_wait3A_212, %dma_wait3A_213] : memref<10000x112xf32, #tpu.memory_space<hbm>> -> memref<128x112xf32, #tpu.memory_space<hbm>>
        tpu.wait_dma2 semaphore(%arg19 : memref<!tpu.dma_semaphore, #tpu.memory_space<semaphore_mem>>) src(%dma_wait3A_214 : memref<128x112xf32, #tpu.memory_space<hbm>>) dst(%arg16 : memref<128x112xf32, #tpu.memory_space<vmem>>)
        %dma_start3A_215 = arith.constant 0 : i32
        %dma_start3A_216 = arith.constant 0 : i32
        %dma_start3A_217 = tpu.memref_slice %arg26[%dma_start3A_215, %dma_start3A_216] : memref<10112x112xf32, #tpu.memory_space<vmem_shared>> -> memref<10112x112xf32, #tpu.memory_space<vmem_shared>>
        tpu.enqueue_indirect_dma source(%arg16 : memref<128x112xf32, #tpu.memory_space<vmem>>) target(%dma_start3A_217 : memref<10112x112xf32, #tpu.memory_space<vmem_shared>>) offsets(%arg13 : memref<128xi32, #tpu.memory_space<vmem>>) semaphore(%arg22 : memref<!tpu.dma_semaphore, #tpu.memory_space<semaphore_mem>>) {add = true}
      } else {
      }
      %mul3A_128 = arith.constant 3 : i32
      %mul3A_129 = arith.muli %mul3A_128, %while3A_95 : i32
      %add3A_130 = arith.constant 1 : i32
      %add3A_131 = arith.addi %mul3A_129, %add3A_130 : i32
      %dma_wait3A_132 = arith.constant 0 : i32
      %dma_wait3A_133 = tpu.memref_slice %arg2[%dma_wait3A_132] : memref<323584xi32, #tpu.memory_space<hbm>> -> memref<128xi32, #tpu.memory_space<hbm>>
      %dma_wait3A_134 = arith.constant 0 : i32
      %dma_wait3A_135 = tpu.memref_slice %arg2[%dma_wait3A_134] : memref<323584xi32, #tpu.memory_space<hbm>> -> memref<128xi32, #tpu.memory_space<hbm>>
      tpu.wait_dma2 semaphore(%arg24 : memref<!tpu.dma_semaphore, #tpu.memory_space<semaphore_mem>>) src(%dma_wait3A_135 : memref<128xi32, #tpu.memory_space<hbm>>) dst(%arg9 : memref<128xi32, #tpu.memory_space<vmem>>)
      %dma_wait3A_136 = arith.constant 0 : i32
      %dma_wait3A_137 = tpu.memref_slice %arg2[%dma_wait3A_136] : memref<323584xi32, #tpu.memory_space<hbm>> -> memref<128xi32, #tpu.memory_space<hbm>>
      %dma_wait3A_138 = arith.constant 0 : i32
      %dma_wait3A_139 = tpu.memref_slice %arg2[%dma_wait3A_138] : memref<323584xi32, #tpu.memory_space<hbm>> -> memref<128xi32, #tpu.memory_space<hbm>>
      tpu.wait_dma2 semaphore(%arg24 : memref<!tpu.dma_semaphore, #tpu.memory_space<semaphore_mem>>) src(%dma_wait3A_139 : memref<128xi32, #tpu.memory_space<hbm>>) dst(%arg12 : memref<128xi32, #tpu.memory_space<vmem>>)
      %dma_start3A_140 = arith.constant 0 : i32
      %dma_start3A_141 = arith.constant 0 : i32
      %dma_start3A_142 = tpu.memref_slice %arg4[%dma_start3A_140, %dma_start3A_141] : memref<10000x112xf32, #tpu.memory_space<hbm>> -> memref<10000x112xf32, #tpu.memory_space<hbm>>
      tpu.enqueue_indirect_dma source(%dma_start3A_142 : memref<10000x112xf32, #tpu.memory_space<hbm>>) target(%arg15 : memref<128x112xf32, #tpu.memory_space<vmem>>) offsets(%arg9 : memref<128xi32, #tpu.memory_space<vmem>>) semaphore(%arg18 : memref<!tpu.dma_semaphore, #tpu.memory_space<semaphore_mem>>)
      %convert_element_type3A_143 = arith.extui %gt3A_96 : i1 to i32
      %cond3A_144 = arith.constant 0 : i32
      %cond3A_145 = arith.cmpi ne, %convert_element_type3A_143, %cond3A_144 : i32
      scf.if %cond3A_145 {
        %dma_wait3A_209 = arith.constant 0 : i32
        %dma_wait3A_210 = arith.constant 0 : i32
        %dma_wait3A_211 = tpu.memref_slice %arg26[%dma_wait3A_209, %dma_wait3A_210] : memref<10112x112xf32, #tpu.memory_space<vmem_shared>> -> memref<10112x112xf32, #tpu.memory_space<vmem_shared>>
        tpu.wait_indirect_dma semaphore(%arg22 : memref<!tpu.dma_semaphore, #tpu.memory_space<semaphore_mem>>) src(%arg16 : memref<128x112xf32, #tpu.memory_space<vmem>>) dst(%dma_wait3A_211 : memref<10112x112xf32, #tpu.memory_space<vmem_shared>>)
      } else {
      }
      %add3A_146 = arith.constant 1 : i32
      %add3A_147 = arith.addi %add3A_131, %add3A_146 : i32
      %mul3A_148 = arith.constant 128 : i32
      %mul3A_149 = arith.muli %add3A_147, %mul3A_148 : i32
      %add3A_150 = arith.addi %mul3A_10, %mul3A_149 : i32
      %dma_start3A_151 = tpu.memref_slice %arg2[%add3A_150] : memref<323584xi32, #tpu.memory_space<hbm>> -> memref<128xi32, #tpu.memory_space<hbm>>
      %dma_start3A_152 = tpu.memref_slice %arg2[%add3A_150] : memref<323584xi32, #tpu.memory_space<hbm>> -> memref<128xi32, #tpu.memory_space<hbm>>
      tpu.enqueue_dma source(%dma_start3A_152 : memref<128xi32, #tpu.memory_space<hbm>>) target(%arg10 : memref<128xi32, #tpu.memory_space<vmem>>) target_semaphore(%arg25 : memref<!tpu.dma_semaphore, #tpu.memory_space<semaphore_mem>>)
      %mul3A_153 = arith.constant 128 : i32
      %mul3A_154 = arith.muli %add3A_147, %mul3A_153 : i32
      %add3A_155 = arith.addi %mul3A_10, %mul3A_154 : i32
      %dma_start3A_156 = tpu.memref_slice %arg3[%add3A_155] : memref<323584xi32, #tpu.memory_space<hbm>> -> memref<128xi32, #tpu.memory_space<hbm>>
      %dma_start3A_157 = tpu.memref_slice %arg3[%add3A_155] : memref<323584xi32, #tpu.memory_space<hbm>> -> memref<128xi32, #tpu.memory_space<hbm>>
      tpu.enqueue_dma source(%dma_start3A_157 : memref<128xi32, #tpu.memory_space<hbm>>) target(%arg13 : memref<128xi32, #tpu.memory_space<vmem>>) target_semaphore(%arg25 : memref<!tpu.dma_semaphore, #tpu.memory_space<semaphore_mem>>)
      %cond3A_158 = arith.constant 1 : i32
      %dma_wait3A_159 = arith.constant 0 : i32
      %dma_wait3A_160 = arith.constant 0 : i32
      %dma_wait3A_161 = tpu.memref_slice %arg4[%dma_wait3A_159, %dma_wait3A_160] : memref<10000x112xf32, #tpu.memory_space<hbm>> -> memref<128x112xf32, #tpu.memory_space<hbm>>
      %dma_wait3A_162 = arith.constant 0 : i32
      %dma_wait3A_163 = arith.constant 0 : i32
      %dma_wait3A_164 = tpu.memref_slice %arg4[%dma_wait3A_162, %dma_wait3A_163] : memref<10000x112xf32, #tpu.memory_space<hbm>> -> memref<128x112xf32, #tpu.memory_space<hbm>>
      tpu.wait_dma2 semaphore(%arg17 : memref<!tpu.dma_semaphore, #tpu.memory_space<semaphore_mem>>) src(%dma_wait3A_164 : memref<128x112xf32, #tpu.memory_space<hbm>>) dst(%arg14 : memref<128x112xf32, #tpu.memory_space<vmem>>)
      %dma_start3A_165 = arith.constant 0 : i32
      %dma_start3A_166 = arith.constant 0 : i32
      %dma_start3A_167 = tpu.memref_slice %arg26[%dma_start3A_165, %dma_start3A_166] : memref<10112x112xf32, #tpu.memory_space<vmem_shared>> -> memref<10112x112xf32, #tpu.memory_space<vmem_shared>>
      tpu.enqueue_indirect_dma source(%arg14 : memref<128x112xf32, #tpu.memory_space<vmem>>) target(%dma_start3A_167 : memref<10112x112xf32, #tpu.memory_space<vmem_shared>>) offsets(%arg11 : memref<128xi32, #tpu.memory_space<vmem>>) semaphore(%arg20 : memref<!tpu.dma_semaphore, #tpu.memory_space<semaphore_mem>>) {add = true}
      %mul3A_168 = arith.constant 3 : i32
      %mul3A_169 = arith.muli %mul3A_168, %while3A_95 : i32
      %add3A_170 = arith.constant 2 : i32
      %add3A_171 = arith.addi %mul3A_169, %add3A_170 : i32
      %dma_wait3A_172 = arith.constant 0 : i32
      %dma_wait3A_173 = tpu.memref_slice %arg2[%dma_wait3A_172] : memref<323584xi32, #tpu.memory_space<hbm>> -> memref<128xi32, #tpu.memory_space<hbm>>
      %dma_wait3A_174 = arith.constant 0 : i32
      %dma_wait3A_175 = tpu.memref_slice %arg2[%dma_wait3A_174] : memref<323584xi32, #tpu.memory_space<hbm>> -> memref<128xi32, #tpu.memory_space<hbm>>
      tpu.wait_dma2 semaphore(%arg25 : memref<!tpu.dma_semaphore, #tpu.memory_space<semaphore_mem>>) src(%dma_wait3A_175 : memref<128xi32, #tpu.memory_space<hbm>>) dst(%arg10 : memref<128xi32, #tpu.memory_space<vmem>>)
      %dma_wait3A_176 = arith.constant 0 : i32
      %dma_wait3A_177 = tpu.memref_slice %arg2[%dma_wait3A_176] : memref<323584xi32, #tpu.memory_space<hbm>> -> memref<128xi32, #tpu.memory_space<hbm>>
      %dma_wait3A_178 = arith.constant 0 : i32
      %dma_wait3A_179 = tpu.memref_slice %arg2[%dma_wait3A_178] : memref<323584xi32, #tpu.memory_space<hbm>> -> memref<128xi32, #tpu.memory_space<hbm>>
      tpu.wait_dma2 semaphore(%arg25 : memref<!tpu.dma_semaphore, #tpu.memory_space<semaphore_mem>>) src(%dma_wait3A_179 : memref<128xi32, #tpu.memory_space<hbm>>) dst(%arg13 : memref<128xi32, #tpu.memory_space<vmem>>)
      %dma_start3A_180 = arith.constant 0 : i32
      %dma_start3A_181 = arith.constant 0 : i32
      %dma_start3A_182 = tpu.memref_slice %arg4[%dma_start3A_180, %dma_start3A_181] : memref<10000x112xf32, #tpu.memory_space<hbm>> -> memref<10000x112xf32, #tpu.memory_space<hbm>>
      tpu.enqueue_indirect_dma source(%dma_start3A_182 : memref<10000x112xf32, #tpu.memory_space<hbm>>) target(%arg16 : memref<128x112xf32, #tpu.memory_space<vmem>>) offsets(%arg10 : memref<128xi32, #tpu.memory_space<vmem>>) semaphore(%arg19 : memref<!tpu.dma_semaphore, #tpu.memory_space<semaphore_mem>>)
      %cond3A_183 = arith.constant 1 : i32
      %dma_wait3A_184 = arith.constant 0 : i32
      %dma_wait3A_185 = arith.constant 0 : i32
      %dma_wait3A_186 = tpu.memref_slice %arg26[%dma_wait3A_184, %dma_wait3A_185] : memref<10112x112xf32, #tpu.memory_space<vmem_shared>> -> memref<10112x112xf32, #tpu.memory_space<vmem_shared>>
      tpu.wait_indirect_dma semaphore(%arg20 : memref<!tpu.dma_semaphore, #tpu.memory_space<semaphore_mem>>) src(%arg14 : memref<128x112xf32, #tpu.memory_space<vmem>>) dst(%dma_wait3A_186 : memref<10112x112xf32, #tpu.memory_space<vmem_shared>>)
      %add3A_187 = arith.constant 1 : i32
      %add3A_188 = arith.addi %add3A_171, %add3A_187 : i32
      %mul3A_189 = arith.constant 128 : i32
      %mul3A_190 = arith.muli %add3A_188, %mul3A_189 : i32
      %add3A_191 = arith.addi %mul3A_10, %mul3A_190 : i32
      %dma_start3A_192 = tpu.memref_slice %arg2[%add3A_191] : memref<323584xi32, #tpu.memory_space<hbm>> -> memref<128xi32, #tpu.memory_space<hbm>>
      %dma_start3A_193 = tpu.memref_slice %arg2[%add3A_191] : memref<323584xi32, #tpu.memory_space<hbm>> -> memref<128xi32, #tpu.memory_space<hbm>>
      tpu.enqueue_dma source(%dma_start3A_193 : memref<128xi32, #tpu.memory_space<hbm>>) target(%arg8 : memref<128xi32, #tpu.memory_space<vmem>>) target_semaphore(%arg23 : memref<!tpu.dma_semaphore, #tpu.memory_space<semaphore_mem>>)
      %mul3A_194 = arith.constant 128 : i32
      %mul3A_195 = arith.muli %add3A_188, %mul3A_194 : i32
      %add3A_196 = arith.addi %mul3A_10, %mul3A_195 : i32
      %dma_start3A_197 = tpu.memref_slice %arg3[%add3A_196] : memref<323584xi32, #tpu.memory_space<hbm>> -> memref<128xi32, #tpu.memory_space<hbm>>
      %dma_start3A_198 = tpu.memref_slice %arg3[%add3A_196] : memref<323584xi32, #tpu.memory_space<hbm>> -> memref<128xi32, #tpu.memory_space<hbm>>
      tpu.enqueue_dma source(%dma_start3A_198 : memref<128xi32, #tpu.memory_space<hbm>>) target(%arg11 : memref<128xi32, #tpu.memory_space<vmem>>) target_semaphore(%arg23 : memref<!tpu.dma_semaphore, #tpu.memory_space<semaphore_mem>>)
      %cond3A_199 = arith.constant 1 : i32
      %dma_wait3A_200 = arith.constant 0 : i32
      %dma_wait3A_201 = arith.constant 0 : i32
      %dma_wait3A_202 = tpu.memref_slice %arg4[%dma_wait3A_200, %dma_wait3A_201] : memref<10000x112xf32, #tpu.memory_space<hbm>> -> memref<128x112xf32, #tpu.memory_space<hbm>>
      %dma_wait3A_203 = arith.constant 0 : i32
      %dma_wait3A_204 = arith.constant 0 : i32
      %dma_wait3A_205 = tpu.memref_slice %arg4[%dma_wait3A_203, %dma_wait3A_204] : memref<10000x112xf32, #tpu.memory_space<hbm>> -> memref<128x112xf32, #tpu.memory_space<hbm>>
      tpu.wait_dma2 semaphore(%arg18 : memref<!tpu.dma_semaphore, #tpu.memory_space<semaphore_mem>>) src(%dma_wait3A_205 : memref<128x112xf32, #tpu.memory_space<hbm>>) dst(%arg15 : memref<128x112xf32, #tpu.memory_space<vmem>>)
      %dma_start3A_206 = arith.constant 0 : i32
      %dma_start3A_207 = arith.constant 0 : i32
      %dma_start3A_208 = tpu.memref_slice %arg26[%dma_start3A_206, %dma_start3A_207] : memref<10112x112xf32, #tpu.memory_space<vmem_shared>> -> memref<10112x112xf32, #tpu.memory_space<vmem_shared>>
      tpu.enqueue_indirect_dma source(%arg15 : memref<128x112xf32, #tpu.memory_space<vmem>>) target(%dma_start3A_208 : memref<10112x112xf32, #tpu.memory_space<vmem_shared>>) offsets(%arg12 : memref<128xi32, #tpu.memory_space<vmem>>) semaphore(%arg21 : memref<!tpu.dma_semaphore, #tpu.memory_space<semaphore_mem>>) {add = true}
    }
    %dma_wait3A = arith.constant 0 : i32
    %dma_wait3A_49 = tpu.memref_slice %arg2[%dma_wait3A] : memref<323584xi32, #tpu.memory_space<hbm>> -> memref<128xi32, #tpu.memory_space<hbm>>
    %dma_wait3A_50 = arith.constant 0 : i32
    %dma_wait3A_51 = tpu.memref_slice %arg2[%dma_wait3A_50] : memref<323584xi32, #tpu.memory_space<hbm>> -> memref<128xi32, #tpu.memory_space<hbm>>
    tpu.wait_dma2 semaphore(%arg23 : memref<!tpu.dma_semaphore, #tpu.memory_space<semaphore_mem>>) src(%dma_wait3A_51 : memref<128xi32, #tpu.memory_space<hbm>>) dst(%arg8 : memref<128xi32, #tpu.memory_space<vmem>>)
    %dma_wait3A_52 = arith.constant 0 : i32
    %dma_wait3A_53 = tpu.memref_slice %arg2[%dma_wait3A_52] : memref<323584xi32, #tpu.memory_space<hbm>> -> memref<128xi32, #tpu.memory_space<hbm>>
    %dma_wait3A_54 = arith.constant 0 : i32
    %dma_wait3A_55 = tpu.memref_slice %arg2[%dma_wait3A_54] : memref<323584xi32, #tpu.memory_space<hbm>> -> memref<128xi32, #tpu.memory_space<hbm>>
    tpu.wait_dma2 semaphore(%arg23 : memref<!tpu.dma_semaphore, #tpu.memory_space<semaphore_mem>>) src(%dma_wait3A_55 : memref<128xi32, #tpu.memory_space<hbm>>) dst(%arg11 : memref<128xi32, #tpu.memory_space<vmem>>)
    %dma_start3A_56 = arith.constant 0 : i32
    %dma_start3A_57 = arith.constant 0 : i32
    %dma_start3A_58 = tpu.memref_slice %arg4[%dma_start3A_56, %dma_start3A_57] : memref<10000x112xf32, #tpu.memory_space<hbm>> -> memref<10000x112xf32, #tpu.memory_space<hbm>>
    tpu.enqueue_indirect_dma source(%dma_start3A_58 : memref<10000x112xf32, #tpu.memory_space<hbm>>) target(%arg14 : memref<128x112xf32, #tpu.memory_space<vmem>>) offsets(%arg8 : memref<128xi32, #tpu.memory_space<vmem>>) semaphore(%arg17 : memref<!tpu.dma_semaphore, #tpu.memory_space<semaphore_mem>>)
    %dma_wait3A_59 = arith.constant 0 : i32
    %dma_wait3A_60 = arith.constant 0 : i32
    %dma_wait3A_61 = tpu.memref_slice %arg26[%dma_wait3A_59, %dma_wait3A_60] : memref<10112x112xf32, #tpu.memory_space<vmem_shared>> -> memref<10112x112xf32, #tpu.memory_space<vmem_shared>>
    tpu.wait_indirect_dma semaphore(%arg21 : memref<!tpu.dma_semaphore, #tpu.memory_space<semaphore_mem>>) src(%arg15 : memref<128x112xf32, #tpu.memory_space<vmem>>) dst(%dma_wait3A_61 : memref<10112x112xf32, #tpu.memory_space<vmem_shared>>)
    %dma_wait3A_62 = arith.constant 0 : i32
    %dma_wait3A_63 = arith.constant 0 : i32
    %dma_wait3A_64 = tpu.memref_slice %arg4[%dma_wait3A_62, %dma_wait3A_63] : memref<10000x112xf32, #tpu.memory_space<hbm>> -> memref<128x112xf32, #tpu.memory_space<hbm>>
    %dma_wait3A_65 = arith.constant 0 : i32
    %dma_wait3A_66 = arith.constant 0 : i32
    %dma_wait3A_67 = tpu.memref_slice %arg4[%dma_wait3A_65, %dma_wait3A_66] : memref<10000x112xf32, #tpu.memory_space<hbm>> -> memref<128x112xf32, #tpu.memory_space<hbm>>
    tpu.wait_dma2 semaphore(%arg19 : memref<!tpu.dma_semaphore, #tpu.memory_space<semaphore_mem>>) src(%dma_wait3A_67 : memref<128x112xf32, #tpu.memory_space<hbm>>) dst(%arg16 : memref<128x112xf32, #tpu.memory_space<vmem>>)
    %dma_start3A_68 = arith.constant 0 : i32
    %dma_start3A_69 = arith.constant 0 : i32
    %dma_start3A_70 = tpu.memref_slice %arg26[%dma_start3A_68, %dma_start3A_69] : memref<10112x112xf32, #tpu.memory_space<vmem_shared>> -> memref<10112x112xf32, #tpu.memory_space<vmem_shared>>
    tpu.enqueue_indirect_dma source(%arg16 : memref<128x112xf32, #tpu.memory_space<vmem>>) target(%dma_start3A_70 : memref<10112x112xf32, #tpu.memory_space<vmem_shared>>) offsets(%arg13 : memref<128xi32, #tpu.memory_space<vmem>>) semaphore(%arg22 : memref<!tpu.dma_semaphore, #tpu.memory_space<semaphore_mem>>) {add = true}
    %dma_wait3A_71 = arith.constant 0 : i32
    %dma_wait3A_72 = arith.constant 0 : i32
    %dma_wait3A_73 = tpu.memref_slice %arg4[%dma_wait3A_71, %dma_wait3A_72] : memref<10000x112xf32, #tpu.memory_space<hbm>> -> memref<128x112xf32, #tpu.memory_space<hbm>>
    %dma_wait3A_74 = arith.constant 0 : i32
    %dma_wait3A_75 = arith.constant 0 : i32
    %dma_wait3A_76 = tpu.memref_slice %arg4[%dma_wait3A_74, %dma_wait3A_75] : memref<10000x112xf32, #tpu.memory_space<hbm>> -> memref<128x112xf32, #tpu.memory_space<hbm>>
    tpu.wait_dma2 semaphore(%arg17 : memref<!tpu.dma_semaphore, #tpu.memory_space<semaphore_mem>>) src(%dma_wait3A_76 : memref<128x112xf32, #tpu.memory_space<hbm>>) dst(%arg14 : memref<128x112xf32, #tpu.memory_space<vmem>>)
    %dma_start3A_77 = arith.constant 0 : i32
    %dma_start3A_78 = arith.constant 0 : i32
    %dma_start3A_79 = tpu.memref_slice %arg26[%dma_start3A_77, %dma_start3A_78] : memref<10112x112xf32, #tpu.memory_space<vmem_shared>> -> memref<10112x112xf32, #tpu.memory_space<vmem_shared>>
    tpu.enqueue_indirect_dma source(%arg14 : memref<128x112xf32, #tpu.memory_space<vmem>>) target(%dma_start3A_79 : memref<10112x112xf32, #tpu.memory_space<vmem_shared>>) offsets(%arg11 : memref<128xi32, #tpu.memory_space<vmem>>) semaphore(%arg20 : memref<!tpu.dma_semaphore, #tpu.memory_space<semaphore_mem>>) {add = true}
    %dma_wait3A_80 = arith.constant 0 : i32
    %dma_wait3A_81 = arith.constant 0 : i32
    %dma_wait3A_82 = tpu.memref_slice %arg26[%dma_wait3A_80, %dma_wait3A_81] : memref<10112x112xf32, #tpu.memory_space<vmem_shared>> -> memref<10112x112xf32, #tpu.memory_space<vmem_shared>>
    tpu.wait_indirect_dma semaphore(%arg22 : memref<!tpu.dma_semaphore, #tpu.memory_space<semaphore_mem>>) src(%arg16 : memref<128x112xf32, #tpu.memory_space<vmem>>) dst(%dma_wait3A_82 : memref<10112x112xf32, #tpu.memory_space<vmem_shared>>)
    %dma_wait3A_83 = arith.constant 0 : i32
    %dma_wait3A_84 = arith.constant 0 : i32
    %dma_wait3A_85 = tpu.memref_slice %arg26[%dma_wait3A_83, %dma_wait3A_84] : memref<10112x112xf32, #tpu.memory_space<vmem_shared>> -> memref<10112x112xf32, #tpu.memory_space<vmem_shared>>
    tpu.wait_indirect_dma semaphore(%arg20 : memref<!tpu.dma_semaphore, #tpu.memory_space<semaphore_mem>>) src(%arg14 : memref<128x112xf32, #tpu.memory_space<vmem>>) dst(%dma_wait3A_85 : memref<10112x112xf32, #tpu.memory_space<vmem_shared>>)
    %barrier3A_86 = arith.constant 0 : index
    tpu.barrier barrier_id(%barrier3A_86)
    %eq3A_87 = arith.constant 0 : i32
    %eq3A_88 = arith.cmpi eq, %arg0, %eq3A_87 : i32
    %convert_element_type3A = arith.extui %eq3A_88 : i1 to i32
    %cond3A = arith.constant 0 : i32
    %cond3A_89 = arith.cmpi ne, %convert_element_type3A, %cond3A : i32
    scf.if %cond3A_89 {
      "tpu.region"() ({
        %run_scoped3A = tpu.sem_alloc : memref<!tpu.dma_semaphore, #tpu.memory_space<semaphore_mem>>
        %dma_start3A_95 = arith.constant 0 : i32
        %dma_start3A_96 = tpu.memref_slice %arg6[%mul3A_19, %dma_start3A_95] : memref<10112x112xf32, #tpu.memory_space<hbm>> -> memref<632x112xf32, #tpu.memory_space<hbm>>
        %dma_start3A_97 = arith.constant 0 : i32
        %dma_start3A_98 = tpu.memref_slice %arg26[%mul3A_19, %dma_start3A_97] : memref<10112x112xf32, #tpu.memory_space<vmem_shared>> -> memref<632x112xf32, #tpu.memory_space<vmem_shared>>
        tpu.enqueue_dma source(%dma_start3A_98 : memref<632x112xf32, #tpu.memory_space<vmem_shared>>) target(%dma_start3A_96 : memref<632x112xf32, #tpu.memory_space<hbm>>) target_semaphore(%run_scoped3A : memref<!tpu.dma_semaphore, #tpu.memory_space<semaphore_mem>>)
        %dma_wait3A_99 = arith.constant 0 : i32
        %dma_wait3A_100 = tpu.memref_slice %arg6[%mul3A_19, %dma_wait3A_99] : memref<10112x112xf32, #tpu.memory_space<hbm>> -> memref<632x112xf32, #tpu.memory_space<hbm>>
        %dma_wait3A_101 = arith.constant 0 : i32
        %dma_wait3A_102 = tpu.memref_slice %arg26[%mul3A_19, %dma_wait3A_101] : memref<10112x112xf32, #tpu.memory_space<vmem_shared>> -> memref<632x112xf32, #tpu.memory_space<vmem_shared>>
        tpu.wait_dma2 semaphore(%run_scoped3A : memref<!tpu.dma_semaphore, #tpu.memory_space<semaphore_mem>>) src(%dma_wait3A_102 : memref<632x112xf32, #tpu.memory_space<vmem_shared>>) dst(%dma_wait3A_100 : memref<632x112xf32, #tpu.memory_space<hbm>>)
        tpu.yield
      }) : () -> ()
    } else {
    }
    %eq3A_90 = arith.constant 1 : i32
    %eq3A_91 = arith.cmpi eq, %arg0, %eq3A_90 : i32
    %convert_element_type3A_92 = arith.extui %eq3A_91 : i1 to i32
    %cond3A_93 = arith.constant 0 : i32
    %cond3A_94 = arith.cmpi ne, %convert_element_type3A_92, %cond3A_93 : i32
    scf.if %cond3A_94 {
      "tpu.region"() ({
        %run_scoped3A = tpu.sem_alloc : memref<!tpu.dma_semaphore, #tpu.memory_space<semaphore_mem>>
        %dma_start3A_95 = arith.constant 0 : i32
        %dma_start3A_96 = tpu.memref_slice %arg7[%mul3A_19, %dma_start3A_95] : memref<10112x112xf32, #tpu.memory_space<hbm>> -> memref<632x112xf32, #tpu.memory_space<hbm>>
        %dma_start3A_97 = arith.constant 0 : i32
        %dma_start3A_98 = tpu.memref_slice %arg26[%mul3A_19, %dma_start3A_97] : memref<10112x112xf32, #tpu.memory_space<vmem_shared>> -> memref<632x112xf32, #tpu.memory_space<vmem_shared>>
        tpu.enqueue_dma source(%dma_start3A_98 : memref<632x112xf32, #tpu.memory_space<vmem_shared>>) target(%dma_start3A_96 : memref<632x112xf32, #tpu.memory_space<hbm>>) target_semaphore(%run_scoped3A : memref<!tpu.dma_semaphore, #tpu.memory_space<semaphore_mem>>)
        %dma_wait3A_99 = arith.constant 0 : i32
        %dma_wait3A_100 = tpu.memref_slice %arg7[%mul3A_19, %dma_wait3A_99] : memref<10112x112xf32, #tpu.memory_space<hbm>> -> memref<632x112xf32, #tpu.memory_space<hbm>>
        %dma_wait3A_101 = arith.constant 0 : i32
        %dma_wait3A_102 = tpu.memref_slice %arg26[%mul3A_19, %dma_wait3A_101] : memref<10112x112xf32, #tpu.memory_space<vmem_shared>> -> memref<632x112xf32, #tpu.memory_space<vmem_shared>>
        tpu.wait_dma2 semaphore(%run_scoped3A : memref<!tpu.dma_semaphore, #tpu.memory_space<semaphore_mem>>) src(%dma_wait3A_102 : memref<632x112xf32, #tpu.memory_space<vmem_shared>>) dst(%dma_wait3A_100 : memref<632x112xf32, #tpu.memory_space<hbm>>)
        tpu.yield
      }) : () -> ()
    } else {
    }
    return
  }
}

#map = affine_map<(d0, d1) -> (0)>
#map1 = affine_map<(d0, d1) -> (0, 0)>
module attributes {stable_mosaic.version = 14 : i64} {
  func.func @seg_sum(%arg0: i32, %arg1: i32, %arg2: memref<323584xi32, #tpu.memory_space<hbm>>, %arg3: memref<323584xi32, #tpu.memory_space<hbm>>, %arg4: memref<10000x112xf32, #tpu.memory_space<hbm>>, %arg5: memref<10112x112xf32, #tpu.memory_space<hbm>>, %arg6: memref<10112x112xf32, #tpu.memory_space<hbm>>, %arg7: memref<10112x112xf32, #tpu.memory_space<hbm>>, %arg8: memref<128xi32, #tpu.memory_space<vmem>>, %arg9: memref<128xi32, #tpu.memory_space<vmem>>, %arg10: memref<128xi32, #tpu.memory_space<vmem>>, %arg11: memref<128xi32, #tpu.memory_space<vmem>>, %arg12: memref<128xi32, #tpu.memory_space<vmem>>, %arg13: memref<128xi32, #tpu.memory_space<vmem>>, %arg14: memref<128x112xf32, #tpu.memory_space<vmem>>, %arg15: memref<128x112xf32, #tpu.memory_space<vmem>>, %arg16: memref<128x112xf32, #tpu.memory_space<vmem>>, %arg17: memref<!tpu.dma_semaphore, #tpu.memory_space<semaphore_mem>>, %arg18: memref<!tpu.dma_semaphore, #tpu.memory_space<semaphore_mem>>, %arg19: memref<!tpu.dma_semaphore, #tpu.memory_space<semaphore_mem>>, %arg20: memref<!tpu.dma_semaphore, #tpu.memory_space<semaphore_mem>>, %arg21: memref<!tpu.dma_semaphore, #tpu.memory_space<semaphore_mem>>, %arg22: memref<!tpu.dma_semaphore, #tpu.memory_space<semaphore_mem>>, %arg23: memref<!tpu.dma_semaphore, #tpu.memory_space<semaphore_mem>>, %arg24: memref<!tpu.dma_semaphore, #tpu.memory_space<semaphore_mem>>, %arg25: memref<!tpu.dma_semaphore, #tpu.memory_space<semaphore_mem>>, %arg26: memref<10112x112xf32, #tpu.memory_space<vmem_shared>>) attributes {dimension_semantics = [#tpu.dimension_semantics<core_parallel>, #tpu.dimension_semantics<subcore_parallel>], iteration_bounds = array<i64: 2, 16>, scalar_prefetch = 0 : i64, scratch_operands = 19 : i64, tpu.core_type = #tpu.core_type<sc_vector_subcore>, window_params = [{transform_indices = #map}, {transform_indices = #map}, {transform_indices = #map1}, {transform_indices = #map1}, {transform_indices = #map1}, {transform_indices = #map1}]} {
    %eq3A = arith.constant 0 : i32
    %eq3A_0 = arith.cmpi eq, %arg0, %eq3A : i32
    %jit3A = arith.constant 112 : i32
    %jit3A_1 = arith.constant 46 : i32
    %select_n3A = arith.select %eq3A_0, %jit3A, %jit3A_1 : i32
    %eq3A_2 = arith.constant 0 : i32
    %eq3A_3 = arith.cmpi eq, %arg0, %eq3A_2 : i32
    %mul3A = arith.constant 112 : i32
    %mul3A_4 = arith.muli %arg1, %mul3A : i32
    %mul3A_5 = arith.constant 46 : i32
    %mul3A_6 = arith.muli %arg1, %mul3A_5 : i32
    %add3A = arith.constant 1792 : i32
    %add3A_7 = arith.addi %add3A, %mul3A_6 : i32
    %select_n3A_8 = arith.select %eq3A_3, %mul3A_4, %add3A_7 : i32
    %mul3A_9 = arith.constant 128 : i32
    %mul3A_10 = arith.muli %select_n3A_8, %mul3A_9 : i32
    %add3A_11 = arith.constant 0 : i32
    %add3A_12 = arith.addi %mul3A_10, %add3A_11 : i32
    %dma_start3A = tpu.memref_slice %arg2[%add3A_12] : memref<323584xi32, #tpu.memory_space<hbm>> -> memref<128xi32, #tpu.memory_space<hbm>>
    %dma_start3A_13 = tpu.memref_slice %arg2[%add3A_12] : memref<323584xi32, #tpu.memory_space<hbm>> -> memref<128xi32, #tpu.memory_space<hbm>>
    tpu.enqueue_dma source(%dma_start3A_13 : memref<128xi32, #tpu.memory_space<hbm>>) target(%arg8 : memref<128xi32, #tpu.memory_space<vmem>>) target_semaphore(%arg23 : memref<!tpu.dma_semaphore, #tpu.memory_space<semaphore_mem>>)
    %add3A_14 = arith.constant 0 : i32
    %add3A_15 = arith.addi %mul3A_10, %add3A_14 : i32
    %dma_start3A_16 = tpu.memref_slice %arg3[%add3A_15] : memref<323584xi32, #tpu.memory_space<hbm>> -> memref<128xi32, #tpu.memory_space<hbm>>
    %dma_start3A_17 = tpu.memref_slice %arg3[%add3A_15] : memref<323584xi32, #tpu.memory_space<hbm>> -> memref<128xi32, #tpu.memory_space<hbm>>
    tpu.enqueue_dma source(%dma_start3A_17 : memref<128xi32, #tpu.memory_space<hbm>>) target(%arg11 : memref<128xi32, #tpu.memory_space<vmem>>) target_semaphore(%arg23 : memref<!tpu.dma_semaphore, #tpu.memory_space<semaphore_mem>>)
    %mul3A_18 = arith.constant 632 : i32
    %mul3A_19 = arith.muli %arg1, %mul3A_18 : i32
    "tpu.region"() ({
      %run_scoped3A = tpu.sem_alloc : memref<!tpu.dma_semaphore, #tpu.memory_space<semaphore_mem>>
      %dma_start3A_95 = arith.constant 0 : i32
      %dma_start3A_96 = tpu.memref_slice %arg26[%mul3A_19, %dma_start3A_95] : memref<10112x112xf32, #tpu.memory_space<vmem_shared>> -> memref<632x112xf32, #tpu.memory_space<vmem_shared>>
      %dma_start3A_97 = arith.constant 0 : i32
      %dma_start3A_98 = tpu.memref_slice %arg5[%mul3A_19, %dma_start3A_97] : memref<10112x112xf32, #tpu.memory_space<hbm>> -> memref<632x112xf32, #tpu.memory_space<hbm>>
      tpu.enqueue_dma source(%dma_start3A_98 : memref<632x112xf32, #tpu.memory_space<hbm>>) target(%dma_start3A_96 : memref<632x112xf32, #tpu.memory_space<vmem_shared>>) target_semaphore(%run_scoped3A : memref<!tpu.dma_semaphore, #tpu.memory_space<semaphore_mem>>)
      %dma_wait3A_99 = arith.constant 0 : i32
      %dma_wait3A_100 = tpu.memref_slice %arg26[%mul3A_19, %dma_wait3A_99] : memref<10112x112xf32, #tpu.memory_space<vmem_shared>> -> memref<632x112xf32, #tpu.memory_space<vmem_shared>>
      %dma_wait3A_101 = arith.constant 0 : i32
      %dma_wait3A_102 = tpu.memref_slice %arg5[%mul3A_19, %dma_wait3A_101] : memref<10112x112xf32, #tpu.memory_space<hbm>> -> memref<632x112xf32, #tpu.memory_space<hbm>>
      tpu.wait_dma2 semaphore(%run_scoped3A : memref<!tpu.dma_semaphore, #tpu.memory_space<semaphore_mem>>) src(%dma_wait3A_102 : memref<632x112xf32, #tpu.memory_space<hbm>>) dst(%dma_wait3A_100 : memref<632x112xf32, #tpu.memory_space<vmem_shared>>)
      tpu.yield
    }) : () -> ()
    %barrier3A = arith.constant 0 : index
    tpu.barrier barrier_id(%barrier3A)
    %sub3A = arith.constant 1 : i32
    %sub3A_20 = arith.subi %select_n3A, %sub3A : i32
    %jit3A_21 = arith.constant 3 : i32
    %div3A = arith.divsi %sub3A_20, %jit3A_21 : i32
    %sign3A = arith.constant 0 : i32
    %sign3A_22 = arith.cmpi sgt, %sub3A_20, %sign3A : i32
    %sign3A_23 = arith.extui %sign3A_22 : i1 to i32
    %sign3A_24 = arith.constant 0 : i32
    %sign3A_25 = arith.cmpi slt, %sub3A_20, %sign3A_24 : i32
    %sign3A_26 = arith.extui %sign3A_25 : i1 to i32
    %sign3A_27 = arith.subi %sign3A_23, %sign3A_26 : i32
    %sign3A_28 = arith.constant 0 : i32
    %sign3A_29 = arith.cmpi sgt, %jit3A_21, %sign3A_28 : i32
    %sign3A_30 = arith.extui %sign3A_29 : i1 to i32
    %sign3A_31 = arith.constant 0 : i32
    %sign3A_32 = arith.cmpi slt, %jit3A_21, %sign3A_31 : i32
    %sign3A_33 = arith.extui %sign3A_32 : i1 to i32
    %sign3A_34 = arith.subi %sign3A_30, %sign3A_33 : i32
    %ne3A = arith.cmpi ne, %sign3A_27, %sign3A_34 : i32
    %rem3A = arith.remsi %sub3A_20, %jit3A_21 : i32
    %ne3A_35 = arith.constant 0 : i32
    %ne3A_36 = arith.cmpi ne, %rem3A, %ne3A_35 : i32
    %and3A = arith.andi %ne3A, %ne3A_36 : i1
    %sub3A_37 = arith.constant 1 : i32
    %sub3A_38 = arith.subi %div3A, %sub3A_37 : i32
    %select_n3A_39 = arith.select %and3A, %sub3A_38, %div3A : i32
    %while3A = arith.constant 0 : i32
    %while3A_40 = arith.constant 0 : i32
    %while3A_41 = arith.subi %select_n3A_39, %while3A_40 : i32
    %while3A_42 = arith.addi %while3A_40, %while3A_41 : i32
    %while3A_43 = arith.constant 1 : i32
    %while3A_44 = arith.divsi %while3A_41, %while3A_43 : i32
    %while3A_45 = arith.muli %while3A_44, %while3A_43 : i32
    %while3A_46 = arith.addi %while3A_40, %while3A_45 : i32
    %while3A_47 = arith.constant 1 : i32
    scf.for %while3A_95 = %while3A_40 to %while3A_46 step %while3A_47  : i32 {
      %gt3A = arith.constant 0 : i32
      %gt3A_96 = arith.cmpi sgt, %while3A_95, %gt3A : i32
      %mul3A_97 = arith.constant 3 : i32
      %mul3A_98 = arith.muli %mul3A_97, %while3A_95 : i32
      %dma_wait3A_99 = arith.constant 0 : i32
      %dma_wait3A_100 = tpu.memref_slice %arg2[%dma_wait3A_99] : memref<323584xi32, #tpu.memory_space<hbm>> -> memref<128xi32, #tpu.memory_space<hbm>>
      %dma_wait3A_101 = arith.constant 0 : i32
      %dma_wait3A_102 = tpu.memref_slice %arg2[%dma_wait3A_101] : memref<323584xi32, #tpu.memory_space<hbm>> -> memref<128xi32, #tpu.memory_space<hbm>>
      tpu.wait_dma2 semaphore(%arg23 : memref<!tpu.dma_semaphore, #tpu.memory_space<semaphore_mem>>) src(%dma_wait3A_102 : memref<128xi32, #tpu.memory_space<hbm>>) dst(%arg8 : memref<128xi32, #tpu.memory_space<vmem>>)
      %dma_wait3A_103 = arith.constant 0 : i32
      %dma_wait3A_104 = tpu.memref_slice %arg2[%dma_wait3A_103] : memref<323584xi32, #tpu.memory_space<hbm>> -> memref<128xi32, #tpu.memory_space<hbm>>
      %dma_wait3A_105 = arith.constant 0 : i32
      %dma_wait3A_106 = tpu.memref_slice %arg2[%dma_wait3A_105] : memref<323584xi32, #tpu.memory_space<hbm>> -> memref<128xi32, #tpu.memory_space<hbm>>
      tpu.wait_dma2 semaphore(%arg23 : memref<!tpu.dma_semaphore, #tpu.memory_space<semaphore_mem>>) src(%dma_wait3A_106 : memref<128xi32, #tpu.memory_space<hbm>>) dst(%arg11 : memref<128xi32, #tpu.memory_space<vmem>>)
      %dma_start3A_107 = arith.constant 0 : i32
      %dma_start3A_108 = arith.constant 0 : i32
      %dma_start3A_109 = tpu.memref_slice %arg4[%dma_start3A_107, %dma_start3A_108] : memref<10000x112xf32, #tpu.memory_space<hbm>> -> memref<10000x112xf32, #tpu.memory_space<hbm>>
      tpu.enqueue_indirect_dma source(%dma_start3A_109 : memref<10000x112xf32, #tpu.memory_space<hbm>>) target(%arg14 : memref<128x112xf32, #tpu.memory_space<vmem>>) offsets(%arg8 : memref<128xi32, #tpu.memory_space<vmem>>) semaphore(%arg17 : memref<!tpu.dma_semaphore, #tpu.memory_space<semaphore_mem>>)
      %convert_element_type3A_110 = arith.extui %gt3A_96 : i1 to i32
      %cond3A_111 = arith.constant 0 : i32
      %cond3A_112 = arith.cmpi ne, %convert_element_type3A_110, %cond3A_111 : i32
      scf.if %cond3A_112 {
        %dma_wait3A_209 = arith.constant 0 : i32
        %dma_wait3A_210 = arith.constant 0 : i32
        %dma_wait3A_211 = tpu.memref_slice %arg26[%dma_wait3A_209, %dma_wait3A_210] : memref<10112x112xf32, #tpu.memory_space<vmem_shared>> -> memref<10112x112xf32, #tpu.memory_space<vmem_shared>>
        tpu.wait_indirect_dma semaphore(%arg21 : memref<!tpu.dma_semaphore, #tpu.memory_space<semaphore_mem>>) src(%arg15 : memref<128x112xf32, #tpu.memory_space<vmem>>) dst(%dma_wait3A_211 : memref<10112x112xf32, #tpu.memory_space<vmem_shared>>)
      } else {
      }
      %add3A_113 = arith.constant 1 : i32
      %add3A_114 = arith.addi %mul3A_98, %add3A_113 : i32
      %mul3A_115 = arith.constant 128 : i32
      %mul3A_116 = arith.muli %add3A_114, %mul3A_115 : i32
      %add3A_117 = arith.addi %mul3A_10, %mul3A_116 : i32
      %dma_start3A_118 = tpu.memref_slice %arg2[%add3A_117] : memref<323584xi32, #tpu.memory_space<hbm>> -> memref<128xi32, #tpu.memory_space<hbm>>
      %dma_start3A_119 = tpu.memref_slice %arg2[%add3A_117] : memref<323584xi32, #tpu.memory_space<hbm>> -> memref<128xi32, #tpu.memory_space<hbm>>
      tpu.enqueue_dma source(%dma_start3A_119 : memref<128xi32, #tpu.memory_space<hbm>>) target(%arg9 : memref<128xi32, #tpu.memory_space<vmem>>) target_semaphore(%arg24 : memref<!tpu.dma_semaphore, #tpu.memory_space<semaphore_mem>>)
      %mul3A_120 = arith.constant 128 : i32
      %mul3A_121 = arith.muli %add3A_114, %mul3A_120 : i32
      %add3A_122 = arith.addi %mul3A_10, %mul3A_121 : i32
      %dma_start3A_123 = tpu.memref_slice %arg3[%add3A_122] : memref<323584xi32, #tpu.memory_space<hbm>> -> memref<128xi32, #tpu.memory_space<hbm>>
      %dma_start3A_124 = tpu.memref_slice %arg3[%add3A_122] : memref<323584xi32, #tpu.memory_space<hbm>> -> memref<128xi32, #tpu.memory_space<hbm>>
      tpu.enqueue_dma source(%dma_start3A_124 : memref<128xi32, #tpu.memory_space<hbm>>) target(%arg12 : memref<128xi32, #tpu.memory_space<vmem>>) target_semaphore(%arg24 : memref<!tpu.dma_semaphore, #tpu.memory_space<semaphore_mem>>)
      %convert_element_type3A_125 = arith.extui %gt3A_96 : i1 to i32
      %cond3A_126 = arith.constant 0 : i32
      %cond3A_127 = arith.cmpi ne, %convert_element_type3A_125, %cond3A_126 : i32
      scf.if %cond3A_127 {
        %dma_wait3A_209 = arith.constant 0 : i32
        %dma_wait3A_210 = arith.constant 0 : i32
        %dma_wait3A_211 = tpu.memref_slice %arg4[%dma_wait3A_209, %dma_wait3A_210] : memref<10000x112xf32, #tpu.memory_space<hbm>> -> memref<128x112xf32, #tpu.memory_space<hbm>>
        %dma_wait3A_212 = arith.constant 0 : i32
        %dma_wait3A_213 = arith.constant 0 : i32
        %dma_wait3A_214 = tpu.memref_slice %arg4[%dma_wait3A_212, %dma_wait3A_213] : memref<10000x112xf32, #tpu.memory_space<hbm>> -> memref<128x112xf32, #tpu.memory_space<hbm>>
        tpu.wait_dma2 semaphore(%arg19 : memref<!tpu.dma_semaphore, #tpu.memory_space<semaphore_mem>>) src(%dma_wait3A_214 : memref<128x112xf32, #tpu.memory_space<hbm>>) dst(%arg16 : memref<128x112xf32, #tpu.memory_space<vmem>>)
        %dma_start3A_215 = arith.constant 0 : i32
        %dma_start3A_216 = arith.constant 0 : i32
        %dma_start3A_217 = tpu.memref_slice %arg26[%dma_start3A_215, %dma_start3A_216] : memref<10112x112xf32, #tpu.memory_space<vmem_shared>> -> memref<10112x112xf32, #tpu.memory_space<vmem_shared>>
        tpu.enqueue_indirect_dma source(%arg16 : memref<128x112xf32, #tpu.memory_space<vmem>>) target(%dma_start3A_217 : memref<10112x112xf32, #tpu.memory_space<vmem_shared>>) offsets(%arg13 : memref<128xi32, #tpu.memory_space<vmem>>) semaphore(%arg22 : memref<!tpu.dma_semaphore, #tpu.memory_space<semaphore_mem>>) {add = true}
      } else {
      }
      %mul3A_128 = arith.constant 3 : i32
      %mul3A_129 = arith.muli %mul3A_128, %while3A_95 : i32
      %add3A_130 = arith.constant 1 : i32
      %add3A_131 = arith.addi %mul3A_129, %add3A_130 : i32
      %dma_wait3A_132 = arith.constant 0 : i32
      %dma_wait3A_133 = tpu.memref_slice %arg2[%dma_wait3A_132] : memref<323584xi32, #tpu.memory_space<hbm>> -> memref<128xi32, #tpu.memory_space<hbm>>
      %dma_wait3A_134 = arith.constant 0 : i32
      %dma_wait3A_135 = tpu.memref_slice %arg2[%dma_wait3A_134] : memref<323584xi32, #tpu.memory_space<hbm>> -> memref<128xi32, #tpu.memory_space<hbm>>
      tpu.wait_dma2 semaphore(%arg24 : memref<!tpu.dma_semaphore, #tpu.memory_space<semaphore_mem>>) src(%dma_wait3A_135 : memref<128xi32, #tpu.memory_space<hbm>>) dst(%arg9 : memref<128xi32, #tpu.memory_space<vmem>>)
      %dma_wait3A_136 = arith.constant 0 : i32
      %dma_wait3A_137 = tpu.memref_slice %arg2[%dma_wait3A_136] : memref<323584xi32, #tpu.memory_space<hbm>> -> memref<128xi32, #tpu.memory_space<hbm>>
      %dma_wait3A_138 = arith.constant 0 : i32
      %dma_wait3A_139 = tpu.memref_slice %arg2[%dma_wait3A_138] : memref<323584xi32, #tpu.memory_space<hbm>> -> memref<128xi32, #tpu.memory_space<hbm>>
      tpu.wait_dma2 semaphore(%arg24 : memref<!tpu.dma_semaphore, #tpu.memory_space<semaphore_mem>>) src(%dma_wait3A_139 : memref<128xi32, #tpu.memory_space<hbm>>) dst(%arg12 : memref<128xi32, #tpu.memory_space<vmem>>)
      %dma_start3A_140 = arith.constant 0 : i32
      %dma_start3A_141 = arith.constant 0 : i32
      %dma_start3A_142 = tpu.memref_slice %arg4[%dma_start3A_140, %dma_start3A_141] : memref<10000x112xf32, #tpu.memory_space<hbm>> -> memref<10000x112xf32, #tpu.memory_space<hbm>>
      tpu.enqueue_indirect_dma source(%dma_start3A_142 : memref<10000x112xf32, #tpu.memory_space<hbm>>) target(%arg15 : memref<128x112xf32, #tpu.memory_space<vmem>>) offsets(%arg9 : memref<128xi32, #tpu.memory_space<vmem>>) semaphore(%arg18 : memref<!tpu.dma_semaphore, #tpu.memory_space<semaphore_mem>>)
      %convert_element_type3A_143 = arith.extui %gt3A_96 : i1 to i32
      %cond3A_144 = arith.constant 0 : i32
      %cond3A_145 = arith.cmpi ne, %convert_element_type3A_143, %cond3A_144 : i32
      scf.if %cond3A_145 {
        %dma_wait3A_209 = arith.constant 0 : i32
        %dma_wait3A_210 = arith.constant 0 : i32
        %dma_wait3A_211 = tpu.memref_slice %arg26[%dma_wait3A_209, %dma_wait3A_210] : memref<10112x112xf32, #tpu.memory_space<vmem_shared>> -> memref<10112x112xf32, #tpu.memory_space<vmem_shared>>
        tpu.wait_indirect_dma semaphore(%arg22 : memref<!tpu.dma_semaphore, #tpu.memory_space<semaphore_mem>>) src(%arg16 : memref<128x112xf32, #tpu.memory_space<vmem>>) dst(%dma_wait3A_211 : memref<10112x112xf32, #tpu.memory_space<vmem_shared>>)
      } else {
      }
      %add3A_146 = arith.constant 1 : i32
      %add3A_147 = arith.addi %add3A_131, %add3A_146 : i32
      %mul3A_148 = arith.constant 128 : i32
      %mul3A_149 = arith.muli %add3A_147, %mul3A_148 : i32
      %add3A_150 = arith.addi %mul3A_10, %mul3A_149 : i32
      %dma_start3A_151 = tpu.memref_slice %arg2[%add3A_150] : memref<323584xi32, #tpu.memory_space<hbm>> -> memref<128xi32, #tpu.memory_space<hbm>>
      %dma_start3A_152 = tpu.memref_slice %arg2[%add3A_150] : memref<323584xi32, #tpu.memory_space<hbm>> -> memref<128xi32, #tpu.memory_space<hbm>>
      tpu.enqueue_dma source(%dma_start3A_152 : memref<128xi32, #tpu.memory_space<hbm>>) target(%arg10 : memref<128xi32, #tpu.memory_space<vmem>>) target_semaphore(%arg25 : memref<!tpu.dma_semaphore, #tpu.memory_space<semaphore_mem>>)
      %mul3A_153 = arith.constant 128 : i32
      %mul3A_154 = arith.muli %add3A_147, %mul3A_153 : i32
      %add3A_155 = arith.addi %mul3A_10, %mul3A_154 : i32
      %dma_start3A_156 = tpu.memref_slice %arg3[%add3A_155] : memref<323584xi32, #tpu.memory_space<hbm>> -> memref<128xi32, #tpu.memory_space<hbm>>
      %dma_start3A_157 = tpu.memref_slice %arg3[%add3A_155] : memref<323584xi32, #tpu.memory_space<hbm>> -> memref<128xi32, #tpu.memory_space<hbm>>
      tpu.enqueue_dma source(%dma_start3A_157 : memref<128xi32, #tpu.memory_space<hbm>>) target(%arg13 : memref<128xi32, #tpu.memory_space<vmem>>) target_semaphore(%arg25 : memref<!tpu.dma_semaphore, #tpu.memory_space<semaphore_mem>>)
      %cond3A_158 = arith.constant 1 : i32
      %dma_wait3A_159 = arith.constant 0 : i32
      %dma_wait3A_160 = arith.constant 0 : i32
      %dma_wait3A_161 = tpu.memref_slice %arg4[%dma_wait3A_159, %dma_wait3A_160] : memref<10000x112xf32, #tpu.memory_space<hbm>> -> memref<128x112xf32, #tpu.memory_space<hbm>>
      %dma_wait3A_162 = arith.constant 0 : i32
      %dma_wait3A_163 = arith.constant 0 : i32
      %dma_wait3A_164 = tpu.memref_slice %arg4[%dma_wait3A_162, %dma_wait3A_163] : memref<10000x112xf32, #tpu.memory_space<hbm>> -> memref<128x112xf32, #tpu.memory_space<hbm>>
      tpu.wait_dma2 semaphore(%arg17 : memref<!tpu.dma_semaphore, #tpu.memory_space<semaphore_mem>>) src(%dma_wait3A_164 : memref<128x112xf32, #tpu.memory_space<hbm>>) dst(%arg14 : memref<128x112xf32, #tpu.memory_space<vmem>>)
      %dma_start3A_165 = arith.constant 0 : i32
      %dma_start3A_166 = arith.constant 0 : i32
      %dma_start3A_167 = tpu.memref_slice %arg26[%dma_start3A_165, %dma_start3A_166] : memref<10112x112xf32, #tpu.memory_space<vmem_shared>> -> memref<10112x112xf32, #tpu.memory_space<vmem_shared>>
      tpu.enqueue_indirect_dma source(%arg14 : memref<128x112xf32, #tpu.memory_space<vmem>>) target(%dma_start3A_167 : memref<10112x112xf32, #tpu.memory_space<vmem_shared>>) offsets(%arg11 : memref<128xi32, #tpu.memory_space<vmem>>) semaphore(%arg20 : memref<!tpu.dma_semaphore, #tpu.memory_space<semaphore_mem>>) {add = true}
      %mul3A_168 = arith.constant 3 : i32
      %mul3A_169 = arith.muli %mul3A_168, %while3A_95 : i32
      %add3A_170 = arith.constant 2 : i32
      %add3A_171 = arith.addi %mul3A_169, %add3A_170 : i32
      %dma_wait3A_172 = arith.constant 0 : i32
      %dma_wait3A_173 = tpu.memref_slice %arg2[%dma_wait3A_172] : memref<323584xi32, #tpu.memory_space<hbm>> -> memref<128xi32, #tpu.memory_space<hbm>>
      %dma_wait3A_174 = arith.constant 0 : i32
      %dma_wait3A_175 = tpu.memref_slice %arg2[%dma_wait3A_174] : memref<323584xi32, #tpu.memory_space<hbm>> -> memref<128xi32, #tpu.memory_space<hbm>>
      tpu.wait_dma2 semaphore(%arg25 : memref<!tpu.dma_semaphore, #tpu.memory_space<semaphore_mem>>) src(%dma_wait3A_175 : memref<128xi32, #tpu.memory_space<hbm>>) dst(%arg10 : memref<128xi32, #tpu.memory_space<vmem>>)
      %dma_wait3A_176 = arith.constant 0 : i32
      %dma_wait3A_177 = tpu.memref_slice %arg2[%dma_wait3A_176] : memref<323584xi32, #tpu.memory_space<hbm>> -> memref<128xi32, #tpu.memory_space<hbm>>
      %dma_wait3A_178 = arith.constant 0 : i32
      %dma_wait3A_179 = tpu.memref_slice %arg2[%dma_wait3A_178] : memref<323584xi32, #tpu.memory_space<hbm>> -> memref<128xi32, #tpu.memory_space<hbm>>
      tpu.wait_dma2 semaphore(%arg25 : memref<!tpu.dma_semaphore, #tpu.memory_space<semaphore_mem>>) src(%dma_wait3A_179 : memref<128xi32, #tpu.memory_space<hbm>>) dst(%arg13 : memref<128xi32, #tpu.memory_space<vmem>>)
      %dma_start3A_180 = arith.constant 0 : i32
      %dma_start3A_181 = arith.constant 0 : i32
      %dma_start3A_182 = tpu.memref_slice %arg4[%dma_start3A_180, %dma_start3A_181] : memref<10000x112xf32, #tpu.memory_space<hbm>> -> memref<10000x112xf32, #tpu.memory_space<hbm>>
      tpu.enqueue_indirect_dma source(%dma_start3A_182 : memref<10000x112xf32, #tpu.memory_space<hbm>>) target(%arg16 : memref<128x112xf32, #tpu.memory_space<vmem>>) offsets(%arg10 : memref<128xi32, #tpu.memory_space<vmem>>) semaphore(%arg19 : memref<!tpu.dma_semaphore, #tpu.memory_space<semaphore_mem>>)
      %cond3A_183 = arith.constant 1 : i32
      %dma_wait3A_184 = arith.constant 0 : i32
      %dma_wait3A_185 = arith.constant 0 : i32
      %dma_wait3A_186 = tpu.memref_slice %arg26[%dma_wait3A_184, %dma_wait3A_185] : memref<10112x112xf32, #tpu.memory_space<vmem_shared>> -> memref<10112x112xf32, #tpu.memory_space<vmem_shared>>
      tpu.wait_indirect_dma semaphore(%arg20 : memref<!tpu.dma_semaphore, #tpu.memory_space<semaphore_mem>>) src(%arg14 : memref<128x112xf32, #tpu.memory_space<vmem>>) dst(%dma_wait3A_186 : memref<10112x112xf32, #tpu.memory_space<vmem_shared>>)
      %add3A_187 = arith.constant 1 : i32
      %add3A_188 = arith.addi %add3A_171, %add3A_187 : i32
      %mul3A_189 = arith.constant 128 : i32
      %mul3A_190 = arith.muli %add3A_188, %mul3A_189 : i32
      %add3A_191 = arith.addi %mul3A_10, %mul3A_190 : i32
      %dma_start3A_192 = tpu.memref_slice %arg2[%add3A_191] : memref<323584xi32, #tpu.memory_space<hbm>> -> memref<128xi32, #tpu.memory_space<hbm>>
      %dma_start3A_193 = tpu.memref_slice %arg2[%add3A_191] : memref<323584xi32, #tpu.memory_space<hbm>> -> memref<128xi32, #tpu.memory_space<hbm>>
      tpu.enqueue_dma source(%dma_start3A_193 : memref<128xi32, #tpu.memory_space<hbm>>) target(%arg8 : memref<128xi32, #tpu.memory_space<vmem>>) target_semaphore(%arg23 : memref<!tpu.dma_semaphore, #tpu.memory_space<semaphore_mem>>)
      %mul3A_194 = arith.constant 128 : i32
      %mul3A_195 = arith.muli %add3A_188, %mul3A_194 : i32
      %add3A_196 = arith.addi %mul3A_10, %mul3A_195 : i32
      %dma_start3A_197 = tpu.memref_slice %arg3[%add3A_196] : memref<323584xi32, #tpu.memory_space<hbm>> -> memref<128xi32, #tpu.memory_space<hbm>>
      %dma_start3A_198 = tpu.memref_slice %arg3[%add3A_196] : memref<323584xi32, #tpu.memory_space<hbm>> -> memref<128xi32, #tpu.memory_space<hbm>>
      tpu.enqueue_dma source(%dma_start3A_198 : memref<128xi32, #tpu.memory_space<hbm>>) target(%arg11 : memref<128xi32, #tpu.memory_space<vmem>>) target_semaphore(%arg23 : memref<!tpu.dma_semaphore, #tpu.memory_space<semaphore_mem>>)
      %cond3A_199 = arith.constant 1 : i32
      %dma_wait3A_200 = arith.constant 0 : i32
      %dma_wait3A_201 = arith.constant 0 : i32
      %dma_wait3A_202 = tpu.memref_slice %arg4[%dma_wait3A_200, %dma_wait3A_201] : memref<10000x112xf32, #tpu.memory_space<hbm>> -> memref<128x112xf32, #tpu.memory_space<hbm>>
      %dma_wait3A_203 = arith.constant 0 : i32
      %dma_wait3A_204 = arith.constant 0 : i32
      %dma_wait3A_205 = tpu.memref_slice %arg4[%dma_wait3A_203, %dma_wait3A_204] : memref<10000x112xf32, #tpu.memory_space<hbm>> -> memref<128x112xf32, #tpu.memory_space<hbm>>
      tpu.wait_dma2 semaphore(%arg18 : memref<!tpu.dma_semaphore, #tpu.memory_space<semaphore_mem>>) src(%dma_wait3A_205 : memref<128x112xf32, #tpu.memory_space<hbm>>) dst(%arg15 : memref<128x112xf32, #tpu.memory_space<vmem>>)
      %dma_start3A_206 = arith.constant 0 : i32
      %dma_start3A_207 = arith.constant 0 : i32
      %dma_start3A_208 = tpu.memref_slice %arg26[%dma_start3A_206, %dma_start3A_207] : memref<10112x112xf32, #tpu.memory_space<vmem_shared>> -> memref<10112x112xf32, #tpu.memory_space<vmem_shared>>
      tpu.enqueue_indirect_dma source(%arg15 : memref<128x112xf32, #tpu.memory_space<vmem>>) target(%dma_start3A_208 : memref<10112x112xf32, #tpu.memory_space<vmem_shared>>) offsets(%arg12 : memref<128xi32, #tpu.memory_space<vmem>>) semaphore(%arg21 : memref<!tpu.dma_semaphore, #tpu.memory_space<semaphore_mem>>) {add = true}
    }
    %while3A_48 = arith.constant 1 : i32
    scf.for %while3A_95 = %while3A_46 to %while3A_42 step %while3A_48  : i32 {
      %gt3A = arith.constant 0 : i32
      %gt3A_96 = arith.cmpi sgt, %while3A_95, %gt3A : i32
      %mul3A_97 = arith.constant 3 : i32
      %mul3A_98 = arith.muli %mul3A_97, %while3A_95 : i32
      %dma_wait3A_99 = arith.constant 0 : i32
      %dma_wait3A_100 = tpu.memref_slice %arg2[%dma_wait3A_99] : memref<323584xi32, #tpu.memory_space<hbm>> -> memref<128xi32, #tpu.memory_space<hbm>>
      %dma_wait3A_101 = arith.constant 0 : i32
      %dma_wait3A_102 = tpu.memref_slice %arg2[%dma_wait3A_101] : memref<323584xi32, #tpu.memory_space<hbm>> -> memref<128xi32, #tpu.memory_space<hbm>>
      tpu.wait_dma2 semaphore(%arg23 : memref<!tpu.dma_semaphore, #tpu.memory_space<semaphore_mem>>) src(%dma_wait3A_102 : memref<128xi32, #tpu.memory_space<hbm>>) dst(%arg8 : memref<128xi32, #tpu.memory_space<vmem>>)
      %dma_wait3A_103 = arith.constant 0 : i32
      %dma_wait3A_104 = tpu.memref_slice %arg2[%dma_wait3A_103] : memref<323584xi32, #tpu.memory_space<hbm>> -> memref<128xi32, #tpu.memory_space<hbm>>
      %dma_wait3A_105 = arith.constant 0 : i32
      %dma_wait3A_106 = tpu.memref_slice %arg2[%dma_wait3A_105] : memref<323584xi32, #tpu.memory_space<hbm>> -> memref<128xi32, #tpu.memory_space<hbm>>
      tpu.wait_dma2 semaphore(%arg23 : memref<!tpu.dma_semaphore, #tpu.memory_space<semaphore_mem>>) src(%dma_wait3A_106 : memref<128xi32, #tpu.memory_space<hbm>>) dst(%arg11 : memref<128xi32, #tpu.memory_space<vmem>>)
      %dma_start3A_107 = arith.constant 0 : i32
      %dma_start3A_108 = arith.constant 0 : i32
      %dma_start3A_109 = tpu.memref_slice %arg4[%dma_start3A_107, %dma_start3A_108] : memref<10000x112xf32, #tpu.memory_space<hbm>> -> memref<10000x112xf32, #tpu.memory_space<hbm>>
      tpu.enqueue_indirect_dma source(%dma_start3A_109 : memref<10000x112xf32, #tpu.memory_space<hbm>>) target(%arg14 : memref<128x112xf32, #tpu.memory_space<vmem>>) offsets(%arg8 : memref<128xi32, #tpu.memory_space<vmem>>) semaphore(%arg17 : memref<!tpu.dma_semaphore, #tpu.memory_space<semaphore_mem>>)
      %convert_element_type3A_110 = arith.extui %gt3A_96 : i1 to i32
      %cond3A_111 = arith.constant 0 : i32
      %cond3A_112 = arith.cmpi ne, %convert_element_type3A_110, %cond3A_111 : i32
      scf.if %cond3A_112 {
        %dma_wait3A_209 = arith.constant 0 : i32
        %dma_wait3A_210 = arith.constant 0 : i32
        %dma_wait3A_211 = tpu.memref_slice %arg26[%dma_wait3A_209, %dma_wait3A_210] : memref<10112x112xf32, #tpu.memory_space<vmem_shared>> -> memref<10112x112xf32, #tpu.memory_space<vmem_shared>>
        tpu.wait_indirect_dma semaphore(%arg21 : memref<!tpu.dma_semaphore, #tpu.memory_space<semaphore_mem>>) src(%arg15 : memref<128x112xf32, #tpu.memory_space<vmem>>) dst(%dma_wait3A_211 : memref<10112x112xf32, #tpu.memory_space<vmem_shared>>)
      } else {
      }
      %add3A_113 = arith.constant 1 : i32
      %add3A_114 = arith.addi %mul3A_98, %add3A_113 : i32
      %mul3A_115 = arith.constant 128 : i32
      %mul3A_116 = arith.muli %add3A_114, %mul3A_115 : i32
      %add3A_117 = arith.addi %mul3A_10, %mul3A_116 : i32
      %dma_start3A_118 = tpu.memref_slice %arg2[%add3A_117] : memref<323584xi32, #tpu.memory_space<hbm>> -> memref<128xi32, #tpu.memory_space<hbm>>
      %dma_start3A_119 = tpu.memref_slice %arg2[%add3A_117] : memref<323584xi32, #tpu.memory_space<hbm>> -> memref<128xi32, #tpu.memory_space<hbm>>
      tpu.enqueue_dma source(%dma_start3A_119 : memref<128xi32, #tpu.memory_space<hbm>>) target(%arg9 : memref<128xi32, #tpu.memory_space<vmem>>) target_semaphore(%arg24 : memref<!tpu.dma_semaphore, #tpu.memory_space<semaphore_mem>>)
      %mul3A_120 = arith.constant 128 : i32
      %mul3A_121 = arith.muli %add3A_114, %mul3A_120 : i32
      %add3A_122 = arith.addi %mul3A_10, %mul3A_121 : i32
      %dma_start3A_123 = tpu.memref_slice %arg3[%add3A_122] : memref<323584xi32, #tpu.memory_space<hbm>> -> memref<128xi32, #tpu.memory_space<hbm>>
      %dma_start3A_124 = tpu.memref_slice %arg3[%add3A_122] : memref<323584xi32, #tpu.memory_space<hbm>> -> memref<128xi32, #tpu.memory_space<hbm>>
      tpu.enqueue_dma source(%dma_start3A_124 : memref<128xi32, #tpu.memory_space<hbm>>) target(%arg12 : memref<128xi32, #tpu.memory_space<vmem>>) target_semaphore(%arg24 : memref<!tpu.dma_semaphore, #tpu.memory_space<semaphore_mem>>)
      %convert_element_type3A_125 = arith.extui %gt3A_96 : i1 to i32
      %cond3A_126 = arith.constant 0 : i32
      %cond3A_127 = arith.cmpi ne, %convert_element_type3A_125, %cond3A_126 : i32
      scf.if %cond3A_127 {
        %dma_wait3A_209 = arith.constant 0 : i32
        %dma_wait3A_210 = arith.constant 0 : i32
        %dma_wait3A_211 = tpu.memref_slice %arg4[%dma_wait3A_209, %dma_wait3A_210] : memref<10000x112xf32, #tpu.memory_space<hbm>> -> memref<128x112xf32, #tpu.memory_space<hbm>>
        %dma_wait3A_212 = arith.constant 0 : i32
        %dma_wait3A_213 = arith.constant 0 : i32
        %dma_wait3A_214 = tpu.memref_slice %arg4[%dma_wait3A_212, %dma_wait3A_213] : memref<10000x112xf32, #tpu.memory_space<hbm>> -> memref<128x112xf32, #tpu.memory_space<hbm>>
        tpu.wait_dma2 semaphore(%arg19 : memref<!tpu.dma_semaphore, #tpu.memory_space<semaphore_mem>>) src(%dma_wait3A_214 : memref<128x112xf32, #tpu.memory_space<hbm>>) dst(%arg16 : memref<128x112xf32, #tpu.memory_space<vmem>>)
        %dma_start3A_215 = arith.constant 0 : i32
        %dma_start3A_216 = arith.constant 0 : i32
        %dma_start3A_217 = tpu.memref_slice %arg26[%dma_start3A_215, %dma_start3A_216] : memref<10112x112xf32, #tpu.memory_space<vmem_shared>> -> memref<10112x112xf32, #tpu.memory_space<vmem_shared>>
        tpu.enqueue_indirect_dma source(%arg16 : memref<128x112xf32, #tpu.memory_space<vmem>>) target(%dma_start3A_217 : memref<10112x112xf32, #tpu.memory_space<vmem_shared>>) offsets(%arg13 : memref<128xi32, #tpu.memory_space<vmem>>) semaphore(%arg22 : memref<!tpu.dma_semaphore, #tpu.memory_space<semaphore_mem>>) {add = true}
      } else {
      }
      %mul3A_128 = arith.constant 3 : i32
      %mul3A_129 = arith.muli %mul3A_128, %while3A_95 : i32
      %add3A_130 = arith.constant 1 : i32
      %add3A_131 = arith.addi %mul3A_129, %add3A_130 : i32
      %dma_wait3A_132 = arith.constant 0 : i32
      %dma_wait3A_133 = tpu.memref_slice %arg2[%dma_wait3A_132] : memref<323584xi32, #tpu.memory_space<hbm>> -> memref<128xi32, #tpu.memory_space<hbm>>
      %dma_wait3A_134 = arith.constant 0 : i32
      %dma_wait3A_135 = tpu.memref_slice %arg2[%dma_wait3A_134] : memref<323584xi32, #tpu.memory_space<hbm>> -> memref<128xi32, #tpu.memory_space<hbm>>
      tpu.wait_dma2 semaphore(%arg24 : memref<!tpu.dma_semaphore, #tpu.memory_space<semaphore_mem>>) src(%dma_wait3A_135 : memref<128xi32, #tpu.memory_space<hbm>>) dst(%arg9 : memref<128xi32, #tpu.memory_space<vmem>>)
      %dma_wait3A_136 = arith.constant 0 : i32
      %dma_wait3A_137 = tpu.memref_slice %arg2[%dma_wait3A_136] : memref<323584xi32, #tpu.memory_space<hbm>> -> memref<128xi32, #tpu.memory_space<hbm>>
      %dma_wait3A_138 = arith.constant 0 : i32
      %dma_wait3A_139 = tpu.memref_slice %arg2[%dma_wait3A_138] : memref<323584xi32, #tpu.memory_space<hbm>> -> memref<128xi32, #tpu.memory_space<hbm>>
      tpu.wait_dma2 semaphore(%arg24 : memref<!tpu.dma_semaphore, #tpu.memory_space<semaphore_mem>>) src(%dma_wait3A_139 : memref<128xi32, #tpu.memory_space<hbm>>) dst(%arg12 : memref<128xi32, #tpu.memory_space<vmem>>)
      %dma_start3A_140 = arith.constant 0 : i32
      %dma_start3A_141 = arith.constant 0 : i32
      %dma_start3A_142 = tpu.memref_slice %arg4[%dma_start3A_140, %dma_start3A_141] : memref<10000x112xf32, #tpu.memory_space<hbm>> -> memref<10000x112xf32, #tpu.memory_space<hbm>>
      tpu.enqueue_indirect_dma source(%dma_start3A_142 : memref<10000x112xf32, #tpu.memory_space<hbm>>) target(%arg15 : memref<128x112xf32, #tpu.memory_space<vmem>>) offsets(%arg9 : memref<128xi32, #tpu.memory_space<vmem>>) semaphore(%arg18 : memref<!tpu.dma_semaphore, #tpu.memory_space<semaphore_mem>>)
      %convert_element_type3A_143 = arith.extui %gt3A_96 : i1 to i32
      %cond3A_144 = arith.constant 0 : i32
      %cond3A_145 = arith.cmpi ne, %convert_element_type3A_143, %cond3A_144 : i32
      scf.if %cond3A_145 {
        %dma_wait3A_209 = arith.constant 0 : i32
        %dma_wait3A_210 = arith.constant 0 : i32
        %dma_wait3A_211 = tpu.memref_slice %arg26[%dma_wait3A_209, %dma_wait3A_210] : memref<10112x112xf32, #tpu.memory_space<vmem_shared>> -> memref<10112x112xf32, #tpu.memory_space<vmem_shared>>
        tpu.wait_indirect_dma semaphore(%arg22 : memref<!tpu.dma_semaphore, #tpu.memory_space<semaphore_mem>>) src(%arg16 : memref<128x112xf32, #tpu.memory_space<vmem>>) dst(%dma_wait3A_211 : memref<10112x112xf32, #tpu.memory_space<vmem_shared>>)
      } else {
      }
      %add3A_146 = arith.constant 1 : i32
      %add3A_147 = arith.addi %add3A_131, %add3A_146 : i32
      %mul3A_148 = arith.constant 128 : i32
      %mul3A_149 = arith.muli %add3A_147, %mul3A_148 : i32
      %add3A_150 = arith.addi %mul3A_10, %mul3A_149 : i32
      %dma_start3A_151 = tpu.memref_slice %arg2[%add3A_150] : memref<323584xi32, #tpu.memory_space<hbm>> -> memref<128xi32, #tpu.memory_space<hbm>>
      %dma_start3A_152 = tpu.memref_slice %arg2[%add3A_150] : memref<323584xi32, #tpu.memory_space<hbm>> -> memref<128xi32, #tpu.memory_space<hbm>>
      tpu.enqueue_dma source(%dma_start3A_152 : memref<128xi32, #tpu.memory_space<hbm>>) target(%arg10 : memref<128xi32, #tpu.memory_space<vmem>>) target_semaphore(%arg25 : memref<!tpu.dma_semaphore, #tpu.memory_space<semaphore_mem>>)
      %mul3A_153 = arith.constant 128 : i32
      %mul3A_154 = arith.muli %add3A_147, %mul3A_153 : i32
      %add3A_155 = arith.addi %mul3A_10, %mul3A_154 : i32
      %dma_start3A_156 = tpu.memref_slice %arg3[%add3A_155] : memref<323584xi32, #tpu.memory_space<hbm>> -> memref<128xi32, #tpu.memory_space<hbm>>
      %dma_start3A_157 = tpu.memref_slice %arg3[%add3A_155] : memref<323584xi32, #tpu.memory_space<hbm>> -> memref<128xi32, #tpu.memory_space<hbm>>
      tpu.enqueue_dma source(%dma_start3A_157 : memref<128xi32, #tpu.memory_space<hbm>>) target(%arg13 : memref<128xi32, #tpu.memory_space<vmem>>) target_semaphore(%arg25 : memref<!tpu.dma_semaphore, #tpu.memory_space<semaphore_mem>>)
      %cond3A_158 = arith.constant 1 : i32
      %dma_wait3A_159 = arith.constant 0 : i32
      %dma_wait3A_160 = arith.constant 0 : i32
      %dma_wait3A_161 = tpu.memref_slice %arg4[%dma_wait3A_159, %dma_wait3A_160] : memref<10000x112xf32, #tpu.memory_space<hbm>> -> memref<128x112xf32, #tpu.memory_space<hbm>>
      %dma_wait3A_162 = arith.constant 0 : i32
      %dma_wait3A_163 = arith.constant 0 : i32
      %dma_wait3A_164 = tpu.memref_slice %arg4[%dma_wait3A_162, %dma_wait3A_163] : memref<10000x112xf32, #tpu.memory_space<hbm>> -> memref<128x112xf32, #tpu.memory_space<hbm>>
      tpu.wait_dma2 semaphore(%arg17 : memref<!tpu.dma_semaphore, #tpu.memory_space<semaphore_mem>>) src(%dma_wait3A_164 : memref<128x112xf32, #tpu.memory_space<hbm>>) dst(%arg14 : memref<128x112xf32, #tpu.memory_space<vmem>>)
      %dma_start3A_165 = arith.constant 0 : i32
      %dma_start3A_166 = arith.constant 0 : i32
      %dma_start3A_167 = tpu.memref_slice %arg26[%dma_start3A_165, %dma_start3A_166] : memref<10112x112xf32, #tpu.memory_space<vmem_shared>> -> memref<10112x112xf32, #tpu.memory_space<vmem_shared>>
      tpu.enqueue_indirect_dma source(%arg14 : memref<128x112xf32, #tpu.memory_space<vmem>>) target(%dma_start3A_167 : memref<10112x112xf32, #tpu.memory_space<vmem_shared>>) offsets(%arg11 : memref<128xi32, #tpu.memory_space<vmem>>) semaphore(%arg20 : memref<!tpu.dma_semaphore, #tpu.memory_space<semaphore_mem>>) {add = true}
      %mul3A_168 = arith.constant 3 : i32
      %mul3A_169 = arith.muli %mul3A_168, %while3A_95 : i32
      %add3A_170 = arith.constant 2 : i32
      %add3A_171 = arith.addi %mul3A_169, %add3A_170 : i32
      %dma_wait3A_172 = arith.constant 0 : i32
      %dma_wait3A_173 = tpu.memref_slice %arg2[%dma_wait3A_172] : memref<323584xi32, #tpu.memory_space<hbm>> -> memref<128xi32, #tpu.memory_space<hbm>>
      %dma_wait3A_174 = arith.constant 0 : i32
      %dma_wait3A_175 = tpu.memref_slice %arg2[%dma_wait3A_174] : memref<323584xi32, #tpu.memory_space<hbm>> -> memref<128xi32, #tpu.memory_space<hbm>>
      tpu.wait_dma2 semaphore(%arg25 : memref<!tpu.dma_semaphore, #tpu.memory_space<semaphore_mem>>) src(%dma_wait3A_175 : memref<128xi32, #tpu.memory_space<hbm>>) dst(%arg10 : memref<128xi32, #tpu.memory_space<vmem>>)
      %dma_wait3A_176 = arith.constant 0 : i32
      %dma_wait3A_177 = tpu.memref_slice %arg2[%dma_wait3A_176] : memref<323584xi32, #tpu.memory_space<hbm>> -> memref<128xi32, #tpu.memory_space<hbm>>
      %dma_wait3A_178 = arith.constant 0 : i32
      %dma_wait3A_179 = tpu.memref_slice %arg2[%dma_wait3A_178] : memref<323584xi32, #tpu.memory_space<hbm>> -> memref<128xi32, #tpu.memory_space<hbm>>
      tpu.wait_dma2 semaphore(%arg25 : memref<!tpu.dma_semaphore, #tpu.memory_space<semaphore_mem>>) src(%dma_wait3A_179 : memref<128xi32, #tpu.memory_space<hbm>>) dst(%arg13 : memref<128xi32, #tpu.memory_space<vmem>>)
      %dma_start3A_180 = arith.constant 0 : i32
      %dma_start3A_181 = arith.constant 0 : i32
      %dma_start3A_182 = tpu.memref_slice %arg4[%dma_start3A_180, %dma_start3A_181] : memref<10000x112xf32, #tpu.memory_space<hbm>> -> memref<10000x112xf32, #tpu.memory_space<hbm>>
      tpu.enqueue_indirect_dma source(%dma_start3A_182 : memref<10000x112xf32, #tpu.memory_space<hbm>>) target(%arg16 : memref<128x112xf32, #tpu.memory_space<vmem>>) offsets(%arg10 : memref<128xi32, #tpu.memory_space<vmem>>) semaphore(%arg19 : memref<!tpu.dma_semaphore, #tpu.memory_space<semaphore_mem>>)
      %cond3A_183 = arith.constant 1 : i32
      %dma_wait3A_184 = arith.constant 0 : i32
      %dma_wait3A_185 = arith.constant 0 : i32
      %dma_wait3A_186 = tpu.memref_slice %arg26[%dma_wait3A_184, %dma_wait3A_185] : memref<10112x112xf32, #tpu.memory_space<vmem_shared>> -> memref<10112x112xf32, #tpu.memory_space<vmem_shared>>
      tpu.wait_indirect_dma semaphore(%arg20 : memref<!tpu.dma_semaphore, #tpu.memory_space<semaphore_mem>>) src(%arg14 : memref<128x112xf32, #tpu.memory_space<vmem>>) dst(%dma_wait3A_186 : memref<10112x112xf32, #tpu.memory_space<vmem_shared>>)
      %add3A_187 = arith.constant 1 : i32
      %add3A_188 = arith.addi %add3A_171, %add3A_187 : i32
      %mul3A_189 = arith.constant 128 : i32
      %mul3A_190 = arith.muli %add3A_188, %mul3A_189 : i32
      %add3A_191 = arith.addi %mul3A_10, %mul3A_190 : i32
      %dma_start3A_192 = tpu.memref_slice %arg2[%add3A_191] : memref<323584xi32, #tpu.memory_space<hbm>> -> memref<128xi32, #tpu.memory_space<hbm>>
      %dma_start3A_193 = tpu.memref_slice %arg2[%add3A_191] : memref<323584xi32, #tpu.memory_space<hbm>> -> memref<128xi32, #tpu.memory_space<hbm>>
      tpu.enqueue_dma source(%dma_start3A_193 : memref<128xi32, #tpu.memory_space<hbm>>) target(%arg8 : memref<128xi32, #tpu.memory_space<vmem>>) target_semaphore(%arg23 : memref<!tpu.dma_semaphore, #tpu.memory_space<semaphore_mem>>)
      %mul3A_194 = arith.constant 128 : i32
      %mul3A_195 = arith.muli %add3A_188, %mul3A_194 : i32
      %add3A_196 = arith.addi %mul3A_10, %mul3A_195 : i32
      %dma_start3A_197 = tpu.memref_slice %arg3[%add3A_196] : memref<323584xi32, #tpu.memory_space<hbm>> -> memref<128xi32, #tpu.memory_space<hbm>>
      %dma_start3A_198 = tpu.memref_slice %arg3[%add3A_196] : memref<323584xi32, #tpu.memory_space<hbm>> -> memref<128xi32, #tpu.memory_space<hbm>>
      tpu.enqueue_dma source(%dma_start3A_198 : memref<128xi32, #tpu.memory_space<hbm>>) target(%arg11 : memref<128xi32, #tpu.memory_space<vmem>>) target_semaphore(%arg23 : memref<!tpu.dma_semaphore, #tpu.memory_space<semaphore_mem>>)
      %cond3A_199 = arith.constant 1 : i32
      %dma_wait3A_200 = arith.constant 0 : i32
      %dma_wait3A_201 = arith.constant 0 : i32
      %dma_wait3A_202 = tpu.memref_slice %arg4[%dma_wait3A_200, %dma_wait3A_201] : memref<10000x112xf32, #tpu.memory_space<hbm>> -> memref<128x112xf32, #tpu.memory_space<hbm>>
      %dma_wait3A_203 = arith.constant 0 : i32
      %dma_wait3A_204 = arith.constant 0 : i32
      %dma_wait3A_205 = tpu.memref_slice %arg4[%dma_wait3A_203, %dma_wait3A_204] : memref<10000x112xf32, #tpu.memory_space<hbm>> -> memref<128x112xf32, #tpu.memory_space<hbm>>
      tpu.wait_dma2 semaphore(%arg18 : memref<!tpu.dma_semaphore, #tpu.memory_space<semaphore_mem>>) src(%dma_wait3A_205 : memref<128x112xf32, #tpu.memory_space<hbm>>) dst(%arg15 : memref<128x112xf32, #tpu.memory_space<vmem>>)
      %dma_start3A_206 = arith.constant 0 : i32
      %dma_start3A_207 = arith.constant 0 : i32
      %dma_start3A_208 = tpu.memref_slice %arg26[%dma_start3A_206, %dma_start3A_207] : memref<10112x112xf32, #tpu.memory_space<vmem_shared>> -> memref<10112x112xf32, #tpu.memory_space<vmem_shared>>
      tpu.enqueue_indirect_dma source(%arg15 : memref<128x112xf32, #tpu.memory_space<vmem>>) target(%dma_start3A_208 : memref<10112x112xf32, #tpu.memory_space<vmem_shared>>) offsets(%arg12 : memref<128xi32, #tpu.memory_space<vmem>>) semaphore(%arg21 : memref<!tpu.dma_semaphore, #tpu.memory_space<semaphore_mem>>) {add = true}
    }
    %dma_wait3A = arith.constant 0 : i32
    %dma_wait3A_49 = tpu.memref_slice %arg2[%dma_wait3A] : memref<323584xi32, #tpu.memory_space<hbm>> -> memref<128xi32, #tpu.memory_space<hbm>>
    %dma_wait3A_50 = arith.constant 0 : i32
    %dma_wait3A_51 = tpu.memref_slice %arg2[%dma_wait3A_50] : memref<323584xi32, #tpu.memory_space<hbm>> -> memref<128xi32, #tpu.memory_space<hbm>>
    tpu.wait_dma2 semaphore(%arg23 : memref<!tpu.dma_semaphore, #tpu.memory_space<semaphore_mem>>) src(%dma_wait3A_51 : memref<128xi32, #tpu.memory_space<hbm>>) dst(%arg8 : memref<128xi32, #tpu.memory_space<vmem>>)
    %dma_wait3A_52 = arith.constant 0 : i32
    %dma_wait3A_53 = tpu.memref_slice %arg2[%dma_wait3A_52] : memref<323584xi32, #tpu.memory_space<hbm>> -> memref<128xi32, #tpu.memory_space<hbm>>
    %dma_wait3A_54 = arith.constant 0 : i32
    %dma_wait3A_55 = tpu.memref_slice %arg2[%dma_wait3A_54] : memref<323584xi32, #tpu.memory_space<hbm>> -> memref<128xi32, #tpu.memory_space<hbm>>
    tpu.wait_dma2 semaphore(%arg23 : memref<!tpu.dma_semaphore, #tpu.memory_space<semaphore_mem>>) src(%dma_wait3A_55 : memref<128xi32, #tpu.memory_space<hbm>>) dst(%arg11 : memref<128xi32, #tpu.memory_space<vmem>>)
    %dma_start3A_56 = arith.constant 0 : i32
    %dma_start3A_57 = arith.constant 0 : i32
    %dma_start3A_58 = tpu.memref_slice %arg4[%dma_start3A_56, %dma_start3A_57] : memref<10000x112xf32, #tpu.memory_space<hbm>> -> memref<10000x112xf32, #tpu.memory_space<hbm>>
    tpu.enqueue_indirect_dma source(%dma_start3A_58 : memref<10000x112xf32, #tpu.memory_space<hbm>>) target(%arg14 : memref<128x112xf32, #tpu.memory_space<vmem>>) offsets(%arg8 : memref<128xi32, #tpu.memory_space<vmem>>) semaphore(%arg17 : memref<!tpu.dma_semaphore, #tpu.memory_space<semaphore_mem>>)
    %dma_wait3A_59 = arith.constant 0 : i32
    %dma_wait3A_60 = arith.constant 0 : i32
    %dma_wait3A_61 = tpu.memref_slice %arg26[%dma_wait3A_59, %dma_wait3A_60] : memref<10112x112xf32, #tpu.memory_space<vmem_shared>> -> memref<10112x112xf32, #tpu.memory_space<vmem_shared>>
    tpu.wait_indirect_dma semaphore(%arg21 : memref<!tpu.dma_semaphore, #tpu.memory_space<semaphore_mem>>) src(%arg15 : memref<128x112xf32, #tpu.memory_space<vmem>>) dst(%dma_wait3A_61 : memref<10112x112xf32, #tpu.memory_space<vmem_shared>>)
    %dma_wait3A_62 = arith.constant 0 : i32
    %dma_wait3A_63 = arith.constant 0 : i32
    %dma_wait3A_64 = tpu.memref_slice %arg4[%dma_wait3A_62, %dma_wait3A_63] : memref<10000x112xf32, #tpu.memory_space<hbm>> -> memref<128x112xf32, #tpu.memory_space<hbm>>
    %dma_wait3A_65 = arith.constant 0 : i32
    %dma_wait3A_66 = arith.constant 0 : i32
    %dma_wait3A_67 = tpu.memref_slice %arg4[%dma_wait3A_65, %dma_wait3A_66] : memref<10000x112xf32, #tpu.memory_space<hbm>> -> memref<128x112xf32, #tpu.memory_space<hbm>>
    tpu.wait_dma2 semaphore(%arg19 : memref<!tpu.dma_semaphore, #tpu.memory_space<semaphore_mem>>) src(%dma_wait3A_67 : memref<128x112xf32, #tpu.memory_space<hbm>>) dst(%arg16 : memref<128x112xf32, #tpu.memory_space<vmem>>)
    %dma_start3A_68 = arith.constant 0 : i32
    %dma_start3A_69 = arith.constant 0 : i32
    %dma_start3A_70 = tpu.memref_slice %arg26[%dma_start3A_68, %dma_start3A_69] : memref<10112x112xf32, #tpu.memory_space<vmem_shared>> -> memref<10112x112xf32, #tpu.memory_space<vmem_shared>>
    tpu.enqueue_indirect_dma source(%arg16 : memref<128x112xf32, #tpu.memory_space<vmem>>) target(%dma_start3A_70 : memref<10112x112xf32, #tpu.memory_space<vmem_shared>>) offsets(%arg13 : memref<128xi32, #tpu.memory_space<vmem>>) semaphore(%arg22 : memref<!tpu.dma_semaphore, #tpu.memory_space<semaphore_mem>>) {add = true}
    %dma_wait3A_71 = arith.constant 0 : i32
    %dma_wait3A_72 = arith.constant 0 : i32
    %dma_wait3A_73 = tpu.memref_slice %arg4[%dma_wait3A_71, %dma_wait3A_72] : memref<10000x112xf32, #tpu.memory_space<hbm>> -> memref<128x112xf32, #tpu.memory_space<hbm>>
    %dma_wait3A_74 = arith.constant 0 : i32
    %dma_wait3A_75 = arith.constant 0 : i32
    %dma_wait3A_76 = tpu.memref_slice %arg4[%dma_wait3A_74, %dma_wait3A_75] : memref<10000x112xf32, #tpu.memory_space<hbm>> -> memref<128x112xf32, #tpu.memory_space<hbm>>
    tpu.wait_dma2 semaphore(%arg17 : memref<!tpu.dma_semaphore, #tpu.memory_space<semaphore_mem>>) src(%dma_wait3A_76 : memref<128x112xf32, #tpu.memory_space<hbm>>) dst(%arg14 : memref<128x112xf32, #tpu.memory_space<vmem>>)
    %dma_start3A_77 = arith.constant 0 : i32
    %dma_start3A_78 = arith.constant 0 : i32
    %dma_start3A_79 = tpu.memref_slice %arg26[%dma_start3A_77, %dma_start3A_78] : memref<10112x112xf32, #tpu.memory_space<vmem_shared>> -> memref<10112x112xf32, #tpu.memory_space<vmem_shared>>
    tpu.enqueue_indirect_dma source(%arg14 : memref<128x112xf32, #tpu.memory_space<vmem>>) target(%dma_start3A_79 : memref<10112x112xf32, #tpu.memory_space<vmem_shared>>) offsets(%arg11 : memref<128xi32, #tpu.memory_space<vmem>>) semaphore(%arg20 : memref<!tpu.dma_semaphore, #tpu.memory_space<semaphore_mem>>) {add = true}
    %dma_wait3A_80 = arith.constant 0 : i32
    %dma_wait3A_81 = arith.constant 0 : i32
    %dma_wait3A_82 = tpu.memref_slice %arg26[%dma_wait3A_80, %dma_wait3A_81] : memref<10112x112xf32, #tpu.memory_space<vmem_shared>> -> memref<10112x112xf32, #tpu.memory_space<vmem_shared>>
    tpu.wait_indirect_dma semaphore(%arg22 : memref<!tpu.dma_semaphore, #tpu.memory_space<semaphore_mem>>) src(%arg16 : memref<128x112xf32, #tpu.memory_space<vmem>>) dst(%dma_wait3A_82 : memref<10112x112xf32, #tpu.memory_space<vmem_shared>>)
    %dma_wait3A_83 = arith.constant 0 : i32
    %dma_wait3A_84 = arith.constant 0 : i32
    %dma_wait3A_85 = tpu.memref_slice %arg26[%dma_wait3A_83, %dma_wait3A_84] : memref<10112x112xf32, #tpu.memory_space<vmem_shared>> -> memref<10112x112xf32, #tpu.memory_space<vmem_shared>>
    tpu.wait_indirect_dma semaphore(%arg20 : memref<!tpu.dma_semaphore, #tpu.memory_space<semaphore_mem>>) src(%arg14 : memref<128x112xf32, #tpu.memory_space<vmem>>) dst(%dma_wait3A_85 : memref<10112x112xf32, #tpu.memory_space<vmem_shared>>)
    %barrier3A_86 = arith.constant 0 : index
    tpu.barrier barrier_id(%barrier3A_86)
    %eq3A_87 = arith.constant 0 : i32
    %eq3A_88 = arith.cmpi eq, %arg0, %eq3A_87 : i32
    %convert_element_type3A = arith.extui %eq3A_88 : i1 to i32
    %cond3A = arith.constant 0 : i32
    %cond3A_89 = arith.cmpi ne, %convert_element_type3A, %cond3A : i32
    scf.if %cond3A_89 {
      "tpu.region"() ({
        %run_scoped3A = tpu.sem_alloc : memref<!tpu.dma_semaphore, #tpu.memory_space<semaphore_mem>>
        %dma_start3A_95 = arith.constant 0 : i32
        %dma_start3A_96 = tpu.memref_slice %arg6[%mul3A_19, %dma_start3A_95] : memref<10112x112xf32, #tpu.memory_space<hbm>> -> memref<632x112xf32, #tpu.memory_space<hbm>>
        %dma_start3A_97 = arith.constant 0 : i32
        %dma_start3A_98 = tpu.memref_slice %arg26[%mul3A_19, %dma_start3A_97] : memref<10112x112xf32, #tpu.memory_space<vmem_shared>> -> memref<632x112xf32, #tpu.memory_space<vmem_shared>>
        tpu.enqueue_dma source(%dma_start3A_98 : memref<632x112xf32, #tpu.memory_space<vmem_shared>>) target(%dma_start3A_96 : memref<632x112xf32, #tpu.memory_space<hbm>>) target_semaphore(%run_scoped3A : memref<!tpu.dma_semaphore, #tpu.memory_space<semaphore_mem>>)
        %dma_wait3A_99 = arith.constant 0 : i32
        %dma_wait3A_100 = tpu.memref_slice %arg6[%mul3A_19, %dma_wait3A_99] : memref<10112x112xf32, #tpu.memory_space<hbm>> -> memref<632x112xf32, #tpu.memory_space<hbm>>
        %dma_wait3A_101 = arith.constant 0 : i32
        %dma_wait3A_102 = tpu.memref_slice %arg26[%mul3A_19, %dma_wait3A_101] : memref<10112x112xf32, #tpu.memory_space<vmem_shared>> -> memref<632x112xf32, #tpu.memory_space<vmem_shared>>
        tpu.wait_dma2 semaphore(%run_scoped3A : memref<!tpu.dma_semaphore, #tpu.memory_space<semaphore_mem>>) src(%dma_wait3A_102 : memref<632x112xf32, #tpu.memory_space<vmem_shared>>) dst(%dma_wait3A_100 : memref<632x112xf32, #tpu.memory_space<hbm>>)
        tpu.yield
      }) : () -> ()
    } else {
    }
    %eq3A_90 = arith.constant 1 : i32
    %eq3A_91 = arith.cmpi eq, %arg0, %eq3A_90 : i32
    %convert_element_type3A_92 = arith.extui %eq3A_91 : i1 to i32
    %cond3A_93 = arith.constant 0 : i32
    %cond3A_94 = arith.cmpi ne, %convert_element_type3A_92, %cond3A_93 : i32
    scf.if %cond3A_94 {
      "tpu.region"() ({
        %run_scoped3A = tpu.sem_alloc : memref<!tpu.dma_semaphore, #tpu.memory_space<semaphore_mem>>
        %dma_start3A_95 = arith.constant 0 : i32
        %dma_start3A_96 = tpu.memref_slice %arg7[%mul3A_19, %dma_start3A_95] : memref<10112x112xf32, #tpu.memory_space<hbm>> -> memref<632x112xf32, #tpu.memory_space<hbm>>
        %dma_start3A_97 = arith.constant 0 : i32
        %dma_start3A_98 = tpu.memref_slice %arg26[%mul3A_19, %dma_start3A_97] : memref<10112x112xf32, #tpu.memory_space<vmem_shared>> -> memref<632x112xf32, #tpu.memory_space<vmem_shared>>
        tpu.enqueue_dma source(%dma_start3A_98 : memref<632x112xf32, #tpu.memory_space<vmem_shared>>) target(%dma_start3A_96 : memref<632x112xf32, #tpu.memory_space<hbm>>) target_semaphore(%run_scoped3A : memref<!tpu.dma_semaphore, #tpu.memory_space<semaphore_mem>>)
        %dma_wait3A_99 = arith.constant 0 : i32
        %dma_wait3A_100 = tpu.memref_slice %arg7[%mul3A_19, %dma_wait3A_99] : memref<10112x112xf32, #tpu.memory_space<hbm>> -> memref<632x112xf32, #tpu.memory_space<hbm>>
        %dma_wait3A_101 = arith.constant 0 : i32
        %dma_wait3A_102 = tpu.memref_slice %arg26[%mul3A_19, %dma_wait3A_101] : memref<10112x112xf32, #tpu.memory_space<vmem_shared>> -> memref<632x112xf32, #tpu.memory_space<vmem_shared>>
        tpu.wait_dma2 semaphore(%run_scoped3A : memref<!tpu.dma_semaphore, #tpu.memory_space<semaphore_mem>>) src(%dma_wait3A_102 : memref<632x112xf32, #tpu.memory_space<vmem_shared>>) dst(%dma_wait3A_100 : memref<632x112xf32, #tpu.memory_space<hbm>>)
        tpu.yield
      }) : () -> ()
    } else {
    }
    return
  }
}

module attributes {stable_mosaic.version = 14 : i64} {
  func.func @_prep_body(%arg0: i32, %arg1: memref<2000x1xi32, #tpu.memory_space<vmem>>, %arg2: memref<64x32xf32, #tpu.memory_space<vmem>>, %arg3: memref<2000x48xf32, #tpu.memory_space<vmem>>) attributes {dimension_semantics = [#tpu.dimension_semantics<arbitrary>], iteration_bounds = array<i64: 5>, scalar_prefetch = 0 : i64, scratch_operands = 0 : i64, tpu.core_type = #tpu.core_type<tc>, window_params = [{transform_indices = @transform_0, window_bounds = array<i64: 2000, 1>}, {pipeline_mode = #tpu.pipeline_mode<synchronous>, transform_indices = @transform_1, window_bounds = array<i64: 64, 32>}, {transform_indices = @transform_2, window_bounds = array<i64: 2000, 48>}]} {
    %get3A = arith.constant 0 : index
    %get3A_0 = arith.constant 0 : index
    %get3A_1 = vector.load %arg1[%get3A, %get3A_0] : memref<2000x1xi32, #tpu.memory_space<vmem>>, vector<2000x1xi32>
    %iota3A = tpu.iota {dimensions = array<i32: 1>} : vector<1x64xi32>
    %eq3A = vector.broadcast %get3A_1 : vector<2000x1xi32> to vector<2000x64xi32>
    %eq3A_2 = vector.broadcast %iota3A : vector<1x64xi32> to vector<2000x64xi32>
    %eq3A_3 = arith.cmpi eq, %eq3A, %eq3A_2 : vector<2000x64xi32>
    %convert_element_type3A = arith.extui %eq3A_3 : vector<2000x64xi1> to vector<2000x64xi32>
    %convert_element_type3A_4 = arith.sitofp %convert_element_type3A : vector<2000x64xi32> to vector<2000x64xf32>
    %get3A_5 = arith.constant 0 : index
    %get3A_6 = arith.constant 0 : index
    %get3A_7 = vector.load %arg2[%get3A_5, %get3A_6] : memref<64x32xf32, #tpu.memory_space<vmem>>, vector<64x32xf32>
    %dot_general3A = arith.constant dense<0.000000e+00> : vector<2000x32xf32>
    %dot_general3A_8 = tpu.matmul %convert_element_type3A_4, %get3A_7, %dot_general3A {dimension_numbers = #tpu.dot_dimension_numbers<[1], [0], [0], [1], [0, 0, 1, 1], [], []>, transpose_lhs_hint = false} : vector<2000x64xf32>, vector<64x32xf32>, vector<2000x32xf32> -> vector<2000x32xf32>
    %iota3A_9 = tpu.iota {dimensions = array<i32: 1>} : vector<2000x16xi32>
    %eq3A_10 = arith.constant 0 : i32
    %eq3A_11 = vector.broadcast %eq3A_10 : i32 to vector<2000x16xi32>
    %eq3A_12 = arith.cmpi eq, %iota3A_9, %eq3A_11 : vector<2000x16xi32>
    %convert_element_type3A_13 = arith.extui %eq3A_12 : vector<2000x16xi1> to vector<2000x16xi32>
    %convert_element_type3A_14 = arith.sitofp %convert_element_type3A_13 : vector<2000x16xi32> to vector<2000x16xf32>
    %concatenate3A = tpu.concatenate %dot_general3A_8, %convert_element_type3A_14 in 1 : vector<2000x32xf32>, vector<2000x16xf32> -> vector<2000x48xf32>
    %swap3A = arith.constant 0 : index
    %swap3A_15 = arith.constant 0 : index
    %swap3A_16 = vector.load %arg3[%swap3A, %swap3A_15] : memref<2000x48xf32, #tpu.memory_space<vmem>>, vector<2000x48xf32>
    tpu.vector_store %arg3[%swap3A, %swap3A_15], %concatenate3A {strides = array<i32>} : memref<2000x48xf32, #tpu.memory_space<vmem>>, vector<2000x48xf32>,
    return
  }
  func.func @transform_0(%arg0: i32) -> (i32, i32) {
    %c0_i32 = arith.constant 0 : i32
    %c0_i32_0 = arith.constant 0 : i32
    return %arg0, %c0_i32 : i32, i32
  }
  func.func @transform_1(%arg0: i32) -> (i32, i32) {
    %c0_i32 = arith.constant 0 : i32
    %c0_i32_0 = arith.constant 0 : i32
    %c0_i32_1 = arith.constant 0 : i32
    return %c0_i32, %c0_i32_0 : i32, i32
  }
  func.func @transform_2(%arg0: i32) -> (i32, i32) {
    %c0_i32 = arith.constant 0 : i32
    %c0_i32_0 = arith.constant 0 : i32
    return %arg0, %c0_i32 : i32, i32
  }
}

module attributes {stable_mosaic.version = 14 : i64} {
  func.func @_l0_body(%arg0: i32, %arg1: memref<2000x128xf32, #tpu.memory_space<vmem>>, %arg2: memref<2000x128xf32, #tpu.memory_space<vmem>>, %arg3: memref<2000x48xf32, #tpu.memory_space<vmem>>, %arg4: memref<2000x48xf32, #tpu.memory_space<vmem>>, %arg5: memref<2000x48xf32, #tpu.memory_space<vmem>>, %arg6: memref<2000x128xf32, #tpu.memory_space<vmem>>, %arg7: memref<128x224xf32, #tpu.memory_space<vmem>>, %arg8: memref<32x224xf32, #tpu.memory_space<vmem>>, %arg9: memref<128x224xf32, #tpu.memory_space<vmem>>, %arg10: memref<32x224xf32, #tpu.memory_space<vmem>>, %arg11: memref<1x224xf32, #tpu.memory_space<vmem>>, %arg12: memref<2000x112xf32, #tpu.memory_space<vmem>>, %arg13: memref<2000x112xf32, #tpu.memory_space<vmem>>, %arg14: memref<2000x64xf32, #tpu.memory_space<vmem>>) attributes {dimension_semantics = [#tpu.dimension_semantics<arbitrary>], iteration_bounds = array<i64: 5>, scalar_prefetch = 0 : i64, scratch_operands = 0 : i64, tpu.core_type = #tpu.core_type<tc>, window_params = [{transform_indices = @transform_0, window_bounds = array<i64: 2000, 128>}, {transform_indices = @transform_1, window_bounds = array<i64: 2000, 128>}, {transform_indices = @transform_2, window_bounds = array<i64: 2000, 48>}, {transform_indices = @transform_3, window_bounds = array<i64: 2000, 48>}, {transform_indices = @transform_4, window_bounds = array<i64: 2000, 48>}, {transform_indices = @transform_5, window_bounds = array<i64: 2000, 128>}, {pipeline_mode = #tpu.pipeline_mode<synchronous>, transform_indices = @transform_6, window_bounds = array<i64: 128, 224>}, {pipeline_mode = #tpu.pipeline_mode<synchronous>, transform_indices = @transform_7, window_bounds = array<i64: 32, 224>}, {pipeline_mode = #tpu.pipeline_mode<synchronous>, transform_indices = @transform_8, window_bounds = array<i64: 128, 224>}, {pipeline_mode = #tpu.pipeline_mode<synchronous>, transform_indices = @transform_9, window_bounds = array<i64: 32, 224>}, {pipeline_mode = #tpu.pipeline_mode<synchronous>, transform_indices = @transform_10, window_bounds = array<i64: 1, 224>}, {transform_indices = @transform_11, window_bounds = array<i64: 2000, 112>}, {transform_indices = @transform_12, window_bounds = array<i64: 2000, 112>}, {transform_indices = @transform_13, window_bounds = array<i64: 2000, 64>}]} {
    %get3A = arith.constant 0 : index
    %get3A_0 = arith.constant 0 : index
    %get3A_1 = vector.load %arg1[%get3A, %get3A_0] : memref<2000x128xf32, #tpu.memory_space<vmem>>, vector<2000x128xf32>
    %get3A_2 = arith.constant 0 : index
    %get3A_3 = arith.constant 0 : index
    %get3A_4 = vector.load %arg2[%get3A_2, %get3A_3] : memref<2000x128xf32, #tpu.memory_space<vmem>>, vector<2000x128xf32>
    %add3A = arith.addf %get3A_1, %get3A_4 : vector<2000x128xf32>
    %get3A_5 = arith.constant 0 : index
    %get3A_6 = arith.constant 0 : index
    %get3A_7 = vector.load %arg3[%get3A_5, %get3A_6] : memref<2000x48xf32, #tpu.memory_space<vmem>>, vector<2000x48xf32>
    %get3A_8 = arith.constant 0 : index
    %get3A_9 = arith.constant 0 : index
    %get3A_10 = vector.load %arg4[%get3A_8, %get3A_9] : memref<2000x48xf32, #tpu.memory_space<vmem>>, vector<2000x48xf32>
    %add3A_11 = arith.addf %get3A_7, %get3A_10 : vector<2000x48xf32>
    %slice3A = vector.extract_strided_slice %add3A_11 {offsets = [0, 32], sizes = [2000, 1], strides = [1, 1]} : vector<2000x48xf32> to vector<2000x1xf32>
    %max3A = arith.constant 1.000000e+00 : f32
    %max3A_12 = vector.broadcast %max3A : f32 to vector<2000x1xf32>
    %max3A_13 = arith.maximumf %slice3A, %max3A_12 : vector<2000x1xf32>
    %div3A = arith.constant 1.000000e+00 : f32
    %div3A_14 = vector.broadcast %div3A : f32 to vector<2000x1xf32>
    %div3A_15 = arith.divf %div3A_14, %max3A_13 : vector<2000x1xf32>
    %slice3A_16 = vector.extract_strided_slice %add3A_11 {offsets = [0, 0], sizes = [2000, 32], strides = [1, 1]} : vector<2000x48xf32> to vector<2000x32xf32>
    %mul3A = vector.broadcast %div3A_15 : vector<2000x1xf32> to vector<2000x32xf32>
    %mul3A_17 = arith.mulf %slice3A_16, %mul3A : vector<2000x32xf32>
    %mul3A_18 = vector.broadcast %div3A_15 : vector<2000x1xf32> to vector<2000x128xf32>
    %mul3A_19 = arith.mulf %add3A, %mul3A_18 : vector<2000x128xf32>
    %get3A_20 = arith.constant 0 : index
    %get3A_21 = arith.constant 0 : index
    %get3A_22 = vector.load %arg7[%get3A_20, %get3A_21] : memref<128x224xf32, #tpu.memory_space<vmem>>, vector<128x224xf32>
    %dot_general3A = arith.constant dense<0.000000e+00> : vector<2000x224xf32>
    %dot_general3A_23 = tpu.matmul %mul3A_19, %get3A_22, %dot_general3A {dimension_numbers = #tpu.dot_dimension_numbers<[1], [0], [0], [1], [0, 0, 1, 1], [], []>, transpose_lhs_hint = false} : vector<2000x128xf32>, vector<128x224xf32>, vector<2000x224xf32> -> vector<2000x224xf32>
    %get3A_24 = arith.constant 0 : index
    %get3A_25 = arith.constant 0 : index
    %get3A_26 = vector.load %arg8[%get3A_24, %get3A_25] : memref<32x224xf32, #tpu.memory_space<vmem>>, vector<32x224xf32>
    %dot_general3A_27 = arith.constant dense<0.000000e+00> : vector<2000x224xf32>
    %dot_general3A_28 = tpu.matmul %mul3A_17, %get3A_26, %dot_general3A_27 {dimension_numbers = #tpu.dot_dimension_numbers<[1], [0], [0], [1], [0, 0, 1, 1], [], []>, transpose_lhs_hint = false} : vector<2000x32xf32>, vector<32x224xf32>, vector<2000x224xf32> -> vector<2000x224xf32>
    %add3A_29 = arith.addf %dot_general3A_23, %dot_general3A_28 : vector<2000x224xf32>
    %get3A_30 = arith.constant 0 : index
    %get3A_31 = arith.constant 0 : index
    %get3A_32 = vector.load %arg6[%get3A_30, %get3A_31] : memref<2000x128xf32, #tpu.memory_space<vmem>>, vector<2000x128xf32>
    %get3A_33 = arith.constant 0 : index
    %get3A_34 = arith.constant 0 : index
    %get3A_35 = vector.load %arg9[%get3A_33, %get3A_34] : memref<128x224xf32, #tpu.memory_space<vmem>>, vector<128x224xf32>
    %dot_general3A_36 = arith.constant dense<0.000000e+00> : vector<2000x224xf32>
    %dot_general3A_37 = tpu.matmul %get3A_32, %get3A_35, %dot_general3A_36 {dimension_numbers = #tpu.dot_dimension_numbers<[1], [0], [0], [1], [0, 0, 1, 1], [], []>, transpose_lhs_hint = false} : vector<2000x128xf32>, vector<128x224xf32>, vector<2000x224xf32> -> vector<2000x224xf32>
    %add3A_38 = arith.addf %add3A_29, %dot_general3A_37 : vector<2000x224xf32>
    %get3A_39 = arith.constant 0 : index
    %get3A_40 = arith.constant 0 : index
    %get3A_41 = vector.load %arg5[%get3A_39, %get3A_40] : memref<2000x48xf32, #tpu.memory_space<vmem>>, vector<2000x32xf32>
    %get3A_42 = arith.constant 0 : index
    %get3A_43 = arith.constant 0 : index
    %get3A_44 = vector.load %arg10[%get3A_42, %get3A_43] : memref<32x224xf32, #tpu.memory_space<vmem>>, vector<32x224xf32>
    %dot_general3A_45 = arith.constant dense<0.000000e+00> : vector<2000x224xf32>
    %dot_general3A_46 = tpu.matmul %get3A_41, %get3A_44, %dot_general3A_45 {dimension_numbers = #tpu.dot_dimension_numbers<[1], [0], [0], [1], [0, 0, 1, 1], [], []>, transpose_lhs_hint = false} : vector<2000x32xf32>, vector<32x224xf32>, vector<2000x224xf32> -> vector<2000x224xf32>
    %add3A_47 = arith.addf %add3A_38, %dot_general3A_46 : vector<2000x224xf32>
    %get3A_48 = arith.constant 0 : index
    %get3A_49 = arith.constant 0 : index
    %get3A_50 = vector.load %arg11[%get3A_48, %get3A_49] : memref<1x224xf32, #tpu.memory_space<vmem>>, vector<1x224xf32>
    %add3A_51 = vector.broadcast %get3A_50 : vector<1x224xf32> to vector<2000x224xf32>
    %add3A_52 = arith.addf %add3A_47, %add3A_51 : vector<2000x224xf32>
    %slice3A_53 = vector.extract_strided_slice %add3A_52 {offsets = [0, 0], sizes = [2000, 112], strides = [1, 1]} : vector<2000x224xf32> to vector<2000x112xf32>
    %swap3A = arith.constant 0 : index
    %swap3A_54 = arith.constant 0 : index
    %swap3A_55 = vector.load %arg12[%swap3A, %swap3A_54] : memref<2000x112xf32, #tpu.memory_space<vmem>>, vector<2000x112xf32>
    tpu.vector_store %arg12[%swap3A, %swap3A_54], %slice3A_53 {strides = array<i32>} : memref<2000x112xf32, #tpu.memory_space<vmem>>, vector<2000x112xf32>,
    %slice3A_56 = vector.extract_strided_slice %add3A_52 {offsets = [0, 112], sizes = [2000, 112], strides = [1, 1]} : vector<2000x224xf32> to vector<2000x112xf32>
    %swap3A_57 = arith.constant 0 : index
    %swap3A_58 = arith.constant 0 : index
    %swap3A_59 = vector.load %arg13[%swap3A_57, %swap3A_58] : memref<2000x112xf32, #tpu.memory_space<vmem>>, vector<2000x112xf32>
    tpu.vector_store %arg13[%swap3A_57, %swap3A_58], %slice3A_56 {strides = array<i32>} : memref<2000x112xf32, #tpu.memory_space<vmem>>, vector<2000x112xf32>,
    %broadcast_in_dim3A = vector.shape_cast %div3A_15 : vector<2000x1xf32> to vector<2000x1xf32>
    %broadcast_in_dim3A_60 = vector.broadcast %broadcast_in_dim3A : vector<2000x1xf32> to vector<2000x32xf32>
    %concatenate3A = tpu.concatenate %mul3A_17, %broadcast_in_dim3A_60 in 1 : vector<2000x32xf32>, vector<2000x32xf32> -> vector<2000x64xf32>
    %swap3A_61 = arith.constant 0 : index
    %swap3A_62 = arith.constant 0 : index
    %swap3A_63 = vector.load %arg14[%swap3A_61, %swap3A_62] : memref<2000x64xf32, #tpu.memory_space<vmem>>, vector<2000x64xf32>
    tpu.vector_store %arg14[%swap3A_61, %swap3A_62], %concatenate3A {strides = array<i32>} : memref<2000x64xf32, #tpu.memory_space<vmem>>, vector<2000x64xf32>,
    return
  }
  func.func @transform_0(%arg0: i32) -> (i32, i32) {
    %c0_i32 = arith.constant 0 : i32
    %c0_i32_0 = arith.constant 0 : i32
    return %arg0, %c0_i32 : i32, i32
  }
  func.func @transform_1(%arg0: i32) -> (i32, i32) {
    %c0_i32 = arith.constant 0 : i32
    %c0_i32_0 = arith.constant 0 : i32
    return %arg0, %c0_i32 : i32, i32
  }
  func.func @transform_2(%arg0: i32) -> (i32, i32) {
    %c0_i32 = arith.constant 0 : i32
    %c0_i32_0 = arith.constant 0 : i32
    return %arg0, %c0_i32 : i32, i32
  }
  func.func @transform_3(%arg0: i32) -> (i32, i32) {
    %c0_i32 = arith.constant 0 : i32
    %c0_i32_0 = arith.constant 0 : i32
    return %arg0, %c0_i32 : i32, i32
  }
  func.func @transform_4(%arg0: i32) -> (i32, i32) {
    %c0_i32 = arith.constant 0 : i32
    %c0_i32_0 = arith.constant 0 : i32
    return %arg0, %c0_i32 : i32, i32
  }
  func.func @transform_5(%arg0: i32) -> (i32, i32) {
    %c0_i32 = arith.constant 0 : i32
    %c0_i32_0 = arith.constant 0 : i32
    return %arg0, %c0_i32 : i32, i32
  }
  func.func @transform_6(%arg0: i32) -> (i32, i32) {
    %c0_i32 = arith.constant 0 : i32
    %c0_i32_0 = arith.constant 0 : i32
    %c0_i32_1 = arith.constant 0 : i32
    return %c0_i32, %c0_i32_0 : i32, i32
  }
  func.func @transform_7(%arg0: i32) -> (i32, i32) {
    %c0_i32 = arith.constant 0 : i32
    %c0_i32_0 = arith.constant 0 : i32
    %c0_i32_1 = arith.constant 0 : i32
    return %c0_i32, %c0_i32_0 : i32, i32
  }
  func.func @transform_8(%arg0: i32) -> (i32, i32) {
    %c0_i32 = arith.constant 0 : i32
    %c0_i32_0 = arith.constant 0 : i32
    %c0_i32_1 = arith.constant 0 : i32
    return %c0_i32, %c0_i32_0 : i32, i32
  }
  func.func @transform_9(%arg0: i32) -> (i32, i32) {
    %c0_i32 = arith.constant 0 : i32
    %c0_i32_0 = arith.constant 0 : i32
    %c0_i32_1 = arith.constant 0 : i32
    return %c0_i32, %c0_i32_0 : i32, i32
  }
  func.func @transform_10(%arg0: i32) -> (i32, i32) {
    %c0_i32 = arith.constant 0 : i32
    %c0_i32_0 = arith.constant 0 : i32
    %c0_i32_1 = arith.constant 0 : i32
    return %c0_i32, %c0_i32_0 : i32, i32
  }
  func.func @transform_11(%arg0: i32) -> (i32, i32) {
    %c0_i32 = arith.constant 0 : i32
    %c0_i32_0 = arith.constant 0 : i32
    return %arg0, %c0_i32 : i32, i32
  }
  func.func @transform_12(%arg0: i32) -> (i32, i32) {
    %c0_i32 = arith.constant 0 : i32
    %c0_i32_0 = arith.constant 0 : i32
    return %arg0, %c0_i32 : i32, i32
  }
  func.func @transform_13(%arg0: i32) -> (i32, i32) {
    %c0_i32 = arith.constant 0 : i32
    %c0_i32_0 = arith.constant 0 : i32
    return %arg0, %c0_i32 : i32, i32
  }
}

module attributes {stable_mosaic.version = 14 : i64} {
  func.func @_l1_body(%arg0: i32, %arg1: memref<2000x112xf32, #tpu.memory_space<vmem>>, %arg2: memref<2000x112xf32, #tpu.memory_space<vmem>>, %arg3: memref<2000x112xf32, #tpu.memory_space<vmem>>, %arg4: memref<2000x112xf32, #tpu.memory_space<vmem>>, %arg5: memref<2000x64xf32, #tpu.memory_space<vmem>>, %arg6: memref<2000x112xf32, #tpu.memory_space<vmem>>, %arg7: memref<2000x112xf32, #tpu.memory_space<vmem>>, %arg8: memref<2000x48xf32, #tpu.memory_space<vmem>>, %arg9: memref<224x224xf32, #tpu.memory_space<vmem>>, %arg10: memref<32x224xf32, #tpu.memory_space<vmem>>, %arg11: memref<224x224xf32, #tpu.memory_space<vmem>>, %arg12: memref<32x224xf32, #tpu.memory_space<vmem>>, %arg13: memref<1x224xf32, #tpu.memory_space<vmem>>, %arg14: memref<2000x224xf32, #tpu.memory_space<vmem>>) attributes {dimension_semantics = [#tpu.dimension_semantics<arbitrary>], iteration_bounds = array<i64: 5>, scalar_prefetch = 0 : i64, scratch_operands = 0 : i64, tpu.core_type = #tpu.core_type<tc>, window_params = [{transform_indices = @transform_0, window_bounds = array<i64: 2000, 112>}, {transform_indices = @transform_1, window_bounds = array<i64: 2000, 112>}, {transform_indices = @transform_2, window_bounds = array<i64: 2000, 112>}, {transform_indices = @transform_3, window_bounds = array<i64: 2000, 112>}, {transform_indices = @transform_4, window_bounds = array<i64: 2000, 64>}, {transform_indices = @transform_5, window_bounds = array<i64: 2000, 112>}, {transform_indices = @transform_6, window_bounds = array<i64: 2000, 112>}, {transform_indices = @transform_7, window_bounds = array<i64: 2000, 48>}, {pipeline_mode = #tpu.pipeline_mode<synchronous>, transform_indices = @transform_8, window_bounds = array<i64: 224, 224>}, {pipeline_mode = #tpu.pipeline_mode<synchronous>, transform_indices = @transform_9, window_bounds = array<i64: 32, 224>}, {pipeline_mode = #tpu.pipeline_mode<synchronous>, transform_indices = @transform_10, window_bounds = array<i64: 224, 224>}, {pipeline_mode = #tpu.pipeline_mode<synchronous>, transform_indices = @transform_11, window_bounds = array<i64: 32, 224>}, {pipeline_mode = #tpu.pipeline_mode<synchronous>, transform_indices = @transform_12, window_bounds = array<i64: 1, 224>}, {transform_indices = @transform_13, window_bounds = array<i64: 2000, 224>}]} {
    %get3A = arith.constant 0 : index
    %get3A_0 = arith.constant 32 : index
    %get3A_1 = vector.load %arg5[%get3A, %get3A_0] : memref<2000x64xf32, #tpu.memory_space<vmem>>, vector<2000x1xf32>
    %get3A_2 = arith.constant 0 : index
    %get3A_3 = arith.constant 0 : index
    %get3A_4 = vector.load %arg5[%get3A_2, %get3A_3] : memref<2000x64xf32, #tpu.memory_space<vmem>>, vector<2000x32xf32>
    %get3A_5 = arith.constant 0 : index
    %get3A_6 = arith.constant 0 : index
    %get3A_7 = vector.load %arg1[%get3A_5, %get3A_6] : memref<2000x112xf32, #tpu.memory_space<vmem>>, vector<2000x112xf32>
    %get3A_8 = arith.constant 0 : index
    %get3A_9 = arith.constant 0 : index
    %get3A_10 = vector.load %arg2[%get3A_8, %get3A_9] : memref<2000x112xf32, #tpu.memory_space<vmem>>, vector<2000x112xf32>
    %add3A = arith.addf %get3A_7, %get3A_10 : vector<2000x112xf32>
    %mul3A = vector.broadcast %get3A_1 : vector<2000x1xf32> to vector<2000x112xf32>
    %mul3A_11 = arith.mulf %add3A, %mul3A : vector<2000x112xf32>
    %get3A_12 = arith.constant 0 : index
    %get3A_13 = arith.constant 0 : index
    %get3A_14 = vector.load %arg3[%get3A_12, %get3A_13] : memref<2000x112xf32, #tpu.memory_space<vmem>>, vector<2000x112xf32>
    %get3A_15 = arith.constant 0 : index
    %get3A_16 = arith.constant 0 : index
    %get3A_17 = vector.load %arg4[%get3A_15, %get3A_16] : memref<2000x112xf32, #tpu.memory_space<vmem>>, vector<2000x112xf32>
    %add3A_18 = arith.addf %get3A_14, %get3A_17 : vector<2000x112xf32>
    %mul3A_19 = vector.broadcast %get3A_1 : vector<2000x1xf32> to vector<2000x112xf32>
    %mul3A_20 = arith.mulf %add3A_18, %mul3A_19 : vector<2000x112xf32>
    %concatenate3A = tpu.concatenate %mul3A_11, %mul3A_20 in 1 : vector<2000x112xf32>, vector<2000x112xf32> -> vector<2000x224xf32>
    %get3A_21 = arith.constant 0 : index
    %get3A_22 = arith.constant 0 : index
    %get3A_23 = vector.load %arg6[%get3A_21, %get3A_22] : memref<2000x112xf32, #tpu.memory_space<vmem>>, vector<2000x112xf32>
    %get3A_24 = arith.constant 0 : index
    %get3A_25 = arith.constant 0 : index
    %get3A_26 = vector.load %arg7[%get3A_24, %get3A_25] : memref<2000x112xf32, #tpu.memory_space<vmem>>, vector<2000x112xf32>
    %concatenate3A_27 = tpu.concatenate %get3A_23, %get3A_26 in 1 : vector<2000x112xf32>, vector<2000x112xf32> -> vector<2000x224xf32>
    %get3A_28 = arith.constant 0 : index
    %get3A_29 = arith.constant 0 : index
    %get3A_30 = vector.load %arg8[%get3A_28, %get3A_29] : memref<2000x48xf32, #tpu.memory_space<vmem>>, vector<2000x32xf32>
    %get3A_31 = arith.constant 0 : index
    %get3A_32 = arith.constant 0 : index
    %get3A_33 = vector.load %arg9[%get3A_31, %get3A_32] : memref<224x224xf32, #tpu.memory_space<vmem>>, vector<224x224xf32>
    %dot_general3A = arith.constant dense<0.000000e+00> : vector<2000x224xf32>
    %dot_general3A_34 = tpu.matmul %concatenate3A, %get3A_33, %dot_general3A {dimension_numbers = #tpu.dot_dimension_numbers<[1], [0], [0], [1], [0, 0, 1, 1], [], []>, transpose_lhs_hint = false} : vector<2000x224xf32>, vector<224x224xf32>, vector<2000x224xf32> -> vector<2000x224xf32>
    %get3A_35 = arith.constant 0 : index
    %get3A_36 = arith.constant 0 : index
    %get3A_37 = vector.load %arg10[%get3A_35, %get3A_36] : memref<32x224xf32, #tpu.memory_space<vmem>>, vector<32x224xf32>
    %dot_general3A_38 = arith.constant dense<0.000000e+00> : vector<2000x224xf32>
    %dot_general3A_39 = tpu.matmul %get3A_4, %get3A_37, %dot_general3A_38 {dimension_numbers = #tpu.dot_dimension_numbers<[1], [0], [0], [1], [0, 0, 1, 1], [], []>, transpose_lhs_hint = false} : vector<2000x32xf32>, vector<32x224xf32>, vector<2000x224xf32> -> vector<2000x224xf32>
    %add3A_40 = arith.addf %dot_general3A_34, %dot_general3A_39 : vector<2000x224xf32>
    %get3A_41 = arith.constant 0 : index
    %get3A_42 = arith.constant 0 : index
    %get3A_43 = vector.load %arg11[%get3A_41, %get3A_42] : memref<224x224xf32, #tpu.memory_space<vmem>>, vector<224x224xf32>
    %dot_general3A_44 = arith.constant dense<0.000000e+00> : vector<2000x224xf32>
    %dot_general3A_45 = tpu.matmul %concatenate3A_27, %get3A_43, %dot_general3A_44 {dimension_numbers = #tpu.dot_dimension_numbers<[1], [0], [0], [1], [0, 0, 1, 1], [], []>, transpose_lhs_hint = false} : vector<2000x224xf32>, vector<224x224xf32>, vector<2000x224xf32> -> vector<2000x224xf32>
    %add3A_46 = arith.addf %add3A_40, %dot_general3A_45 : vector<2000x224xf32>
    %get3A_47 = arith.constant 0 : index
    %get3A_48 = arith.constant 0 : index
    %get3A_49 = vector.load %arg12[%get3A_47, %get3A_48] : memref<32x224xf32, #tpu.memory_space<vmem>>, vector<32x224xf32>
    %dot_general3A_50 = arith.constant dense<0.000000e+00> : vector<2000x224xf32>
    %dot_general3A_51 = tpu.matmul %get3A_30, %get3A_49, %dot_general3A_50 {dimension_numbers = #tpu.dot_dimension_numbers<[1], [0], [0], [1], [0, 0, 1, 1], [], []>, transpose_lhs_hint = false} : vector<2000x32xf32>, vector<32x224xf32>, vector<2000x224xf32> -> vector<2000x224xf32>
    %add3A_52 = arith.addf %add3A_46, %dot_general3A_51 : vector<2000x224xf32>
    %get3A_53 = arith.constant 0 : index
    %get3A_54 = arith.constant 0 : index
    %get3A_55 = vector.load %arg13[%get3A_53, %get3A_54] : memref<1x224xf32, #tpu.memory_space<vmem>>, vector<1x224xf32>
    %add3A_56 = vector.broadcast %get3A_55 : vector<1x224xf32> to vector<2000x224xf32>
    %add3A_57 = arith.addf %add3A_52, %add3A_56 : vector<2000x224xf32>
    %swap3A = arith.constant 0 : index
    %swap3A_58 = arith.constant 0 : index
    %swap3A_59 = vector.load %arg14[%swap3A, %swap3A_58] : memref<2000x224xf32, #tpu.memory_space<vmem>>, vector<2000x224xf32>
    tpu.vector_store %arg14[%swap3A, %swap3A_58], %add3A_57 {strides = array<i32>} : memref<2000x224xf32, #tpu.memory_space<vmem>>, vector<2000x224xf32>,
    return
  }
  func.func @transform_0(%arg0: i32) -> (i32, i32) {
    %c0_i32 = arith.constant 0 : i32
    %c0_i32_0 = arith.constant 0 : i32
    return %arg0, %c0_i32 : i32, i32
  }
  func.func @transform_1(%arg0: i32) -> (i32, i32) {
    %c0_i32 = arith.constant 0 : i32
    %c0_i32_0 = arith.constant 0 : i32
    return %arg0, %c0_i32 : i32, i32
  }
  func.func @transform_2(%arg0: i32) -> (i32, i32) {
    %c0_i32 = arith.constant 0 : i32
    %c0_i32_0 = arith.constant 0 : i32
    return %arg0, %c0_i32 : i32, i32
  }
  func.func @transform_3(%arg0: i32) -> (i32, i32) {
    %c0_i32 = arith.constant 0 : i32
    %c0_i32_0 = arith.constant 0 : i32
    return %arg0, %c0_i32 : i32, i32
  }
  func.func @transform_4(%arg0: i32) -> (i32, i32) {
    %c0_i32 = arith.constant 0 : i32
    %c0_i32_0 = arith.constant 0 : i32
    return %arg0, %c0_i32 : i32, i32
  }
  func.func @transform_5(%arg0: i32) -> (i32, i32) {
    %c0_i32 = arith.constant 0 : i32
    %c0_i32_0 = arith.constant 0 : i32
    return %arg0, %c0_i32 : i32, i32
  }
  func.func @transform_6(%arg0: i32) -> (i32, i32) {
    %c0_i32 = arith.constant 0 : i32
    %c0_i32_0 = arith.constant 0 : i32
    return %arg0, %c0_i32 : i32, i32
  }
  func.func @transform_7(%arg0: i32) -> (i32, i32) {
    %c0_i32 = arith.constant 0 : i32
    %c0_i32_0 = arith.constant 0 : i32
    return %arg0, %c0_i32 : i32, i32
  }
  func.func @transform_8(%arg0: i32) -> (i32, i32) {
    %c0_i32 = arith.constant 0 : i32
    %c0_i32_0 = arith.constant 0 : i32
    %c0_i32_1 = arith.constant 0 : i32
    return %c0_i32, %c0_i32_0 : i32, i32
  }
  func.func @transform_9(%arg0: i32) -> (i32, i32) {
    %c0_i32 = arith.constant 0 : i32
    %c0_i32_0 = arith.constant 0 : i32
    %c0_i32_1 = arith.constant 0 : i32
    return %c0_i32, %c0_i32_0 : i32, i32
  }
  func.func @transform_10(%arg0: i32) -> (i32, i32) {
    %c0_i32 = arith.constant 0 : i32
    %c0_i32_0 = arith.constant 0 : i32
    %c0_i32_1 = arith.constant 0 : i32
    return %c0_i32, %c0_i32_0 : i32, i32
  }
  func.func @transform_11(%arg0: i32) -> (i32, i32) {
    %c0_i32 = arith.constant 0 : i32
    %c0_i32_0 = arith.constant 0 : i32
    %c0_i32_1 = arith.constant 0 : i32
    return %c0_i32, %c0_i32_0 : i32, i32
  }
  func.func @transform_12(%arg0: i32) -> (i32, i32) {
    %c0_i32 = arith.constant 0 : i32
    %c0_i32_0 = arith.constant 0 : i32
    %c0_i32_1 = arith.constant 0 : i32
    return %c0_i32, %c0_i32_0 : i32, i32
  }
  func.func @transform_13(%arg0: i32) -> (i32, i32) {
    %c0_i32 = arith.constant 0 : i32
    %c0_i32_0 = arith.constant 0 : i32
    return %arg0, %c0_i32 : i32, i32
  }
}

module attributes {stable_mosaic.version = 14 : i64} {
  func.func @_pool_body(%arg0: i32, %arg1: memref<2000x1xi32, #tpu.memory_space<vmem>>, %arg2: memref<2000x112xf32, #tpu.memory_space<vmem>>, %arg3: memref<2000x112xf32, #tpu.memory_space<vmem>>, %arg4: memref<2000x224xf32, #tpu.memory_space<vmem>>, %arg5: memref<448x256xf32, #tpu.memory_space<vmem>>, %arg6: memref<1x256xf32, #tpu.memory_space<vmem>>, %arg7: memref<256x10xf32, #tpu.memory_space<vmem>>, %arg8: memref<1x10xf32, #tpu.memory_space<vmem>>, %arg9: memref<64x10xf32, #tpu.memory_space<vmem>>, %arg10: memref<64x448xf32, #tpu.memory_space<vmem>>) attributes {dimension_semantics = [#tpu.dimension_semantics<arbitrary>], iteration_bounds = array<i64: 5>, scalar_prefetch = 0 : i64, scratch_operands = 1 : i64, tpu.core_type = #tpu.core_type<tc>, window_params = [{transform_indices = @transform_0, window_bounds = array<i64: 2000, 1>}, {transform_indices = @transform_1, window_bounds = array<i64: 2000, 112>}, {transform_indices = @transform_2, window_bounds = array<i64: 2000, 112>}, {transform_indices = @transform_3, window_bounds = array<i64: 2000, 224>}, {pipeline_mode = #tpu.pipeline_mode<synchronous>, transform_indices = @transform_4, window_bounds = array<i64: 448, 256>}, {pipeline_mode = #tpu.pipeline_mode<synchronous>, transform_indices = @transform_5, window_bounds = array<i64: 1, 256>}, {pipeline_mode = #tpu.pipeline_mode<synchronous>, transform_indices = @transform_6, window_bounds = array<i64: 256, 10>}, {pipeline_mode = #tpu.pipeline_mode<synchronous>, transform_indices = @transform_7, window_bounds = array<i64: 1, 10>}, {pipeline_mode = #tpu.pipeline_mode<synchronous>, transform_indices = @transform_8, window_bounds = array<i64: 64, 10>}]} {
    %eq3A = arith.constant 0 : i32
    %eq3A_0 = arith.cmpi eq, %arg0, %eq3A : i32
    %convert_element_type3A = arith.extui %eq3A_0 : i1 to i32
    %cond3A = arith.constant 0 : i32
    %cond3A_1 = arith.cmpi ne, %convert_element_type3A, %cond3A : i32
    scf.if %cond3A_1 {
      %broadcast_in_dim3A = arith.constant 0xFF800000 : f32
      %broadcast_in_dim3A_22 = vector.broadcast %broadcast_in_dim3A : f32 to vector<64x448xf32>
      %swap3A = arith.constant 0 : index
      %swap3A_23 = arith.constant 0 : index
      %swap3A_24 = vector.load %arg10[%swap3A, %swap3A_23] : memref<64x448xf32, #tpu.memory_space<vmem>>, vector<64x448xf32>
      tpu.vector_store %arg10[%swap3A, %swap3A_23], %broadcast_in_dim3A_22 {strides = array<i32>} : memref<64x448xf32, #tpu.memory_space<vmem>>, vector<64x448xf32>,
    } else {
    }
    %get3A = arith.constant 0 : index
    %get3A_2 = arith.constant 0 : index
    %get3A_3 = vector.load %arg2[%get3A, %get3A_2] : memref<2000x112xf32, #tpu.memory_space<vmem>>, vector<2000x112xf32>
    %get3A_4 = arith.constant 0 : index
    %get3A_5 = arith.constant 0 : index
    %get3A_6 = vector.load %arg3[%get3A_4, %get3A_5] : memref<2000x112xf32, #tpu.memory_space<vmem>>, vector<2000x112xf32>
    %get3A_7 = arith.constant 0 : index
    %get3A_8 = arith.constant 0 : index
    %get3A_9 = vector.load %arg4[%get3A_7, %get3A_8] : memref<2000x224xf32, #tpu.memory_space<vmem>>, vector<2000x224xf32>
    %concatenate3A = tpu.concatenate %get3A_3, %get3A_6, %get3A_9 in 1 : vector<2000x112xf32>, vector<2000x112xf32>, vector<2000x224xf32> -> vector<2000x448xf32>
    %get3A_10 = arith.constant 0 : index
    %get3A_11 = arith.constant 0 : index
    %get3A_12 = vector.load %arg1[%get3A_10, %get3A_11] : memref<2000x1xi32, #tpu.memory_space<vmem>>, vector<2000x1xi32>
    %scan3A = arith.constant 0 : i32
    %scan3A_13 = arith.constant 64 : i32
    %scan3A_14 = arith.addi %scan3A, %scan3A_13 : i32
    %scan3A_15 = arith.constant 1 : i32
    scf.for %scan3A_22 = %scan3A to %scan3A_14 step %scan3A_15  : i32 {
      %eq3A_23 = vector.broadcast %scan3A_22 : i32 to vector<2000x1xi32>
      %eq3A_24 = arith.cmpi eq, %get3A_12, %eq3A_23 : vector<2000x1xi32>
      %jit3A = arith.constant 0xFF800000 : f32
      %broadcast_in_dim3A = vector.shape_cast %eq3A_24 : vector<2000x1xi1> to vector<2000x1xi1>
      %broadcast_in_dim3A_25 = vector.broadcast %broadcast_in_dim3A : vector<2000x1xi1> to vector<2000x448xi1>
      %broadcast_in_dim3A_26 = vector.broadcast %jit3A : f32 to vector<2000x448xf32>
      %select_n3A = arith.select %broadcast_in_dim3A_25, %concatenate3A, %broadcast_in_dim3A_26 : vector<2000x448xi1>, vector<2000x448xf32>
      %reduce_max3A = arith.constant dense<0xFF800000> : vector<448xf32>
      %reduce_max3A_27 = vector.multi_reduction <maximumf>, %select_n3A, %reduce_max3A [0] : vector<2000x448xf32> to vector<448xf32>
      %broadcast_in_dim3A_28 = vector.shape_cast %reduce_max3A_27 : vector<448xf32> to vector<1x448xf32>
      %get3A_29 = arith.index_cast %scan3A_22 : i32 to index
      %get3A_30 = arith.constant 0 : index
      %get3A_31 = vector.load %arg10[%get3A_29, %get3A_30] : memref<64x448xf32, #tpu.memory_space<vmem>>, vector<1x448xf32>
      %max3A = arith.maximumf %get3A_31, %broadcast_in_dim3A_28 : vector<1x448xf32>
      %swap3A = arith.index_cast %scan3A_22 : i32 to index
      %swap3A_32 = arith.constant 0 : index
      %swap3A_33 = vector.load %arg10[%swap3A, %swap3A_32] : memref<64x448xf32, #tpu.memory_space<vmem>>, vector<1x448xf32>
      tpu.vector_store %arg10[%swap3A, %swap3A_32], %max3A {strides = array<i32>} : memref<64x448xf32, #tpu.memory_space<vmem>>, vector<1x448xf32>,
    }
    %scan3A_16 = arith.constant 64 : i32
    %eq3A_17 = arith.constant 4 : i32
    %eq3A_18 = arith.cmpi eq, %arg0, %eq3A_17 : i32
    %convert_element_type3A_19 = arith.extui %eq3A_18 : i1 to i32
    %cond3A_20 = arith.constant 0 : i32
    %cond3A_21 = arith.cmpi ne, %convert_element_type3A_19, %cond3A_20 : i32
    scf.if %cond3A_21 {
      %get3A_22 = arith.constant 0 : index
      %get3A_23 = arith.constant 0 : index
      %get3A_24 = vector.load %arg10[%get3A_22, %get3A_23] : memref<64x448xf32, #tpu.memory_space<vmem>>, vector<64x448xf32>
      %get3A_25 = arith.constant 0 : index
      %get3A_26 = arith.constant 0 : index
      %get3A_27 = vector.load %arg5[%get3A_25, %get3A_26] : memref<448x256xf32, #tpu.memory_space<vmem>>, vector<448x256xf32>
      %dot_general3A = arith.constant dense<0.000000e+00> : vector<64x256xf32>
      %dot_general3A_28 = tpu.matmul %get3A_24, %get3A_27, %dot_general3A {dimension_numbers = #tpu.dot_dimension_numbers<[1], [0], [0], [1], [0, 0, 1, 1], [], []>, transpose_lhs_hint = false} : vector<64x448xf32>, vector<448x256xf32>, vector<64x256xf32> -> vector<64x256xf32>
      %get3A_29 = arith.constant 0 : index
      %get3A_30 = arith.constant 0 : index
      %get3A_31 = vector.load %arg6[%get3A_29, %get3A_30] : memref<1x256xf32, #tpu.memory_space<vmem>>, vector<1x256xf32>
      %add3A = vector.broadcast %get3A_31 : vector<1x256xf32> to vector<64x256xf32>
      %add3A_32 = arith.addf %dot_general3A_28, %add3A : vector<64x256xf32>
      %max3A = arith.constant 0.000000e+00 : f32
      %max3A_33 = vector.broadcast %max3A : f32 to vector<64x256xf32>
      %max3A_34 = arith.maximumf %add3A_32, %max3A_33 : vector<64x256xf32>
      %get3A_35 = arith.constant 0 : index
      %get3A_36 = arith.constant 0 : index
      %get3A_37 = vector.load %arg7[%get3A_35, %get3A_36] : memref<256x10xf32, #tpu.memory_space<vmem>>, vector<256x10xf32>
      %dot_general3A_38 = arith.constant dense<0.000000e+00> : vector<64x10xf32>
      %dot_general3A_39 = tpu.matmul %max3A_34, %get3A_37, %dot_general3A_38 {dimension_numbers = #tpu.dot_dimension_numbers<[1], [0], [0], [1], [0, 0, 1, 1], [], []>, transpose_lhs_hint = false} : vector<64x256xf32>, vector<256x10xf32>, vector<64x10xf32> -> vector<64x10xf32>
      %get3A_40 = arith.constant 0 : index
      %get3A_41 = arith.constant 0 : index
      %get3A_42 = vector.load %arg8[%get3A_40, %get3A_41] : memref<1x10xf32, #tpu.memory_space<vmem>>, vector<1x10xf32>
      %add3A_43 = vector.broadcast %get3A_42 : vector<1x10xf32> to vector<64x10xf32>
      %add3A_44 = arith.addf %dot_general3A_39, %add3A_43 : vector<64x10xf32>
      %swap3A = arith.constant 0 : index
      %swap3A_45 = arith.constant 0 : index
      %swap3A_46 = vector.load %arg9[%swap3A, %swap3A_45] : memref<64x10xf32, #tpu.memory_space<vmem>>, vector<64x10xf32>
      tpu.vector_store %arg9[%swap3A, %swap3A_45], %add3A_44 {strides = array<i32>} : memref<64x10xf32, #tpu.memory_space<vmem>>, vector<64x10xf32>,
    } else {
    }
    return
  }
  func.func @transform_0(%arg0: i32) -> (i32, i32) {
    %c0_i32 = arith.constant 0 : i32
    %c0_i32_0 = arith.constant 0 : i32
    return %arg0, %c0_i32 : i32, i32
  }
  func.func @transform_1(%arg0: i32) -> (i32, i32) {
    %c0_i32 = arith.constant 0 : i32
    %c0_i32_0 = arith.constant 0 : i32
    return %arg0, %c0_i32 : i32, i32
  }
  func.func @transform_2(%arg0: i32) -> (i32, i32) {
    %c0_i32 = arith.constant 0 : i32
    %c0_i32_0 = arith.constant 0 : i32
    return %arg0, %c0_i32 : i32, i32
  }
  func.func @transform_3(%arg0: i32) -> (i32, i32) {
    %c0_i32 = arith.constant 0 : i32
    %c0_i32_0 = arith.constant 0 : i32
    return %arg0, %c0_i32 : i32, i32
  }
  func.func @transform_4(%arg0: i32) -> (i32, i32) {
    %c0_i32 = arith.constant 0 : i32
    %c0_i32_0 = arith.constant 0 : i32
    %c0_i32_1 = arith.constant 0 : i32
    return %c0_i32, %c0_i32_0 : i32, i32
  }
  func.func @transform_5(%arg0: i32) -> (i32, i32) {
    %c0_i32 = arith.constant 0 : i32
    %c0_i32_0 = arith.constant 0 : i32
    %c0_i32_1 = arith.constant 0 : i32
    return %c0_i32, %c0_i32_0 : i32, i32
  }
  func.func @transform_6(%arg0: i32) -> (i32, i32) {
    %c0_i32 = arith.constant 0 : i32
    %c0_i32_0 = arith.constant 0 : i32
    %c0_i32_1 = arith.constant 0 : i32
    return %c0_i32, %c0_i32_0 : i32, i32
  }
  func.func @transform_7(%arg0: i32) -> (i32, i32) {
    %c0_i32 = arith.constant 0 : i32
    %c0_i32_0 = arith.constant 0 : i32
    %c0_i32_1 = arith.constant 0 : i32
    return %c0_i32, %c0_i32_0 : i32, i32
  }
  func.func @transform_8(%arg0: i32) -> (i32, i32) {
    %c0_i32 = arith.constant 0 : i32
    %c0_i32_0 = arith.constant 0 : i32
    %c0_i32_1 = arith.constant 0 : i32
    return %c0_i32, %c0_i32_0 : i32, i32
  }
}

</mosaic_0001>

<sc_bundles>
// kernel: kernel.10.cloned.1.call-start
scs
__scs_entry_jumppad:
0x0: {  	(pc) =	sbr.rel $0x88, $3  }
0x1: {  	(tag) =	ssettag $0x0;
	lr =	simm.s32 $0x1  }
0x2: {  	[smem:$0x3F93] =	sst lr;
	_ =	strace $0xD0000000  }
0x3: {  	_ = 	snop  }
0x4: {  	_ = 	snop  }
0x5: {  	_ = 	snop  }
0x6: {  	_ = 	snop  }
0x7: {  	_ = 	snop  }
__scs_overlays_trampoline_lowered:
0x8: {  	[smem:$0x3FA2] =	sst s0  }
0x9: {  	[smem:$0x3FA3] =	sst s1  }
0xa: {  	[smem:$0x3FA4] =	sst s2  }
0xb: {  	[smem:$0x3FA5] =	sst s3  }
0xc: {  	[smem:$0x3FA6] =	sst s4  }
0xd: {  	[smem:$0x3FA7] =	sst s5  }
0xe: {  	[smem:$0x3FA8] =	sst s6  }
0xf: {  	[smem:$0x3FA9] =	sst s7  }
0x10: {  	[smem:$0x3FAA] =	sst s8  }
0x11: {  	[smem:$0x3FAB] =	sst s9;
	s0 =	simm.s32 @!p0 $0x0  }
0x12: {  	s1 =	sld [smem:$0x3F91];
	s0 =	simm.s32 @p0 $0x1  }
0x13: {  	[smem:$0x3FAC] =	sst s0;
	s0 =	simm.s32 @!p1 $0x0  }
0x14: {  	s2 =	sld [smem:$0x3F90];
	s0 =	simm.s32 @p1 $0x1  }
0x15: {  	[smem:$0x3FAD] =	sst s0;
	s0 =	simm.s32 @!p2 $0x0  }
0x16: {  	s3 =	sld [smem:$0x3FDB];
	s0 =	simm.s32 @p2 $0x1  }
0x17: {  	s4 =	simm.s32 $0x1BF5;
	[smem:$0x3FAF] =	sst s0  }
0x18: {  	s0 =	sld [smem:$0x3F92];
	_ =	swait.ge [sflag:s4], $0x0  }
0x19: {  	s7 =	sld [smem:$0x3F93]  }
0x1a: {  	s8 =	sadd.s32 $0xFFFFE003, lr  }
0x1b: {  	s9 =	sadd.s32 $0xFFFFFEF7, lr;
	s5 =	simm.s32 $0xFFFFFFFF;
	p2 =	slt.u32 s8, $0xFFFFF086  }
0x1c: {  	p1 =	slt.u32 s9, $0xF7A;
	s5 =	simm.s32 @!p2 $0x0  }
0x1d: {  	s5 =	simm.s32 @p1 $0x1;
	p0 =	seq.s32 s7, s2  }
0x1e: {  	s7 =	smul.u32 @!p0 $0xF7A, s2;
	p2 =	seq.s32 @!p0 s5, $0x0  }
0x1f: {  	s9 =	smul.u32 $0xF7A, s1;
	s8 =	simm.s32 @!p0 $0x1BF5;
	p2 =	por !p2, p0  }
0x20: {  	[sflag:s8] =	ssyncset.s32 @!p0 $0xFFFFF086;
	s6 =	sadd.s32 @!p0 s3, s7;
	s7 =	simm.s32 @!p0 $0x108  }
0x21: {  	s3 =	sadd.s32 s3, s9;
	s6 =	sadd.s32 @!p0 $0x88, s6;
	s7 =	simm.s32 @p2 $0x1082  }
0x22: {  	[simem:s7], [sflag:s8] =	dma.local @!p0 [hbm:s6], $0xF7A  }
0x23: {  	s9 =	sor.u32 $0xD0000000, s2;
	s6 =	simm.s32 $0x108;
	_ =	swait.ge @!p0 [sflag:s8], $0x0  }
0x24: {  	s3 =	sadd.s32 $0x88, s3;
	s6 =	simm.s32 @!p1 $0x1082;
	[sflag:s4] =	ssyncset.s32 $0xFFFFF086  }
0x25: {  	[simem:s6], [sflag:s4] =	dma.local [hbm:s3], $0xF7A  }
0x26: {  	[smem:$0x3F93] =	sst s1;
	(tag) =	ssettag s2;
	_ =	strace s9  }
0x27: {  	s1 =	sld [smem:$0x3FA3]  }
0x28: {  	s2 =	sld [smem:$0x3FA4]  }
0x29: {  	s4 =	sld [smem:$0x3FA6]  }
0x2a: {  	p0 =	seq.s32 s5, $0x0;
	s5 =	sld [smem:$0x3FA7]  }
0x2b: {  	s6 =	sld [smem:$0x3FA8]  }
0x2c: {  	s7 =	sld [smem:$0x3FA9]  }
0x2d: {  	s3 =	simm.s32 $0x108;
	s8 =	sld [smem:$0x3FAA]  }
0x2e: {  	s3 =	simm.s32 @!p0 $0x1082;
	s9 =	sld [smem:$0x3FAB]  }
0x2f: {  	lr =	sadd.s32 s0, s3;
	s0 =	sld [smem:$0x3FA2]  }
0x30: {  	s3 =	sld [smem:$0x3FA5]  }
0x31: {  	[smem:$0x3FAE] =	sst s10  }
0x32: {  	s10 =	sld [smem:$0x3FAC];
	_ =	sdelay $0x3  }
0x33: {  	p0 =	seq.s32 s10, $0x1;
	s10 =	sld [smem:$0x3FAE];
	_ =	sdelay $0x3  }
0x34: {  	[smem:$0x3FAE] =	sst s10  }
0x35: {  	s10 =	sld [smem:$0x3FAD];
	_ =	sdelay $0x3  }
0x36: {  	p1 =	seq.s32 s10, $0x1;
	s10 =	sld [smem:$0x3FAE];
	_ =	sdelay $0x3  }
0x37: {  	[smem:$0x3FAE] =	sst s10  }
0x38: {  	s10 =	sld [smem:$0x3FAF]  }
0x39: {  	_ = 	snop;
	(pc) =	sbr.ind lr, $3  }
0x3a: {  	_ = 	snop  }
0x3b: {  	_ = 	snop  }
0x3c: {  	p2 =	seq.s32 s10, $0x1;
	s10 =	sld [smem:$0x3FAE]  }
0x3d: {  	_ =	shalt  }
0x3e: {  	_ =	shalt  }
0x3f: {  	_ =	shalt  }
0x40: {  	_ =	shalt  }
0x41: {  	_ =	shalt  }
0x42: {  	_ =	shalt  }
0x43: {  	_ =	shalt  }
0x44: {  	_ =	shalt  }
0x45: {  	_ =	shalt  }
0x46: {  	_ =	shalt  }
0x47: {  	_ =	shalt  }
0x48: {  	_ =	shalt  }
0x49: {  	_ =	shalt  }
0x4a: {  	_ =	shalt  }
0x4b: {  	_ =	shalt  }
0x4c: {  	_ =	shalt  }
0x4d: {  	_ =	shalt  }
0x4e: {  	_ =	shalt  }
0x4f: {  	_ =	shalt  }
0x50: {  	_ =	shalt  }
0x51: {  	_ =	shalt  }
0x52: {  	_ =	shalt  }
0x53: {  	_ =	shalt  }
0x54: {  	_ =	shalt  }
0x55: {  	_ =	shalt  }
0x56: {  	_ =	shalt  }
0x57: {  	_ =	shalt  }
0x58: {  	_ =	shalt  }
0x59: {  	_ =	shalt  }
0x5a: {  	_ =	shalt  }
0x5b: {  	_ =	shalt  }
0x5c: {  	_ =	shalt  }
0x5d: {  	_ =	shalt  }
0x5e: {  	_ =	shalt  }
0x5f: {  	_ =	shalt  }
0x60: {  	_ =	shalt  }
0x61: {  	_ =	shalt  }
0x62: {  	_ =	shalt  }
0x63: {  	_ =	shalt  }
0x64: {  	_ =	shalt  }
0x65: {  	_ =	shalt  }
0x66: {  	_ =	shalt  }
0x67: {  	_ =	shalt  }
0x68: {  	_ =	shalt  }
0x69: {  	_ =	shalt  }
0x6a: {  	_ =	shalt  }
0x6b: {  	_ =	shalt  }
0x6c: {  	_ =	shalt  }
0x6d: {  	_ =	shalt  }
0x6e: {  	_ =	shalt  }
0x6f: {  	_ =	shalt  }
0x70: {  	_ =	shalt  }
0x71: {  	_ =	shalt  }
0x72: {  	_ =	shalt  }
0x73: {  	_ =	shalt  }
0x74: {  	_ =	shalt  }
0x75: {  	_ =	shalt  }
0x76: {  	_ =	shalt  }
0x77: {  	_ =	shalt  }
0x78: {  	_ =	shalt  }
0x79: {  	_ =	shalt  }
0x7a: {  	_ =	shalt  }
0x7b: {  	_ =	shalt  }
0x7c: {  	_ =	shalt  }
0x7d: {  	_ =	shalt  }
0x7e: {  	_ =	shalt  }
0x7f: {  	_ =	shalt  }
0x80: {  	_ =	shalt  }
0x81: {  	_ =	shalt  }
0x82: {  	_ =	shalt  }
0x83: {  	_ =	shalt  }
0x84: {  	_ =	shalt  }
0x85: {  	_ =	shalt  }
0x86: {  	_ =	shalt  }
0x87: {  	_ =	shalt  }
.Lfunc_end0:
.L_simem_size_0:
called_computation_lowered:
.L_overlay_start_0:
0x88: {  	s2 =	sld [smem:$0x3FD9]  }
0x89: {  	s3 =	sld [smem:$0x3FFE];
	_ =	sdelay $0x1  }
0x8a: {  	s1 =	srdreg.scid  }
0x8b: {  	s0 =	sand.u32 $0x1, s1  }
0x8c: {  	s17 =	sshll.u32 s0, $0xA;
	s2 =	sadd.s32 s3, s2  }
0x8d: {  	s2 =	sadd.s32 s2, s17  }
0x8e: {  	[smem:$0x3FBA] =	sst s2  }
0x8f: {  	_ = 	snop  }
0x90: {  	s18 =	sld [smem:$0x3FC9];
	(tm) =	ssettm $0x1  }
0x91: {  	s19 =	sld [smem:$0x3FFB];
	_ =	sdelay $0x3  }
0x92: {  	_ =	strace s19  }
0x93: {  	s2 =	sld [smem:$0x3FFC];
	_ =	sdelay $0x3  }
0x94: {  	_ =	strace s2  }
0x95: {  	s2 =	sld [smem:$0x3FFD];
	_ =	sdelay $0x3  }
0x96: {  	_ =	strace s2  }
0x97: {  	_ =	strace $0x8FFFFFFF  }
0x98: {  	s20 =	sld [smem:$0x3FDB];
	_ =	sdelay $0x1  }
0x99: {  	s4 =	simm.s32 $_scs_section_size  }
0x9a: {  	s5 =	simm.s32 $_size__tile_overlayer_lowered;
	s6 =	simm.s32 $_tile_overlayer_lowered  }
0x9b: {  	s7 =	simm.s32 $0x1BFF;
	s21 =	sshll.u32 s6, $0x1;
	s4 =	sadd.s32 s4, s20  }
0x9c: {  	s22 =	simm.s32 $0x0;
	s5 =	sshll.u32 s5, $0x1;
	s6 =	sadd.s32 s21, s4  }
0x9d: {  	[timem:s22], [sflag:s7] =	dma.local [hbm:s6], s5  }
0x9e: {  	_ =	swait.ge [sflag:s7], s5  }
0x9f: {  	s5 =	ssub.s32 $0x0, s5;
	[sflag:s7] =	ssyncset.done $0x0  }
0xa0: {  	[sflag:s7] =	ssyncadd.s32 s5;
	_ =	sdelay $0x1  }
0xa1: {  	s23 =	simm.s32 $0x1B8B  }
0xa2: {  	_ =	swait.ge [sflag:s23], $0x1  }
0xa3: {  	[sflag:s23] =	ssyncset.done $0x0  }
0xa4: {  	[sflag:s23] =	ssyncadd.s32 $0xFFFFFFFF  }
0xa5: {  	s5 =	sld [smem:$0x0]  }
0xa6: {  	s6 =	sand.u32 $0xFFFFFFFE, s1  }
0xa7: {  	p0 =	sne.s32 s1, s6  }
0xa8: {  	s6 =	sshll.u32 @p0 s6, $0xE  }
0xa9: {  	s6 =	sadd.s32 @p0 $0x11B8D, s6;
	s7 =	sshll.u32 @p0 s5, $0x11  }
0xaa: {  	s6 =	sor.u32 @p0 s7, s6  }
0xab: {  	[sflag:s6] =	ssyncadd.remote.s32 @p0 $0x1;
	_ =	sdelay $0x1  }
0xac: {  	s6 =	simm.s32 @p0 $0x1B8D  }
0xad: {  	_ =	swait.eq @p0 [sflag:s6], $0x1  }
0xae: {  	[sflag:s6] =	ssyncadd.s32 @p0 $0xFFFFFFFF  }
0xaf: {  	s7 =	sshll.u32 @!p0 s1, $0xE  }
0xb0: {  	s7 =	sor.u32 @!p0 $0x4000, s7;
	s6 =	simm.s32 @!p0 $0x1B8D  }
0xb1: {  	s5 =	sshll.u32 @!p0 s5, $0x11;
	s7 =	sadd.s32 @!p0 $0x11B8D, s7;
	_ =	swait.eq @!p0 [sflag:s6], $0x1  }
0xb2: {  	s5 =	sor.u32 @!p0 s5, s7;
	[sflag:s6] =	ssyncadd.s32 @!p0 $0xFFFFFFFF  }
0xb3: {  	s25 =	simm.s32 $0x1B8E;
	s24 =	sld [smem:$0x3FFE];
	[sflag:s5] =	ssyncadd.remote.s32 @!p0 $0x1  }
0xb4: {  	s26 =	simm.s32 $execute0_lowered;
	[smem:$0x3FD2] =	sst s25  }
0xb5: {  	s6 =	sshll.u32 s26, $0x1;
	_ =	strace $0x80000049;
	[dreg:$0x1] =	wrdreg $0xFFFFFFFF  }
0xb6: {  	s28 =	simm.s32 $_size_execute0_lowered;
	s4 =	sadd.s32 s4, s6;
	[dreg:$0x0] =	wrdreg $0x0  }
0xb7: {  	s6 =	sshll.u32 s28, $0x1;
	[dreg:$0x2] =	wrdreg s4  }
0xb8: {  	[dreg:$0x3] =	wrdreg s6  }
0xb9: {  	[dreg:$0x4] =	wrdreg $0xC0  }
0xba: {  	_ =	task [dreg:s22], $0x5FFFF  }
0xbb: {  	[dreg:$0x1] =	wrdreg $0xFFFFFFFF  }
0xbc: {  	[dreg:$0x0] =	wrdreg $0x60  }
0xbd: {  	[dreg:$0x2] =	wrdreg s24  }
0xbe: {  	[dreg:$0x3] =	wrdreg s18  }
0xbf: {  	[dreg:$0x4] =	wrdreg $0xC3000  }
0xc0: {  	[dreg:$0x5] =	wrdreg $0x9  }
0xc1: {  	_ =	task.clear_ibuf [dreg:s22], $0x6FFFF;
	_ =	strace $0x90000049  }
0xc2: {  	s29 =	simm.s32 $0x9;
	_ =	strace $0x8000004B  }
0xc3: {  	_ =	swait.ge [sflag:s29], $0x1  }
0xc4: {  	[sflag:s29] =	ssyncadd.s32 $0xFFFFFFFF  }
0xc5: {  	_ =	strace $0x9000004B  }
0xc6: {  	_ =	sfence  }
0xc7: {  	s30 =	sld [smem:$0x0];
	_ =	sdelay $0x2  }
0xc8: {  	s31 =	sshll.u32 s1, $0xD;
	s1 =	sshrl.u32 s1, $0x2  }
0xc9: {  	s4 =	sand.u32 $0x4000, s31;
	s1 =	sadd.s32 s1, s30  }
0xca: {  	s0 =	sor.u32 s4, s0;
	s1 =	sshll.u32 s1, $0x11  }
0xcb: {  	s0 =	sor.u32 s1, s0  }
0xcc: {  	s0 =	sadd.s32 $0x8F2B, s0  }
0xcd: {  	[sflag:s0] =	ssyncadd.remote.s32 $0x1  }
0xce: {  	_ =	sfence.sel $0xFFFF  }
0xcf: {  	[dreg:$0x0] =	wrdreg $0xFFFFFFFF;
	(pc) =	sbr.abs _section_cstart, $3  }
0xd0: {  	[dreg:$0x1] =	wrdreg $0xFFFFFFFF  }
0xd1: {  	_ =	task.clear_ibuf [dreg:s22], $0x2FFFF;
	_ =	strace $0x9FFFFFFF  }
0xd2: {  	(tm) =	ssettm $0x7FFFFFFF  }
0xd3: {  	_ =	shalt  }
tec
execute0_lowered:
.L_overlay_start_1:
0x0: {  	(tag) =	ssettag $0x1  }
0x1: {  	s5 =	rddreg [dreg:$0x0]  }
0x2: {  	s2 =	rddreg [dreg:$0x1]  }
0x3: {  	s3 =	rddreg [dreg:$0x2];
	s0 =	stileid.u32  }
0x4: {  	s6 =	srdreg.scid;
	s4 =	simm.s32 $0x0;
	s15 =	simm.s32 $0x6F0  }
0x5: {  	s16 =	simm.s32 $0x300;
	s17 =	simm.s32 $0x200;
	s18 =	simm.s32 $0x100  }
0x6: {  	s19 =	simm.s32 $0x280;
	s20 =	simm.s32 $0x1;
	s21 =	simm.s32 $0x9  }
0x7: {  	s22 =	simm.s32 $0x8300;
	s23 =	simm.s32 $0x4;
	s7 =	smul.u32 $0x2E, s0  }
0x8: {  	s28 =	simm.s32 $0x6;
	s29 =	simm.s32 $0x0;
	s8 =	smul.u32 $0x70, s0  }
0x9: {  	s6 =	sand.u32 $0x1, s6;
	s9 =	smul.u32 $0x13C00, s0;
	[smem:$0x7FF] =	sst s4  }
0xa: {  	s11 =	sadd.s32 $0x7A200, s5;
	s12 =	sadd.s32 $0xA1A00, s5;
	s26 =	sshll.u32 s0, $0x6  }
0xb: {  	p0 =	seq.s32 s6, $0x0;
	_ =	strace $0x8000004A;
	s6 =	ssub.s32 $0x2, s6  }
0xc: {  	s7 =	sadd.s32 $0x700, s7;
	s10 =	sshrl.u32 s9, $0x3;
	s25 =	sshrl.u32 s6, $0x1  }
0xd: {  	s14 =	sadd.s32 s9, s3;
	s15 =	simm.s32 @!p0 $0x2D0;
	s12 =	smov.u32 @p0 s11  }
0xe: {  	s11 =	simm.s32 $0x180;
	s7 =	smov.u32 @p0 s8;
	s24 =	sadd.s32 s10, s5  }
0xf: {  	s13 =	ssub.s32 s6, s25;
	s8 =	sor.u32 $0x1C0A, s26;
	[dreg:$0x4] =	wrdreg s15  }
0x10: {  	s10 =	sadd.s32 s12, s10;
	s12 =	sshrl.u32 s14, $0x3;
	s14 =	simm.s32 $0x7  }
0x11: {  	s15 =	simm.s32 $0x80;
	s25 =	simm.s32 $0x4300;
	s26 =	simm.s32 $0x3  }
0x12: {  	s7 =	sshll.u32 s7, $0x4;
	s30 =	sadd.s32 $0x52A00, s24;
	s31 =	smax.u32 s13, $0x1  }
0x13: {  	s13 =	simm.s32 $0xA;
	s24 =	simm.s32 $0x2;
	[dreg:$0x5] =	wrdreg s25  }
0x14: {  	s25 =	simm.s32 $0x5;
	s7 =	sadd.s32 s7, s5;
	[dreg:$0x6] =	wrdreg s30  }
0x15: {  	[dreg:$0x7] =	wrdreg s31;
	s5 =	sadd.s32 $0x1C200, s7;
	s6 =	sadd.s32 $0x12400, s7  }
.LBB2_1:
0x16: {  	[tilespmem:s4], [sflag:$0x7] =	stream.linear.gather [hbm4b:s5+s4], $0x80, $0x38;
	[tilespmem:$0x1FF00] =	vst v63  }
0x17: {  	s0 =	rddreg [dreg:$0x6]  }
0x18: {  	[tilespmem:s11], [sflag:$0x7] =	stream.linear.gather [hbm4b:s6+s4], $0x80, $0x38;
	[tilespmem:$0x1FF00] =	vst v63  }
0x19: {  	[spmem:s12], [sflag:s8] =	dma.local [hbm:s0], $0x2780  }
0x1a: {  	_ =	swait.ge [sflag:s13], $0x2780  }
0x1b: {  	[sflag:s13] =	ssyncset.done $0x0  }
0x1c: {  	[sflag:s13] =	ssyncadd.s32 $0xFFFFD880  }
0x1d: {  	s30 =	simm.s32 $0x0;
	[bflag:$0x0] =	sbarrier.arrive $0xFFFF  }
.LBB2_2:
0x1e: {  	_ =	swait.ge [sflag:s14], $0x80  }
0x1f: {  	[sflag:s14] =	ssyncset.done $0x0  }
0x20: {  	[sflag:s14] =	ssyncadd.s32 $0xFFFFFF80  }
0x21: {  	_ =	swait.ge [sflag:s14], $0x80  }
0x22: {  	p0 =	seq.s32 s30, $0x0;
	[sflag:s14] =	ssyncset.done $0x0  }
0x23: {  	s31 =	simm.s32 @!p0 $0x5;
	[sflag:s14] =	ssyncadd.s32 $0xFFFFFF80  }
0x24: {  	[tilespmem:s16], [sflag:$0x1] =	stream.indirect.gather [hbm4b:s2+s15], $0x80, s4, s15, $0xb8;
	[tilespmem:$0x1FF00] =	vst v63  }
0x25: {  	_ =	swait.ge @!p0 [sflag:s31], $0x4000  }
0x26: {  	s0 =	sadd.s32 s30, s5;
	[sflag:s31] =	ssyncset.done @!p0 $0x0  }
0x27: {  	s1 =	sadd.s32 $0x10, s0;
	[sflag:s31] =	ssyncadd.s32 @!p0 $0xFFFFC000;
	s31 =	sadd.s32 s30, s6  }
0x28: {  	[tilespmem:s15], [sflag:$0x8] =	stream.linear.gather [hbm4b:s1+s4], $0x80, $0x38;
	[tilespmem:$0x1FF00] =	vst v63  }
0x29: {  	s1 =	sadd.s32 $0x10, s31  }
0x2a: {  	[tilespmem:s17], [sflag:$0x8] =	stream.linear.gather [hbm4b:s1+s4], $0x80, $0x38;
	[tilespmem:$0x1FF00] =	vst v63  }
0x2b: {  	s1 =	simm.s32 @p0 $0x8  }
0x2c: {  	_ =	swait.ge @p0 [sflag:s1], $0x80  }
0x2d: {  	[sflag:s1] =	ssyncset.done @p0 $0x0  }
0x2e: {  	[sflag:s1] =	ssyncadd.s32 @p0 $0xFFFFFF80  }
0x2f: {  	_ =	swait.ge @p0 [sflag:s1], $0x80  }
0x30: {  	[sflag:s1] =	ssyncset.done @p0 $0x0  }
0x31: {  	s7 =	simm.s32 @p0 $0x4300;
	[sflag:s1] =	ssyncadd.s32 @p0 $0xFFFFFF80;
	s1 =	simm.s32 @p0 $0x80  }
0x32: {  	[tilespmem:s7], [sflag:$0x2] =	stream.indirect.gather @p0 [hbm4b:s2+s1], $0x80, s1, s1, $0xb8;
	[tilespmem:$0x1FF00] =	vst v63  }
0x33: {  	s1 =	simm.s32 @!p0 $0x3  }
0x34: {  	_ =	swait.ge @!p0 [sflag:s1], $0x4000  }
0x35: {  	s9 =	simm.s32 @!p0 $0x8300;
	[sflag:s1] =	ssyncset.done @!p0 $0x0  }
0x36: {  	s7 =	simm.s32 @!p0 $0x280;
	[sflag:s1] =	ssyncadd.s32 @!p0 $0xFFFFC000;
	s1 =	simm.s32 @!p0 $0x80  }
0x37: {  	[spmem:s3] =	stream.indirect.scatter.add.f32 @!p0 [tilespmem:s9], [sflag:$0x6], $0x80, s7, s1, $0xb8;
	[tilespmem:$0x1FF00] =	vst v63  }
0x38: {  	s7 =	simm.s32 @!p0 $0x8  }
0x39: {  	_ =	swait.ge @!p0 [sflag:s7], $0x80  }
0x3a: {  	[sflag:s7] =	ssyncset.done @!p0 $0x0  }
0x3b: {  	[sflag:s7] =	ssyncadd.s32 @!p0 $0xFFFFFF80  }
0x3c: {  	_ =	swait.ge @!p0 [sflag:s7], $0x80  }
0x3d: {  	[sflag:s7] =	ssyncset.done @!p0 $0x0  }
0x3e: {  	[sflag:s7] =	ssyncadd.s32 @!p0 $0xFFFFFF80;
	s7 =	simm.s32 @!p0 $0x4300  }
0x3f: {  	[tilespmem:s7], [sflag:$0x2] =	stream.indirect.gather @!p0 [hbm4b:s2+s1], $0x80, s1, s1, $0xb8;
	[tilespmem:$0x1FF00] =	vst v63  }
0x40: {  	s1 =	simm.s32 @!p0 $0x6  }
0x41: {  	_ =	swait.ge @!p0 [sflag:s1], $0x4000  }
0x42: {  	[sflag:s1] =	ssyncset.done @!p0 $0x0  }
0x43: {  	s7 =	sadd.s32 $0x20, s0;
	[sflag:s1] =	ssyncadd.s32 @!p0 $0xFFFFC000  }
0x44: {  	[tilespmem:s18], [sflag:$0x9] =	stream.linear.gather [hbm4b:s7+s4], $0x80, $0x38;
	[tilespmem:$0x1FF00] =	vst v63  }
0x45: {  	s9 =	sadd.s32 $0x20, s31  }
0x46: {  	[tilespmem:s19], [sflag:$0x9] =	stream.linear.gather [hbm4b:s9+s4], $0x80, $0x38;
	[tilespmem:$0x1FF00] =	vst v63  }
0x47: {  	_ =	swait.ge [sflag:s20], $0x4000  }
0x48: {  	[sflag:s20] =	ssyncset.done $0x0  }
0x49: {  	[sflag:s20] =	ssyncadd.s32 $0xFFFFC000  }
0x4a: {  	[spmem:s3] =	stream.indirect.scatter.add.f32 [tilespmem:s16], [sflag:$0x4], $0x80, s11, s15, $0xb8;
	[tilespmem:$0x1FF00] =	vst v63  }
0x4b: {  	_ =	swait.ge [sflag:s21], $0x80  }
0x4c: {  	[sflag:s21] =	ssyncset.done $0x0  }
0x4d: {  	[sflag:s21] =	ssyncadd.s32 $0xFFFFFF80  }
0x4e: {  	_ =	swait.ge [sflag:s21], $0x80  }
0x4f: {  	[sflag:s21] =	ssyncset.done $0x0  }
0x50: {  	[sflag:s21] =	ssyncadd.s32 $0xFFFFFF80  }
0x51: {  	[tilespmem:s22], [sflag:$0x3] =	stream.indirect.gather [hbm4b:s2+s15], $0x80, s18, s15, $0xb8;
	[tilespmem:$0x1FF00] =	vst v63  }
0x52: {  	_ =	swait.ge [sflag:s23], $0x4000  }
0x53: {  	[sflag:s23] =	ssyncset.done $0x0  }
0x54: {  	s0 =	sadd.s32 $0x30, s0;
	[sflag:s23] =	ssyncadd.s32 $0xFFFFC000  }
0x55: {  	[tilespmem:s4], [sflag:$0x7] =	stream.linear.gather [hbm4b:s0+s4], $0x80, $0x38;
	[tilespmem:$0x1FF00] =	vst v63  }
0x56: {  	s7 =	sadd.s32 $0x30, s31  }
0x57: {  	[tilespmem:s11], [sflag:$0x7] =	stream.linear.gather [hbm4b:s7+s4], $0x80, $0x38;
	[tilespmem:$0x1FF00] =	vst v63  }
0x58: {  	_ =	swait.ge [sflag:s24], $0x4000  }
0x59: {  	s30 =	sadd.s32 $0x30, s30;
	s31 =	rddreg [dreg:$0x4]  }
0x5a: {  	p0 =	sne.s32 s31, s30  }
.Ltmp0:
0x5b: {  	_ = 	snop;
	(pc) =	sbr.rel @p0 .LBB2_2-.Ltmp0, $4  }
0x5c: {  	_ = 	snop  }
0x5d: {  	[sflag:s24] =	ssyncset.done $0x0  }
0x5e: {  	s9 =	rddreg [dreg:$0x5];
	[sflag:s24] =	ssyncadd.s32 $0xFFFFC000  }
0x5f: {  	[spmem:s3] =	stream.indirect.scatter.add.f32 [tilespmem:s9], [sflag:$0x5], $0x80, s17, s15, $0xb8;
	[tilespmem:$0x1FF00] =	vst v63  }
0x60: {  	_ =	swait.ge [sflag:s14], $0x80  }
0x61: {  	[sflag:s14] =	ssyncset.done $0x0  }
0x62: {  	[sflag:s14] =	ssyncadd.s32 $0xFFFFFF80  }
0x63: {  	_ =	swait.ge [sflag:s14], $0x80  }
0x64: {  	[sflag:s14] =	ssyncset.done $0x0  }
0x65: {  	[sflag:s14] =	ssyncadd.s32 $0xFFFFFF80  }
0x66: {  	[tilespmem:s16], [sflag:$0x1] =	stream.indirect.gather [hbm4b:s2+s15], $0x80, s4, s15, $0xb8;
	[tilespmem:$0x1FF00] =	vst v63  }
0x67: {  	_ =	swait.ge [sflag:s25], $0x4000  }
0x68: {  	[sflag:s25] =	ssyncset.done $0x0  }
0x69: {  	[sflag:s25] =	ssyncadd.s32 $0xFFFFC000  }
0x6a: {  	_ =	swait.ge [sflag:s26], $0x4000  }
0x6b: {  	[sflag:s26] =	ssyncset.done $0x0  }
0x6c: {  	[sflag:s26] =	ssyncadd.s32 $0xFFFFC000  }
0x6d: {  	[spmem:s3] =	stream.indirect.scatter.add.f32 [tilespmem:s22], [sflag:$0x6], $0x80, s19, s15, $0xb8;
	[tilespmem:$0x1FF00] =	vst v63  }
0x6e: {  	_ =	swait.ge [sflag:s20], $0x4000  }
0x6f: {  	[sflag:s20] =	ssyncset.done $0x0  }
0x70: {  	[sflag:s20] =	ssyncadd.s32 $0xFFFFC000  }
0x71: {  	[spmem:s3] =	stream.indirect.scatter.add.f32 [tilespmem:s16], [sflag:$0x4], $0x80, s11, s15, $0xb8;
	[tilespmem:$0x1FF00] =	vst v63  }
0x72: {  	_ =	swait.ge [sflag:s28], $0x4000  }
0x73: {  	[sflag:s28] =	ssyncset.done $0x0  }
0x74: {  	[sflag:s28] =	ssyncadd.s32 $0xFFFFC000  }
0x75: {  	_ =	swait.ge [sflag:s23], $0x4000  }
0x76: {  	[sflag:s23] =	ssyncset.done $0x0  }
0x77: {  	[sflag:s23] =	ssyncadd.s32 $0xFFFFC000  }
0x78: {  	[bflag:$0x0] =	sbarrier.arrive $0xFFFF  }
0x79: {  	[hbm:s10], [sflag:s8] =	dma.local [spmem:s12], $0x2780  }
0x7a: {  	_ =	swait.ge [sflag:s13], $0x2780  }
0x7b: {  	s29 =	sadd.s32 $0x1, s29;
	s0 =	rddreg [dreg:$0x7]  }
0x7c: {  	p0 =	sne.s32 s29, s0  }
.Ltmp1:
0x7d: {  	_ = 	snop;
	(pc) =	sbr.rel @p0 .LBB2_1-.Ltmp1, $3  }
0x7e: {  	_ =	sdelay $0x1  }
0x7f: {  	[sflag:s13] =	ssyncset.done $0x0  }
0x80: {  	[sflag:s13] =	ssyncadd.s32 $0xFFFFD880  }
0x81: {  	_ =	sfence.sel $0x180000  }
0x82: {  	[bflag:$0x0] =	sbarrier.arrive $0xFFFF  }
0x83: {  	_ =	strace $0x9000004A  }
0x84: {  	s0 =	stileid.u32;
	[bflag:$0x2] =	sbarrier.arrive $0xFFFF  }
0x85: {  	p0 =	sne.s32 s0, $0x0;
	s0 =	rddreg [dreg:$0x3]  }
0x86: {  	s0 =	sadd.s32 @!p0 $0x100000, s0  }
0x87: {  	[sflag:s0] =	ssyncadd.tile.s32 @!p0 $0x1;
	_ =	shalt  }
.Lfunc_end2:
_tile_overlayer_lowered:
.L_overlay_start_2:
0x88: {  	(tag) =	ssettag $0x2  }
0x89: {  	s0 =	rddreg [dreg:$0x0];
	s2 =	stileid.u32  }
0x8a: {  	s1 =	rddreg [dreg:$0x1];
	p0 =	sne.s32 s2, $0x0  }
0x8b: {  	s3 =	rddreg [dreg:$0x2];
	[bflag:$0x3] =	sbarrier.arrive $0xFFFF;
	s2 =	simm.s32 @!p0 $0x1C0A  }
0x8c: {  	[timem:s3], [sflag:s2] =	dma.local @!p0 [hbm:s0], s1  }
0x8d: {  	s0 =	simm.s32 @!p0 $0xA  }
0x8e: {  	_ =	swait.ge @!p0 [sflag:s0], s1  }
0x8f: {  	s1 =	ssub.s32 @!p0 $0x0, s1;
	[sflag:s0] =	ssyncset.done @!p0 $0x0  }
0x90: {  	[sflag:s0] =	ssyncadd.s32 @!p0 s1  }
0x91: {  	[bflag:$0x3] =	sbarrier.arrive $0xFFFF  }
0x92: {  	_ =	shalt  }

// kernel: kernel.13.cloned.1.call-start
scs
__scs_entry_jumppad:
0x0: {  	(pc) =	sbr.rel $0x88, $3  }
0x1: {  	(tag) =	ssettag $0x0;
	lr =	simm.s32 $0x1  }
0x2: {  	[smem:$0x3F93] =	sst lr;
	_ =	strace $0xD0000000  }
0x3: {  	_ = 	snop  }
0x4: {  	_ = 	snop  }
0x5: {  	_ = 	snop  }
0x6: {  	_ = 	snop  }
0x7: {  	_ = 	snop  }
__scs_overlays_trampoline_lowered:
0x8: {  	[smem:$0x3FA2] =	sst s0  }
0x9: {  	[smem:$0x3FA3] =	sst s1  }
0xa: {  	[smem:$0x3FA4] =	sst s2  }
0xb: {  	[smem:$0x3FA5] =	sst s3  }
0xc: {  	[smem:$0x3FA6] =	sst s4  }
0xd: {  	[smem:$0x3FA7] =	sst s5  }
0xe: {  	[smem:$0x3FA8] =	sst s6  }
0xf: {  	[smem:$0x3FA9] =	sst s7  }
0x10: {  	[smem:$0x3FAA] =	sst s8  }
0x11: {  	[smem:$0x3FAB] =	sst s9;
	s0 =	simm.s32 @!p0 $0x0  }
0x12: {  	s1 =	sld [smem:$0x3F91];
	s0 =	simm.s32 @p0 $0x1  }
0x13: {  	[smem:$0x3FAC] =	sst s0;
	s0 =	simm.s32 @!p1 $0x0  }
0x14: {  	s2 =	sld [smem:$0x3F90];
	s0 =	simm.s32 @p1 $0x1  }
0x15: {  	[smem:$0x3FAD] =	sst s0;
	s0 =	simm.s32 @!p2 $0x0  }
0x16: {  	s3 =	sld [smem:$0x3FDB];
	s0 =	simm.s32 @p2 $0x1  }
0x17: {  	s4 =	simm.s32 $0x1BF5;
	[smem:$0x3FAF] =	sst s0  }
0x18: {  	s0 =	sld [smem:$0x3F92];
	_ =	swait.ge [sflag:s4], $0x0  }
0x19: {  	s7 =	sld [smem:$0x3F93]  }
0x1a: {  	s8 =	sadd.s32 $0xFFFFE003, lr  }
0x1b: {  	s9 =	sadd.s32 $0xFFFFFEF7, lr;
	s5 =	simm.s32 $0xFFFFFFFF;
	p2 =	slt.u32 s8, $0xFFFFF086  }
0x1c: {  	p1 =	slt.u32 s9, $0xF7A;
	s5 =	simm.s32 @!p2 $0x0  }
0x1d: {  	s5 =	simm.s32 @p1 $0x1;
	p0 =	seq.s32 s7, s2  }
0x1e: {  	s7 =	smul.u32 @!p0 $0xF7A, s2;
	p2 =	seq.s32 @!p0 s5, $0x0  }
0x1f: {  	s9 =	smul.u32 $0xF7A, s1;
	s8 =	simm.s32 @!p0 $0x1BF5;
	p2 =	por !p2, p0  }
0x20: {  	[sflag:s8] =	ssyncset.s32 @!p0 $0xFFFFF086;
	s6 =	sadd.s32 @!p0 s3, s7;
	s7 =	simm.s32 @!p0 $0x108  }
0x21: {  	s3 =	sadd.s32 s3, s9;
	s6 =	sadd.s32 @!p0 $0x88, s6;
	s7 =	simm.s32 @p2 $0x1082  }
0x22: {  	[simem:s7], [sflag:s8] =	dma.local @!p0 [hbm:s6], $0xF7A  }
0x23: {  	s9 =	sor.u32 $0xD0000000, s2;
	s6 =	simm.s32 $0x108;
	_ =	swait.ge @!p0 [sflag:s8], $0x0  }
0x24: {  	s3 =	sadd.s32 $0x88, s3;
	s6 =	simm.s32 @!p1 $0x1082;
	[sflag:s4] =	ssyncset.s32 $0xFFFFF086  }
0x25: {  	[simem:s6], [sflag:s4] =	dma.local [hbm:s3], $0xF7A  }
0x26: {  	[smem:$0x3F93] =	sst s1;
	(tag) =	ssettag s2;
	_ =	strace s9  }
0x27: {  	s1 =	sld [smem:$0x3FA3]  }
0x28: {  	s2 =	sld [smem:$0x3FA4]  }
0x29: {  	s4 =	sld [smem:$0x3FA6]  }
0x2a: {  	p0 =	seq.s32 s5, $0x0;
	s5 =	sld [smem:$0x3FA7]  }
0x2b: {  	s6 =	sld [smem:$0x3FA8]  }
0x2c: {  	s7 =	sld [smem:$0x3FA9]  }
0x2d: {  	s3 =	simm.s32 $0x108;
	s8 =	sld [smem:$0x3FAA]  }
0x2e: {  	s3 =	simm.s32 @!p0 $0x1082;
	s9 =	sld [smem:$0x3FAB]  }
0x2f: {  	lr =	sadd.s32 s0, s3;
	s0 =	sld [smem:$0x3FA2]  }
0x30: {  	s3 =	sld [smem:$0x3FA5]  }
0x31: {  	[smem:$0x3FAE] =	sst s10  }
0x32: {  	s10 =	sld [smem:$0x3FAC];
	_ =	sdelay $0x3  }
0x33: {  	p0 =	seq.s32 s10, $0x1;
	s10 =	sld [smem:$0x3FAE];
	_ =	sdelay $0x3  }
0x34: {  	[smem:$0x3FAE] =	sst s10  }
0x35: {  	s10 =	sld [smem:$0x3FAD];
	_ =	sdelay $0x3  }
0x36: {  	p1 =	seq.s32 s10, $0x1;
	s10 =	sld [smem:$0x3FAE];
	_ =	sdelay $0x3  }
0x37: {  	[smem:$0x3FAE] =	sst s10  }
0x38: {  	s10 =	sld [smem:$0x3FAF]  }
0x39: {  	_ = 	snop;
	(pc) =	sbr.ind lr, $3  }
0x3a: {  	_ = 	snop  }
0x3b: {  	_ = 	snop  }
0x3c: {  	p2 =	seq.s32 s10, $0x1;
	s10 =	sld [smem:$0x3FAE]  }
0x3d: {  	_ =	shalt  }
0x3e: {  	_ =	shalt  }
0x3f: {  	_ =	shalt  }
0x40: {  	_ =	shalt  }
0x41: {  	_ =	shalt  }
0x42: {  	_ =	shalt  }
0x43: {  	_ =	shalt  }
0x44: {  	_ =	shalt  }
0x45: {  	_ =	shalt  }
0x46: {  	_ =	shalt  }
0x47: {  	_ =	shalt  }
0x48: {  	_ =	shalt  }
0x49: {  	_ =	shalt  }
0x4a: {  	_ =	shalt  }
0x4b: {  	_ =	shalt  }
0x4c: {  	_ =	shalt  }
0x4d: {  	_ =	shalt  }
0x4e: {  	_ =	shalt  }
0x4f: {  	_ =	shalt  }
0x50: {  	_ =	shalt  }
0x51: {  	_ =	shalt  }
0x52: {  	_ =	shalt  }
0x53: {  	_ =	shalt  }
0x54: {  	_ =	shalt  }
0x55: {  	_ =	shalt  }
0x56: {  	_ =	shalt  }
0x57: {  	_ =	shalt  }
0x58: {  	_ =	shalt  }
0x59: {  	_ =	shalt  }
0x5a: {  	_ =	shalt  }
0x5b: {  	_ =	shalt  }
0x5c: {  	_ =	shalt  }
0x5d: {  	_ =	shalt  }
0x5e: {  	_ =	shalt  }
0x5f: {  	_ =	shalt  }
0x60: {  	_ =	shalt  }
0x61: {  	_ =	shalt  }
0x62: {  	_ =	shalt  }
0x63: {  	_ =	shalt  }
0x64: {  	_ =	shalt  }
0x65: {  	_ =	shalt  }
0x66: {  	_ =	shalt  }
0x67: {  	_ =	shalt  }
0x68: {  	_ =	shalt  }
0x69: {  	_ =	shalt  }
0x6a: {  	_ =	shalt  }
0x6b: {  	_ =	shalt  }
0x6c: {  	_ =	shalt  }
0x6d: {  	_ =	shalt  }
0x6e: {  	_ =	shalt  }
0x6f: {  	_ =	shalt  }
0x70: {  	_ =	shalt  }
0x71: {  	_ =	shalt  }
0x72: {  	_ =	shalt  }
0x73: {  	_ =	shalt  }
0x74: {  	_ =	shalt  }
0x75: {  	_ =	shalt  }
0x76: {  	_ =	shalt  }
0x77: {  	_ =	shalt  }
0x78: {  	_ =	shalt  }
0x79: {  	_ =	shalt  }
0x7a: {  	_ =	shalt  }
0x7b: {  	_ =	shalt  }
0x7c: {  	_ =	shalt  }
0x7d: {  	_ =	shalt  }
0x7e: {  	_ =	shalt  }
0x7f: {  	_ =	shalt  }
0x80: {  	_ =	shalt  }
0x81: {  	_ =	shalt  }
0x82: {  	_ =	shalt  }
0x83: {  	_ =	shalt  }
0x84: {  	_ =	shalt  }
0x85: {  	_ =	shalt  }
0x86: {  	_ =	shalt  }
0x87: {  	_ =	shalt  }
.Lfunc_end0:
.L_simem_size_0:
called_computation.1_lowered:
.L_overlay_start_0:
0x88: {  	s2 =	sld [smem:$0x3FD9]  }
0x89: {  	s3 =	sld [smem:$0x3FFE];
	_ =	sdelay $0x1  }
0x8a: {  	s1 =	srdreg.scid  }
0x8b: {  	s0 =	sand.u32 $0x1, s1  }
0x8c: {  	s16 =	sshll.u32 s0, $0xA;
	s2 =	sadd.s32 s3, s2  }
0x8d: {  	s2 =	sadd.s32 s2, s16  }
0x8e: {  	[smem:$0x3FBA] =	sst s2  }
0x8f: {  	_ = 	snop  }
0x90: {  	(tm) =	ssettm $0x1  }
0x91: {  	s17 =	sld [smem:$0x3FFB];
	_ =	sdelay $0x3  }
0x92: {  	_ =	strace s17  }
0x93: {  	s2 =	sld [smem:$0x3FFC];
	_ =	sdelay $0x3  }
0x94: {  	_ =	strace s2  }
0x95: {  	s2 =	sld [smem:$0x3FFD];
	_ =	sdelay $0x3  }
0x96: {  	_ =	strace s2  }
0x97: {  	_ =	strace $0x8FFFFFFF  }
0x98: {  	s18 =	sld [smem:$0x3FDB];
	_ =	sdelay $0x1  }
0x99: {  	s19 =	simm.s32 $_scs_section_size  }
0x9a: {  	s4 =	simm.s32 $_size__tile_overlayer_lowered;
	s5 =	simm.s32 $_tile_overlayer_lowered  }
0x9b: {  	s22 =	simm.s32 $0x1BFF;
	s21 =	sshll.u32 s5, $0x1;
	s2 =	sadd.s32 s19, s18  }
0x9c: {  	s6 =	simm.s32 $0x0;
	s20 =	sshll.u32 s4, $0x1;
	s4 =	sadd.s32 s21, s2  }
0x9d: {  	[timem:s6], [sflag:s22] =	dma.local [hbm:s4], s20  }
0x9e: {  	_ =	swait.ge [sflag:s22], s20  }
0x9f: {  	s3 =	ssub.s32 $0x0, s20;
	[sflag:s22] =	ssyncset.done $0x0  }
0xa0: {  	[sflag:s22] =	ssyncadd.s32 s3;
	_ =	sdelay $0x1  }
0xa1: {  	s23 =	simm.s32 $0x1B8B  }
0xa2: {  	_ =	swait.ge [sflag:s23], $0x1  }
0xa3: {  	[sflag:s23] =	ssyncset.done $0x0  }
0xa4: {  	s25 =	simm.s32 $0x1B8E;
	s24 =	sld [smem:$0x3FFE];
	[sflag:s23] =	ssyncadd.s32 $0xFFFFFFFF  }
0xa5: {  	s26 =	simm.s32 $execute0_lowered;
	[smem:$0x3FD2] =	sst s25  }
0xa6: {  	s4 =	sshll.u32 s26, $0x1;
	_ =	strace $0x80000046;
	[dreg:$0x1] =	wrdreg $0xFFFFFFFF  }
0xa7: {  	s28 =	simm.s32 $_size_execute0_lowered;
	s2 =	sadd.s32 s2, s4;
	[dreg:$0x0] =	wrdreg $0x0  }
0xa8: {  	s4 =	sshll.u32 s28, $0x1;
	[dreg:$0x2] =	wrdreg s2  }
0xa9: {  	[dreg:$0x3] =	wrdreg s4  }
0xaa: {  	[dreg:$0x4] =	wrdreg $0xC0  }
0xab: {  	_ =	task [dreg:s6], $0x5FFFF  }
0xac: {  	[dreg:$0x1] =	wrdreg $0xFFFFFFFF  }
0xad: {  	[dreg:$0x0] =	wrdreg $0x60  }
0xae: {  	[dreg:$0x2] =	wrdreg s24  }
0xaf: {  	[dreg:$0x3] =	wrdreg $0x4B000  }
0xb0: {  	[dreg:$0x4] =	wrdreg $0xA  }
0xb1: {  	_ =	task.clear_ibuf [dreg:s6], $0x5FFFF;
	_ =	strace $0x90000046  }
0xb2: {  	s29 =	simm.s32 $0xA;
	_ =	strace $0x80000048  }
0xb3: {  	_ =	swait.ge [sflag:s29], $0x1  }
0xb4: {  	[sflag:s29] =	ssyncadd.s32 $0xFFFFFFFF  }
0xb5: {  	_ =	strace $0x90000048  }
0xb6: {  	_ =	sfence  }
0xb7: {  	s30 =	sld [smem:$0x0];
	_ =	sdelay $0x2  }
0xb8: {  	s31 =	sshll.u32 s1, $0xD;
	s1 =	sshrl.u32 s1, $0x2  }
0xb9: {  	s3 =	sand.u32 $0x4000, s31;
	s1 =	sadd.s32 s1, s30  }
0xba: {  	s0 =	sor.u32 s3, s0;
	s1 =	sshll.u32 s1, $0x11  }
0xbb: {  	s0 =	sor.u32 s1, s0  }
0xbc: {  	s0 =	sadd.s32 $0x8F2B, s0  }
0xbd: {  	[sflag:s0] =	ssyncadd.remote.s32 $0x1  }
0xbe: {  	_ =	sfence.sel $0xFFFF  }
0xbf: {  	[dreg:$0x0] =	wrdreg $0xFFFFFFFF;
	(pc) =	sbr.abs _section_cstart, $3  }
0xc0: {  	[dreg:$0x1] =	wrdreg $0xFFFFFFFF  }
0xc1: {  	_ =	task.clear_ibuf [dreg:s6], $0x2FFFF;
	_ =	strace $0x9FFFFFFF  }
0xc2: {  	(tm) =	ssettm $0x7FFFFFFF  }
0xc3: {  	_ =	shalt  }
tec
execute0_lowered:
.L_overlay_start_1:
0x0: {  	(tag) =	ssettag $0x1  }
0x1: {  	s5 =	rddreg [dreg:$0x0];
	s0 =	stileid.u32  }
0x2: {  	s1 =	srdreg.scid;
	s2 =	rddreg [dreg:$0x1]  }
0x3: {  	s15 =	simm.s32 $0x6F0;
	s16 =	simm.s32 $0x300;
	s17 =	simm.s32 $0x200  }
0x4: {  	s18 =	simm.s32 $0x100;
	s19 =	simm.s32 $0x280;
	s20 =	simm.s32 $0x1  }
0x5: {  	s21 =	simm.s32 $0x9;
	s22 =	simm.s32 $0x3300;
	s23 =	simm.s32 $0x4  }
0x6: {  	s24 =	simm.s32 $0x2;
	s28 =	simm.s32 $0x6;
	s3 =	smul.u32 $0x2E, s0  }
0x7: {  	s29 =	simm.s32 $0x0;
	s6 =	sand.u32 $0x1, s1;
	s4 =	smul.u32 $0x70, s0  }
0x8: {  	s8 =	smul.u32 $0x7680, s0;
	s11 =	sadd.s32 $0x43C00, s5;
	s12 =	sadd.s32 $0x34E00, s5  }
0x9: {  	s26 =	sshll.u32 s0, $0x6;
	p0 =	seq.s32 s6, $0x0;
	s6 =	ssub.s32 $0x2, s6  }
0xa: {  	s7 =	sadd.s32 $0x700, s3;
	s3 =	simm.s32 $0x0;
	s10 =	sshrl.u32 s8, $0x3  }
0xb: {  	s25 =	sshrl.u32 s6, $0x1;
	s14 =	sadd.s32 s8, s2;
	s8 =	sor.u32 $0x1C0A, s26  }
0xc: {  	s15 =	simm.s32 @!p0 $0x2D0;
	s12 =	smov.u32 @p0 s11;
	s11 =	simm.s32 $0x180  }
0xd: {  	s26 =	simm.s32 $0x3;
	s7 =	smov.u32 @p0 s4;
	[smem:$0x7FF] =	sst s3  }
0xe: {  	s9 =	sadd.s32 s10, s5;
	s13 =	ssub.s32 s6, s25;
	s10 =	sadd.s32 s12, s10  }
0xf: {  	s12 =	sshrl.u32 s14, $0x3;
	s14 =	simm.s32 $0x7;
	s25 =	simm.s32 $0x1B00  }
0x10: {  	s4 =	sshll.u32 s7, $0x4;
	_ =	strace $0x80000047;
	s30 =	sadd.s32 $0x26000, s9  }
0x11: {  	[dreg:$0x3] =	wrdreg s15;
	s31 =	smax.u32 s13, $0x1;
	s13 =	simm.s32 $0xA  }
0x12: {  	s15 =	simm.s32 $0x80;
	[dreg:$0x4] =	wrdreg s25;
	s25 =	simm.s32 $0x5  }
0x13: {  	s7 =	sadd.s32 s4, s5;
	s4 =	sadd.s32 $0x3800, s5;
	[dreg:$0x5] =	wrdreg s30  }
0x14: {  	[dreg:$0x6] =	wrdreg s31;
	s5 =	sadd.s32 $0x1C200, s7;
	s6 =	sadd.s32 $0x12400, s7  }
.LBB2_1:
0x15: {  	[tilespmem:s3], [sflag:$0x7] =	stream.linear.gather [hbm4b:s5+s3], $0x80, $0x38;
	[tilespmem:$0xC180] =	vst v63  }
0x16: {  	s0 =	rddreg [dreg:$0x5]  }
0x17: {  	[tilespmem:s11], [sflag:$0x7] =	stream.linear.gather [hbm4b:s6+s3], $0x80, $0x38;
	[tilespmem:$0xC180] =	vst v63  }
0x18: {  	[spmem:s12], [sflag:s8] =	dma.local [hbm:s0], $0xED0  }
0x19: {  	_ =	swait.ge [sflag:s13], $0xED0  }
0x1a: {  	[sflag:s13] =	ssyncset.done $0x0  }
0x1b: {  	[sflag:s13] =	ssyncadd.s32 $0xFFFFF130  }
0x1c: {  	s30 =	simm.s32 $0x0;
	[bflag:$0x0] =	sbarrier.arrive $0xFFFF  }
.LBB2_2:
0x1d: {  	_ =	swait.ge [sflag:s14], $0x80  }
0x1e: {  	[sflag:s14] =	ssyncset.done $0x0  }
0x1f: {  	[sflag:s14] =	ssyncadd.s32 $0xFFFFFF80  }
0x20: {  	_ =	swait.ge [sflag:s14], $0x80  }
0x21: {  	p0 =	seq.s32 s30, $0x0;
	[sflag:s14] =	ssyncset.done $0x0  }
0x22: {  	s31 =	simm.s32 @!p0 $0x5;
	[sflag:s14] =	ssyncadd.s32 $0xFFFFFF80  }
0x23: {  	[tilespmem:s16], [sflag:$0x1] =	stream.indirect.gather [hbm4b:s4+s15], $0x30, s3, s15, $0xb8;
	[tilespmem:$0xC180] =	vst v63  }
0x24: {  	_ =	swait.ge @!p0 [sflag:s31], $0x1800  }
0x25: {  	s1 =	sadd.s32 s30, s5;
	[sflag:s31] =	ssyncset.done @!p0 $0x0  }
0x26: {  	s0 =	sadd.s32 $0x10, s1;
	[sflag:s31] =	ssyncadd.s32 @!p0 $0xFFFFE800;
	s31 =	sadd.s32 s30, s6  }
0x27: {  	[tilespmem:s15], [sflag:$0x8] =	stream.linear.gather [hbm4b:s0+s3], $0x80, $0x38;
	[tilespmem:$0xC180] =	vst v63  }
0x28: {  	s0 =	sadd.s32 $0x10, s31  }
0x29: {  	[tilespmem:s17], [sflag:$0x8] =	stream.linear.gather [hbm4b:s0+s3], $0x80, $0x38;
	[tilespmem:$0xC180] =	vst v63  }
0x2a: {  	s0 =	simm.s32 @p0 $0x8  }
0x2b: {  	_ =	swait.ge @p0 [sflag:s0], $0x80  }
0x2c: {  	[sflag:s0] =	ssyncset.done @p0 $0x0  }
0x2d: {  	[sflag:s0] =	ssyncadd.s32 @p0 $0xFFFFFF80  }
0x2e: {  	_ =	swait.ge @p0 [sflag:s0], $0x80  }
0x2f: {  	[sflag:s0] =	ssyncset.done @p0 $0x0  }
0x30: {  	s7 =	simm.s32 @p0 $0x1B00;
	[sflag:s0] =	ssyncadd.s32 @p0 $0xFFFFFF80;
	s0 =	simm.s32 @p0 $0x80  }
0x31: {  	[tilespmem:s7], [sflag:$0x2] =	stream.indirect.gather @p0 [hbm4b:s4+s0], $0x30, s0, s0, $0xb8;
	[tilespmem:$0xC180] =	vst v63  }
0x32: {  	s0 =	simm.s32 @!p0 $0x3  }
0x33: {  	_ =	swait.ge @!p0 [sflag:s0], $0x1800  }
0x34: {  	s9 =	simm.s32 @!p0 $0x3300;
	[sflag:s0] =	ssyncset.done @!p0 $0x0  }
0x35: {  	s7 =	simm.s32 @!p0 $0x280;
	[sflag:s0] =	ssyncadd.s32 @!p0 $0xFFFFE800;
	s0 =	simm.s32 @!p0 $0x80  }
0x36: {  	[spmem:s2] =	stream.indirect.scatter.add.f32 @!p0 [tilespmem:s9], [sflag:$0x6], $0x30, s7, s0, $0xb8;
	[tilespmem:$0xC180] =	vst v63  }
0x37: {  	s7 =	simm.s32 @!p0 $0x8  }
0x38: {  	_ =	swait.ge @!p0 [sflag:s7], $0x80  }
0x39: {  	[sflag:s7] =	ssyncset.done @!p0 $0x0  }
0x3a: {  	[sflag:s7] =	ssyncadd.s32 @!p0 $0xFFFFFF80  }
0x3b: {  	_ =	swait.ge @!p0 [sflag:s7], $0x80  }
0x3c: {  	[sflag:s7] =	ssyncset.done @!p0 $0x0  }
0x3d: {  	[sflag:s7] =	ssyncadd.s32 @!p0 $0xFFFFFF80;
	s7 =	simm.s32 @!p0 $0x1B00  }
0x3e: {  	[tilespmem:s7], [sflag:$0x2] =	stream.indirect.gather @!p0 [hbm4b:s4+s0], $0x30, s0, s0, $0xb8;
	[tilespmem:$0xC180] =	vst v63  }
0x3f: {  	s0 =	simm.s32 @!p0 $0x6  }
0x40: {  	_ =	swait.ge @!p0 [sflag:s0], $0x1800  }
0x41: {  	[sflag:s0] =	ssyncset.done @!p0 $0x0  }
0x42: {  	s7 =	sadd.s32 $0x20, s1;
	[sflag:s0] =	ssyncadd.s32 @!p0 $0xFFFFE800  }
0x43: {  	[tilespmem:s18], [sflag:$0x9] =	stream.linear.gather [hbm4b:s7+s3], $0x80, $0x38;
	[tilespmem:$0xC180] =	vst v63  }
0x44: {  	s9 =	sadd.s32 $0x20, s31  }
0x45: {  	[tilespmem:s19], [sflag:$0x9] =	stream.linear.gather [hbm4b:s9+s3], $0x80, $0x38;
	[tilespmem:$0xC180] =	vst v63  }
0x46: {  	_ =	swait.ge [sflag:s20], $0x1800  }
0x47: {  	[sflag:s20] =	ssyncset.done $0x0  }
0x48: {  	[sflag:s20] =	ssyncadd.s32 $0xFFFFE800  }
0x49: {  	[spmem:s2] =	stream.indirect.scatter.add.f32 [tilespmem:s16], [sflag:$0x4], $0x30, s11, s15, $0xb8;
	[tilespmem:$0xC180] =	vst v63  }
0x4a: {  	_ =	swait.ge [sflag:s21], $0x80  }
0x4b: {  	[sflag:s21] =	ssyncset.done $0x0  }
0x4c: {  	[sflag:s21] =	ssyncadd.s32 $0xFFFFFF80  }
0x4d: {  	_ =	swait.ge [sflag:s21], $0x80  }
0x4e: {  	[sflag:s21] =	ssyncset.done $0x0  }
0x4f: {  	[sflag:s21] =	ssyncadd.s32 $0xFFFFFF80  }
0x50: {  	[tilespmem:s22], [sflag:$0x3] =	stream.indirect.gather [hbm4b:s4+s15], $0x30, s18, s15, $0xb8;
	[tilespmem:$0xC180] =	vst v63  }
0x51: {  	_ =	swait.ge [sflag:s23], $0x1800  }
0x52: {  	[sflag:s23] =	ssyncset.done $0x0  }
0x53: {  	s1 =	sadd.s32 $0x30, s1;
	[sflag:s23] =	ssyncadd.s32 $0xFFFFE800  }
0x54: {  	[tilespmem:s3], [sflag:$0x7] =	stream.linear.gather [hbm4b:s1+s3], $0x80, $0x38;
	[tilespmem:$0xC180] =	vst v63  }
0x55: {  	s7 =	sadd.s32 $0x30, s31  }
0x56: {  	[tilespmem:s11], [sflag:$0x7] =	stream.linear.gather [hbm4b:s7+s3], $0x80, $0x38;
	[tilespmem:$0xC180] =	vst v63  }
0x57: {  	_ =	swait.ge [sflag:s24], $0x1800  }
0x58: {  	s30 =	sadd.s32 $0x30, s30;
	s31 =	rddreg [dreg:$0x3]  }
0x59: {  	p0 =	sne.s32 s31, s30  }
.Ltmp0:
0x5a: {  	_ = 	snop;
	(pc) =	sbr.rel @p0 .LBB2_2-.Ltmp0, $4  }
0x5b: {  	_ = 	snop  }
0x5c: {  	[sflag:s24] =	ssyncset.done $0x0  }
0x5d: {  	s9 =	rddreg [dreg:$0x4];
	[sflag:s24] =	ssyncadd.s32 $0xFFFFE800  }
0x5e: {  	[spmem:s2] =	stream.indirect.scatter.add.f32 [tilespmem:s9], [sflag:$0x5], $0x30, s17, s15, $0xb8;
	[tilespmem:$0xC180] =	vst v63  }
0x5f: {  	_ =	swait.ge [sflag:s14], $0x80  }
0x60: {  	[sflag:s14] =	ssyncset.done $0x0  }
0x61: {  	[sflag:s14] =	ssyncadd.s32 $0xFFFFFF80  }
0x62: {  	_ =	swait.ge [sflag:s14], $0x80  }
0x63: {  	[sflag:s14] =	ssyncset.done $0x0  }
0x64: {  	[sflag:s14] =	ssyncadd.s32 $0xFFFFFF80  }
0x65: {  	[tilespmem:s16], [sflag:$0x1] =	stream.indirect.gather [hbm4b:s4+s15], $0x30, s3, s15, $0xb8;
	[tilespmem:$0xC180] =	vst v63  }
0x66: {  	_ =	swait.ge [sflag:s25], $0x1800  }
0x67: {  	[sflag:s25] =	ssyncset.done $0x0  }
0x68: {  	[sflag:s25] =	ssyncadd.s32 $0xFFFFE800  }
0x69: {  	_ =	swait.ge [sflag:s26], $0x1800  }
0x6a: {  	[sflag:s26] =	ssyncset.done $0x0  }
0x6b: {  	[sflag:s26] =	ssyncadd.s32 $0xFFFFE800  }
0x6c: {  	[spmem:s2] =	stream.indirect.scatter.add.f32 [tilespmem:s22], [sflag:$0x6], $0x30, s19, s15, $0xb8;
	[tilespmem:$0xC180] =	vst v63  }
0x6d: {  	_ =	swait.ge [sflag:s20], $0x1800  }
0x6e: {  	[sflag:s20] =	ssyncset.done $0x0  }
0x6f: {  	[sflag:s20] =	ssyncadd.s32 $0xFFFFE800  }
0x70: {  	[spmem:s2] =	stream.indirect.scatter.add.f32 [tilespmem:s16], [sflag:$0x4], $0x30, s11, s15, $0xb8;
	[tilespmem:$0xC180] =	vst v63  }
0x71: {  	_ =	swait.ge [sflag:s28], $0x1800  }
0x72: {  	[sflag:s28] =	ssyncset.done $0x0  }
0x73: {  	[sflag:s28] =	ssyncadd.s32 $0xFFFFE800  }
0x74: {  	_ =	swait.ge [sflag:s23], $0x1800  }
0x75: {  	[sflag:s23] =	ssyncset.done $0x0  }
0x76: {  	[sflag:s23] =	ssyncadd.s32 $0xFFFFE800  }
0x77: {  	[bflag:$0x0] =	sbarrier.arrive $0xFFFF  }
0x78: {  	[hbm:s10], [sflag:s8] =	dma.local [spmem:s12], $0xED0  }
0x79: {  	_ =	swait.ge [sflag:s13], $0xED0  }
0x7a: {  	s29 =	sadd.s32 $0x1, s29;
	s0 =	rddreg [dreg:$0x6]  }
0x7b: {  	p0 =	sne.s32 s29, s0  }
.Ltmp1:
0x7c: {  	_ = 	snop;
	(pc) =	sbr.rel @p0 .LBB2_1-.Ltmp1, $3  }
0x7d: {  	_ =	sdelay $0x1  }
0x7e: {  	[sflag:s13] =	ssyncset.done $0x0  }
0x7f: {  	[sflag:s13] =	ssyncadd.s32 $0xFFFFF130  }
0x80: {  	_ =	sfence.sel $0x180000  }
0x81: {  	[bflag:$0x0] =	sbarrier.arrive $0xFFFF  }
0x82: {  	_ =	strace $0x90000047  }
0x83: {  	s0 =	stileid.u32;
	[bflag:$0x2] =	sbarrier.arrive $0xFFFF  }
0x84: {  	p0 =	sne.s32 s0, $0x0;
	s0 =	rddreg [dreg:$0x2]  }
0x85: {  	s0 =	sadd.s32 @!p0 $0x100000, s0  }
0x86: {  	[sflag:s0] =	ssyncadd.tile.s32 @!p0 $0x1;
	_ =	shalt  }
.Lfunc_end2:
_tile_overlayer_lowered:
.L_overlay_start_2:
0x87: {  	(tag) =	ssettag $0x2  }
0x88: {  	s0 =	rddreg [dreg:$0x0];
	s2 =	stileid.u32  }
0x89: {  	s1 =	rddreg [dreg:$0x1];
	p0 =	sne.s32 s2, $0x0  }
0x8a: {  	s3 =	rddreg [dreg:$0x2];
	[bflag:$0x3] =	sbarrier.arrive $0xFFFF;
	s2 =	simm.s32 @!p0 $0x1C0A  }
0x8b: {  	[timem:s3], [sflag:s2] =	dma.local @!p0 [hbm:s0], s1  }
0x8c: {  	s0 =	simm.s32 @!p0 $0xA  }
0x8d: {  	_ =	swait.ge @!p0 [sflag:s0], s1  }
0x8e: {  	s1 =	ssub.s32 @!p0 $0x0, s1;
	[sflag:s0] =	ssyncset.done @!p0 $0x0  }
0x8f: {  	[sflag:s0] =	ssyncadd.s32 @!p0 s1  }
0x90: {  	[bflag:$0x3] =	sbarrier.arrive $0xFFFF  }
0x91: {  	_ =	shalt  }

// kernel: kernel.16.cloned.1.call-start
scs
__scs_entry_jumppad:
0x0: {  	(pc) =	sbr.rel $0x88, $3  }
0x1: {  	(tag) =	ssettag $0x0;
	lr =	simm.s32 $0x1  }
0x2: {  	[smem:$0x3F93] =	sst lr;
	_ =	strace $0xD0000000  }
0x3: {  	_ = 	snop  }
0x4: {  	_ = 	snop  }
0x5: {  	_ = 	snop  }
0x6: {  	_ = 	snop  }
0x7: {  	_ = 	snop  }
__scs_overlays_trampoline_lowered:
0x8: {  	[smem:$0x3FA2] =	sst s0  }
0x9: {  	[smem:$0x3FA3] =	sst s1  }
0xa: {  	[smem:$0x3FA4] =	sst s2  }
0xb: {  	[smem:$0x3FA5] =	sst s3  }
0xc: {  	[smem:$0x3FA6] =	sst s4  }
0xd: {  	[smem:$0x3FA7] =	sst s5  }
0xe: {  	[smem:$0x3FA8] =	sst s6  }
0xf: {  	[smem:$0x3FA9] =	sst s7  }
0x10: {  	[smem:$0x3FAA] =	sst s8  }
0x11: {  	[smem:$0x3FAB] =	sst s9;
	s0 =	simm.s32 @!p0 $0x0  }
0x12: {  	s1 =	sld [smem:$0x3F91];
	s0 =	simm.s32 @p0 $0x1  }
0x13: {  	[smem:$0x3FAC] =	sst s0;
	s0 =	simm.s32 @!p1 $0x0  }
0x14: {  	s2 =	sld [smem:$0x3F90];
	s0 =	simm.s32 @p1 $0x1  }
0x15: {  	[smem:$0x3FAD] =	sst s0;
	s0 =	simm.s32 @!p2 $0x0  }
0x16: {  	s3 =	sld [smem:$0x3FDB];
	s0 =	simm.s32 @p2 $0x1  }
0x17: {  	s4 =	simm.s32 $0x1BF5;
	[smem:$0x3FAF] =	sst s0  }
0x18: {  	s0 =	sld [smem:$0x3F92];
	_ =	swait.ge [sflag:s4], $0x0  }
0x19: {  	s7 =	sld [smem:$0x3F93]  }
0x1a: {  	s8 =	sadd.s32 $0xFFFFE003, lr  }
0x1b: {  	s9 =	sadd.s32 $0xFFFFFEF7, lr;
	s5 =	simm.s32 $0xFFFFFFFF;
	p2 =	slt.u32 s8, $0xFFFFF086  }
0x1c: {  	p1 =	slt.u32 s9, $0xF7A;
	s5 =	simm.s32 @!p2 $0x0  }
0x1d: {  	s5 =	simm.s32 @p1 $0x1;
	p0 =	seq.s32 s7, s2  }
0x1e: {  	s7 =	smul.u32 @!p0 $0xF7A, s2;
	p2 =	seq.s32 @!p0 s5, $0x0  }
0x1f: {  	s9 =	smul.u32 $0xF7A, s1;
	s8 =	simm.s32 @!p0 $0x1BF5;
	p2 =	por !p2, p0  }
0x20: {  	[sflag:s8] =	ssyncset.s32 @!p0 $0xFFFFF086;
	s6 =	sadd.s32 @!p0 s3, s7;
	s7 =	simm.s32 @!p0 $0x108  }
0x21: {  	s3 =	sadd.s32 s3, s9;
	s6 =	sadd.s32 @!p0 $0x88, s6;
	s7 =	simm.s32 @p2 $0x1082  }
0x22: {  	[simem:s7], [sflag:s8] =	dma.local @!p0 [hbm:s6], $0xF7A  }
0x23: {  	s9 =	sor.u32 $0xD0000000, s2;
	s6 =	simm.s32 $0x108;
	_ =	swait.ge @!p0 [sflag:s8], $0x0  }
0x24: {  	s3 =	sadd.s32 $0x88, s3;
	s6 =	simm.s32 @!p1 $0x1082;
	[sflag:s4] =	ssyncset.s32 $0xFFFFF086  }
0x25: {  	[simem:s6], [sflag:s4] =	dma.local [hbm:s3], $0xF7A  }
0x26: {  	[smem:$0x3F93] =	sst s1;
	(tag) =	ssettag s2;
	_ =	strace s9  }
0x27: {  	s1 =	sld [smem:$0x3FA3]  }
0x28: {  	s2 =	sld [smem:$0x3FA4]  }
0x29: {  	s4 =	sld [smem:$0x3FA6]  }
0x2a: {  	p0 =	seq.s32 s5, $0x0;
	s5 =	sld [smem:$0x3FA7]  }
0x2b: {  	s6 =	sld [smem:$0x3FA8]  }
0x2c: {  	s7 =	sld [smem:$0x3FA9]  }
0x2d: {  	s3 =	simm.s32 $0x108;
	s8 =	sld [smem:$0x3FAA]  }
0x2e: {  	s3 =	simm.s32 @!p0 $0x1082;
	s9 =	sld [smem:$0x3FAB]  }
0x2f: {  	lr =	sadd.s32 s0, s3;
	s0 =	sld [smem:$0x3FA2]  }
0x30: {  	s3 =	sld [smem:$0x3FA5]  }
0x31: {  	[smem:$0x3FAE] =	sst s10  }
0x32: {  	s10 =	sld [smem:$0x3FAC];
	_ =	sdelay $0x3  }
0x33: {  	p0 =	seq.s32 s10, $0x1;
	s10 =	sld [smem:$0x3FAE];
	_ =	sdelay $0x3  }
0x34: {  	[smem:$0x3FAE] =	sst s10  }
0x35: {  	s10 =	sld [smem:$0x3FAD];
	_ =	sdelay $0x3  }
0x36: {  	p1 =	seq.s32 s10, $0x1;
	s10 =	sld [smem:$0x3FAE];
	_ =	sdelay $0x3  }
0x37: {  	[smem:$0x3FAE] =	sst s10  }
0x38: {  	s10 =	sld [smem:$0x3FAF]  }
0x39: {  	_ = 	snop;
	(pc) =	sbr.ind lr, $3  }
0x3a: {  	_ = 	snop  }
0x3b: {  	_ = 	snop  }
0x3c: {  	p2 =	seq.s32 s10, $0x1;
	s10 =	sld [smem:$0x3FAE]  }
0x3d: {  	_ =	shalt  }
0x3e: {  	_ =	shalt  }
0x3f: {  	_ =	shalt  }
0x40: {  	_ =	shalt  }
0x41: {  	_ =	shalt  }
0x42: {  	_ =	shalt  }
0x43: {  	_ =	shalt  }
0x44: {  	_ =	shalt  }
0x45: {  	_ =	shalt  }
0x46: {  	_ =	shalt  }
0x47: {  	_ =	shalt  }
0x48: {  	_ =	shalt  }
0x49: {  	_ =	shalt  }
0x4a: {  	_ =	shalt  }
0x4b: {  	_ =	shalt  }
0x4c: {  	_ =	shalt  }
0x4d: {  	_ =	shalt  }
0x4e: {  	_ =	shalt  }
0x4f: {  	_ =	shalt  }
0x50: {  	_ =	shalt  }
0x51: {  	_ =	shalt  }
0x52: {  	_ =	shalt  }
0x53: {  	_ =	shalt  }
0x54: {  	_ =	shalt  }
0x55: {  	_ =	shalt  }
0x56: {  	_ =	shalt  }
0x57: {  	_ =	shalt  }
0x58: {  	_ =	shalt  }
0x59: {  	_ =	shalt  }
0x5a: {  	_ =	shalt  }
0x5b: {  	_ =	shalt  }
0x5c: {  	_ =	shalt  }
0x5d: {  	_ =	shalt  }
0x5e: {  	_ =	shalt  }
0x5f: {  	_ =	shalt  }
0x60: {  	_ =	shalt  }
0x61: {  	_ =	shalt  }
0x62: {  	_ =	shalt  }
0x63: {  	_ =	shalt  }
0x64: {  	_ =	shalt  }
0x65: {  	_ =	shalt  }
0x66: {  	_ =	shalt  }
0x67: {  	_ =	shalt  }
0x68: {  	_ =	shalt  }
0x69: {  	_ =	shalt  }
0x6a: {  	_ =	shalt  }
0x6b: {  	_ =	shalt  }
0x6c: {  	_ =	shalt  }
0x6d: {  	_ =	shalt  }
0x6e: {  	_ =	shalt  }
0x6f: {  	_ =	shalt  }
0x70: {  	_ =	shalt  }
0x71: {  	_ =	shalt  }
0x72: {  	_ =	shalt  }
0x73: {  	_ =	shalt  }
0x74: {  	_ =	shalt  }
0x75: {  	_ =	shalt  }
0x76: {  	_ =	shalt  }
0x77: {  	_ =	shalt  }
0x78: {  	_ =	shalt  }
0x79: {  	_ =	shalt  }
0x7a: {  	_ =	shalt  }
0x7b: {  	_ =	shalt  }
0x7c: {  	_ =	shalt  }
0x7d: {  	_ =	shalt  }
0x7e: {  	_ =	shalt  }
0x7f: {  	_ =	shalt  }
0x80: {  	_ =	shalt  }
0x81: {  	_ =	shalt  }
0x82: {  	_ =	shalt  }
0x83: {  	_ =	shalt  }
0x84: {  	_ =	shalt  }
0x85: {  	_ =	shalt  }
0x86: {  	_ =	shalt  }
0x87: {  	_ =	shalt  }
.Lfunc_end0:
.L_simem_size_0:
called_computation.2_lowered:
.L_overlay_start_0:
0x88: {  	s2 =	sld [smem:$0x3FD9]  }
0x89: {  	s3 =	sld [smem:$0x3FFE];
	_ =	sdelay $0x1  }
0x8a: {  	s1 =	srdreg.scid  }
0x8b: {  	s0 =	sand.u32 $0x1, s1  }
0x8c: {  	s17 =	sshll.u32 s0, $0xA;
	s2 =	sadd.s32 s3, s2  }
0x8d: {  	s2 =	sadd.s32 s2, s17  }
0x8e: {  	[smem:$0x3FBA] =	sst s2  }
0x8f: {  	_ = 	snop  }
0x90: {  	(tm) =	ssettm $0x1  }
0x91: {  	s18 =	sld [smem:$0x3FFB];
	_ =	sdelay $0x3  }
0x92: {  	_ =	strace s18  }
0x93: {  	s2 =	sld [smem:$0x3FFC];
	_ =	sdelay $0x3  }
0x94: {  	_ =	strace s2  }
0x95: {  	s2 =	sld [smem:$0x3FFD];
	_ =	sdelay $0x3  }
0x96: {  	_ =	strace s2  }
0x97: {  	_ =	strace $0x8FFFFFFF  }
0x98: {  	s19 =	sld [smem:$0x3FDB];
	_ =	sdelay $0x1  }
0x99: {  	s20 =	simm.s32 $_scs_section_size  }
0x9a: {  	s4 =	simm.s32 $_size__tile_overlayer_lowered;
	s5 =	simm.s32 $_tile_overlayer_lowered  }
0x9b: {  	s6 =	simm.s32 $0x1BFF;
	s21 =	sshll.u32 s5, $0x1;
	s3 =	sadd.s32 s20, s19  }
0x9c: {  	s22 =	simm.s32 $0x0;
	s4 =	sshll.u32 s4, $0x1;
	s5 =	sadd.s32 s21, s3  }
0x9d: {  	[timem:s22], [sflag:s6] =	dma.local [hbm:s5], s4  }
0x9e: {  	_ =	swait.ge [sflag:s6], s4  }
0x9f: {  	s4 =	ssub.s32 $0x0, s4;
	[sflag:s6] =	ssyncset.done $0x0  }
0xa0: {  	[sflag:s6] =	ssyncadd.s32 s4;
	_ =	sdelay $0x1  }
0xa1: {  	s23 =	simm.s32 $0x1B8B  }
0xa2: {  	_ =	swait.ge [sflag:s23], $0x1  }
0xa3: {  	[sflag:s23] =	ssyncset.done $0x0  }
0xa4: {  	[sflag:s23] =	ssyncadd.s32 $0xFFFFFFFF  }
0xa5: {  	s4 =	sld [smem:$0x0]  }
0xa6: {  	s5 =	sand.u32 $0xFFFFFFFE, s1  }
0xa7: {  	p0 =	sne.s32 s1, s5  }
0xa8: {  	s5 =	sshll.u32 @p0 s5, $0xE  }
0xa9: {  	s5 =	sadd.s32 @p0 $0x11B8D, s5;
	s6 =	sshll.u32 @p0 s4, $0x11  }
0xaa: {  	s5 =	sor.u32 @p0 s6, s5  }
0xab: {  	[sflag:s5] =	ssyncadd.remote.s32 @p0 $0x1;
	_ =	sdelay $0x1  }
0xac: {  	s5 =	simm.s32 @p0 $0x1B8D  }
0xad: {  	_ =	swait.eq @p0 [sflag:s5], $0x1  }
0xae: {  	[sflag:s5] =	ssyncadd.s32 @p0 $0xFFFFFFFF  }
0xaf: {  	s6 =	sshll.u32 @!p0 s1, $0xE  }
0xb0: {  	s6 =	sor.u32 @!p0 $0x4000, s6;
	s5 =	simm.s32 @!p0 $0x1B8D  }
0xb1: {  	s4 =	sshll.u32 @!p0 s4, $0x11;
	s6 =	sadd.s32 @!p0 $0x11B8D, s6;
	_ =	swait.eq @!p0 [sflag:s5], $0x1  }
0xb2: {  	s4 =	sor.u32 @!p0 s4, s6;
	[sflag:s5] =	ssyncadd.s32 @!p0 $0xFFFFFFFF  }
0xb3: {  	s25 =	simm.s32 $0x1B8E;
	s24 =	sld [smem:$0x3FFE];
	[sflag:s4] =	ssyncadd.remote.s32 @!p0 $0x1  }
0xb4: {  	s26 =	simm.s32 $execute0_lowered;
	[smem:$0x3FD2] =	sst s25  }
0xb5: {  	s5 =	sshll.u32 s26, $0x1;
	_ =	strace $0x8000004F;
	[dreg:$0x1] =	wrdreg $0xFFFFFFFF  }
0xb6: {  	s28 =	simm.s32 $_size_execute0_lowered;
	s3 =	sadd.s32 s3, s5;
	[dreg:$0x0] =	wrdreg $0x0  }
0xb7: {  	s5 =	sshll.u32 s28, $0x1;
	[dreg:$0x2] =	wrdreg s3  }
0xb8: {  	[dreg:$0x3] =	wrdreg s5  }
0xb9: {  	[dreg:$0x4] =	wrdreg $0xC0  }
0xba: {  	_ =	task [dreg:s22], $0x5FFFF  }
0xbb: {  	[dreg:$0x1] =	wrdreg $0xFFFFFFFF  }
0xbc: {  	[dreg:$0x0] =	wrdreg $0x60  }
0xbd: {  	[dreg:$0x2] =	wrdreg s24  }
0xbe: {  	[dreg:$0x3] =	wrdreg $0xAB000  }
0xbf: {  	[dreg:$0x4] =	wrdreg $0x9  }
0xc0: {  	_ =	task.clear_ibuf [dreg:s22], $0x5FFFF;
	_ =	strace $0x9000004F  }
0xc1: {  	s29 =	simm.s32 $0x9;
	_ =	strace $0x80000051  }
0xc2: {  	_ =	swait.ge [sflag:s29], $0x1  }
0xc3: {  	[sflag:s29] =	ssyncadd.s32 $0xFFFFFFFF  }
0xc4: {  	_ =	strace $0x90000051  }
0xc5: {  	_ =	sfence  }
0xc6: {  	s30 =	sld [smem:$0x0];
	_ =	sdelay $0x2  }
0xc7: {  	s31 =	sshll.u32 s1, $0xD;
	s1 =	sshrl.u32 s1, $0x2  }
0xc8: {  	s4 =	sand.u32 $0x4000, s31;
	s1 =	sadd.s32 s1, s30  }
0xc9: {  	s0 =	sor.u32 s4, s0;
	s1 =	sshll.u32 s1, $0x11  }
0xca: {  	s0 =	sor.u32 s1, s0  }
0xcb: {  	s0 =	sadd.s32 $0x8F2B, s0  }
0xcc: {  	[sflag:s0] =	ssyncadd.remote.s32 $0x1  }
0xcd: {  	_ =	sfence.sel $0xFFFF  }
0xce: {  	[dreg:$0x0] =	wrdreg $0xFFFFFFFF;
	(pc) =	sbr.abs _section_cstart, $3  }
0xcf: {  	[dreg:$0x1] =	wrdreg $0xFFFFFFFF  }
0xd0: {  	_ =	task.clear_ibuf [dreg:s22], $0x2FFFF;
	_ =	strace $0x9FFFFFFF  }
0xd1: {  	(tm) =	ssettm $0x7FFFFFFF  }
tec
execute0_lowered:
.L_overlay_start_1:
0x0: {  	(tag) =	ssettag $0x1  }
0x1: {  	s5 =	rddreg [dreg:$0x0];
	s0 =	stileid.u32  }
0x2: {  	s1 =	srdreg.scid;
	s2 =	rddreg [dreg:$0x1]  }
0x3: {  	s15 =	simm.s32 $0x6F0;
	s16 =	simm.s32 $0x300;
	s17 =	simm.s32 $0x200  }
0x4: {  	s18 =	simm.s32 $0x100;
	s19 =	simm.s32 $0x280;
	s20 =	simm.s32 $0x1  }
0x5: {  	s21 =	simm.s32 $0x9;
	s22 =	simm.s32 $0x7300;
	s23 =	simm.s32 $0x4  }
0x6: {  	s24 =	simm.s32 $0x2;
	s28 =	simm.s32 $0x6;
	s3 =	smul.u32 $0x2E, s0  }
0x7: {  	s29 =	simm.s32 $0x0;
	s6 =	sand.u32 $0x1, s1;
	s4 =	smul.u32 $0x70, s0  }
0x8: {  	s8 =	smul.u32 $0x11480, s0;
	s11 =	sadd.s32 $0xD2600, s5;
	s12 =	sadd.s32 $0xF5000, s5  }
0x9: {  	s26 =	sshll.u32 s0, $0x6;
	p0 =	seq.s32 s6, $0x0;
	s6 =	ssub.s32 $0x2, s6  }
0xa: {  	s7 =	sadd.s32 $0x700, s3;
	s3 =	simm.s32 $0x0;
	s10 =	sshrl.u32 s8, $0x3  }
0xb: {  	s25 =	sshrl.u32 s6, $0x1;
	s14 =	sadd.s32 s8, s2;
	s8 =	sor.u32 $0x1C0A, s26  }
0xc: {  	s15 =	simm.s32 @!p0 $0x2D0;
	s12 =	smov.u32 @p0 s11;
	s11 =	simm.s32 $0x180  }
0xd: {  	s26 =	simm.s32 $0x3;
	s7 =	smov.u32 @p0 s4;
	[smem:$0x7FF] =	sst s3  }
0xe: {  	s9 =	sadd.s32 s10, s5;
	s13 =	ssub.s32 s6, s25;
	s10 =	sadd.s32 s12, s10  }
0xf: {  	s12 =	sshrl.u32 s14, $0x3;
	s14 =	simm.s32 $0x7;
	s25 =	simm.s32 $0x3B00  }
0x10: {  	s4 =	sshll.u32 s7, $0x4;
	_ =	strace $0x80000050;
	s30 =	sadd.s32 $0x48400, s9  }
0x11: {  	[dreg:$0x3] =	wrdreg s15;
	s31 =	smax.u32 s13, $0x1;
	s13 =	simm.s32 $0xA  }
0x12: {  	s15 =	simm.s32 $0x80;
	[dreg:$0x4] =	wrdreg s25;
	s25 =	simm.s32 $0x5  }
0x13: {  	s7 =	sadd.s32 s4, s5;
	s4 =	sadd.s32 $0xB0200, s5;
	[dreg:$0x5] =	wrdreg s30  }
0x14: {  	[dreg:$0x6] =	wrdreg s31;
	s5 =	sadd.s32 $0x1C200, s7;
	s6 =	sadd.s32 $0x12400, s7  }
.LBB2_1:
0x15: {  	[tilespmem:s3], [sflag:$0x7] =	stream.linear.gather [hbm4b:s5+s3], $0x80, $0x38;
	[tilespmem:$0x1BF80] =	vst v63  }
0x16: {  	s0 =	rddreg [dreg:$0x5]  }
0x17: {  	[tilespmem:s11], [sflag:$0x7] =	stream.linear.gather [hbm4b:s6+s3], $0x80, $0x38;
	[tilespmem:$0x1BF80] =	vst v63  }
0x18: {  	[spmem:s12], [sflag:s8] =	dma.local [hbm:s0], $0x2290  }
0x19: {  	_ =	swait.ge [sflag:s13], $0x2290  }
0x1a: {  	[sflag:s13] =	ssyncset.done $0x0  }
0x1b: {  	[sflag:s13] =	ssyncadd.s32 $0xFFFFDD70  }
0x1c: {  	s30 =	simm.s32 $0x0;
	[bflag:$0x0] =	sbarrier.arrive $0xFFFF  }
.LBB2_2:
0x1d: {  	_ =	swait.ge [sflag:s14], $0x80  }
0x1e: {  	[sflag:s14] =	ssyncset.done $0x0  }
0x1f: {  	[sflag:s14] =	ssyncadd.s32 $0xFFFFFF80  }
0x20: {  	_ =	swait.ge [sflag:s14], $0x80  }
0x21: {  	p0 =	seq.s32 s30, $0x0;
	[sflag:s14] =	ssyncset.done $0x0  }
0x22: {  	s31 =	simm.s32 @!p0 $0x5;
	[sflag:s14] =	ssyncadd.s32 $0xFFFFFF80  }
0x23: {  	[tilespmem:s16], [sflag:$0x1] =	stream.indirect.gather [hbm4b:s4+s15], $0x70, s3, s15, $0xb8;
	[tilespmem:$0x1BF80] =	vst v63  }
0x24: {  	_ =	swait.ge @!p0 [sflag:s31], $0x3800  }
0x25: {  	s1 =	sadd.s32 s30, s5;
	[sflag:s31] =	ssyncset.done @!p0 $0x0  }
0x26: {  	s0 =	sadd.s32 $0x10, s1;
	[sflag:s31] =	ssyncadd.s32 @!p0 $0xFFFFC800;
	s31 =	sadd.s32 s30, s6  }
0x27: {  	[tilespmem:s15], [sflag:$0x8] =	stream.linear.gather [hbm4b:s0+s3], $0x80, $0x38;
	[tilespmem:$0x1BF80] =	vst v63  }
0x28: {  	s0 =	sadd.s32 $0x10, s31  }
0x29: {  	[tilespmem:s17], [sflag:$0x8] =	stream.linear.gather [hbm4b:s0+s3], $0x80, $0x38;
	[tilespmem:$0x1BF80] =	vst v63  }
0x2a: {  	s0 =	simm.s32 @p0 $0x8  }
0x2b: {  	_ =	swait.ge @p0 [sflag:s0], $0x80  }
0x2c: {  	[sflag:s0] =	ssyncset.done @p0 $0x0  }
0x2d: {  	[sflag:s0] =	ssyncadd.s32 @p0 $0xFFFFFF80  }
0x2e: {  	_ =	swait.ge @p0 [sflag:s0], $0x80  }
0x2f: {  	[sflag:s0] =	ssyncset.done @p0 $0x0  }
0x30: {  	s7 =	simm.s32 @p0 $0x3B00;
	[sflag:s0] =	ssyncadd.s32 @p0 $0xFFFFFF80;
	s0 =	simm.s32 @p0 $0x80  }
0x31: {  	[tilespmem:s7], [sflag:$0x2] =	stream.indirect.gather @p0 [hbm4b:s4+s0], $0x70, s0, s0, $0xb8;
	[tilespmem:$0x1BF80] =	vst v63  }
0x32: {  	s0 =	simm.s32 @!p0 $0x3  }
0x33: {  	_ =	swait.ge @!p0 [sflag:s0], $0x3800  }
0x34: {  	s9 =	simm.s32 @!p0 $0x7300;
	[sflag:s0] =	ssyncset.done @!p0 $0x0  }
0x35: {  	s7 =	simm.s32 @!p0 $0x280;
	[sflag:s0] =	ssyncadd.s32 @!p0 $0xFFFFC800;
	s0 =	simm.s32 @!p0 $0x80  }
0x36: {  	[spmem:s2] =	stream.indirect.scatter.add.f32 @!p0 [tilespmem:s9], [sflag:$0x6], $0x70, s7, s0, $0xb8;
	[tilespmem:$0x1BF80] =	vst v63  }
0x37: {  	s7 =	simm.s32 @!p0 $0x8  }
0x38: {  	_ =	swait.ge @!p0 [sflag:s7], $0x80  }
0x39: {  	[sflag:s7] =	ssyncset.done @!p0 $0x0  }
0x3a: {  	[sflag:s7] =	ssyncadd.s32 @!p0 $0xFFFFFF80  }
0x3b: {  	_ =	swait.ge @!p0 [sflag:s7], $0x80  }
0x3c: {  	[sflag:s7] =	ssyncset.done @!p0 $0x0  }
0x3d: {  	[sflag:s7] =	ssyncadd.s32 @!p0 $0xFFFFFF80;
	s7 =	simm.s32 @!p0 $0x3B00  }
0x3e: {  	[tilespmem:s7], [sflag:$0x2] =	stream.indirect.gather @!p0 [hbm4b:s4+s0], $0x70, s0, s0, $0xb8;
	[tilespmem:$0x1BF80] =	vst v63  }
0x3f: {  	s0 =	simm.s32 @!p0 $0x6  }
0x40: {  	_ =	swait.ge @!p0 [sflag:s0], $0x3800  }
0x41: {  	[sflag:s0] =	ssyncset.done @!p0 $0x0  }
0x42: {  	s7 =	sadd.s32 $0x20, s1;
	[sflag:s0] =	ssyncadd.s32 @!p0 $0xFFFFC800  }
0x43: {  	[tilespmem:s18], [sflag:$0x9] =	stream.linear.gather [hbm4b:s7+s3], $0x80, $0x38;
	[tilespmem:$0x1BF80] =	vst v63  }
0x44: {  	s9 =	sadd.s32 $0x20, s31  }
0x45: {  	[tilespmem:s19], [sflag:$0x9] =	stream.linear.gather [hbm4b:s9+s3], $0x80, $0x38;
	[tilespmem:$0x1BF80] =	vst v63  }
0x46: {  	_ =	swait.ge [sflag:s20], $0x3800  }
0x47: {  	[sflag:s20] =	ssyncset.done $0x0  }
0x48: {  	[sflag:s20] =	ssyncadd.s32 $0xFFFFC800  }
0x49: {  	[spmem:s2] =	stream.indirect.scatter.add.f32 [tilespmem:s16], [sflag:$0x4], $0x70, s11, s15, $0xb8;
	[tilespmem:$0x1BF80] =	vst v63  }
0x4a: {  	_ =	swait.ge [sflag:s21], $0x80  }
0x4b: {  	[sflag:s21] =	ssyncset.done $0x0  }
0x4c: {  	[sflag:s21] =	ssyncadd.s32 $0xFFFFFF80  }
0x4d: {  	_ =	swait.ge [sflag:s21], $0x80  }
0x4e: {  	[sflag:s21] =	ssyncset.done $0x0  }
0x4f: {  	[sflag:s21] =	ssyncadd.s32 $0xFFFFFF80  }
0x50: {  	[tilespmem:s22], [sflag:$0x3] =	stream.indirect.gather [hbm4b:s4+s15], $0x70, s18, s15, $0xb8;
	[tilespmem:$0x1BF80] =	vst v63  }
0x51: {  	_ =	swait.ge [sflag:s23], $0x3800  }
0x52: {  	[sflag:s23] =	ssyncset.done $0x0  }
0x53: {  	s1 =	sadd.s32 $0x30, s1;
	[sflag:s23] =	ssyncadd.s32 $0xFFFFC800  }
0x54: {  	[tilespmem:s3], [sflag:$0x7] =	stream.linear.gather [hbm4b:s1+s3], $0x80, $0x38;
	[tilespmem:$0x1BF80] =	vst v63  }
0x55: {  	s7 =	sadd.s32 $0x30, s31  }
0x56: {  	[tilespmem:s11], [sflag:$0x7] =	stream.linear.gather [hbm4b:s7+s3], $0x80, $0x38;
	[tilespmem:$0x1BF80] =	vst v63  }
0x57: {  	_ =	swait.ge [sflag:s24], $0x3800  }
0x58: {  	s30 =	sadd.s32 $0x30, s30;
	s31 =	rddreg [dreg:$0x3]  }
0x59: {  	p0 =	sne.s32 s31, s30  }
.Ltmp0:
0x5a: {  	_ = 	snop;
	(pc) =	sbr.rel @p0 .LBB2_2-.Ltmp0, $4  }
0x5b: {  	_ = 	snop  }
0x5c: {  	[sflag:s24] =	ssyncset.done $0x0  }
0x5d: {  	s9 =	rddreg [dreg:$0x4];
	[sflag:s24] =	ssyncadd.s32 $0xFFFFC800  }
0x5e: {  	[spmem:s2] =	stream.indirect.scatter.add.f32 [tilespmem:s9], [sflag:$0x5], $0x70, s17, s15, $0xb8;
	[tilespmem:$0x1BF80] =	vst v63  }
0x5f: {  	_ =	swait.ge [sflag:s14], $0x80  }
0x60: {  	[sflag:s14] =	ssyncset.done $0x0  }
0x61: {  	[sflag:s14] =	ssyncadd.s32 $0xFFFFFF80  }
0x62: {  	_ =	swait.ge [sflag:s14], $0x80  }
0x63: {  	[sflag:s14] =	ssyncset.done $0x0  }
0x64: {  	[sflag:s14] =	ssyncadd.s32 $0xFFFFFF80  }
0x65: {  	[tilespmem:s16], [sflag:$0x1] =	stream.indirect.gather [hbm4b:s4+s15], $0x70, s3, s15, $0xb8;
	[tilespmem:$0x1BF80] =	vst v63  }
0x66: {  	_ =	swait.ge [sflag:s25], $0x3800  }
0x67: {  	[sflag:s25] =	ssyncset.done $0x0  }
0x68: {  	[sflag:s25] =	ssyncadd.s32 $0xFFFFC800  }
0x69: {  	_ =	swait.ge [sflag:s26], $0x3800  }
0x6a: {  	[sflag:s26] =	ssyncset.done $0x0  }
0x6b: {  	[sflag:s26] =	ssyncadd.s32 $0xFFFFC800  }
0x6c: {  	[spmem:s2] =	stream.indirect.scatter.add.f32 [tilespmem:s22], [sflag:$0x6], $0x70, s19, s15, $0xb8;
	[tilespmem:$0x1BF80] =	vst v63  }
0x6d: {  	_ =	swait.ge [sflag:s20], $0x3800  }
0x6e: {  	[sflag:s20] =	ssyncset.done $0x0  }
0x6f: {  	[sflag:s20] =	ssyncadd.s32 $0xFFFFC800  }
0x70: {  	[spmem:s2] =	stream.indirect.scatter.add.f32 [tilespmem:s16], [sflag:$0x4], $0x70, s11, s15, $0xb8;
	[tilespmem:$0x1BF80] =	vst v63  }
0x71: {  	_ =	swait.ge [sflag:s28], $0x3800  }
0x72: {  	[sflag:s28] =	ssyncset.done $0x0  }
0x73: {  	[sflag:s28] =	ssyncadd.s32 $0xFFFFC800  }
0x74: {  	_ =	swait.ge [sflag:s23], $0x3800  }
0x75: {  	[sflag:s23] =	ssyncset.done $0x0  }
0x76: {  	[sflag:s23] =	ssyncadd.s32 $0xFFFFC800  }
0x77: {  	[bflag:$0x0] =	sbarrier.arrive $0xFFFF  }
0x78: {  	[hbm:s10], [sflag:s8] =	dma.local [spmem:s12], $0x2290  }
0x79: {  	_ =	swait.ge [sflag:s13], $0x2290  }
0x7a: {  	s29 =	sadd.s32 $0x1, s29;
	s0 =	rddreg [dreg:$0x6]  }
0x7b: {  	p0 =	sne.s32 s29, s0  }
.Ltmp1:
0x7c: {  	_ = 	snop;
	(pc) =	sbr.rel @p0 .LBB2_1-.Ltmp1, $3  }
0x7d: {  	_ =	sdelay $0x1  }
0x7e: {  	[sflag:s13] =	ssyncset.done $0x0  }
0x7f: {  	[sflag:s13] =	ssyncadd.s32 $0xFFFFDD70  }
0x80: {  	_ =	sfence.sel $0x180000  }
0x81: {  	[bflag:$0x0] =	sbarrier.arrive $0xFFFF  }
0x82: {  	_ =	strace $0x90000050  }
0x83: {  	s0 =	stileid.u32;
	[bflag:$0x2] =	sbarrier.arrive $0xFFFF  }
0x84: {  	p0 =	sne.s32 s0, $0x0;
	s0 =	rddreg [dreg:$0x2]  }
0x85: {  	s0 =	sadd.s32 @!p0 $0x100000, s0  }
0x86: {  	[sflag:s0] =	ssyncadd.tile.s32 @!p0 $0x1;
	_ =	shalt  }
.Lfunc_end2:
_tile_overlayer_lowered:
.L_overlay_start_2:
0x87: {  	(tag) =	ssettag $0x2  }
0x88: {  	s0 =	rddreg [dreg:$0x0];
	s2 =	stileid.u32  }
0x89: {  	s1 =	rddreg [dreg:$0x1];
	p0 =	sne.s32 s2, $0x0  }
0x8a: {  	s3 =	rddreg [dreg:$0x2];
	[bflag:$0x3] =	sbarrier.arrive $0xFFFF;
	s2 =	simm.s32 @!p0 $0x1C0A  }
0x8b: {  	[timem:s3], [sflag:s2] =	dma.local @!p0 [hbm:s0], s1  }
0x8c: {  	s0 =	simm.s32 @!p0 $0xA  }
0x8d: {  	_ =	swait.ge @!p0 [sflag:s0], s1  }
0x8e: {  	s1 =	ssub.s32 @!p0 $0x0, s1;
	[sflag:s0] =	ssyncset.done @!p0 $0x0  }
0x8f: {  	[sflag:s0] =	ssyncadd.s32 @!p0 s1  }
0x90: {  	[bflag:$0x3] =	sbarrier.arrive $0xFFFF  }
0x91: {  	_ =	shalt  }

// kernel: kernel.19.cloned.1.call-start
scs
__scs_entry_jumppad:
0x0: {  	(pc) =	sbr.rel $0x88, $3  }
0x1: {  	(tag) =	ssettag $0x0;
	lr =	simm.s32 $0x1  }
0x2: {  	[smem:$0x3F93] =	sst lr;
	_ =	strace $0xD0000000  }
0x3: {  	_ = 	snop  }
0x4: {  	_ = 	snop  }
0x5: {  	_ = 	snop  }
0x6: {  	_ = 	snop  }
0x7: {  	_ = 	snop  }
__scs_overlays_trampoline_lowered:
0x8: {  	[smem:$0x3FA2] =	sst s0  }
0x9: {  	[smem:$0x3FA3] =	sst s1  }
0xa: {  	[smem:$0x3FA4] =	sst s2  }
0xb: {  	[smem:$0x3FA5] =	sst s3  }
0xc: {  	[smem:$0x3FA6] =	sst s4  }
0xd: {  	[smem:$0x3FA7] =	sst s5  }
0xe: {  	[smem:$0x3FA8] =	sst s6  }
0xf: {  	[smem:$0x3FA9] =	sst s7  }
0x10: {  	[smem:$0x3FAA] =	sst s8  }
0x11: {  	[smem:$0x3FAB] =	sst s9;
	s0 =	simm.s32 @!p0 $0x0  }
0x12: {  	s1 =	sld [smem:$0x3F91];
	s0 =	simm.s32 @p0 $0x1  }
0x13: {  	[smem:$0x3FAC] =	sst s0;
	s0 =	simm.s32 @!p1 $0x0  }
0x14: {  	s2 =	sld [smem:$0x3F90];
	s0 =	simm.s32 @p1 $0x1  }
0x15: {  	[smem:$0x3FAD] =	sst s0;
	s0 =	simm.s32 @!p2 $0x0  }
0x16: {  	s3 =	sld [smem:$0x3FDB];
	s0 =	simm.s32 @p2 $0x1  }
0x17: {  	s4 =	simm.s32 $0x1BF5;
	[smem:$0x3FAF] =	sst s0  }
0x18: {  	s0 =	sld [smem:$0x3F92];
	_ =	swait.ge [sflag:s4], $0x0  }
0x19: {  	s7 =	sld [smem:$0x3F93]  }
0x1a: {  	s8 =	sadd.s32 $0xFFFFE003, lr  }
0x1b: {  	s9 =	sadd.s32 $0xFFFFFEF7, lr;
	s5 =	simm.s32 $0xFFFFFFFF;
	p2 =	slt.u32 s8, $0xFFFFF086  }
0x1c: {  	p1 =	slt.u32 s9, $0xF7A;
	s5 =	simm.s32 @!p2 $0x0  }
0x1d: {  	s5 =	simm.s32 @p1 $0x1;
	p0 =	seq.s32 s7, s2  }
0x1e: {  	s7 =	smul.u32 @!p0 $0xF7A, s2;
	p2 =	seq.s32 @!p0 s5, $0x0  }
0x1f: {  	s9 =	smul.u32 $0xF7A, s1;
	s8 =	simm.s32 @!p0 $0x1BF5;
	p2 =	por !p2, p0  }
0x20: {  	[sflag:s8] =	ssyncset.s32 @!p0 $0xFFFFF086;
	s6 =	sadd.s32 @!p0 s3, s7;
	s7 =	simm.s32 @!p0 $0x108  }
0x21: {  	s3 =	sadd.s32 s3, s9;
	s6 =	sadd.s32 @!p0 $0x88, s6;
	s7 =	simm.s32 @p2 $0x1082  }
0x22: {  	[simem:s7], [sflag:s8] =	dma.local @!p0 [hbm:s6], $0xF7A  }
0x23: {  	s9 =	sor.u32 $0xD0000000, s2;
	s6 =	simm.s32 $0x108;
	_ =	swait.ge @!p0 [sflag:s8], $0x0  }
0x24: {  	s3 =	sadd.s32 $0x88, s3;
	s6 =	simm.s32 @!p1 $0x1082;
	[sflag:s4] =	ssyncset.s32 $0xFFFFF086  }
0x25: {  	[simem:s6], [sflag:s4] =	dma.local [hbm:s3], $0xF7A  }
0x26: {  	[smem:$0x3F93] =	sst s1;
	(tag) =	ssettag s2;
	_ =	strace s9  }
0x27: {  	s1 =	sld [smem:$0x3FA3]  }
0x28: {  	s2 =	sld [smem:$0x3FA4]  }
0x29: {  	s4 =	sld [smem:$0x3FA6]  }
0x2a: {  	p0 =	seq.s32 s5, $0x0;
	s5 =	sld [smem:$0x3FA7]  }
0x2b: {  	s6 =	sld [smem:$0x3FA8]  }
0x2c: {  	s7 =	sld [smem:$0x3FA9]  }
0x2d: {  	s3 =	simm.s32 $0x108;
	s8 =	sld [smem:$0x3FAA]  }
0x2e: {  	s3 =	simm.s32 @!p0 $0x1082;
	s9 =	sld [smem:$0x3FAB]  }
0x2f: {  	lr =	sadd.s32 s0, s3;
	s0 =	sld [smem:$0x3FA2]  }
0x30: {  	s3 =	sld [smem:$0x3FA5]  }
0x31: {  	[smem:$0x3FAE] =	sst s10  }
0x32: {  	s10 =	sld [smem:$0x3FAC];
	_ =	sdelay $0x3  }
0x33: {  	p0 =	seq.s32 s10, $0x1;
	s10 =	sld [smem:$0x3FAE];
	_ =	sdelay $0x3  }
0x34: {  	[smem:$0x3FAE] =	sst s10  }
0x35: {  	s10 =	sld [smem:$0x3FAD];
	_ =	sdelay $0x3  }
0x36: {  	p1 =	seq.s32 s10, $0x1;
	s10 =	sld [smem:$0x3FAE];
	_ =	sdelay $0x3  }
0x37: {  	[smem:$0x3FAE] =	sst s10  }
0x38: {  	s10 =	sld [smem:$0x3FAF]  }
0x39: {  	_ = 	snop;
	(pc) =	sbr.ind lr, $3  }
0x3a: {  	_ = 	snop  }
0x3b: {  	_ = 	snop  }
0x3c: {  	p2 =	seq.s32 s10, $0x1;
	s10 =	sld [smem:$0x3FAE]  }
0x3d: {  	_ =	shalt  }
0x3e: {  	_ =	shalt  }
0x3f: {  	_ =	shalt  }
0x40: {  	_ =	shalt  }
0x41: {  	_ =	shalt  }
0x42: {  	_ =	shalt  }
0x43: {  	_ =	shalt  }
0x44: {  	_ =	shalt  }
0x45: {  	_ =	shalt  }
0x46: {  	_ =	shalt  }
0x47: {  	_ =	shalt  }
0x48: {  	_ =	shalt  }
0x49: {  	_ =	shalt  }
0x4a: {  	_ =	shalt  }
0x4b: {  	_ =	shalt  }
0x4c: {  	_ =	shalt  }
0x4d: {  	_ =	shalt  }
0x4e: {  	_ =	shalt  }
0x4f: {  	_ =	shalt  }
0x50: {  	_ =	shalt  }
0x51: {  	_ =	shalt  }
0x52: {  	_ =	shalt  }
0x53: {  	_ =	shalt  }
0x54: {  	_ =	shalt  }
0x55: {  	_ =	shalt  }
0x56: {  	_ =	shalt  }
0x57: {  	_ =	shalt  }
0x58: {  	_ =	shalt  }
0x59: {  	_ =	shalt  }
0x5a: {  	_ =	shalt  }
0x5b: {  	_ =	shalt  }
0x5c: {  	_ =	shalt  }
0x5d: {  	_ =	shalt  }
0x5e: {  	_ =	shalt  }
0x5f: {  	_ =	shalt  }
0x60: {  	_ =	shalt  }
0x61: {  	_ =	shalt  }
0x62: {  	_ =	shalt  }
0x63: {  	_ =	shalt  }
0x64: {  	_ =	shalt  }
0x65: {  	_ =	shalt  }
0x66: {  	_ =	shalt  }
0x67: {  	_ =	shalt  }
0x68: {  	_ =	shalt  }
0x69: {  	_ =	shalt  }
0x6a: {  	_ =	shalt  }
0x6b: {  	_ =	shalt  }
0x6c: {  	_ =	shalt  }
0x6d: {  	_ =	shalt  }
0x6e: {  	_ =	shalt  }
0x6f: {  	_ =	shalt  }
0x70: {  	_ =	shalt  }
0x71: {  	_ =	shalt  }
0x72: {  	_ =	shalt  }
0x73: {  	_ =	shalt  }
0x74: {  	_ =	shalt  }
0x75: {  	_ =	shalt  }
0x76: {  	_ =	shalt  }
0x77: {  	_ =	shalt  }
0x78: {  	_ =	shalt  }
0x79: {  	_ =	shalt  }
0x7a: {  	_ =	shalt  }
0x7b: {  	_ =	shalt  }
0x7c: {  	_ =	shalt  }
0x7d: {  	_ =	shalt  }
0x7e: {  	_ =	shalt  }
0x7f: {  	_ =	shalt  }
0x80: {  	_ =	shalt  }
0x81: {  	_ =	shalt  }
0x82: {  	_ =	shalt  }
0x83: {  	_ =	shalt  }
0x84: {  	_ =	shalt  }
0x85: {  	_ =	shalt  }
0x86: {  	_ =	shalt  }
0x87: {  	_ =	shalt  }
.Lfunc_end0:
.L_simem_size_0:
called_computation.3_lowered:
.L_overlay_start_0:
0x88: {  	s2 =	sld [smem:$0x3FD9]  }
0x89: {  	s3 =	sld [smem:$0x3FFE];
	_ =	sdelay $0x1  }
0x8a: {  	s1 =	srdreg.scid  }
0x8b: {  	s0 =	sand.u32 $0x1, s1  }
0x8c: {  	s16 =	sshll.u32 s0, $0xA;
	s2 =	sadd.s32 s3, s2  }
0x8d: {  	s2 =	sadd.s32 s2, s16  }
0x8e: {  	[smem:$0x3FBA] =	sst s2  }
0x8f: {  	_ = 	snop  }
0x90: {  	(tm) =	ssettm $0x1  }
0x91: {  	s17 =	sld [smem:$0x3FFB];
	_ =	sdelay $0x3  }
0x92: {  	_ =	strace s17  }
0x93: {  	s2 =	sld [smem:$0x3FFC];
	_ =	sdelay $0x3  }
0x94: {  	_ =	strace s2  }
0x95: {  	s2 =	sld [smem:$0x3FFD];
	_ =	sdelay $0x3  }
0x96: {  	_ =	strace s2  }
0x97: {  	_ =	strace $0x8FFFFFFF  }
0x98: {  	s18 =	sld [smem:$0x3FDB];
	_ =	sdelay $0x1  }
0x99: {  	s19 =	simm.s32 $_scs_section_size  }
0x9a: {  	s4 =	simm.s32 $_size__tile_overlayer_lowered;
	s5 =	simm.s32 $_tile_overlayer_lowered  }
0x9b: {  	s22 =	simm.s32 $0x1BFF;
	s21 =	sshll.u32 s5, $0x1;
	s2 =	sadd.s32 s19, s18  }
0x9c: {  	s6 =	simm.s32 $0x0;
	s20 =	sshll.u32 s4, $0x1;
	s4 =	sadd.s32 s21, s2  }
0x9d: {  	[timem:s6], [sflag:s22] =	dma.local [hbm:s4], s20  }
0x9e: {  	_ =	swait.ge [sflag:s22], s20  }
0x9f: {  	s3 =	ssub.s32 $0x0, s20;
	[sflag:s22] =	ssyncset.done $0x0  }
0xa0: {  	[sflag:s22] =	ssyncadd.s32 s3;
	_ =	sdelay $0x1  }
0xa1: {  	s23 =	simm.s32 $0x1B8B  }
0xa2: {  	_ =	swait.ge [sflag:s23], $0x1  }
0xa3: {  	[sflag:s23] =	ssyncset.done $0x0  }
0xa4: {  	s25 =	simm.s32 $0x1B8E;
	s24 =	sld [smem:$0x3FFE];
	[sflag:s23] =	ssyncadd.s32 $0xFFFFFFFF  }
0xa5: {  	s26 =	simm.s32 $execute0_lowered;
	[smem:$0x3FD2] =	sst s25  }
0xa6: {  	s4 =	sshll.u32 s26, $0x1;
	_ =	strace $0x8000004C;
	[dreg:$0x1] =	wrdreg $0xFFFFFFFF  }
0xa7: {  	s28 =	simm.s32 $_size_execute0_lowered;
	s2 =	sadd.s32 s2, s4;
	[dreg:$0x0] =	wrdreg $0x0  }
0xa8: {  	s4 =	sshll.u32 s28, $0x1;
	[dreg:$0x2] =	wrdreg s2  }
0xa9: {  	[dreg:$0x3] =	wrdreg s4  }
0xaa: {  	[dreg:$0x4] =	wrdreg $0xC0  }
0xab: {  	_ =	task [dreg:s6], $0x5FFFF  }
0xac: {  	[dreg:$0x1] =	wrdreg $0xFFFFFFFF  }
0xad: {  	[dreg:$0x0] =	wrdreg $0x60  }
0xae: {  	[dreg:$0x2] =	wrdreg s24  }
0xaf: {  	[dreg:$0x3] =	wrdreg $0xAB000  }
0xb0: {  	[dreg:$0x4] =	wrdreg $0xA  }
0xb1: {  	_ =	task.clear_ibuf [dreg:s6], $0x5FFFF;
	_ =	strace $0x9000004C  }
0xb2: {  	s29 =	simm.s32 $0xA;
	_ =	strace $0x8000004E  }
0xb3: {  	_ =	swait.ge [sflag:s29], $0x1  }
0xb4: {  	[sflag:s29] =	ssyncadd.s32 $0xFFFFFFFF  }
0xb5: {  	_ =	strace $0x9000004E  }
0xb6: {  	_ =	sfence  }
0xb7: {  	s30 =	sld [smem:$0x0];
	_ =	sdelay $0x2  }
0xb8: {  	s31 =	sshll.u32 s1, $0xD;
	s1 =	sshrl.u32 s1, $0x2  }
0xb9: {  	s3 =	sand.u32 $0x4000, s31;
	s1 =	sadd.s32 s1, s30  }
0xba: {  	s0 =	sor.u32 s3, s0;
	s1 =	sshll.u32 s1, $0x11  }
0xbb: {  	s0 =	sor.u32 s1, s0  }
0xbc: {  	s0 =	sadd.s32 $0x8F2B, s0  }
0xbd: {  	[sflag:s0] =	ssyncadd.remote.s32 $0x1  }
0xbe: {  	_ =	sfence.sel $0xFFFF  }
0xbf: {  	[dreg:$0x0] =	wrdreg $0xFFFFFFFF;
	(pc) =	sbr.abs _section_cstart, $3  }
0xc0: {  	[dreg:$0x1] =	wrdreg $0xFFFFFFFF  }
0xc1: {  	_ =	task.clear_ibuf [dreg:s6], $0x2FFFF;
	_ =	strace $0x9FFFFFFF  }
0xc2: {  	(tm) =	ssettm $0x7FFFFFFF  }
0xc3: {  	_ =	shalt  }
tec
execute0_lowered:
.L_overlay_start_1:
0x0: {  	(tag) =	ssettag $0x1  }
0x1: {  	s5 =	rddreg [dreg:$0x0];
	s0 =	stileid.u32  }
0x2: {  	s1 =	srdreg.scid;
	s2 =	rddreg [dreg:$0x1]  }
0x3: {  	s15 =	simm.s32 $0x6F0;
	s16 =	simm.s32 $0x300;
	s17 =	simm.s32 $0x200  }
0x4: {  	s18 =	simm.s32 $0x100;
	s19 =	simm.s32 $0x280;
	s20 =	simm.s32 $0x1  }
0x5: {  	s21 =	simm.s32 $0x9;
	s22 =	simm.s32 $0x7300;
	s23 =	simm.s32 $0x4  }
0x6: {  	s24 =	simm.s32 $0x2;
	s28 =	simm.s32 $0x6;
	s3 =	smul.u32 $0x2E, s0  }
0x7: {  	s29 =	simm.s32 $0x0;
	s6 =	sand.u32 $0x1, s1;
	s4 =	smul.u32 $0x70, s0  }
0x8: {  	s8 =	smul.u32 $0x11480, s0;
	s11 =	sadd.s32 $0x8D800, s5;
	s12 =	sadd.s32 $0x6AE00, s5  }
0x9: {  	s26 =	sshll.u32 s0, $0x6;
	p0 =	seq.s32 s6, $0x0;
	s6 =	ssub.s32 $0x2, s6  }
0xa: {  	s7 =	sadd.s32 $0x700, s3;
	s3 =	simm.s32 $0x0;
	s10 =	sshrl.u32 s8, $0x3  }
0xb: {  	s25 =	sshrl.u32 s6, $0x1;
	s14 =	sadd.s32 s8, s2;
	s8 =	sor.u32 $0x1C0A, s26  }
0xc: {  	s15 =	simm.s32 @!p0 $0x2D0;
	s12 =	smov.u32 @p0 s11;
	s11 =	simm.s32 $0x180  }
0xd: {  	s26 =	simm.s32 $0x3;
	s7 =	smov.u32 @p0 s4;
	[smem:$0x7FF] =	sst s3  }
0xe: {  	s9 =	sadd.s32 s10, s5;
	s13 =	ssub.s32 s6, s25;
	s10 =	sadd.s32 s12, s10  }
0xf: {  	s12 =	sshrl.u32 s14, $0x3;
	s14 =	simm.s32 $0x7;
	s25 =	simm.s32 $0x3B00  }
0x10: {  	s4 =	sshll.u32 s7, $0x4;
	_ =	strace $0x8000004D;
	s30 =	sadd.s32 $0x48400, s9  }
0x11: {  	[dreg:$0x3] =	wrdreg s15;
	s31 =	smax.u32 s13, $0x1;
	s13 =	simm.s32 $0xA  }
0x12: {  	s15 =	simm.s32 $0x80;
	[dreg:$0x4] =	wrdreg s25;
	s25 =	simm.s32 $0x5  }
0x13: {  	s7 =	sadd.s32 s4, s5;
	s4 =	sadd.s32 $0x26000, s5;
	[dreg:$0x5] =	wrdreg s30  }
0x14: {  	[dreg:$0x6] =	wrdreg s31;
	s5 =	sadd.s32 $0x1C200, s7;
	s6 =	sadd.s32 $0x12400, s7  }
.LBB2_1:
0x15: {  	[tilespmem:s3], [sflag:$0x7] =	stream.linear.gather [hbm4b:s5+s3], $0x80, $0x38;
	[tilespmem:$0x1BF80] =	vst v63  }
0x16: {  	s0 =	rddreg [dreg:$0x5]  }
0x17: {  	[tilespmem:s11], [sflag:$0x7] =	stream.linear.gather [hbm4b:s6+s3], $0x80, $0x38;
	[tilespmem:$0x1BF80] =	vst v63  }
0x18: {  	[spmem:s12], [sflag:s8] =	dma.local [hbm:s0], $0x2290  }
0x19: {  	_ =	swait.ge [sflag:s13], $0x2290  }
0x1a: {  	[sflag:s13] =	ssyncset.done $0x0  }
0x1b: {  	[sflag:s13] =	ssyncadd.s32 $0xFFFFDD70  }
0x1c: {  	s30 =	simm.s32 $0x0;
	[bflag:$0x0] =	sbarrier.arrive $0xFFFF  }
.LBB2_2:
0x1d: {  	_ =	swait.ge [sflag:s14], $0x80  }
0x1e: {  	[sflag:s14] =	ssyncset.done $0x0  }
0x1f: {  	[sflag:s14] =	ssyncadd.s32 $0xFFFFFF80  }
0x20: {  	_ =	swait.ge [sflag:s14], $0x80  }
0x21: {  	p0 =	seq.s32 s30, $0x0;
	[sflag:s14] =	ssyncset.done $0x0  }
0x22: {  	s31 =	simm.s32 @!p0 $0x5;
	[sflag:s14] =	ssyncadd.s32 $0xFFFFFF80  }
0x23: {  	[tilespmem:s16], [sflag:$0x1] =	stream.indirect.gather [hbm4b:s4+s15], $0x70, s3, s15, $0xb8;
	[tilespmem:$0x1BF80] =	vst v63  }
0x24: {  	_ =	swait.ge @!p0 [sflag:s31], $0x3800  }
0x25: {  	s1 =	sadd.s32 s30, s5;
	[sflag:s31] =	ssyncset.done @!p0 $0x0  }
0x26: {  	s0 =	sadd.s32 $0x10, s1;
	[sflag:s31] =	ssyncadd.s32 @!p0 $0xFFFFC800;
	s31 =	sadd.s32 s30, s6  }
0x27: {  	[tilespmem:s15], [sflag:$0x8] =	stream.linear.gather [hbm4b:s0+s3], $0x80, $0x38;
	[tilespmem:$0x1BF80] =	vst v63  }
0x28: {  	s0 =	sadd.s32 $0x10, s31  }
0x29: {  	[tilespmem:s17], [sflag:$0x8] =	stream.linear.gather [hbm4b:s0+s3], $0x80, $0x38;
	[tilespmem:$0x1BF80] =	vst v63  }
0x2a: {  	s0 =	simm.s32 @p0 $0x8  }
0x2b: {  	_ =	swait.ge @p0 [sflag:s0], $0x80  }
0x2c: {  	[sflag:s0] =	ssyncset.done @p0 $0x0  }
0x2d: {  	[sflag:s0] =	ssyncadd.s32 @p0 $0xFFFFFF80  }
0x2e: {  	_ =	swait.ge @p0 [sflag:s0], $0x80  }
0x2f: {  	[sflag:s0] =	ssyncset.done @p0 $0x0  }
0x30: {  	s7 =	simm.s32 @p0 $0x3B00;
	[sflag:s0] =	ssyncadd.s32 @p0 $0xFFFFFF80;
	s0 =	simm.s32 @p0 $0x80  }
0x31: {  	[tilespmem:s7], [sflag:$0x2] =	stream.indirect.gather @p0 [hbm4b:s4+s0], $0x70, s0, s0, $0xb8;
	[tilespmem:$0x1BF80] =	vst v63  }
0x32: {  	s0 =	simm.s32 @!p0 $0x3  }
0x33: {  	_ =	swait.ge @!p0 [sflag:s0], $0x3800  }
0x34: {  	s9 =	simm.s32 @!p0 $0x7300;
	[sflag:s0] =	ssyncset.done @!p0 $0x0  }
0x35: {  	s7 =	simm.s32 @!p0 $0x280;
	[sflag:s0] =	ssyncadd.s32 @!p0 $0xFFFFC800;
	s0 =	simm.s32 @!p0 $0x80  }
0x36: {  	[spmem:s2] =	stream.indirect.scatter.add.f32 @!p0 [tilespmem:s9], [sflag:$0x6], $0x70, s7, s0, $0xb8;
	[tilespmem:$0x1BF80] =	vst v63  }
0x37: {  	s7 =	simm.s32 @!p0 $0x8  }
0x38: {  	_ =	swait.ge @!p0 [sflag:s7], $0x80  }
0x39: {  	[sflag:s7] =	ssyncset.done @!p0 $0x0  }
0x3a: {  	[sflag:s7] =	ssyncadd.s32 @!p0 $0xFFFFFF80  }
0x3b: {  	_ =	swait.ge @!p0 [sflag:s7], $0x80  }
0x3c: {  	[sflag:s7] =	ssyncset.done @!p0 $0x0  }
0x3d: {  	[sflag:s7] =	ssyncadd.s32 @!p0 $0xFFFFFF80;
	s7 =	simm.s32 @!p0 $0x3B00  }
0x3e: {  	[tilespmem:s7], [sflag:$0x2] =	stream.indirect.gather @!p0 [hbm4b:s4+s0], $0x70, s0, s0, $0xb8;
	[tilespmem:$0x1BF80] =	vst v63  }
0x3f: {  	s0 =	simm.s32 @!p0 $0x6  }
0x40: {  	_ =	swait.ge @!p0 [sflag:s0], $0x3800  }
0x41: {  	[sflag:s0] =	ssyncset.done @!p0 $0x0  }
0x42: {  	s7 =	sadd.s32 $0x20, s1;
	[sflag:s0] =	ssyncadd.s32 @!p0 $0xFFFFC800  }
0x43: {  	[tilespmem:s18], [sflag:$0x9] =	stream.linear.gather [hbm4b:s7+s3], $0x80, $0x38;
	[tilespmem:$0x1BF80] =	vst v63  }
0x44: {  	s9 =	sadd.s32 $0x20, s31  }
0x45: {  	[tilespmem:s19], [sflag:$0x9] =	stream.linear.gather [hbm4b:s9+s3], $0x80, $0x38;
	[tilespmem:$0x1BF80] =	vst v63  }
0x46: {  	_ =	swait.ge [sflag:s20], $0x3800  }
0x47: {  	[sflag:s20] =	ssyncset.done $0x0  }
0x48: {  	[sflag:s20] =	ssyncadd.s32 $0xFFFFC800  }
0x49: {  	[spmem:s2] =	stream.indirect.scatter.add.f32 [tilespmem:s16], [sflag:$0x4], $0x70, s11, s15, $0xb8;
	[tilespmem:$0x1BF80] =	vst v63  }
0x4a: {  	_ =	swait.ge [sflag:s21], $0x80  }
0x4b: {  	[sflag:s21] =	ssyncset.done $0x0  }
0x4c: {  	[sflag:s21] =	ssyncadd.s32 $0xFFFFFF80  }
0x4d: {  	_ =	swait.ge [sflag:s21], $0x80  }
0x4e: {  	[sflag:s21] =	ssyncset.done $0x0  }
0x4f: {  	[sflag:s21] =	ssyncadd.s32 $0xFFFFFF80  }
0x50: {  	[tilespmem:s22], [sflag:$0x3] =	stream.indirect.gather [hbm4b:s4+s15], $0x70, s18, s15, $0xb8;
	[tilespmem:$0x1BF80] =	vst v63  }
0x51: {  	_ =	swait.ge [sflag:s23], $0x3800  }
0x52: {  	[sflag:s23] =	ssyncset.done $0x0  }
0x53: {  	s1 =	sadd.s32 $0x30, s1;
	[sflag:s23] =	ssyncadd.s32 $0xFFFFC800  }
0x54: {  	[tilespmem:s3], [sflag:$0x7] =	stream.linear.gather [hbm4b:s1+s3], $0x80, $0x38;
	[tilespmem:$0x1BF80] =	vst v63  }
0x55: {  	s7 =	sadd.s32 $0x30, s31  }
0x56: {  	[tilespmem:s11], [sflag:$0x7] =	stream.linear.gather [hbm4b:s7+s3], $0x80, $0x38;
	[tilespmem:$0x1BF80] =	vst v63  }
0x57: {  	_ =	swait.ge [sflag:s24], $0x3800  }
0x58: {  	s30 =	sadd.s32 $0x30, s30;
	s31 =	rddreg [dreg:$0x3]  }
0x59: {  	p0 =	sne.s32 s31, s30  }
.Ltmp0:
0x5a: {  	_ = 	snop;
	(pc) =	sbr.rel @p0 .LBB2_2-.Ltmp0, $4  }
0x5b: {  	_ = 	snop  }
0x5c: {  	[sflag:s24] =	ssyncset.done $0x0  }
0x5d: {  	s9 =	rddreg [dreg:$0x4];
	[sflag:s24] =	ssyncadd.s32 $0xFFFFC800  }
0x5e: {  	[spmem:s2] =	stream.indirect.scatter.add.f32 [tilespmem:s9], [sflag:$0x5], $0x70, s17, s15, $0xb8;
	[tilespmem:$0x1BF80] =	vst v63  }
0x5f: {  	_ =	swait.ge [sflag:s14], $0x80  }
0x60: {  	[sflag:s14] =	ssyncset.done $0x0  }
0x61: {  	[sflag:s14] =	ssyncadd.s32 $0xFFFFFF80  }
0x62: {  	_ =	swait.ge [sflag:s14], $0x80  }
0x63: {  	[sflag:s14] =	ssyncset.done $0x0  }
0x64: {  	[sflag:s14] =	ssyncadd.s32 $0xFFFFFF80  }
0x65: {  	[tilespmem:s16], [sflag:$0x1] =	stream.indirect.gather [hbm4b:s4+s15], $0x70, s3, s15, $0xb8;
	[tilespmem:$0x1BF80] =	vst v63  }
0x66: {  	_ =	swait.ge [sflag:s25], $0x3800  }
0x67: {  	[sflag:s25] =	ssyncset.done $0x0  }
0x68: {  	[sflag:s25] =	ssyncadd.s32 $0xFFFFC800  }
0x69: {  	_ =	swait.ge [sflag:s26], $0x3800  }
0x6a: {  	[sflag:s26] =	ssyncset.done $0x0  }
0x6b: {  	[sflag:s26] =	ssyncadd.s32 $0xFFFFC800  }
0x6c: {  	[spmem:s2] =	stream.indirect.scatter.add.f32 [tilespmem:s22], [sflag:$0x6], $0x70, s19, s15, $0xb8;
	[tilespmem:$0x1BF80] =	vst v63  }
0x6d: {  	_ =	swait.ge [sflag:s20], $0x3800  }
0x6e: {  	[sflag:s20] =	ssyncset.done $0x0  }
0x6f: {  	[sflag:s20] =	ssyncadd.s32 $0xFFFFC800  }
0x70: {  	[spmem:s2] =	stream.indirect.scatter.add.f32 [tilespmem:s16], [sflag:$0x4], $0x70, s11, s15, $0xb8;
	[tilespmem:$0x1BF80] =	vst v63  }
0x71: {  	_ =	swait.ge [sflag:s28], $0x3800  }
0x72: {  	[sflag:s28] =	ssyncset.done $0x0  }
0x73: {  	[sflag:s28] =	ssyncadd.s32 $0xFFFFC800  }
0x74: {  	_ =	swait.ge [sflag:s23], $0x3800  }
0x75: {  	[sflag:s23] =	ssyncset.done $0x0  }
0x76: {  	[sflag:s23] =	ssyncadd.s32 $0xFFFFC800  }
0x77: {  	[bflag:$0x0] =	sbarrier.arrive $0xFFFF  }
0x78: {  	[hbm:s10], [sflag:s8] =	dma.local [spmem:s12], $0x2290  }
0x79: {  	_ =	swait.ge [sflag:s13], $0x2290  }
0x7a: {  	s29 =	sadd.s32 $0x1, s29;
	s0 =	rddreg [dreg:$0x6]  }
0x7b: {  	p0 =	sne.s32 s29, s0  }
.Ltmp1:
0x7c: {  	_ = 	snop;
	(pc) =	sbr.rel @p0 .LBB2_1-.Ltmp1, $3  }
0x7d: {  	_ =	sdelay $0x1  }
0x7e: {  	[sflag:s13] =	ssyncset.done $0x0  }
0x7f: {  	[sflag:s13] =	ssyncadd.s32 $0xFFFFDD70  }
0x80: {  	_ =	sfence.sel $0x180000  }
0x81: {  	[bflag:$0x0] =	sbarrier.arrive $0xFFFF  }
0x82: {  	_ =	strace $0x9000004D  }
0x83: {  	s0 =	stileid.u32;
	[bflag:$0x2] =	sbarrier.arrive $0xFFFF  }
0x84: {  	p0 =	sne.s32 s0, $0x0;
	s0 =	rddreg [dreg:$0x2]  }
0x85: {  	s0 =	sadd.s32 @!p0 $0x100000, s0  }
0x86: {  	[sflag:s0] =	ssyncadd.tile.s32 @!p0 $0x1;
	_ =	shalt  }
.Lfunc_end2:
_tile_overlayer_lowered:
.L_overlay_start_2:
0x87: {  	(tag) =	ssettag $0x2  }
0x88: {  	s0 =	rddreg [dreg:$0x0];
	s2 =	stileid.u32  }
0x89: {  	s1 =	rddreg [dreg:$0x1];
	p0 =	sne.s32 s2, $0x0  }
0x8a: {  	s3 =	rddreg [dreg:$0x2];
	[bflag:$0x3] =	sbarrier.arrive $0xFFFF;
	s2 =	simm.s32 @!p0 $0x1C0A  }
0x8b: {  	[timem:s3], [sflag:s2] =	dma.local @!p0 [hbm:s0], s1  }
0x8c: {  	s0 =	simm.s32 @!p0 $0xA  }
0x8d: {  	_ =	swait.ge @!p0 [sflag:s0], s1  }
0x8e: {  	s1 =	ssub.s32 @!p0 $0x0, s1;
	[sflag:s0] =	ssyncset.done @!p0 $0x0  }
0x8f: {  	[sflag:s0] =	ssyncadd.s32 @!p0 s1  }
0x90: {  	[bflag:$0x3] =	sbarrier.arrive $0xFFFF  }
0x91: {  	_ =	shalt  }

</sc_bundles>
